<compile_context>
chip_gen: v7x
topology: tpu7x:2x2x1
jax: 0.10.2.dev20260603
libtpu: 0.0.44.dev20260713+nightly
codegen_flags: <defaults>
</compile_context>

<pallas_src>
import functools

import jax
import jax.numpy as jnp
from jax import lax
from jax.experimental import pallas as pl
from jax.experimental.pallas import tpu as pltpu
from jax.experimental.pallas import tpu_sc as plsc

_K = 2000
_KP = 2048
_N = 20000
_NP = 32768
_ROWS = _NP // 128
_IOU_T = 0.5
_DW = 16


def _ce(arrs, j, fwd, r_io, l_io):
    if j >= 128:
        jr = j // 128
        bit0 = (r_io & jr) == 0
        shuf = lambda x: jnp.where(bit0, jnp.roll(x, -jr, axis=0),
                                   jnp.roll(x, jr, axis=0))
    else:
        bit0 = (l_io & j) == 0
        shuf = lambda x: jnp.where(bit0, jnp.roll(x, -j, axis=1),
                                   jnp.roll(x, j, axis=1))
    p = [shuf(a) for a in arrs]
    before = (arrs[0] > p[0]) | ((arrs[0] == p[0]) & (arrs[1] < p[1]))
    keep_self = before == (bit0 == fwd)
    return [jnp.where(keep_self, a, b) for a, b in zip(arrs, p)]


def _iotas(rows):
    r_io = jax.lax.broadcasted_iota(jnp.int32, (rows, 128), 0)
    l_io = jax.lax.broadcasted_iota(jnp.int32, (rows, 128), 1)
    return r_io, l_io, r_io * 128 + l_io


def _topk_body(sc_ref, sc_out, idx_out):
    r_io, l_io, flat = _iotas(_ROWS)
    arrs = [sc_ref[...], flat]

    kk = 2
    while kk <= _KP:
        fwd = (flat & kk) == 0
        j = kk // 2
        while j >= 1:
            arrs = _ce(arrs, j, fwd, r_io, l_io)
            j //= 2
        kk *= 2

    rows = _ROWS
    while rows > 16:
        nblk = rows // 16
        a = [jnp.concatenate([x[32 * m:32 * m + 16] for m in range(nblk // 2)],
                             axis=0) for x in arrs]
        b = [jnp.concatenate([x[32 * m + 16:32 * m + 32] for m in range(nblk // 2)],
                             axis=0) for x in arrs]
        win = (a[0] > b[0]) | ((a[0] == b[0]) & (a[1] < b[1]))
        arrs = [jnp.where(win, x, y) for x, y in zip(a, b)]
        rows //= 2
        r_io, l_io, flat = _iotas(rows)
        fwd = (flat & _KP) == 0
        j = _KP // 2
        while j >= 1:
            arrs = _ce(arrs, j, fwd, r_io, l_io)
            j //= 2

    sc_out[...] = arrs[0]
    idx_out[...] = arrs[1]


_sc_info = plsc.get_sparse_core_info()
_NW = _sc_info.num_cores * _sc_info.num_subcores
_BPW = _KP // _NW


@functools.partial(
    pl.kernel,
    mesh=plsc.VectorSubcoreMesh(core_axis_name="c", subcore_axis_name="s"),
    out_type=jax.ShapeDtypeStruct((_KP, _DW), jnp.float32),
    compiler_params=pltpu.CompilerParams(use_tc_tiling_on_sc=False),
    scratch_types=[
        pltpu.VMEM((_BPW,), jnp.int32),
        pltpu.VMEM((_BPW, _DW), jnp.float32),
        pltpu.SemaphoreType.DMA,
    ],
)
def _gather_rows(table_hbm, idx_hbm, out_hbm, idx_v, rows_v, sem):
    wid = lax.axis_index("s") * _sc_info.num_cores + lax.axis_index("c")
    base = wid * _BPW
    pltpu.sync_copy(idx_hbm.at[pl.ds(base, _BPW)], idx_v)
    pltpu.async_copy(table_hbm.at[idx_v], rows_v, sem).wait()
    pltpu.sync_copy(rows_v, out_hbm.at[pl.ds(base, _BPW)])


def _nms_body(b_col_ref, b_row_ref, sc_ref, out_ref):
    x1j = b_col_ref[:, 0:1]
    y1j = b_col_ref[:, 1:2]
    x2j = b_col_ref[:, 2:3]
    y2j = b_col_ref[:, 3:4]
    x1i = b_row_ref[0:1, :]
    y1i = b_row_ref[1:2, :]
    x2i = b_row_ref[2:3, :]
    y2i = b_row_ref[3:4, :]

    xx1 = jnp.maximum(x1j, x1i)
    yy1 = jnp.maximum(y1j, y1i)
    xx2 = jnp.minimum(x2j, x2i)
    yy2 = jnp.minimum(y2j, y2i)
    inter = jnp.clip(xx2 - xx1, 0.0) * jnp.clip(yy2 - yy1, 0.0)
    area_j = jnp.clip(x2j - x1j, 0.0) * jnp.clip(y2j - y1j, 0.0)
    area_i = jnp.clip(x2i - x1i, 0.0) * jnp.clip(y2i - y1i, 0.0)
    union = area_j + area_i - inter
    iou = inter / jnp.maximum(union, 1e-8)

    jdx = jax.lax.broadcasted_iota(jnp.int32, (_KP, _KP), 0)
    idx = jax.lax.broadcasted_iota(jnp.int32, (_KP, _KP), 1)
    s_mat = jnp.where((iou > _IOU_T) & (jdx < idx), 1.0, 0.0)

    def cond(carry):
        return carry[1]

    def body(carry):
        k, _ = carry
        sup = jnp.dot(k, s_mat, preferred_element_type=jnp.float32)
        k_new = jnp.where(sup > 0.5, 0.0, 1.0)
        return k_new, jnp.any(k_new != k)

    k0 = jnp.ones((8, _KP), jnp.float32)
    k, _ = jax.lax.while_loop(cond, body, (k0, jnp.bool_(True)))
    krow = k[0:1, :]
    out_ref[0:4, :] = b_row_ref[...] * krow
    out_ref[4:5, :] = sc_ref[...] * krow


def kernel(boxes, scores):
    sc_plane = jnp.pad(scores, (0, _NP - _N), constant_values=-1.0)
    sc_plane = sc_plane.reshape(_ROWS, 128)

    sc16, idx16 = pl.pallas_call(
        _topk_body,
        out_shape=(jax.ShapeDtypeStruct((16, 128), jnp.float32),
                   jax.ShapeDtypeStruct((16, 128), jnp.int32)),
    )(sc_plane)

    table = jnp.pad(boxes, ((0, 0), (0, _DW - 4)))
    rows = _gather_rows(table, idx16.reshape(_KP))

    sc = sc16.reshape(1, _KP)
    b_col = rows[:, :4]
    b_row = b_col.T
    out5 = pl.pallas_call(
        _nms_body,
        out_shape=jax.ShapeDtypeStruct((5, _KP), jnp.float32),
    )(b_col, b_row, sc)
    return out5[:, :_K].T

# --- scband reference (transcript-rebuilt; emitter-appended) ---
"""Pipeline reference for scband-result-parser-73443940762018 (READ-ONLY COPY).

The authoritative reference and input builder live on the scoring server;
editing this copy changes nothing except your own understanding.
"""

import jax, jax.numpy as jnp
import numpy as np

PRE_NMS_TOPK = 2000
IOU_THRESH = 0.5
IMG_SIZE = 512.0


def setup_inputs(seed: int = 0) -> dict:
    key = jax.random.key(seed)
    k1, k2, k3 = jax.random.split(key, 3)
    N = 20000
    centers = jax.random.uniform(k1, (N, 2), dtype=jnp.float32) * IMG_SIZE
    sizes = jax.random.uniform(k2, (N, 2), dtype=jnp.float32) * 64.0 + 4.0
    boxes = jnp.concatenate([centers - sizes / 2.0, centers + sizes / 2.0], axis=-1)
    scores = jax.random.uniform(k3, (N,), dtype=jnp.float32)
    return {"boxes": boxes.astype(jnp.float32), "scores": scores.astype(jnp.float32)}


def _pairwise_iou(b):
    # b: [K, 4] in (x1, y1, x2, y2)
    x1 = jnp.maximum(b[:, None, 0], b[None, :, 0])
    y1 = jnp.maximum(b[:, None, 1], b[None, :, 1])
    x2 = jnp.minimum(b[:, None, 2], b[None, :, 2])
    y2 = jnp.minimum(b[:, None, 3], b[None, :, 3])
    inter = jnp.clip(x2 - x1, 0.0) * jnp.clip(y2 - y1, 0.0)
    area = jnp.clip(b[:, 2] - b[:, 0], 0.0) * jnp.clip(b[:, 3] - b[:, 1], 0.0)
    union = area[:, None] + area[None, :] - inter
    return inter / jnp.maximum(union, 1e-8)


def reference(boxes, scores):
    # Duplicate-detection suppression core of ResultParser (suppressing_duplicate_mesh +
    # center/prediction reorganization): select top candidates by confidence, run greedy
    # NMS over pairwise overlaps, gather surviving predictions.
    K = PRE_NMS_TOPK
    top_scores, idx = jax.lax.top_k(scores, K)  # sorted descending
    top_boxes = jnp.take(boxes, idx, axis=0)
    iou = _pairwise_iou(top_boxes)
    rng = jnp.arange(K)

    def body(keep, i):
        suppress = (iou[i] > IOU_THRESH) & keep[i] & (rng > i)
        keep = keep & (~suppress)
        return keep, None

    keep, _ = jax.lax.scan(body, jnp.ones((K,), dtype=bool), rng)
    mask = keep.astype(top_boxes.dtype)
    out = jnp.concatenate([top_boxes, top_scores[:, None]], axis=-1) * mask[:, None]
    return out  # [K, 5]: kept (box, score) rows, suppressed rows zeroed

if __name__ == "__main__":
    import jax
    _d = setup_inputs()
    print(jax.jit(kernel)(*tuple(_d.values())))

</pallas_src>

<mosaic_0001>
#map = affine_map<(d0, d1) -> (0, 0)>
#map1 = affine_map<(d0, d1) -> (0)>
module attributes {stable_mosaic.version = 14 : i64} {
  func.func @_gather_rows(%arg0: i32, %arg1: i32, %arg2: memref<20000x16xf32, #tpu.memory_space<hbm>>, %arg3: memref<2048xi32, #tpu.memory_space<hbm>>, %arg4: memref<2048x16xf32, #tpu.memory_space<hbm>>, %arg5: memref<64xi32, #tpu.memory_space<vmem>>, %arg6: memref<64x16xf32, #tpu.memory_space<vmem>>, %arg7: memref<!tpu.dma_semaphore, #tpu.memory_space<semaphore_mem>>) attributes {dimension_semantics = [#tpu.dimension_semantics<core_parallel>, #tpu.dimension_semantics<subcore_parallel>], iteration_bounds = array<i64: 2, 16>, scalar_prefetch = 0 : i64, scratch_operands = 3 : i64, tpu.core_type = #tpu.core_type<sc_vector_subcore>, window_params = [{transform_indices = #map}, {transform_indices = #map1}, {transform_indices = #map}]} {
    %mul3A = arith.constant 2 : i32
    %mul3A_0 = arith.muli %arg1, %mul3A : i32
    %add3A = arith.addi %mul3A_0, %arg0 : i32
    %mul3A_1 = arith.constant 64 : i32
    %mul3A_2 = arith.muli %add3A, %mul3A_1 : i32
    "tpu.region"() ({
      %run_scoped3A = tpu.sem_alloc : memref<!tpu.dma_semaphore, #tpu.memory_space<semaphore_mem>>
      %dma_start3A_7 = tpu.memref_slice %arg3[%mul3A_2] : memref<2048xi32, #tpu.memory_space<hbm>> -> memref<64xi32, #tpu.memory_space<hbm>>
      %dma_start3A_8 = tpu.memref_slice %arg3[%mul3A_2] : memref<2048xi32, #tpu.memory_space<hbm>> -> memref<64xi32, #tpu.memory_space<hbm>>
      tpu.enqueue_dma source(%dma_start3A_8 : memref<64xi32, #tpu.memory_space<hbm>>) target(%arg5 : memref<64xi32, #tpu.memory_space<vmem>>) target_semaphore(%run_scoped3A : memref<!tpu.dma_semaphore, #tpu.memory_space<semaphore_mem>>)
      %dma_wait3A_9 = tpu.memref_slice %arg3[%mul3A_2] : memref<2048xi32, #tpu.memory_space<hbm>> -> memref<64xi32, #tpu.memory_space<hbm>>
      %dma_wait3A_10 = tpu.memref_slice %arg3[%mul3A_2] : memref<2048xi32, #tpu.memory_space<hbm>> -> memref<64xi32, #tpu.memory_space<hbm>>
      tpu.wait_dma2 semaphore(%run_scoped3A : memref<!tpu.dma_semaphore, #tpu.memory_space<semaphore_mem>>) src(%dma_wait3A_10 : memref<64xi32, #tpu.memory_space<hbm>>) dst(%arg5 : memref<64xi32, #tpu.memory_space<vmem>>)
      tpu.yield
    }) : () -> ()
    %dma_start3A = arith.constant 0 : i32
    %dma_start3A_3 = arith.constant 0 : i32
    %dma_start3A_4 = tpu.memref_slice %arg2[%dma_start3A, %dma_start3A_3] : memref<20000x16xf32, #tpu.memory_space<hbm>> -> memref<20000x16xf32, #tpu.memory_space<hbm>>
    tpu.enqueue_indirect_dma source(%dma_start3A_4 : memref<20000x16xf32, #tpu.memory_space<hbm>>) target(%arg6 : memref<64x16xf32, #tpu.memory_space<vmem>>) offsets(%arg5 : memref<64xi32, #tpu.memory_space<vmem>>) semaphore(%arg7 : memref<!tpu.dma_semaphore, #tpu.memory_space<semaphore_mem>>)
    %dma_wait3A = arith.constant 0 : i32
    %dma_wait3A_5 = arith.constant 0 : i32
    %dma_wait3A_6 = tpu.memref_slice %arg2[%dma_wait3A, %dma_wait3A_5] : memref<20000x16xf32, #tpu.memory_space<hbm>> -> memref<20000x16xf32, #tpu.memory_space<hbm>>
    tpu.wait_indirect_dma semaphore(%arg7 : memref<!tpu.dma_semaphore, #tpu.memory_space<semaphore_mem>>) src(%dma_wait3A_6 : memref<20000x16xf32, #tpu.memory_space<hbm>>) dst(%arg6 : memref<64x16xf32, #tpu.memory_space<vmem>>)
    "tpu.region"() ({
      %run_scoped3A = tpu.sem_alloc : memref<!tpu.dma_semaphore, #tpu.memory_space<semaphore_mem>>
      %dma_start3A_7 = arith.constant 0 : i32
      %dma_start3A_8 = tpu.memref_slice %arg4[%mul3A_2, %dma_start3A_7] : memref<2048x16xf32, #tpu.memory_space<hbm>> -> memref<64x16xf32, #tpu.memory_space<hbm>>
      %dma_start3A_9 = arith.constant 0 : i32
      %dma_start3A_10 = tpu.memref_slice %arg4[%mul3A_2, %dma_start3A_9] : memref<2048x16xf32, #tpu.memory_space<hbm>> -> memref<64x16xf32, #tpu.memory_space<hbm>>
      tpu.enqueue_dma source(%arg6 : memref<64x16xf32, #tpu.memory_space<vmem>>) target(%dma_start3A_10 : memref<64x16xf32, #tpu.memory_space<hbm>>) target_semaphore(%run_scoped3A : memref<!tpu.dma_semaphore, #tpu.memory_space<semaphore_mem>>)
      %dma_wait3A_11 = arith.constant 0 : i32
      %dma_wait3A_12 = tpu.memref_slice %arg4[%mul3A_2, %dma_wait3A_11] : memref<2048x16xf32, #tpu.memory_space<hbm>> -> memref<64x16xf32, #tpu.memory_space<hbm>>
      %dma_wait3A_13 = arith.constant 0 : i32
      %dma_wait3A_14 = tpu.memref_slice %arg4[%mul3A_2, %dma_wait3A_13] : memref<2048x16xf32, #tpu.memory_space<hbm>> -> memref<64x16xf32, #tpu.memory_space<hbm>>
      tpu.wait_dma2 semaphore(%run_scoped3A : memref<!tpu.dma_semaphore, #tpu.memory_space<semaphore_mem>>) src(%arg6 : memref<64x16xf32, #tpu.memory_space<vmem>>) dst(%dma_wait3A_14 : memref<64x16xf32, #tpu.memory_space<hbm>>)
      tpu.yield
    }) : () -> ()
    return
  }
}

module attributes {stable_mosaic.version = 14 : i64} {
  func.func @_topk_body(%arg0: memref<256x128xf32, #tpu.memory_space<vmem>>, %arg1: memref<16x128xf32, #tpu.memory_space<vmem>>, %arg2: memref<16x128xi32, #tpu.memory_space<vmem>>) attributes {dimension_semantics = [], scalar_prefetch = 0 : i64, scratch_operands = 0 : i64, tpu.core_type = #tpu.core_type<tc>} {
    %iota3A = tpu.iota {dimensions = array<i32: 0>} : vector<256x128xi32>
    %iota3A_0 = tpu.iota {dimensions = array<i32: 1>} : vector<256x128xi32>
    %mul3A = arith.constant 128 : i32
    %mul3A_1 = vector.broadcast %mul3A : i32 to vector<256x128xi32>
    %mul3A_2 = arith.muli %iota3A, %mul3A_1 : vector<256x128xi32>
    %add3A = arith.addi %mul3A_2, %iota3A_0 : vector<256x128xi32>
    %get3A = arith.constant 0 : index
    %get3A_3 = arith.constant 0 : index
    %get3A_4 = vector.load %arg0[%get3A, %get3A_3] : memref<256x128xf32, #tpu.memory_space<vmem>>, vector<256x128xf32>
    %and3A = arith.constant 2 : i32
    %and3A_5 = vector.broadcast %and3A : i32 to vector<256x128xi32>
    %and3A_6 = arith.andi %add3A, %and3A_5 : vector<256x128xi32>
    %eq3A = arith.constant 0 : i32
    %eq3A_7 = vector.broadcast %eq3A : i32 to vector<256x128xi32>
    %eq3A_8 = arith.cmpi eq, %and3A_6, %eq3A_7 : vector<256x128xi32>
    %and3A_9 = arith.constant 1 : i32
    %and3A_10 = vector.broadcast %and3A_9 : i32 to vector<256x128xi32>
    %and3A_11 = arith.andi %iota3A_0, %and3A_10 : vector<256x128xi32>
    %eq3A_12 = arith.constant 0 : i32
    %eq3A_13 = vector.broadcast %eq3A_12 : i32 to vector<256x128xi32>
    %eq3A_14 = arith.cmpi eq, %and3A_11, %eq3A_13 : vector<256x128xi32>
    %slice3A = vector.extract_strided_slice %get3A_4 {offsets = [0, 1], sizes = [256, 127], strides = [1, 1]} : vector<256x128xf32> to vector<256x127xf32>
    %slice3A_15 = vector.extract_strided_slice %get3A_4 {offsets = [0, 0], sizes = [256, 1], strides = [1, 1]} : vector<256x128xf32> to vector<256x1xf32>
    %concatenate3A = tpu.concatenate %slice3A, %slice3A_15 in 1 : vector<256x127xf32>, vector<256x1xf32> -> vector<256x128xf32>
    %slice3A_16 = vector.extract_strided_slice %get3A_4 {offsets = [0, 127], sizes = [256, 1], strides = [1, 1]} : vector<256x128xf32> to vector<256x1xf32>
    %slice3A_17 = vector.extract_strided_slice %get3A_4 {offsets = [0, 0], sizes = [256, 127], strides = [1, 1]} : vector<256x128xf32> to vector<256x127xf32>
    %concatenate3A_18 = tpu.concatenate %slice3A_16, %slice3A_17 in 1 : vector<256x1xf32>, vector<256x127xf32> -> vector<256x128xf32>
    %select_n3A = arith.select %eq3A_14, %concatenate3A, %concatenate3A_18 : vector<256x128xi1>, vector<256x128xf32>
    %slice3A_19 = vector.extract_strided_slice %add3A {offsets = [0, 1], sizes = [256, 127], strides = [1, 1]} : vector<256x128xi32> to vector<256x127xi32>
    %slice3A_20 = vector.extract_strided_slice %add3A {offsets = [0, 0], sizes = [256, 1], strides = [1, 1]} : vector<256x128xi32> to vector<256x1xi32>
    %concatenate3A_21 = tpu.concatenate %slice3A_19, %slice3A_20 in 1 : vector<256x127xi32>, vector<256x1xi32> -> vector<256x128xi32>
    %slice3A_22 = vector.extract_strided_slice %add3A {offsets = [0, 127], sizes = [256, 1], strides = [1, 1]} : vector<256x128xi32> to vector<256x1xi32>
    %slice3A_23 = vector.extract_strided_slice %add3A {offsets = [0, 0], sizes = [256, 127], strides = [1, 1]} : vector<256x128xi32> to vector<256x127xi32>
    %concatenate3A_24 = tpu.concatenate %slice3A_22, %slice3A_23 in 1 : vector<256x1xi32>, vector<256x127xi32> -> vector<256x128xi32>
    %select_n3A_25 = arith.select %eq3A_14, %concatenate3A_21, %concatenate3A_24 : vector<256x128xi1>, vector<256x128xi32>
    %gt3A = arith.cmpf ogt, %get3A_4, %select_n3A : vector<256x128xf32>
    %eq3A_26 = arith.cmpf oeq, %get3A_4, %select_n3A : vector<256x128xf32>
    %lt3A = arith.cmpi slt, %add3A, %select_n3A_25 : vector<256x128xi32>
    %and3A_27 = arith.andi %eq3A_26, %lt3A : vector<256x128xi1>
    %or3A = arith.ori %gt3A, %and3A_27 : vector<256x128xi1>
    %eq3A_28 = arith.xori %eq3A_14, %eq3A_8 : vector<256x128xi1>
    %eq3A_29 = arith.constant dense<true> : vector<256x128xi1>
    %eq3A_30 = arith.xori %eq3A_28, %eq3A_29 : vector<256x128xi1>
    %eq3A_31 = arith.xori %or3A, %eq3A_30 : vector<256x128xi1>
    %eq3A_32 = arith.constant dense<true> : vector<256x128xi1>
    %eq3A_33 = arith.xori %eq3A_31, %eq3A_32 : vector<256x128xi1>
    %select_n3A_34 = arith.select %eq3A_33, %get3A_4, %select_n3A : vector<256x128xi1>, vector<256x128xf32>
    %select_n3A_35 = arith.select %eq3A_33, %add3A, %select_n3A_25 : vector<256x128xi1>, vector<256x128xi32>
    %and3A_36 = arith.constant 4 : i32
    %and3A_37 = vector.broadcast %and3A_36 : i32 to vector<256x128xi32>
    %and3A_38 = arith.andi %add3A, %and3A_37 : vector<256x128xi32>
    %eq3A_39 = arith.constant 0 : i32
    %eq3A_40 = vector.broadcast %eq3A_39 : i32 to vector<256x128xi32>
    %eq3A_41 = arith.cmpi eq, %and3A_38, %eq3A_40 : vector<256x128xi32>
    %and3A_42 = arith.constant 2 : i32
    %and3A_43 = vector.broadcast %and3A_42 : i32 to vector<256x128xi32>
    %and3A_44 = arith.andi %iota3A_0, %and3A_43 : vector<256x128xi32>
    %eq3A_45 = arith.constant 0 : i32
    %eq3A_46 = vector.broadcast %eq3A_45 : i32 to vector<256x128xi32>
    %eq3A_47 = arith.cmpi eq, %and3A_44, %eq3A_46 : vector<256x128xi32>
    %slice3A_48 = vector.extract_strided_slice %select_n3A_34 {offsets = [0, 2], sizes = [256, 126], strides = [1, 1]} : vector<256x128xf32> to vector<256x126xf32>
    %slice3A_49 = vector.extract_strided_slice %select_n3A_34 {offsets = [0, 0], sizes = [256, 2], strides = [1, 1]} : vector<256x128xf32> to vector<256x2xf32>
    %concatenate3A_50 = tpu.concatenate %slice3A_48, %slice3A_49 in 1 : vector<256x126xf32>, vector<256x2xf32> -> vector<256x128xf32>
    %slice3A_51 = vector.extract_strided_slice %select_n3A_34 {offsets = [0, 126], sizes = [256, 2], strides = [1, 1]} : vector<256x128xf32> to vector<256x2xf32>
    %slice3A_52 = vector.extract_strided_slice %select_n3A_34 {offsets = [0, 0], sizes = [256, 126], strides = [1, 1]} : vector<256x128xf32> to vector<256x126xf32>
    %concatenate3A_53 = tpu.concatenate %slice3A_51, %slice3A_52 in 1 : vector<256x2xf32>, vector<256x126xf32> -> vector<256x128xf32>
    %select_n3A_54 = arith.select %eq3A_47, %concatenate3A_50, %concatenate3A_53 : vector<256x128xi1>, vector<256x128xf32>
    %slice3A_55 = vector.extract_strided_slice %select_n3A_35 {offsets = [0, 2], sizes = [256, 126], strides = [1, 1]} : vector<256x128xi32> to vector<256x126xi32>
    %slice3A_56 = vector.extract_strided_slice %select_n3A_35 {offsets = [0, 0], sizes = [256, 2], strides = [1, 1]} : vector<256x128xi32> to vector<256x2xi32>
    %concatenate3A_57 = tpu.concatenate %slice3A_55, %slice3A_56 in 1 : vector<256x126xi32>, vector<256x2xi32> -> vector<256x128xi32>
    %slice3A_58 = vector.extract_strided_slice %select_n3A_35 {offsets = [0, 126], sizes = [256, 2], strides = [1, 1]} : vector<256x128xi32> to vector<256x2xi32>
    %slice3A_59 = vector.extract_strided_slice %select_n3A_35 {offsets = [0, 0], sizes = [256, 126], strides = [1, 1]} : vector<256x128xi32> to vector<256x126xi32>
    %concatenate3A_60 = tpu.concatenate %slice3A_58, %slice3A_59 in 1 : vector<256x2xi32>, vector<256x126xi32> -> vector<256x128xi32>
    %select_n3A_61 = arith.select %eq3A_47, %concatenate3A_57, %concatenate3A_60 : vector<256x128xi1>, vector<256x128xi32>
    %gt3A_62 = arith.cmpf ogt, %select_n3A_34, %select_n3A_54 : vector<256x128xf32>
    %eq3A_63 = arith.cmpf oeq, %select_n3A_34, %select_n3A_54 : vector<256x128xf32>
    %lt3A_64 = arith.cmpi slt, %select_n3A_35, %select_n3A_61 : vector<256x128xi32>
    %and3A_65 = arith.andi %eq3A_63, %lt3A_64 : vector<256x128xi1>
    %or3A_66 = arith.ori %gt3A_62, %and3A_65 : vector<256x128xi1>
    %eq3A_67 = arith.xori %eq3A_47, %eq3A_41 : vector<256x128xi1>
    %eq3A_68 = arith.constant dense<true> : vector<256x128xi1>
    %eq3A_69 = arith.xori %eq3A_67, %eq3A_68 : vector<256x128xi1>
    %eq3A_70 = arith.xori %or3A_66, %eq3A_69 : vector<256x128xi1>
    %eq3A_71 = arith.constant dense<true> : vector<256x128xi1>
    %eq3A_72 = arith.xori %eq3A_70, %eq3A_71 : vector<256x128xi1>
    %select_n3A_73 = arith.select %eq3A_72, %select_n3A_34, %select_n3A_54 : vector<256x128xi1>, vector<256x128xf32>
    %select_n3A_74 = arith.select %eq3A_72, %select_n3A_35, %select_n3A_61 : vector<256x128xi1>, vector<256x128xi32>
    %and3A_75 = arith.constant 1 : i32
    %and3A_76 = vector.broadcast %and3A_75 : i32 to vector<256x128xi32>
    %and3A_77 = arith.andi %iota3A_0, %and3A_76 : vector<256x128xi32>
    %eq3A_78 = arith.constant 0 : i32
    %eq3A_79 = vector.broadcast %eq3A_78 : i32 to vector<256x128xi32>
    %eq3A_80 = arith.cmpi eq, %and3A_77, %eq3A_79 : vector<256x128xi32>
    %slice3A_81 = vector.extract_strided_slice %select_n3A_73 {offsets = [0, 1], sizes = [256, 127], strides = [1, 1]} : vector<256x128xf32> to vector<256x127xf32>
    %slice3A_82 = vector.extract_strided_slice %select_n3A_73 {offsets = [0, 0], sizes = [256, 1], strides = [1, 1]} : vector<256x128xf32> to vector<256x1xf32>
    %concatenate3A_83 = tpu.concatenate %slice3A_81, %slice3A_82 in 1 : vector<256x127xf32>, vector<256x1xf32> -> vector<256x128xf32>
    %slice3A_84 = vector.extract_strided_slice %select_n3A_73 {offsets = [0, 127], sizes = [256, 1], strides = [1, 1]} : vector<256x128xf32> to vector<256x1xf32>
    %slice3A_85 = vector.extract_strided_slice %select_n3A_73 {offsets = [0, 0], sizes = [256, 127], strides = [1, 1]} : vector<256x128xf32> to vector<256x127xf32>
    %concatenate3A_86 = tpu.concatenate %slice3A_84, %slice3A_85 in 1 : vector<256x1xf32>, vector<256x127xf32> -> vector<256x128xf32>
    %select_n3A_87 = arith.select %eq3A_80, %concatenate3A_83, %concatenate3A_86 : vector<256x128xi1>, vector<256x128xf32>
    %slice3A_88 = vector.extract_strided_slice %select_n3A_74 {offsets = [0, 1], sizes = [256, 127], strides = [1, 1]} : vector<256x128xi32> to vector<256x127xi32>
    %slice3A_89 = vector.extract_strided_slice %select_n3A_74 {offsets = [0, 0], sizes = [256, 1], strides = [1, 1]} : vector<256x128xi32> to vector<256x1xi32>
    %concatenate3A_90 = tpu.concatenate %slice3A_88, %slice3A_89 in 1 : vector<256x127xi32>, vector<256x1xi32> -> vector<256x128xi32>
    %slice3A_91 = vector.extract_strided_slice %select_n3A_74 {offsets = [0, 127], sizes = [256, 1], strides = [1, 1]} : vector<256x128xi32> to vector<256x1xi32>
    %slice3A_92 = vector.extract_strided_slice %select_n3A_74 {offsets = [0, 0], sizes = [256, 127], strides = [1, 1]} : vector<256x128xi32> to vector<256x127xi32>
    %concatenate3A_93 = tpu.concatenate %slice3A_91, %slice3A_92 in 1 : vector<256x1xi32>, vector<256x127xi32> -> vector<256x128xi32>
    %select_n3A_94 = arith.select %eq3A_80, %concatenate3A_90, %concatenate3A_93 : vector<256x128xi1>, vector<256x128xi32>
    %gt3A_95 = arith.cmpf ogt, %select_n3A_73, %select_n3A_87 : vector<256x128xf32>
    %eq3A_96 = arith.cmpf oeq, %select_n3A_73, %select_n3A_87 : vector<256x128xf32>
    %lt3A_97 = arith.cmpi slt, %select_n3A_74, %select_n3A_94 : vector<256x128xi32>
    %and3A_98 = arith.andi %eq3A_96, %lt3A_97 : vector<256x128xi1>
    %or3A_99 = arith.ori %gt3A_95, %and3A_98 : vector<256x128xi1>
    %eq3A_100 = arith.xori %eq3A_80, %eq3A_41 : vector<256x128xi1>
    %eq3A_101 = arith.constant dense<true> : vector<256x128xi1>
    %eq3A_102 = arith.xori %eq3A_100, %eq3A_101 : vector<256x128xi1>
    %eq3A_103 = arith.xori %or3A_99, %eq3A_102 : vector<256x128xi1>
    %eq3A_104 = arith.constant dense<true> : vector<256x128xi1>
    %eq3A_105 = arith.xori %eq3A_103, %eq3A_104 : vector<256x128xi1>
    %select_n3A_106 = arith.select %eq3A_105, %select_n3A_73, %select_n3A_87 : vector<256x128xi1>, vector<256x128xf32>
    %select_n3A_107 = arith.select %eq3A_105, %select_n3A_74, %select_n3A_94 : vector<256x128xi1>, vector<256x128xi32>
    %and3A_108 = arith.constant 8 : i32
    %and3A_109 = vector.broadcast %and3A_108 : i32 to vector<256x128xi32>
    %and3A_110 = arith.andi %add3A, %and3A_109 : vector<256x128xi32>
    %eq3A_111 = arith.constant 0 : i32
    %eq3A_112 = vector.broadcast %eq3A_111 : i32 to vector<256x128xi32>
    %eq3A_113 = arith.cmpi eq, %and3A_110, %eq3A_112 : vector<256x128xi32>
    %and3A_114 = arith.constant 4 : i32
    %and3A_115 = vector.broadcast %and3A_114 : i32 to vector<256x128xi32>
    %and3A_116 = arith.andi %iota3A_0, %and3A_115 : vector<256x128xi32>
    %eq3A_117 = arith.constant 0 : i32
    %eq3A_118 = vector.broadcast %eq3A_117 : i32 to vector<256x128xi32>
    %eq3A_119 = arith.cmpi eq, %and3A_116, %eq3A_118 : vector<256x128xi32>
    %slice3A_120 = vector.extract_strided_slice %select_n3A_106 {offsets = [0, 4], sizes = [256, 124], strides = [1, 1]} : vector<256x128xf32> to vector<256x124xf32>
    %slice3A_121 = vector.extract_strided_slice %select_n3A_106 {offsets = [0, 0], sizes = [256, 4], strides = [1, 1]} : vector<256x128xf32> to vector<256x4xf32>
    %concatenate3A_122 = tpu.concatenate %slice3A_120, %slice3A_121 in 1 : vector<256x124xf32>, vector<256x4xf32> -> vector<256x128xf32>
    %slice3A_123 = vector.extract_strided_slice %select_n3A_106 {offsets = [0, 124], sizes = [256, 4], strides = [1, 1]} : vector<256x128xf32> to vector<256x4xf32>
    %slice3A_124 = vector.extract_strided_slice %select_n3A_106 {offsets = [0, 0], sizes = [256, 124], strides = [1, 1]} : vector<256x128xf32> to vector<256x124xf32>
    %concatenate3A_125 = tpu.concatenate %slice3A_123, %slice3A_124 in 1 : vector<256x4xf32>, vector<256x124xf32> -> vector<256x128xf32>
    %select_n3A_126 = arith.select %eq3A_119, %concatenate3A_122, %concatenate3A_125 : vector<256x128xi1>, vector<256x128xf32>
    %slice3A_127 = vector.extract_strided_slice %select_n3A_107 {offsets = [0, 4], sizes = [256, 124], strides = [1, 1]} : vector<256x128xi32> to vector<256x124xi32>
    %slice3A_128 = vector.extract_strided_slice %select_n3A_107 {offsets = [0, 0], sizes = [256, 4], strides = [1, 1]} : vector<256x128xi32> to vector<256x4xi32>
    %concatenate3A_129 = tpu.concatenate %slice3A_127, %slice3A_128 in 1 : vector<256x124xi32>, vector<256x4xi32> -> vector<256x128xi32>
    %slice3A_130 = vector.extract_strided_slice %select_n3A_107 {offsets = [0, 124], sizes = [256, 4], strides = [1, 1]} : vector<256x128xi32> to vector<256x4xi32>
    %slice3A_131 = vector.extract_strided_slice %select_n3A_107 {offsets = [0, 0], sizes = [256, 124], strides = [1, 1]} : vector<256x128xi32> to vector<256x124xi32>
    %concatenate3A_132 = tpu.concatenate %slice3A_130, %slice3A_131 in 1 : vector<256x4xi32>, vector<256x124xi32> -> vector<256x128xi32>
    %select_n3A_133 = arith.select %eq3A_119, %concatenate3A_129, %concatenate3A_132 : vector<256x128xi1>, vector<256x128xi32>
    %gt3A_134 = arith.cmpf ogt, %select_n3A_106, %select_n3A_126 : vector<256x128xf32>
    %eq3A_135 = arith.cmpf oeq, %select_n3A_106, %select_n3A_126 : vector<256x128xf32>
    %lt3A_136 = arith.cmpi slt, %select_n3A_107, %select_n3A_133 : vector<256x128xi32>
    %and3A_137 = arith.andi %eq3A_135, %lt3A_136 : vector<256x128xi1>
    %or3A_138 = arith.ori %gt3A_134, %and3A_137 : vector<256x128xi1>
    %eq3A_139 = arith.xori %eq3A_119, %eq3A_113 : vector<256x128xi1>
    %eq3A_140 = arith.constant dense<true> : vector<256x128xi1>
    %eq3A_141 = arith.xori %eq3A_139, %eq3A_140 : vector<256x128xi1>
    %eq3A_142 = arith.xori %or3A_138, %eq3A_141 : vector<256x128xi1>
    %eq3A_143 = arith.constant dense<true> : vector<256x128xi1>
    %eq3A_144 = arith.xori %eq3A_142, %eq3A_143 : vector<256x128xi1>
    %select_n3A_145 = arith.select %eq3A_144, %select_n3A_106, %select_n3A_126 : vector<256x128xi1>, vector<256x128xf32>
    %select_n3A_146 = arith.select %eq3A_144, %select_n3A_107, %select_n3A_133 : vector<256x128xi1>, vector<256x128xi32>
    %and3A_147 = arith.constant 2 : i32
    %and3A_148 = vector.broadcast %and3A_147 : i32 to vector<256x128xi32>
    %and3A_149 = arith.andi %iota3A_0, %and3A_148 : vector<256x128xi32>
    %eq3A_150 = arith.constant 0 : i32
    %eq3A_151 = vector.broadcast %eq3A_150 : i32 to vector<256x128xi32>
    %eq3A_152 = arith.cmpi eq, %and3A_149, %eq3A_151 : vector<256x128xi32>
    %slice3A_153 = vector.extract_strided_slice %select_n3A_145 {offsets = [0, 2], sizes = [256, 126], strides = [1, 1]} : vector<256x128xf32> to vector<256x126xf32>
    %slice3A_154 = vector.extract_strided_slice %select_n3A_145 {offsets = [0, 0], sizes = [256, 2], strides = [1, 1]} : vector<256x128xf32> to vector<256x2xf32>
    %concatenate3A_155 = tpu.concatenate %slice3A_153, %slice3A_154 in 1 : vector<256x126xf32>, vector<256x2xf32> -> vector<256x128xf32>
    %slice3A_156 = vector.extract_strided_slice %select_n3A_145 {offsets = [0, 126], sizes = [256, 2], strides = [1, 1]} : vector<256x128xf32> to vector<256x2xf32>
    %slice3A_157 = vector.extract_strided_slice %select_n3A_145 {offsets = [0, 0], sizes = [256, 126], strides = [1, 1]} : vector<256x128xf32> to vector<256x126xf32>
    %concatenate3A_158 = tpu.concatenate %slice3A_156, %slice3A_157 in 1 : vector<256x2xf32>, vector<256x126xf32> -> vector<256x128xf32>
    %select_n3A_159 = arith.select %eq3A_152, %concatenate3A_155, %concatenate3A_158 : vector<256x128xi1>, vector<256x128xf32>
    %slice3A_160 = vector.extract_strided_slice %select_n3A_146 {offsets = [0, 2], sizes = [256, 126], strides = [1, 1]} : vector<256x128xi32> to vector<256x126xi32>
    %slice3A_161 = vector.extract_strided_slice %select_n3A_146 {offsets = [0, 0], sizes = [256, 2], strides = [1, 1]} : vector<256x128xi32> to vector<256x2xi32>
    %concatenate3A_162 = tpu.concatenate %slice3A_160, %slice3A_161 in 1 : vector<256x126xi32>, vector<256x2xi32> -> vector<256x128xi32>
    %slice3A_163 = vector.extract_strided_slice %select_n3A_146 {offsets = [0, 126], sizes = [256, 2], strides = [1, 1]} : vector<256x128xi32> to vector<256x2xi32>
    %slice3A_164 = vector.extract_strided_slice %select_n3A_146 {offsets = [0, 0], sizes = [256, 126], strides = [1, 1]} : vector<256x128xi32> to vector<256x126xi32>
    %concatenate3A_165 = tpu.concatenate %slice3A_163, %slice3A_164 in 1 : vector<256x2xi32>, vector<256x126xi32> -> vector<256x128xi32>
    %select_n3A_166 = arith.select %eq3A_152, %concatenate3A_162, %concatenate3A_165 : vector<256x128xi1>, vector<256x128xi32>
    %gt3A_167 = arith.cmpf ogt, %select_n3A_145, %select_n3A_159 : vector<256x128xf32>
    %eq3A_168 = arith.cmpf oeq, %select_n3A_145, %select_n3A_159 : vector<256x128xf32>
    %lt3A_169 = arith.cmpi slt, %select_n3A_146, %select_n3A_166 : vector<256x128xi32>
    %and3A_170 = arith.andi %eq3A_168, %lt3A_169 : vector<256x128xi1>
    %or3A_171 = arith.ori %gt3A_167, %and3A_170 : vector<256x128xi1>
    %eq3A_172 = arith.xori %eq3A_152, %eq3A_113 : vector<256x128xi1>
    %eq3A_173 = arith.constant dense<true> : vector<256x128xi1>
    %eq3A_174 = arith.xori %eq3A_172, %eq3A_173 : vector<256x128xi1>
    %eq3A_175 = arith.xori %or3A_171, %eq3A_174 : vector<256x128xi1>
    %eq3A_176 = arith.constant dense<true> : vector<256x128xi1>
    %eq3A_177 = arith.xori %eq3A_175, %eq3A_176 : vector<256x128xi1>
    %select_n3A_178 = arith.select %eq3A_177, %select_n3A_145, %select_n3A_159 : vector<256x128xi1>, vector<256x128xf32>
    %select_n3A_179 = arith.select %eq3A_177, %select_n3A_146, %select_n3A_166 : vector<256x128xi1>, vector<256x128xi32>
    %and3A_180 = arith.constant 1 : i32
    %and3A_181 = vector.broadcast %and3A_180 : i32 to vector<256x128xi32>
    %and3A_182 = arith.andi %iota3A_0, %and3A_181 : vector<256x128xi32>
    %eq3A_183 = arith.constant 0 : i32
    %eq3A_184 = vector.broadcast %eq3A_183 : i32 to vector<256x128xi32>
    %eq3A_185 = arith.cmpi eq, %and3A_182, %eq3A_184 : vector<256x128xi32>
    %slice3A_186 = vector.extract_strided_slice %select_n3A_178 {offsets = [0, 1], sizes = [256, 127], strides = [1, 1]} : vector<256x128xf32> to vector<256x127xf32>
    %slice3A_187 = vector.extract_strided_slice %select_n3A_178 {offsets = [0, 0], sizes = [256, 1], strides = [1, 1]} : vector<256x128xf32> to vector<256x1xf32>
    %concatenate3A_188 = tpu.concatenate %slice3A_186, %slice3A_187 in 1 : vector<256x127xf32>, vector<256x1xf32> -> vector<256x128xf32>
    %slice3A_189 = vector.extract_strided_slice %select_n3A_178 {offsets = [0, 127], sizes = [256, 1], strides = [1, 1]} : vector<256x128xf32> to vector<256x1xf32>
    %slice3A_190 = vector.extract_strided_slice %select_n3A_178 {offsets = [0, 0], sizes = [256, 127], strides = [1, 1]} : vector<256x128xf32> to vector<256x127xf32>
    %concatenate3A_191 = tpu.concatenate %slice3A_189, %slice3A_190 in 1 : vector<256x1xf32>, vector<256x127xf32> -> vector<256x128xf32>
    %select_n3A_192 = arith.select %eq3A_185, %concatenate3A_188, %concatenate3A_191 : vector<256x128xi1>, vector<256x128xf32>
    %slice3A_193 = vector.extract_strided_slice %select_n3A_179 {offsets = [0, 1], sizes = [256, 127], strides = [1, 1]} : vector<256x128xi32> to vector<256x127xi32>
    %slice3A_194 = vector.extract_strided_slice %select_n3A_179 {offsets = [0, 0], sizes = [256, 1], strides = [1, 1]} : vector<256x128xi32> to vector<256x1xi32>
    %concatenate3A_195 = tpu.concatenate %slice3A_193, %slice3A_194 in 1 : vector<256x127xi32>, vector<256x1xi32> -> vector<256x128xi32>
    %slice3A_196 = vector.extract_strided_slice %select_n3A_179 {offsets = [0, 127], sizes = [256, 1], strides = [1, 1]} : vector<256x128xi32> to vector<256x1xi32>
    %slice3A_197 = vector.extract_strided_slice %select_n3A_179 {offsets = [0, 0], sizes = [256, 127], strides = [1, 1]} : vector<256x128xi32> to vector<256x127xi32>
    %concatenate3A_198 = tpu.concatenate %slice3A_196, %slice3A_197 in 1 : vector<256x1xi32>, vector<256x127xi32> -> vector<256x128xi32>
    %select_n3A_199 = arith.select %eq3A_185, %concatenate3A_195, %concatenate3A_198 : vector<256x128xi1>, vector<256x128xi32>
    %gt3A_200 = arith.cmpf ogt, %select_n3A_178, %select_n3A_192 : vector<256x128xf32>
    %eq3A_201 = arith.cmpf oeq, %select_n3A_178, %select_n3A_192 : vector<256x128xf32>
    %lt3A_202 = arith.cmpi slt, %select_n3A_179, %select_n3A_199 : vector<256x128xi32>
    %and3A_203 = arith.andi %eq3A_201, %lt3A_202 : vector<256x128xi1>
    %or3A_204 = arith.ori %gt3A_200, %and3A_203 : vector<256x128xi1>
    %eq3A_205 = arith.xori %eq3A_185, %eq3A_113 : vector<256x128xi1>
    %eq3A_206 = arith.constant dense<true> : vector<256x128xi1>
    %eq3A_207 = arith.xori %eq3A_205, %eq3A_206 : vector<256x128xi1>
    %eq3A_208 = arith.xori %or3A_204, %eq3A_207 : vector<256x128xi1>
    %eq3A_209 = arith.constant dense<true> : vector<256x128xi1>
    %eq3A_210 = arith.xori %eq3A_208, %eq3A_209 : vector<256x128xi1>
    %select_n3A_211 = arith.select %eq3A_210, %select_n3A_178, %select_n3A_192 : vector<256x128xi1>, vector<256x128xf32>
    %select_n3A_212 = arith.select %eq3A_210, %select_n3A_179, %select_n3A_199 : vector<256x128xi1>, vector<256x128xi32>
    %and3A_213 = arith.constant 16 : i32
    %and3A_214 = vector.broadcast %and3A_213 : i32 to vector<256x128xi32>
    %and3A_215 = arith.andi %add3A, %and3A_214 : vector<256x128xi32>
    %eq3A_216 = arith.constant 0 : i32
    %eq3A_217 = vector.broadcast %eq3A_216 : i32 to vector<256x128xi32>
    %eq3A_218 = arith.cmpi eq, %and3A_215, %eq3A_217 : vector<256x128xi32>
    %and3A_219 = arith.constant 8 : i32
    %and3A_220 = vector.broadcast %and3A_219 : i32 to vector<256x128xi32>
    %and3A_221 = arith.andi %iota3A_0, %and3A_220 : vector<256x128xi32>
    %eq3A_222 = arith.constant 0 : i32
    %eq3A_223 = vector.broadcast %eq3A_222 : i32 to vector<256x128xi32>
    %eq3A_224 = arith.cmpi eq, %and3A_221, %eq3A_223 : vector<256x128xi32>
    %slice3A_225 = vector.extract_strided_slice %select_n3A_211 {offsets = [0, 8], sizes = [256, 120], strides = [1, 1]} : vector<256x128xf32> to vector<256x120xf32>
    %slice3A_226 = vector.extract_strided_slice %select_n3A_211 {offsets = [0, 0], sizes = [256, 8], strides = [1, 1]} : vector<256x128xf32> to vector<256x8xf32>
    %concatenate3A_227 = tpu.concatenate %slice3A_225, %slice3A_226 in 1 : vector<256x120xf32>, vector<256x8xf32> -> vector<256x128xf32>
    %slice3A_228 = vector.extract_strided_slice %select_n3A_211 {offsets = [0, 120], sizes = [256, 8], strides = [1, 1]} : vector<256x128xf32> to vector<256x8xf32>
    %slice3A_229 = vector.extract_strided_slice %select_n3A_211 {offsets = [0, 0], sizes = [256, 120], strides = [1, 1]} : vector<256x128xf32> to vector<256x120xf32>
    %concatenate3A_230 = tpu.concatenate %slice3A_228, %slice3A_229 in 1 : vector<256x8xf32>, vector<256x120xf32> -> vector<256x128xf32>
    %select_n3A_231 = arith.select %eq3A_224, %concatenate3A_227, %concatenate3A_230 : vector<256x128xi1>, vector<256x128xf32>
    %slice3A_232 = vector.extract_strided_slice %select_n3A_212 {offsets = [0, 8], sizes = [256, 120], strides = [1, 1]} : vector<256x128xi32> to vector<256x120xi32>
    %slice3A_233 = vector.extract_strided_slice %select_n3A_212 {offsets = [0, 0], sizes = [256, 8], strides = [1, 1]} : vector<256x128xi32> to vector<256x8xi32>
    %concatenate3A_234 = tpu.concatenate %slice3A_232, %slice3A_233 in 1 : vector<256x120xi32>, vector<256x8xi32> -> vector<256x128xi32>
    %slice3A_235 = vector.extract_strided_slice %select_n3A_212 {offsets = [0, 120], sizes = [256, 8], strides = [1, 1]} : vector<256x128xi32> to vector<256x8xi32>
    %slice3A_236 = vector.extract_strided_slice %select_n3A_212 {offsets = [0, 0], sizes = [256, 120], strides = [1, 1]} : vector<256x128xi32> to vector<256x120xi32>
    %concatenate3A_237 = tpu.concatenate %slice3A_235, %slice3A_236 in 1 : vector<256x8xi32>, vector<256x120xi32> -> vector<256x128xi32>
    %select_n3A_238 = arith.select %eq3A_224, %concatenate3A_234, %concatenate3A_237 : vector<256x128xi1>, vector<256x128xi32>
    %gt3A_239 = arith.cmpf ogt, %select_n3A_211, %select_n3A_231 : vector<256x128xf32>
    %eq3A_240 = arith.cmpf oeq, %select_n3A_211, %select_n3A_231 : vector<256x128xf32>
    %lt3A_241 = arith.cmpi slt, %select_n3A_212, %select_n3A_238 : vector<256x128xi32>
    %and3A_242 = arith.andi %eq3A_240, %lt3A_241 : vector<256x128xi1>
    %or3A_243 = arith.ori %gt3A_239, %and3A_242 : vector<256x128xi1>
    %eq3A_244 = arith.xori %eq3A_224, %eq3A_218 : vector<256x128xi1>
    %eq3A_245 = arith.constant dense<true> : vector<256x128xi1>
    %eq3A_246 = arith.xori %eq3A_244, %eq3A_245 : vector<256x128xi1>
    %eq3A_247 = arith.xori %or3A_243, %eq3A_246 : vector<256x128xi1>
    %eq3A_248 = arith.constant dense<true> : vector<256x128xi1>
    %eq3A_249 = arith.xori %eq3A_247, %eq3A_248 : vector<256x128xi1>
    %select_n3A_250 = arith.select %eq3A_249, %select_n3A_211, %select_n3A_231 : vector<256x128xi1>, vector<256x128xf32>
    %select_n3A_251 = arith.select %eq3A_249, %select_n3A_212, %select_n3A_238 : vector<256x128xi1>, vector<256x128xi32>
    %and3A_252 = arith.constant 4 : i32
    %and3A_253 = vector.broadcast %and3A_252 : i32 to vector<256x128xi32>
    %and3A_254 = arith.andi %iota3A_0, %and3A_253 : vector<256x128xi32>
    %eq3A_255 = arith.constant 0 : i32
    %eq3A_256 = vector.broadcast %eq3A_255 : i32 to vector<256x128xi32>
    %eq3A_257 = arith.cmpi eq, %and3A_254, %eq3A_256 : vector<256x128xi32>
    %slice3A_258 = vector.extract_strided_slice %select_n3A_250 {offsets = [0, 4], sizes = [256, 124], strides = [1, 1]} : vector<256x128xf32> to vector<256x124xf32>
    %slice3A_259 = vector.extract_strided_slice %select_n3A_250 {offsets = [0, 0], sizes = [256, 4], strides = [1, 1]} : vector<256x128xf32> to vector<256x4xf32>
    %concatenate3A_260 = tpu.concatenate %slice3A_258, %slice3A_259 in 1 : vector<256x124xf32>, vector<256x4xf32> -> vector<256x128xf32>
    %slice3A_261 = vector.extract_strided_slice %select_n3A_250 {offsets = [0, 124], sizes = [256, 4], strides = [1, 1]} : vector<256x128xf32> to vector<256x4xf32>
    %slice3A_262 = vector.extract_strided_slice %select_n3A_250 {offsets = [0, 0], sizes = [256, 124], strides = [1, 1]} : vector<256x128xf32> to vector<256x124xf32>
    %concatenate3A_263 = tpu.concatenate %slice3A_261, %slice3A_262 in 1 : vector<256x4xf32>, vector<256x124xf32> -> vector<256x128xf32>
    %select_n3A_264 = arith.select %eq3A_257, %concatenate3A_260, %concatenate3A_263 : vector<256x128xi1>, vector<256x128xf32>
    %slice3A_265 = vector.extract_strided_slice %select_n3A_251 {offsets = [0, 4], sizes = [256, 124], strides = [1, 1]} : vector<256x128xi32> to vector<256x124xi32>
    %slice3A_266 = vector.extract_strided_slice %select_n3A_251 {offsets = [0, 0], sizes = [256, 4], strides = [1, 1]} : vector<256x128xi32> to vector<256x4xi32>
    %concatenate3A_267 = tpu.concatenate %slice3A_265, %slice3A_266 in 1 : vector<256x124xi32>, vector<256x4xi32> -> vector<256x128xi32>
    %slice3A_268 = vector.extract_strided_slice %select_n3A_251 {offsets = [0, 124], sizes = [256, 4], strides = [1, 1]} : vector<256x128xi32> to vector<256x4xi32>
    %slice3A_269 = vector.extract_strided_slice %select_n3A_251 {offsets = [0, 0], sizes = [256, 124], strides = [1, 1]} : vector<256x128xi32> to vector<256x124xi32>
    %concatenate3A_270 = tpu.concatenate %slice3A_268, %slice3A_269 in 1 : vector<256x4xi32>, vector<256x124xi32> -> vector<256x128xi32>
    %select_n3A_271 = arith.select %eq3A_257, %concatenate3A_267, %concatenate3A_270 : vector<256x128xi1>, vector<256x128xi32>
    %gt3A_272 = arith.cmpf ogt, %select_n3A_250, %select_n3A_264 : vector<256x128xf32>
    %eq3A_273 = arith.cmpf oeq, %select_n3A_250, %select_n3A_264 : vector<256x128xf32>
    %lt3A_274 = arith.cmpi slt, %select_n3A_251, %select_n3A_271 : vector<256x128xi32>
    %and3A_275 = arith.andi %eq3A_273, %lt3A_274 : vector<256x128xi1>
    %or3A_276 = arith.ori %gt3A_272, %and3A_275 : vector<256x128xi1>
    %eq3A_277 = arith.xori %eq3A_257, %eq3A_218 : vector<256x128xi1>
    %eq3A_278 = arith.constant dense<true> : vector<256x128xi1>
    %eq3A_279 = arith.xori %eq3A_277, %eq3A_278 : vector<256x128xi1>
    %eq3A_280 = arith.xori %or3A_276, %eq3A_279 : vector<256x128xi1>
    %eq3A_281 = arith.constant dense<true> : vector<256x128xi1>
    %eq3A_282 = arith.xori %eq3A_280, %eq3A_281 : vector<256x128xi1>
    %select_n3A_283 = arith.select %eq3A_282, %select_n3A_250, %select_n3A_264 : vector<256x128xi1>, vector<256x128xf32>
    %select_n3A_284 = arith.select %eq3A_282, %select_n3A_251, %select_n3A_271 : vector<256x128xi1>, vector<256x128xi32>
    %and3A_285 = arith.constant 2 : i32
    %and3A_286 = vector.broadcast %and3A_285 : i32 to vector<256x128xi32>
    %and3A_287 = arith.andi %iota3A_0, %and3A_286 : vector<256x128xi32>
    %eq3A_288 = arith.constant 0 : i32
    %eq3A_289 = vector.broadcast %eq3A_288 : i32 to vector<256x128xi32>
    %eq3A_290 = arith.cmpi eq, %and3A_287, %eq3A_289 : vector<256x128xi32>
    %slice3A_291 = vector.extract_strided_slice %select_n3A_283 {offsets = [0, 2], sizes = [256, 126], strides = [1, 1]} : vector<256x128xf32> to vector<256x126xf32>
    %slice3A_292 = vector.extract_strided_slice %select_n3A_283 {offsets = [0, 0], sizes = [256, 2], strides = [1, 1]} : vector<256x128xf32> to vector<256x2xf32>
    %concatenate3A_293 = tpu.concatenate %slice3A_291, %slice3A_292 in 1 : vector<256x126xf32>, vector<256x2xf32> -> vector<256x128xf32>
    %slice3A_294 = vector.extract_strided_slice %select_n3A_283 {offsets = [0, 126], sizes = [256, 2], strides = [1, 1]} : vector<256x128xf32> to vector<256x2xf32>
    %slice3A_295 = vector.extract_strided_slice %select_n3A_283 {offsets = [0, 0], sizes = [256, 126], strides = [1, 1]} : vector<256x128xf32> to vector<256x126xf32>
    %concatenate3A_296 = tpu.concatenate %slice3A_294, %slice3A_295 in 1 : vector<256x2xf32>, vector<256x126xf32> -> vector<256x128xf32>
    %select_n3A_297 = arith.select %eq3A_290, %concatenate3A_293, %concatenate3A_296 : vector<256x128xi1>, vector<256x128xf32>
    %slice3A_298 = vector.extract_strided_slice %select_n3A_284 {offsets = [0, 2], sizes = [256, 126], strides = [1, 1]} : vector<256x128xi32> to vector<256x126xi32>
    %slice3A_299 = vector.extract_strided_slice %select_n3A_284 {offsets = [0, 0], sizes = [256, 2], strides = [1, 1]} : vector<256x128xi32> to vector<256x2xi32>
    %concatenate3A_300 = tpu.concatenate %slice3A_298, %slice3A_299 in 1 : vector<256x126xi32>, vector<256x2xi32> -> vector<256x128xi32>
    %slice3A_301 = vector.extract_strided_slice %select_n3A_284 {offsets = [0, 126], sizes = [256, 2], strides = [1, 1]} : vector<256x128xi32> to vector<256x2xi32>
    %slice3A_302 = vector.extract_strided_slice %select_n3A_284 {offsets = [0, 0], sizes = [256, 126], strides = [1, 1]} : vector<256x128xi32> to vector<256x126xi32>
    %concatenate3A_303 = tpu.concatenate %slice3A_301, %slice3A_302 in 1 : vector<256x2xi32>, vector<256x126xi32> -> vector<256x128xi32>
    %select_n3A_304 = arith.select %eq3A_290, %concatenate3A_300, %concatenate3A_303 : vector<256x128xi1>, vector<256x128xi32>
    %gt3A_305 = arith.cmpf ogt, %select_n3A_283, %select_n3A_297 : vector<256x128xf32>
    %eq3A_306 = arith.cmpf oeq, %select_n3A_283, %select_n3A_297 : vector<256x128xf32>
    %lt3A_307 = arith.cmpi slt, %select_n3A_284, %select_n3A_304 : vector<256x128xi32>
    %and3A_308 = arith.andi %eq3A_306, %lt3A_307 : vector<256x128xi1>
    %or3A_309 = arith.ori %gt3A_305, %and3A_308 : vector<256x128xi1>
    %eq3A_310 = arith.xori %eq3A_290, %eq3A_218 : vector<256x128xi1>
    %eq3A_311 = arith.constant dense<true> : vector<256x128xi1>
    %eq3A_312 = arith.xori %eq3A_310, %eq3A_311 : vector<256x128xi1>
    %eq3A_313 = arith.xori %or3A_309, %eq3A_312 : vector<256x128xi1>
    %eq3A_314 = arith.constant dense<true> : vector<256x128xi1>
    %eq3A_315 = arith.xori %eq3A_313, %eq3A_314 : vector<256x128xi1>
    %select_n3A_316 = arith.select %eq3A_315, %select_n3A_283, %select_n3A_297 : vector<256x128xi1>, vector<256x128xf32>
    %select_n3A_317 = arith.select %eq3A_315, %select_n3A_284, %select_n3A_304 : vector<256x128xi1>, vector<256x128xi32>
    %and3A_318 = arith.constant 1 : i32
    %and3A_319 = vector.broadcast %and3A_318 : i32 to vector<256x128xi32>
    %and3A_320 = arith.andi %iota3A_0, %and3A_319 : vector<256x128xi32>
    %eq3A_321 = arith.constant 0 : i32
    %eq3A_322 = vector.broadcast %eq3A_321 : i32 to vector<256x128xi32>
    %eq3A_323 = arith.cmpi eq, %and3A_320, %eq3A_322 : vector<256x128xi32>
    %slice3A_324 = vector.extract_strided_slice %select_n3A_316 {offsets = [0, 1], sizes = [256, 127], strides = [1, 1]} : vector<256x128xf32> to vector<256x127xf32>
    %slice3A_325 = vector.extract_strided_slice %select_n3A_316 {offsets = [0, 0], sizes = [256, 1], strides = [1, 1]} : vector<256x128xf32> to vector<256x1xf32>
    %concatenate3A_326 = tpu.concatenate %slice3A_324, %slice3A_325 in 1 : vector<256x127xf32>, vector<256x1xf32> -> vector<256x128xf32>
    %slice3A_327 = vector.extract_strided_slice %select_n3A_316 {offsets = [0, 127], sizes = [256, 1], strides = [1, 1]} : vector<256x128xf32> to vector<256x1xf32>
    %slice3A_328 = vector.extract_strided_slice %select_n3A_316 {offsets = [0, 0], sizes = [256, 127], strides = [1, 1]} : vector<256x128xf32> to vector<256x127xf32>
    %concatenate3A_329 = tpu.concatenate %slice3A_327, %slice3A_328 in 1 : vector<256x1xf32>, vector<256x127xf32> -> vector<256x128xf32>
    %select_n3A_330 = arith.select %eq3A_323, %concatenate3A_326, %concatenate3A_329 : vector<256x128xi1>, vector<256x128xf32>
    %slice3A_331 = vector.extract_strided_slice %select_n3A_317 {offsets = [0, 1], sizes = [256, 127], strides = [1, 1]} : vector<256x128xi32> to vector<256x127xi32>
    %slice3A_332 = vector.extract_strided_slice %select_n3A_317 {offsets = [0, 0], sizes = [256, 1], strides = [1, 1]} : vector<256x128xi32> to vector<256x1xi32>
    %concatenate3A_333 = tpu.concatenate %slice3A_331, %slice3A_332 in 1 : vector<256x127xi32>, vector<256x1xi32> -> vector<256x128xi32>
    %slice3A_334 = vector.extract_strided_slice %select_n3A_317 {offsets = [0, 127], sizes = [256, 1], strides = [1, 1]} : vector<256x128xi32> to vector<256x1xi32>
    %slice3A_335 = vector.extract_strided_slice %select_n3A_317 {offsets = [0, 0], sizes = [256, 127], strides = [1, 1]} : vector<256x128xi32> to vector<256x127xi32>
    %concatenate3A_336 = tpu.concatenate %slice3A_334, %slice3A_335 in 1 : vector<256x1xi32>, vector<256x127xi32> -> vector<256x128xi32>
    %select_n3A_337 = arith.select %eq3A_323, %concatenate3A_333, %concatenate3A_336 : vector<256x128xi1>, vector<256x128xi32>
    %gt3A_338 = arith.cmpf ogt, %select_n3A_316, %select_n3A_330 : vector<256x128xf32>
    %eq3A_339 = arith.cmpf oeq, %select_n3A_316, %select_n3A_330 : vector<256x128xf32>
    %lt3A_340 = arith.cmpi slt, %select_n3A_317, %select_n3A_337 : vector<256x128xi32>
    %and3A_341 = arith.andi %eq3A_339, %lt3A_340 : vector<256x128xi1>
    %or3A_342 = arith.ori %gt3A_338, %and3A_341 : vector<256x128xi1>
    %eq3A_343 = arith.xori %eq3A_323, %eq3A_218 : vector<256x128xi1>
    %eq3A_344 = arith.constant dense<true> : vector<256x128xi1>
    %eq3A_345 = arith.xori %eq3A_343, %eq3A_344 : vector<256x128xi1>
    %eq3A_346 = arith.xori %or3A_342, %eq3A_345 : vector<256x128xi1>
    %eq3A_347 = arith.constant dense<true> : vector<256x128xi1>
    %eq3A_348 = arith.xori %eq3A_346, %eq3A_347 : vector<256x128xi1>
    %select_n3A_349 = arith.select %eq3A_348, %select_n3A_316, %select_n3A_330 : vector<256x128xi1>, vector<256x128xf32>
    %select_n3A_350 = arith.select %eq3A_348, %select_n3A_317, %select_n3A_337 : vector<256x128xi1>, vector<256x128xi32>
    %and3A_351 = arith.constant 32 : i32
    %and3A_352 = vector.broadcast %and3A_351 : i32 to vector<256x128xi32>
    %and3A_353 = arith.andi %add3A, %and3A_352 : vector<256x128xi32>
    %eq3A_354 = arith.constant 0 : i32
    %eq3A_355 = vector.broadcast %eq3A_354 : i32 to vector<256x128xi32>
    %eq3A_356 = arith.cmpi eq, %and3A_353, %eq3A_355 : vector<256x128xi32>
    %and3A_357 = arith.constant 16 : i32
    %and3A_358 = vector.broadcast %and3A_357 : i32 to vector<256x128xi32>
    %and3A_359 = arith.andi %iota3A_0, %and3A_358 : vector<256x128xi32>
    %eq3A_360 = arith.constant 0 : i32
    %eq3A_361 = vector.broadcast %eq3A_360 : i32 to vector<256x128xi32>
    %eq3A_362 = arith.cmpi eq, %and3A_359, %eq3A_361 : vector<256x128xi32>
    %slice3A_363 = vector.extract_strided_slice %select_n3A_349 {offsets = [0, 16], sizes = [256, 112], strides = [1, 1]} : vector<256x128xf32> to vector<256x112xf32>
    %slice3A_364 = vector.extract_strided_slice %select_n3A_349 {offsets = [0, 0], sizes = [256, 16], strides = [1, 1]} : vector<256x128xf32> to vector<256x16xf32>
    %concatenate3A_365 = tpu.concatenate %slice3A_363, %slice3A_364 in 1 : vector<256x112xf32>, vector<256x16xf32> -> vector<256x128xf32>
    %slice3A_366 = vector.extract_strided_slice %select_n3A_349 {offsets = [0, 112], sizes = [256, 16], strides = [1, 1]} : vector<256x128xf32> to vector<256x16xf32>
    %slice3A_367 = vector.extract_strided_slice %select_n3A_349 {offsets = [0, 0], sizes = [256, 112], strides = [1, 1]} : vector<256x128xf32> to vector<256x112xf32>
    %concatenate3A_368 = tpu.concatenate %slice3A_366, %slice3A_367 in 1 : vector<256x16xf32>, vector<256x112xf32> -> vector<256x128xf32>
    %select_n3A_369 = arith.select %eq3A_362, %concatenate3A_365, %concatenate3A_368 : vector<256x128xi1>, vector<256x128xf32>
    %slice3A_370 = vector.extract_strided_slice %select_n3A_350 {offsets = [0, 16], sizes = [256, 112], strides = [1, 1]} : vector<256x128xi32> to vector<256x112xi32>
    %slice3A_371 = vector.extract_strided_slice %select_n3A_350 {offsets = [0, 0], sizes = [256, 16], strides = [1, 1]} : vector<256x128xi32> to vector<256x16xi32>
    %concatenate3A_372 = tpu.concatenate %slice3A_370, %slice3A_371 in 1 : vector<256x112xi32>, vector<256x16xi32> -> vector<256x128xi32>
    %slice3A_373 = vector.extract_strided_slice %select_n3A_350 {offsets = [0, 112], sizes = [256, 16], strides = [1, 1]} : vector<256x128xi32> to vector<256x16xi32>
    %slice3A_374 = vector.extract_strided_slice %select_n3A_350 {offsets = [0, 0], sizes = [256, 112], strides = [1, 1]} : vector<256x128xi32> to vector<256x112xi32>
    %concatenate3A_375 = tpu.concatenate %slice3A_373, %slice3A_374 in 1 : vector<256x16xi32>, vector<256x112xi32> -> vector<256x128xi32>
    %select_n3A_376 = arith.select %eq3A_362, %concatenate3A_372, %concatenate3A_375 : vector<256x128xi1>, vector<256x128xi32>
    %gt3A_377 = arith.cmpf ogt, %select_n3A_349, %select_n3A_369 : vector<256x128xf32>
    %eq3A_378 = arith.cmpf oeq, %select_n3A_349, %select_n3A_369 : vector<256x128xf32>
    %lt3A_379 = arith.cmpi slt, %select_n3A_350, %select_n3A_376 : vector<256x128xi32>
    %and3A_380 = arith.andi %eq3A_378, %lt3A_379 : vector<256x128xi1>
    %or3A_381 = arith.ori %gt3A_377, %and3A_380 : vector<256x128xi1>
    %eq3A_382 = arith.xori %eq3A_362, %eq3A_356 : vector<256x128xi1>
    %eq3A_383 = arith.constant dense<true> : vector<256x128xi1>
    %eq3A_384 = arith.xori %eq3A_382, %eq3A_383 : vector<256x128xi1>
    %eq3A_385 = arith.xori %or3A_381, %eq3A_384 : vector<256x128xi1>
    %eq3A_386 = arith.constant dense<true> : vector<256x128xi1>
    %eq3A_387 = arith.xori %eq3A_385, %eq3A_386 : vector<256x128xi1>
    %select_n3A_388 = arith.select %eq3A_387, %select_n3A_349, %select_n3A_369 : vector<256x128xi1>, vector<256x128xf32>
    %select_n3A_389 = arith.select %eq3A_387, %select_n3A_350, %select_n3A_376 : vector<256x128xi1>, vector<256x128xi32>
    %and3A_390 = arith.constant 8 : i32
    %and3A_391 = vector.broadcast %and3A_390 : i32 to vector<256x128xi32>
    %and3A_392 = arith.andi %iota3A_0, %and3A_391 : vector<256x128xi32>
    %eq3A_393 = arith.constant 0 : i32
    %eq3A_394 = vector.broadcast %eq3A_393 : i32 to vector<256x128xi32>
    %eq3A_395 = arith.cmpi eq, %and3A_392, %eq3A_394 : vector<256x128xi32>
    %slice3A_396 = vector.extract_strided_slice %select_n3A_388 {offsets = [0, 8], sizes = [256, 120], strides = [1, 1]} : vector<256x128xf32> to vector<256x120xf32>
    %slice3A_397 = vector.extract_strided_slice %select_n3A_388 {offsets = [0, 0], sizes = [256, 8], strides = [1, 1]} : vector<256x128xf32> to vector<256x8xf32>
    %concatenate3A_398 = tpu.concatenate %slice3A_396, %slice3A_397 in 1 : vector<256x120xf32>, vector<256x8xf32> -> vector<256x128xf32>
    %slice3A_399 = vector.extract_strided_slice %select_n3A_388 {offsets = [0, 120], sizes = [256, 8], strides = [1, 1]} : vector<256x128xf32> to vector<256x8xf32>
    %slice3A_400 = vector.extract_strided_slice %select_n3A_388 {offsets = [0, 0], sizes = [256, 120], strides = [1, 1]} : vector<256x128xf32> to vector<256x120xf32>
    %concatenate3A_401 = tpu.concatenate %slice3A_399, %slice3A_400 in 1 : vector<256x8xf32>, vector<256x120xf32> -> vector<256x128xf32>
    %select_n3A_402 = arith.select %eq3A_395, %concatenate3A_398, %concatenate3A_401 : vector<256x128xi1>, vector<256x128xf32>
    %slice3A_403 = vector.extract_strided_slice %select_n3A_389 {offsets = [0, 8], sizes = [256, 120], strides = [1, 1]} : vector<256x128xi32> to vector<256x120xi32>
    %slice3A_404 = vector.extract_strided_slice %select_n3A_389 {offsets = [0, 0], sizes = [256, 8], strides = [1, 1]} : vector<256x128xi32> to vector<256x8xi32>
    %concatenate3A_405 = tpu.concatenate %slice3A_403, %slice3A_404 in 1 : vector<256x120xi32>, vector<256x8xi32> -> vector<256x128xi32>
    %slice3A_406 = vector.extract_strided_slice %select_n3A_389 {offsets = [0, 120], sizes = [256, 8], strides = [1, 1]} : vector<256x128xi32> to vector<256x8xi32>
    %slice3A_407 = vector.extract_strided_slice %select_n3A_389 {offsets = [0, 0], sizes = [256, 120], strides = [1, 1]} : vector<256x128xi32> to vector<256x120xi32>
    %concatenate3A_408 = tpu.concatenate %slice3A_406, %slice3A_407 in 1 : vector<256x8xi32>, vector<256x120xi32> -> vector<256x128xi32>
    %select_n3A_409 = arith.select %eq3A_395, %concatenate3A_405, %concatenate3A_408 : vector<256x128xi1>, vector<256x128xi32>
    %gt3A_410 = arith.cmpf ogt, %select_n3A_388, %select_n3A_402 : vector<256x128xf32>
    %eq3A_411 = arith.cmpf oeq, %select_n3A_388, %select_n3A_402 : vector<256x128xf32>
    %lt3A_412 = arith.cmpi slt, %select_n3A_389, %select_n3A_409 : vector<256x128xi32>
    %and3A_413 = arith.andi %eq3A_411, %lt3A_412 : vector<256x128xi1>
    %or3A_414 = arith.ori %gt3A_410, %and3A_413 : vector<256x128xi1>
    %eq3A_415 = arith.xori %eq3A_395, %eq3A_356 : vector<256x128xi1>
    %eq3A_416 = arith.constant dense<true> : vector<256x128xi1>
    %eq3A_417 = arith.xori %eq3A_415, %eq3A_416 : vector<256x128xi1>
    %eq3A_418 = arith.xori %or3A_414, %eq3A_417 : vector<256x128xi1>
    %eq3A_419 = arith.constant dense<true> : vector<256x128xi1>
    %eq3A_420 = arith.xori %eq3A_418, %eq3A_419 : vector<256x128xi1>
    %select_n3A_421 = arith.select %eq3A_420, %select_n3A_388, %select_n3A_402 : vector<256x128xi1>, vector<256x128xf32>
    %select_n3A_422 = arith.select %eq3A_420, %select_n3A_389, %select_n3A_409 : vector<256x128xi1>, vector<256x128xi32>
    %and3A_423 = arith.constant 4 : i32
    %and3A_424 = vector.broadcast %and3A_423 : i32 to vector<256x128xi32>
    %and3A_425 = arith.andi %iota3A_0, %and3A_424 : vector<256x128xi32>
    %eq3A_426 = arith.constant 0 : i32
    %eq3A_427 = vector.broadcast %eq3A_426 : i32 to vector<256x128xi32>
    %eq3A_428 = arith.cmpi eq, %and3A_425, %eq3A_427 : vector<256x128xi32>
    %slice3A_429 = vector.extract_strided_slice %select_n3A_421 {offsets = [0, 4], sizes = [256, 124], strides = [1, 1]} : vector<256x128xf32> to vector<256x124xf32>
    %slice3A_430 = vector.extract_strided_slice %select_n3A_421 {offsets = [0, 0], sizes = [256, 4], strides = [1, 1]} : vector<256x128xf32> to vector<256x4xf32>
    %concatenate3A_431 = tpu.concatenate %slice3A_429, %slice3A_430 in 1 : vector<256x124xf32>, vector<256x4xf32> -> vector<256x128xf32>
    %slice3A_432 = vector.extract_strided_slice %select_n3A_421 {offsets = [0, 124], sizes = [256, 4], strides = [1, 1]} : vector<256x128xf32> to vector<256x4xf32>
    %slice3A_433 = vector.extract_strided_slice %select_n3A_421 {offsets = [0, 0], sizes = [256, 124], strides = [1, 1]} : vector<256x128xf32> to vector<256x124xf32>
    %concatenate3A_434 = tpu.concatenate %slice3A_432, %slice3A_433 in 1 : vector<256x4xf32>, vector<256x124xf32> -> vector<256x128xf32>
    %select_n3A_435 = arith.select %eq3A_428, %concatenate3A_431, %concatenate3A_434 : vector<256x128xi1>, vector<256x128xf32>
    %slice3A_436 = vector.extract_strided_slice %select_n3A_422 {offsets = [0, 4], sizes = [256, 124], strides = [1, 1]} : vector<256x128xi32> to vector<256x124xi32>
    %slice3A_437 = vector.extract_strided_slice %select_n3A_422 {offsets = [0, 0], sizes = [256, 4], strides = [1, 1]} : vector<256x128xi32> to vector<256x4xi32>
    %concatenate3A_438 = tpu.concatenate %slice3A_436, %slice3A_437 in 1 : vector<256x124xi32>, vector<256x4xi32> -> vector<256x128xi32>
    %slice3A_439 = vector.extract_strided_slice %select_n3A_422 {offsets = [0, 124], sizes = [256, 4], strides = [1, 1]} : vector<256x128xi32> to vector<256x4xi32>
    %slice3A_440 = vector.extract_strided_slice %select_n3A_422 {offsets = [0, 0], sizes = [256, 124], strides = [1, 1]} : vector<256x128xi32> to vector<256x124xi32>
    %concatenate3A_441 = tpu.concatenate %slice3A_439, %slice3A_440 in 1 : vector<256x4xi32>, vector<256x124xi32> -> vector<256x128xi32>
    %select_n3A_442 = arith.select %eq3A_428, %concatenate3A_438, %concatenate3A_441 : vector<256x128xi1>, vector<256x128xi32>
    %gt3A_443 = arith.cmpf ogt, %select_n3A_421, %select_n3A_435 : vector<256x128xf32>
    %eq3A_444 = arith.cmpf oeq, %select_n3A_421, %select_n3A_435 : vector<256x128xf32>
    %lt3A_445 = arith.cmpi slt, %select_n3A_422, %select_n3A_442 : vector<256x128xi32>
    %and3A_446 = arith.andi %eq3A_444, %lt3A_445 : vector<256x128xi1>
    %or3A_447 = arith.ori %gt3A_443, %and3A_446 : vector<256x128xi1>
    %eq3A_448 = arith.xori %eq3A_428, %eq3A_356 : vector<256x128xi1>
    %eq3A_449 = arith.constant dense<true> : vector<256x128xi1>
    %eq3A_450 = arith.xori %eq3A_448, %eq3A_449 : vector<256x128xi1>
    %eq3A_451 = arith.xori %or3A_447, %eq3A_450 : vector<256x128xi1>
    %eq3A_452 = arith.constant dense<true> : vector<256x128xi1>
    %eq3A_453 = arith.xori %eq3A_451, %eq3A_452 : vector<256x128xi1>
    %select_n3A_454 = arith.select %eq3A_453, %select_n3A_421, %select_n3A_435 : vector<256x128xi1>, vector<256x128xf32>
    %select_n3A_455 = arith.select %eq3A_453, %select_n3A_422, %select_n3A_442 : vector<256x128xi1>, vector<256x128xi32>
    %and3A_456 = arith.constant 2 : i32
    %and3A_457 = vector.broadcast %and3A_456 : i32 to vector<256x128xi32>
    %and3A_458 = arith.andi %iota3A_0, %and3A_457 : vector<256x128xi32>
    %eq3A_459 = arith.constant 0 : i32
    %eq3A_460 = vector.broadcast %eq3A_459 : i32 to vector<256x128xi32>
    %eq3A_461 = arith.cmpi eq, %and3A_458, %eq3A_460 : vector<256x128xi32>
    %slice3A_462 = vector.extract_strided_slice %select_n3A_454 {offsets = [0, 2], sizes = [256, 126], strides = [1, 1]} : vector<256x128xf32> to vector<256x126xf32>
    %slice3A_463 = vector.extract_strided_slice %select_n3A_454 {offsets = [0, 0], sizes = [256, 2], strides = [1, 1]} : vector<256x128xf32> to vector<256x2xf32>
    %concatenate3A_464 = tpu.concatenate %slice3A_462, %slice3A_463 in 1 : vector<256x126xf32>, vector<256x2xf32> -> vector<256x128xf32>
    %slice3A_465 = vector.extract_strided_slice %select_n3A_454 {offsets = [0, 126], sizes = [256, 2], strides = [1, 1]} : vector<256x128xf32> to vector<256x2xf32>
    %slice3A_466 = vector.extract_strided_slice %select_n3A_454 {offsets = [0, 0], sizes = [256, 126], strides = [1, 1]} : vector<256x128xf32> to vector<256x126xf32>
    %concatenate3A_467 = tpu.concatenate %slice3A_465, %slice3A_466 in 1 : vector<256x2xf32>, vector<256x126xf32> -> vector<256x128xf32>
    %select_n3A_468 = arith.select %eq3A_461, %concatenate3A_464, %concatenate3A_467 : vector<256x128xi1>, vector<256x128xf32>
    %slice3A_469 = vector.extract_strided_slice %select_n3A_455 {offsets = [0, 2], sizes = [256, 126], strides = [1, 1]} : vector<256x128xi32> to vector<256x126xi32>
    %slice3A_470 = vector.extract_strided_slice %select_n3A_455 {offsets = [0, 0], sizes = [256, 2], strides = [1, 1]} : vector<256x128xi32> to vector<256x2xi32>
    %concatenate3A_471 = tpu.concatenate %slice3A_469, %slice3A_470 in 1 : vector<256x126xi32>, vector<256x2xi32> -> vector<256x128xi32>
    %slice3A_472 = vector.extract_strided_slice %select_n3A_455 {offsets = [0, 126], sizes = [256, 2], strides = [1, 1]} : vector<256x128xi32> to vector<256x2xi32>
    %slice3A_473 = vector.extract_strided_slice %select_n3A_455 {offsets = [0, 0], sizes = [256, 126], strides = [1, 1]} : vector<256x128xi32> to vector<256x126xi32>
    %concatenate3A_474 = tpu.concatenate %slice3A_472, %slice3A_473 in 1 : vector<256x2xi32>, vector<256x126xi32> -> vector<256x128xi32>
    %select_n3A_475 = arith.select %eq3A_461, %concatenate3A_471, %concatenate3A_474 : vector<256x128xi1>, vector<256x128xi32>
    %gt3A_476 = arith.cmpf ogt, %select_n3A_454, %select_n3A_468 : vector<256x128xf32>
    %eq3A_477 = arith.cmpf oeq, %select_n3A_454, %select_n3A_468 : vector<256x128xf32>
    %lt3A_478 = arith.cmpi slt, %select_n3A_455, %select_n3A_475 : vector<256x128xi32>
    %and3A_479 = arith.andi %eq3A_477, %lt3A_478 : vector<256x128xi1>
    %or3A_480 = arith.ori %gt3A_476, %and3A_479 : vector<256x128xi1>
    %eq3A_481 = arith.xori %eq3A_461, %eq3A_356 : vector<256x128xi1>
    %eq3A_482 = arith.constant dense<true> : vector<256x128xi1>
    %eq3A_483 = arith.xori %eq3A_481, %eq3A_482 : vector<256x128xi1>
    %eq3A_484 = arith.xori %or3A_480, %eq3A_483 : vector<256x128xi1>
    %eq3A_485 = arith.constant dense<true> : vector<256x128xi1>
    %eq3A_486 = arith.xori %eq3A_484, %eq3A_485 : vector<256x128xi1>
    %select_n3A_487 = arith.select %eq3A_486, %select_n3A_454, %select_n3A_468 : vector<256x128xi1>, vector<256x128xf32>
    %select_n3A_488 = arith.select %eq3A_486, %select_n3A_455, %select_n3A_475 : vector<256x128xi1>, vector<256x128xi32>
    %and3A_489 = arith.constant 1 : i32
    %and3A_490 = vector.broadcast %and3A_489 : i32 to vector<256x128xi32>
    %and3A_491 = arith.andi %iota3A_0, %and3A_490 : vector<256x128xi32>
    %eq3A_492 = arith.constant 0 : i32
    %eq3A_493 = vector.broadcast %eq3A_492 : i32 to vector<256x128xi32>
    %eq3A_494 = arith.cmpi eq, %and3A_491, %eq3A_493 : vector<256x128xi32>
    %slice3A_495 = vector.extract_strided_slice %select_n3A_487 {offsets = [0, 1], sizes = [256, 127], strides = [1, 1]} : vector<256x128xf32> to vector<256x127xf32>
    %slice3A_496 = vector.extract_strided_slice %select_n3A_487 {offsets = [0, 0], sizes = [256, 1], strides = [1, 1]} : vector<256x128xf32> to vector<256x1xf32>
    %concatenate3A_497 = tpu.concatenate %slice3A_495, %slice3A_496 in 1 : vector<256x127xf32>, vector<256x1xf32> -> vector<256x128xf32>
    %slice3A_498 = vector.extract_strided_slice %select_n3A_487 {offsets = [0, 127], sizes = [256, 1], strides = [1, 1]} : vector<256x128xf32> to vector<256x1xf32>
    %slice3A_499 = vector.extract_strided_slice %select_n3A_487 {offsets = [0, 0], sizes = [256, 127], strides = [1, 1]} : vector<256x128xf32> to vector<256x127xf32>
    %concatenate3A_500 = tpu.concatenate %slice3A_498, %slice3A_499 in 1 : vector<256x1xf32>, vector<256x127xf32> -> vector<256x128xf32>
    %select_n3A_501 = arith.select %eq3A_494, %concatenate3A_497, %concatenate3A_500 : vector<256x128xi1>, vector<256x128xf32>
    %slice3A_502 = vector.extract_strided_slice %select_n3A_488 {offsets = [0, 1], sizes = [256, 127], strides = [1, 1]} : vector<256x128xi32> to vector<256x127xi32>
    %slice3A_503 = vector.extract_strided_slice %select_n3A_488 {offsets = [0, 0], sizes = [256, 1], strides = [1, 1]} : vector<256x128xi32> to vector<256x1xi32>
    %concatenate3A_504 = tpu.concatenate %slice3A_502, %slice3A_503 in 1 : vector<256x127xi32>, vector<256x1xi32> -> vector<256x128xi32>
    %slice3A_505 = vector.extract_strided_slice %select_n3A_488 {offsets = [0, 127], sizes = [256, 1], strides = [1, 1]} : vector<256x128xi32> to vector<256x1xi32>
    %slice3A_506 = vector.extract_strided_slice %select_n3A_488 {offsets = [0, 0], sizes = [256, 127], strides = [1, 1]} : vector<256x128xi32> to vector<256x127xi32>
    %concatenate3A_507 = tpu.concatenate %slice3A_505, %slice3A_506 in 1 : vector<256x1xi32>, vector<256x127xi32> -> vector<256x128xi32>
    %select_n3A_508 = arith.select %eq3A_494, %concatenate3A_504, %concatenate3A_507 : vector<256x128xi1>, vector<256x128xi32>
    %gt3A_509 = arith.cmpf ogt, %select_n3A_487, %select_n3A_501 : vector<256x128xf32>
    %eq3A_510 = arith.cmpf oeq, %select_n3A_487, %select_n3A_501 : vector<256x128xf32>
    %lt3A_511 = arith.cmpi slt, %select_n3A_488, %select_n3A_508 : vector<256x128xi32>
    %and3A_512 = arith.andi %eq3A_510, %lt3A_511 : vector<256x128xi1>
    %or3A_513 = arith.ori %gt3A_509, %and3A_512 : vector<256x128xi1>
    %eq3A_514 = arith.xori %eq3A_494, %eq3A_356 : vector<256x128xi1>
    %eq3A_515 = arith.constant dense<true> : vector<256x128xi1>
    %eq3A_516 = arith.xori %eq3A_514, %eq3A_515 : vector<256x128xi1>
    %eq3A_517 = arith.xori %or3A_513, %eq3A_516 : vector<256x128xi1>
    %eq3A_518 = arith.constant dense<true> : vector<256x128xi1>
    %eq3A_519 = arith.xori %eq3A_517, %eq3A_518 : vector<256x128xi1>
    %select_n3A_520 = arith.select %eq3A_519, %select_n3A_487, %select_n3A_501 : vector<256x128xi1>, vector<256x128xf32>
    %select_n3A_521 = arith.select %eq3A_519, %select_n3A_488, %select_n3A_508 : vector<256x128xi1>, vector<256x128xi32>
    %and3A_522 = arith.constant 64 : i32
    %and3A_523 = vector.broadcast %and3A_522 : i32 to vector<256x128xi32>
    %and3A_524 = arith.andi %add3A, %and3A_523 : vector<256x128xi32>
    %eq3A_525 = arith.constant 0 : i32
    %eq3A_526 = vector.broadcast %eq3A_525 : i32 to vector<256x128xi32>
    %eq3A_527 = arith.cmpi eq, %and3A_524, %eq3A_526 : vector<256x128xi32>
    %and3A_528 = arith.constant 32 : i32
    %and3A_529 = vector.broadcast %and3A_528 : i32 to vector<256x128xi32>
    %and3A_530 = arith.andi %iota3A_0, %and3A_529 : vector<256x128xi32>
    %eq3A_531 = arith.constant 0 : i32
    %eq3A_532 = vector.broadcast %eq3A_531 : i32 to vector<256x128xi32>
    %eq3A_533 = arith.cmpi eq, %and3A_530, %eq3A_532 : vector<256x128xi32>
    %slice3A_534 = vector.extract_strided_slice %select_n3A_520 {offsets = [0, 32], sizes = [256, 96], strides = [1, 1]} : vector<256x128xf32> to vector<256x96xf32>
    %slice3A_535 = vector.extract_strided_slice %select_n3A_520 {offsets = [0, 0], sizes = [256, 32], strides = [1, 1]} : vector<256x128xf32> to vector<256x32xf32>
    %concatenate3A_536 = tpu.concatenate %slice3A_534, %slice3A_535 in 1 : vector<256x96xf32>, vector<256x32xf32> -> vector<256x128xf32>
    %slice3A_537 = vector.extract_strided_slice %select_n3A_520 {offsets = [0, 96], sizes = [256, 32], strides = [1, 1]} : vector<256x128xf32> to vector<256x32xf32>
    %slice3A_538 = vector.extract_strided_slice %select_n3A_520 {offsets = [0, 0], sizes = [256, 96], strides = [1, 1]} : vector<256x128xf32> to vector<256x96xf32>
    %concatenate3A_539 = tpu.concatenate %slice3A_537, %slice3A_538 in 1 : vector<256x32xf32>, vector<256x96xf32> -> vector<256x128xf32>
    %select_n3A_540 = arith.select %eq3A_533, %concatenate3A_536, %concatenate3A_539 : vector<256x128xi1>, vector<256x128xf32>
    %slice3A_541 = vector.extract_strided_slice %select_n3A_521 {offsets = [0, 32], sizes = [256, 96], strides = [1, 1]} : vector<256x128xi32> to vector<256x96xi32>
    %slice3A_542 = vector.extract_strided_slice %select_n3A_521 {offsets = [0, 0], sizes = [256, 32], strides = [1, 1]} : vector<256x128xi32> to vector<256x32xi32>
    %concatenate3A_543 = tpu.concatenate %slice3A_541, %slice3A_542 in 1 : vector<256x96xi32>, vector<256x32xi32> -> vector<256x128xi32>
    %slice3A_544 = vector.extract_strided_slice %select_n3A_521 {offsets = [0, 96], sizes = [256, 32], strides = [1, 1]} : vector<256x128xi32> to vector<256x32xi32>
    %slice3A_545 = vector.extract_strided_slice %select_n3A_521 {offsets = [0, 0], sizes = [256, 96], strides = [1, 1]} : vector<256x128xi32> to vector<256x96xi32>
    %concatenate3A_546 = tpu.concatenate %slice3A_544, %slice3A_545 in 1 : vector<256x32xi32>, vector<256x96xi32> -> vector<256x128xi32>
    %select_n3A_547 = arith.select %eq3A_533, %concatenate3A_543, %concatenate3A_546 : vector<256x128xi1>, vector<256x128xi32>
    %gt3A_548 = arith.cmpf ogt, %select_n3A_520, %select_n3A_540 : vector<256x128xf32>
    %eq3A_549 = arith.cmpf oeq, %select_n3A_520, %select_n3A_540 : vector<256x128xf32>
    %lt3A_550 = arith.cmpi slt, %select_n3A_521, %select_n3A_547 : vector<256x128xi32>
    %and3A_551 = arith.andi %eq3A_549, %lt3A_550 : vector<256x128xi1>
    %or3A_552 = arith.ori %gt3A_548, %and3A_551 : vector<256x128xi1>
    %eq3A_553 = arith.xori %eq3A_533, %eq3A_527 : vector<256x128xi1>
    %eq3A_554 = arith.constant dense<true> : vector<256x128xi1>
    %eq3A_555 = arith.xori %eq3A_553, %eq3A_554 : vector<256x128xi1>
    %eq3A_556 = arith.xori %or3A_552, %eq3A_555 : vector<256x128xi1>
    %eq3A_557 = arith.constant dense<true> : vector<256x128xi1>
    %eq3A_558 = arith.xori %eq3A_556, %eq3A_557 : vector<256x128xi1>
    %select_n3A_559 = arith.select %eq3A_558, %select_n3A_520, %select_n3A_540 : vector<256x128xi1>, vector<256x128xf32>
    %select_n3A_560 = arith.select %eq3A_558, %select_n3A_521, %select_n3A_547 : vector<256x128xi1>, vector<256x128xi32>
    %and3A_561 = arith.constant 16 : i32
    %and3A_562 = vector.broadcast %and3A_561 : i32 to vector<256x128xi32>
    %and3A_563 = arith.andi %iota3A_0, %and3A_562 : vector<256x128xi32>
    %eq3A_564 = arith.constant 0 : i32
    %eq3A_565 = vector.broadcast %eq3A_564 : i32 to vector<256x128xi32>
    %eq3A_566 = arith.cmpi eq, %and3A_563, %eq3A_565 : vector<256x128xi32>
    %slice3A_567 = vector.extract_strided_slice %select_n3A_559 {offsets = [0, 16], sizes = [256, 112], strides = [1, 1]} : vector<256x128xf32> to vector<256x112xf32>
    %slice3A_568 = vector.extract_strided_slice %select_n3A_559 {offsets = [0, 0], sizes = [256, 16], strides = [1, 1]} : vector<256x128xf32> to vector<256x16xf32>
    %concatenate3A_569 = tpu.concatenate %slice3A_567, %slice3A_568 in 1 : vector<256x112xf32>, vector<256x16xf32> -> vector<256x128xf32>
    %slice3A_570 = vector.extract_strided_slice %select_n3A_559 {offsets = [0, 112], sizes = [256, 16], strides = [1, 1]} : vector<256x128xf32> to vector<256x16xf32>
    %slice3A_571 = vector.extract_strided_slice %select_n3A_559 {offsets = [0, 0], sizes = [256, 112], strides = [1, 1]} : vector<256x128xf32> to vector<256x112xf32>
    %concatenate3A_572 = tpu.concatenate %slice3A_570, %slice3A_571 in 1 : vector<256x16xf32>, vector<256x112xf32> -> vector<256x128xf32>
    %select_n3A_573 = arith.select %eq3A_566, %concatenate3A_569, %concatenate3A_572 : vector<256x128xi1>, vector<256x128xf32>
    %slice3A_574 = vector.extract_strided_slice %select_n3A_560 {offsets = [0, 16], sizes = [256, 112], strides = [1, 1]} : vector<256x128xi32> to vector<256x112xi32>
    %slice3A_575 = vector.extract_strided_slice %select_n3A_560 {offsets = [0, 0], sizes = [256, 16], strides = [1, 1]} : vector<256x128xi32> to vector<256x16xi32>
    %concatenate3A_576 = tpu.concatenate %slice3A_574, %slice3A_575 in 1 : vector<256x112xi32>, vector<256x16xi32> -> vector<256x128xi32>
    %slice3A_577 = vector.extract_strided_slice %select_n3A_560 {offsets = [0, 112], sizes = [256, 16], strides = [1, 1]} : vector<256x128xi32> to vector<256x16xi32>
    %slice3A_578 = vector.extract_strided_slice %select_n3A_560 {offsets = [0, 0], sizes = [256, 112], strides = [1, 1]} : vector<256x128xi32> to vector<256x112xi32>
    %concatenate3A_579 = tpu.concatenate %slice3A_577, %slice3A_578 in 1 : vector<256x16xi32>, vector<256x112xi32> -> vector<256x128xi32>
    %select_n3A_580 = arith.select %eq3A_566, %concatenate3A_576, %concatenate3A_579 : vector<256x128xi1>, vector<256x128xi32>
    %gt3A_581 = arith.cmpf ogt, %select_n3A_559, %select_n3A_573 : vector<256x128xf32>
    %eq3A_582 = arith.cmpf oeq, %select_n3A_559, %select_n3A_573 : vector<256x128xf32>
    %lt3A_583 = arith.cmpi slt, %select_n3A_560, %select_n3A_580 : vector<256x128xi32>
    %and3A_584 = arith.andi %eq3A_582, %lt3A_583 : vector<256x128xi1>
    %or3A_585 = arith.ori %gt3A_581, %and3A_584 : vector<256x128xi1>
    %eq3A_586 = arith.xori %eq3A_566, %eq3A_527 : vector<256x128xi1>
    %eq3A_587 = arith.constant dense<true> : vector<256x128xi1>
    %eq3A_588 = arith.xori %eq3A_586, %eq3A_587 : vector<256x128xi1>
    %eq3A_589 = arith.xori %or3A_585, %eq3A_588 : vector<256x128xi1>
    %eq3A_590 = arith.constant dense<true> : vector<256x128xi1>
    %eq3A_591 = arith.xori %eq3A_589, %eq3A_590 : vector<256x128xi1>
    %select_n3A_592 = arith.select %eq3A_591, %select_n3A_559, %select_n3A_573 : vector<256x128xi1>, vector<256x128xf32>
    %select_n3A_593 = arith.select %eq3A_591, %select_n3A_560, %select_n3A_580 : vector<256x128xi1>, vector<256x128xi32>
    %and3A_594 = arith.constant 8 : i32
    %and3A_595 = vector.broadcast %and3A_594 : i32 to vector<256x128xi32>
    %and3A_596 = arith.andi %iota3A_0, %and3A_595 : vector<256x128xi32>
    %eq3A_597 = arith.constant 0 : i32
    %eq3A_598 = vector.broadcast %eq3A_597 : i32 to vector<256x128xi32>
    %eq3A_599 = arith.cmpi eq, %and3A_596, %eq3A_598 : vector<256x128xi32>
    %slice3A_600 = vector.extract_strided_slice %select_n3A_592 {offsets = [0, 8], sizes = [256, 120], strides = [1, 1]} : vector<256x128xf32> to vector<256x120xf32>
    %slice3A_601 = vector.extract_strided_slice %select_n3A_592 {offsets = [0, 0], sizes = [256, 8], strides = [1, 1]} : vector<256x128xf32> to vector<256x8xf32>
    %concatenate3A_602 = tpu.concatenate %slice3A_600, %slice3A_601 in 1 : vector<256x120xf32>, vector<256x8xf32> -> vector<256x128xf32>
    %slice3A_603 = vector.extract_strided_slice %select_n3A_592 {offsets = [0, 120], sizes = [256, 8], strides = [1, 1]} : vector<256x128xf32> to vector<256x8xf32>
    %slice3A_604 = vector.extract_strided_slice %select_n3A_592 {offsets = [0, 0], sizes = [256, 120], strides = [1, 1]} : vector<256x128xf32> to vector<256x120xf32>
    %concatenate3A_605 = tpu.concatenate %slice3A_603, %slice3A_604 in 1 : vector<256x8xf32>, vector<256x120xf32> -> vector<256x128xf32>
    %select_n3A_606 = arith.select %eq3A_599, %concatenate3A_602, %concatenate3A_605 : vector<256x128xi1>, vector<256x128xf32>
    %slice3A_607 = vector.extract_strided_slice %select_n3A_593 {offsets = [0, 8], sizes = [256, 120], strides = [1, 1]} : vector<256x128xi32> to vector<256x120xi32>
    %slice3A_608 = vector.extract_strided_slice %select_n3A_593 {offsets = [0, 0], sizes = [256, 8], strides = [1, 1]} : vector<256x128xi32> to vector<256x8xi32>
    %concatenate3A_609 = tpu.concatenate %slice3A_607, %slice3A_608 in 1 : vector<256x120xi32>, vector<256x8xi32> -> vector<256x128xi32>
    %slice3A_610 = vector.extract_strided_slice %select_n3A_593 {offsets = [0, 120], sizes = [256, 8], strides = [1, 1]} : vector<256x128xi32> to vector<256x8xi32>
    %slice3A_611 = vector.extract_strided_slice %select_n3A_593 {offsets = [0, 0], sizes = [256, 120], strides = [1, 1]} : vector<256x128xi32> to vector<256x120xi32>
    %concatenate3A_612 = tpu.concatenate %slice3A_610, %slice3A_611 in 1 : vector<256x8xi32>, vector<256x120xi32> -> vector<256x128xi32>
    %select_n3A_613 = arith.select %eq3A_599, %concatenate3A_609, %concatenate3A_612 : vector<256x128xi1>, vector<256x128xi32>
    %gt3A_614 = arith.cmpf ogt, %select_n3A_592, %select_n3A_606 : vector<256x128xf32>
    %eq3A_615 = arith.cmpf oeq, %select_n3A_592, %select_n3A_606 : vector<256x128xf32>
    %lt3A_616 = arith.cmpi slt, %select_n3A_593, %select_n3A_613 : vector<256x128xi32>
    %and3A_617 = arith.andi %eq3A_615, %lt3A_616 : vector<256x128xi1>
    %or3A_618 = arith.ori %gt3A_614, %and3A_617 : vector<256x128xi1>
    %eq3A_619 = arith.xori %eq3A_599, %eq3A_527 : vector<256x128xi1>
    %eq3A_620 = arith.constant dense<true> : vector<256x128xi1>
    %eq3A_621 = arith.xori %eq3A_619, %eq3A_620 : vector<256x128xi1>
    %eq3A_622 = arith.xori %or3A_618, %eq3A_621 : vector<256x128xi1>
    %eq3A_623 = arith.constant dense<true> : vector<256x128xi1>
    %eq3A_624 = arith.xori %eq3A_622, %eq3A_623 : vector<256x128xi1>
    %select_n3A_625 = arith.select %eq3A_624, %select_n3A_592, %select_n3A_606 : vector<256x128xi1>, vector<256x128xf32>
    %select_n3A_626 = arith.select %eq3A_624, %select_n3A_593, %select_n3A_613 : vector<256x128xi1>, vector<256x128xi32>
    %and3A_627 = arith.constant 4 : i32
    %and3A_628 = vector.broadcast %and3A_627 : i32 to vector<256x128xi32>
    %and3A_629 = arith.andi %iota3A_0, %and3A_628 : vector<256x128xi32>
    %eq3A_630 = arith.constant 0 : i32
    %eq3A_631 = vector.broadcast %eq3A_630 : i32 to vector<256x128xi32>
    %eq3A_632 = arith.cmpi eq, %and3A_629, %eq3A_631 : vector<256x128xi32>
    %slice3A_633 = vector.extract_strided_slice %select_n3A_625 {offsets = [0, 4], sizes = [256, 124], strides = [1, 1]} : vector<256x128xf32> to vector<256x124xf32>
    %slice3A_634 = vector.extract_strided_slice %select_n3A_625 {offsets = [0, 0], sizes = [256, 4], strides = [1, 1]} : vector<256x128xf32> to vector<256x4xf32>
    %concatenate3A_635 = tpu.concatenate %slice3A_633, %slice3A_634 in 1 : vector<256x124xf32>, vector<256x4xf32> -> vector<256x128xf32>
    %slice3A_636 = vector.extract_strided_slice %select_n3A_625 {offsets = [0, 124], sizes = [256, 4], strides = [1, 1]} : vector<256x128xf32> to vector<256x4xf32>
    %slice3A_637 = vector.extract_strided_slice %select_n3A_625 {offsets = [0, 0], sizes = [256, 124], strides = [1, 1]} : vector<256x128xf32> to vector<256x124xf32>
    %concatenate3A_638 = tpu.concatenate %slice3A_636, %slice3A_637 in 1 : vector<256x4xf32>, vector<256x124xf32> -> vector<256x128xf32>
    %select_n3A_639 = arith.select %eq3A_632, %concatenate3A_635, %concatenate3A_638 : vector<256x128xi1>, vector<256x128xf32>
    %slice3A_640 = vector.extract_strided_slice %select_n3A_626 {offsets = [0, 4], sizes = [256, 124], strides = [1, 1]} : vector<256x128xi32> to vector<256x124xi32>
    %slice3A_641 = vector.extract_strided_slice %select_n3A_626 {offsets = [0, 0], sizes = [256, 4], strides = [1, 1]} : vector<256x128xi32> to vector<256x4xi32>
    %concatenate3A_642 = tpu.concatenate %slice3A_640, %slice3A_641 in 1 : vector<256x124xi32>, vector<256x4xi32> -> vector<256x128xi32>
    %slice3A_643 = vector.extract_strided_slice %select_n3A_626 {offsets = [0, 124], sizes = [256, 4], strides = [1, 1]} : vector<256x128xi32> to vector<256x4xi32>
    %slice3A_644 = vector.extract_strided_slice %select_n3A_626 {offsets = [0, 0], sizes = [256, 124], strides = [1, 1]} : vector<256x128xi32> to vector<256x124xi32>
    %concatenate3A_645 = tpu.concatenate %slice3A_643, %slice3A_644 in 1 : vector<256x4xi32>, vector<256x124xi32> -> vector<256x128xi32>
    %select_n3A_646 = arith.select %eq3A_632, %concatenate3A_642, %concatenate3A_645 : vector<256x128xi1>, vector<256x128xi32>
    %gt3A_647 = arith.cmpf ogt, %select_n3A_625, %select_n3A_639 : vector<256x128xf32>
    %eq3A_648 = arith.cmpf oeq, %select_n3A_625, %select_n3A_639 : vector<256x128xf32>
    %lt3A_649 = arith.cmpi slt, %select_n3A_626, %select_n3A_646 : vector<256x128xi32>
    %and3A_650 = arith.andi %eq3A_648, %lt3A_649 : vector<256x128xi1>
    %or3A_651 = arith.ori %gt3A_647, %and3A_650 : vector<256x128xi1>
    %eq3A_652 = arith.xori %eq3A_632, %eq3A_527 : vector<256x128xi1>
    %eq3A_653 = arith.constant dense<true> : vector<256x128xi1>
    %eq3A_654 = arith.xori %eq3A_652, %eq3A_653 : vector<256x128xi1>
    %eq3A_655 = arith.xori %or3A_651, %eq3A_654 : vector<256x128xi1>
    %eq3A_656 = arith.constant dense<true> : vector<256x128xi1>
    %eq3A_657 = arith.xori %eq3A_655, %eq3A_656 : vector<256x128xi1>
    %select_n3A_658 = arith.select %eq3A_657, %select_n3A_625, %select_n3A_639 : vector<256x128xi1>, vector<256x128xf32>
    %select_n3A_659 = arith.select %eq3A_657, %select_n3A_626, %select_n3A_646 : vector<256x128xi1>, vector<256x128xi32>
    %and3A_660 = arith.constant 2 : i32
    %and3A_661 = vector.broadcast %and3A_660 : i32 to vector<256x128xi32>
    %and3A_662 = arith.andi %iota3A_0, %and3A_661 : vector<256x128xi32>
    %eq3A_663 = arith.constant 0 : i32
    %eq3A_664 = vector.broadcast %eq3A_663 : i32 to vector<256x128xi32>
    %eq3A_665 = arith.cmpi eq, %and3A_662, %eq3A_664 : vector<256x128xi32>
    %slice3A_666 = vector.extract_strided_slice %select_n3A_658 {offsets = [0, 2], sizes = [256, 126], strides = [1, 1]} : vector<256x128xf32> to vector<256x126xf32>
    %slice3A_667 = vector.extract_strided_slice %select_n3A_658 {offsets = [0, 0], sizes = [256, 2], strides = [1, 1]} : vector<256x128xf32> to vector<256x2xf32>
    %concatenate3A_668 = tpu.concatenate %slice3A_666, %slice3A_667 in 1 : vector<256x126xf32>, vector<256x2xf32> -> vector<256x128xf32>
    %slice3A_669 = vector.extract_strided_slice %select_n3A_658 {offsets = [0, 126], sizes = [256, 2], strides = [1, 1]} : vector<256x128xf32> to vector<256x2xf32>
    %slice3A_670 = vector.extract_strided_slice %select_n3A_658 {offsets = [0, 0], sizes = [256, 126], strides = [1, 1]} : vector<256x128xf32> to vector<256x126xf32>
    %concatenate3A_671 = tpu.concatenate %slice3A_669, %slice3A_670 in 1 : vector<256x2xf32>, vector<256x126xf32> -> vector<256x128xf32>
    %select_n3A_672 = arith.select %eq3A_665, %concatenate3A_668, %concatenate3A_671 : vector<256x128xi1>, vector<256x128xf32>
    %slice3A_673 = vector.extract_strided_slice %select_n3A_659 {offsets = [0, 2], sizes = [256, 126], strides = [1, 1]} : vector<256x128xi32> to vector<256x126xi32>
    %slice3A_674 = vector.extract_strided_slice %select_n3A_659 {offsets = [0, 0], sizes = [256, 2], strides = [1, 1]} : vector<256x128xi32> to vector<256x2xi32>
    %concatenate3A_675 = tpu.concatenate %slice3A_673, %slice3A_674 in 1 : vector<256x126xi32>, vector<256x2xi32> -> vector<256x128xi32>
    %slice3A_676 = vector.extract_strided_slice %select_n3A_659 {offsets = [0, 126], sizes = [256, 2], strides = [1, 1]} : vector<256x128xi32> to vector<256x2xi32>
    %slice3A_677 = vector.extract_strided_slice %select_n3A_659 {offsets = [0, 0], sizes = [256, 126], strides = [1, 1]} : vector<256x128xi32> to vector<256x126xi32>
    %concatenate3A_678 = tpu.concatenate %slice3A_676, %slice3A_677 in 1 : vector<256x2xi32>, vector<256x126xi32> -> vector<256x128xi32>
    %select_n3A_679 = arith.select %eq3A_665, %concatenate3A_675, %concatenate3A_678 : vector<256x128xi1>, vector<256x128xi32>
    %gt3A_680 = arith.cmpf ogt, %select_n3A_658, %select_n3A_672 : vector<256x128xf32>
    %eq3A_681 = arith.cmpf oeq, %select_n3A_658, %select_n3A_672 : vector<256x128xf32>
    %lt3A_682 = arith.cmpi slt, %select_n3A_659, %select_n3A_679 : vector<256x128xi32>
    %and3A_683 = arith.andi %eq3A_681, %lt3A_682 : vector<256x128xi1>
    %or3A_684 = arith.ori %gt3A_680, %and3A_683 : vector<256x128xi1>
    %eq3A_685 = arith.xori %eq3A_665, %eq3A_527 : vector<256x128xi1>
    %eq3A_686 = arith.constant dense<true> : vector<256x128xi1>
    %eq3A_687 = arith.xori %eq3A_685, %eq3A_686 : vector<256x128xi1>
    %eq3A_688 = arith.xori %or3A_684, %eq3A_687 : vector<256x128xi1>
    %eq3A_689 = arith.constant dense<true> : vector<256x128xi1>
    %eq3A_690 = arith.xori %eq3A_688, %eq3A_689 : vector<256x128xi1>
    %select_n3A_691 = arith.select %eq3A_690, %select_n3A_658, %select_n3A_672 : vector<256x128xi1>, vector<256x128xf32>
    %select_n3A_692 = arith.select %eq3A_690, %select_n3A_659, %select_n3A_679 : vector<256x128xi1>, vector<256x128xi32>
    %and3A_693 = arith.constant 1 : i32
    %and3A_694 = vector.broadcast %and3A_693 : i32 to vector<256x128xi32>
    %and3A_695 = arith.andi %iota3A_0, %and3A_694 : vector<256x128xi32>
    %eq3A_696 = arith.constant 0 : i32
    %eq3A_697 = vector.broadcast %eq3A_696 : i32 to vector<256x128xi32>
    %eq3A_698 = arith.cmpi eq, %and3A_695, %eq3A_697 : vector<256x128xi32>
    %slice3A_699 = vector.extract_strided_slice %select_n3A_691 {offsets = [0, 1], sizes = [256, 127], strides = [1, 1]} : vector<256x128xf32> to vector<256x127xf32>
    %slice3A_700 = vector.extract_strided_slice %select_n3A_691 {offsets = [0, 0], sizes = [256, 1], strides = [1, 1]} : vector<256x128xf32> to vector<256x1xf32>
    %concatenate3A_701 = tpu.concatenate %slice3A_699, %slice3A_700 in 1 : vector<256x127xf32>, vector<256x1xf32> -> vector<256x128xf32>
    %slice3A_702 = vector.extract_strided_slice %select_n3A_691 {offsets = [0, 127], sizes = [256, 1], strides = [1, 1]} : vector<256x128xf32> to vector<256x1xf32>
    %slice3A_703 = vector.extract_strided_slice %select_n3A_691 {offsets = [0, 0], sizes = [256, 127], strides = [1, 1]} : vector<256x128xf32> to vector<256x127xf32>
    %concatenate3A_704 = tpu.concatenate %slice3A_702, %slice3A_703 in 1 : vector<256x1xf32>, vector<256x127xf32> -> vector<256x128xf32>
    %select_n3A_705 = arith.select %eq3A_698, %concatenate3A_701, %concatenate3A_704 : vector<256x128xi1>, vector<256x128xf32>
    %slice3A_706 = vector.extract_strided_slice %select_n3A_692 {offsets = [0, 1], sizes = [256, 127], strides = [1, 1]} : vector<256x128xi32> to vector<256x127xi32>
    %slice3A_707 = vector.extract_strided_slice %select_n3A_692 {offsets = [0, 0], sizes = [256, 1], strides = [1, 1]} : vector<256x128xi32> to vector<256x1xi32>
    %concatenate3A_708 = tpu.concatenate %slice3A_706, %slice3A_707 in 1 : vector<256x127xi32>, vector<256x1xi32> -> vector<256x128xi32>
    %slice3A_709 = vector.extract_strided_slice %select_n3A_692 {offsets = [0, 127], sizes = [256, 1], strides = [1, 1]} : vector<256x128xi32> to vector<256x1xi32>
    %slice3A_710 = vector.extract_strided_slice %select_n3A_692 {offsets = [0, 0], sizes = [256, 127], strides = [1, 1]} : vector<256x128xi32> to vector<256x127xi32>
    %concatenate3A_711 = tpu.concatenate %slice3A_709, %slice3A_710 in 1 : vector<256x1xi32>, vector<256x127xi32> -> vector<256x128xi32>
    %select_n3A_712 = arith.select %eq3A_698, %concatenate3A_708, %concatenate3A_711 : vector<256x128xi1>, vector<256x128xi32>
    %gt3A_713 = arith.cmpf ogt, %select_n3A_691, %select_n3A_705 : vector<256x128xf32>
    %eq3A_714 = arith.cmpf oeq, %select_n3A_691, %select_n3A_705 : vector<256x128xf32>
    %lt3A_715 = arith.cmpi slt, %select_n3A_692, %select_n3A_712 : vector<256x128xi32>
    %and3A_716 = arith.andi %eq3A_714, %lt3A_715 : vector<256x128xi1>
    %or3A_717 = arith.ori %gt3A_713, %and3A_716 : vector<256x128xi1>
    %eq3A_718 = arith.xori %eq3A_698, %eq3A_527 : vector<256x128xi1>
    %eq3A_719 = arith.constant dense<true> : vector<256x128xi1>
    %eq3A_720 = arith.xori %eq3A_718, %eq3A_719 : vector<256x128xi1>
    %eq3A_721 = arith.xori %or3A_717, %eq3A_720 : vector<256x128xi1>
    %eq3A_722 = arith.constant dense<true> : vector<256x128xi1>
    %eq3A_723 = arith.xori %eq3A_721, %eq3A_722 : vector<256x128xi1>
    %select_n3A_724 = arith.select %eq3A_723, %select_n3A_691, %select_n3A_705 : vector<256x128xi1>, vector<256x128xf32>
    %select_n3A_725 = arith.select %eq3A_723, %select_n3A_692, %select_n3A_712 : vector<256x128xi1>, vector<256x128xi32>
    %and3A_726 = arith.constant 128 : i32
    %and3A_727 = vector.broadcast %and3A_726 : i32 to vector<256x128xi32>
    %and3A_728 = arith.andi %add3A, %and3A_727 : vector<256x128xi32>
    %eq3A_729 = arith.constant 0 : i32
    %eq3A_730 = vector.broadcast %eq3A_729 : i32 to vector<256x128xi32>
    %eq3A_731 = arith.cmpi eq, %and3A_728, %eq3A_730 : vector<256x128xi32>
    %and3A_732 = arith.constant 64 : i32
    %and3A_733 = vector.broadcast %and3A_732 : i32 to vector<256x128xi32>
    %and3A_734 = arith.andi %iota3A_0, %and3A_733 : vector<256x128xi32>
    %eq3A_735 = arith.constant 0 : i32
    %eq3A_736 = vector.broadcast %eq3A_735 : i32 to vector<256x128xi32>
    %eq3A_737 = arith.cmpi eq, %and3A_734, %eq3A_736 : vector<256x128xi32>
    %slice3A_738 = vector.extract_strided_slice %select_n3A_724 {offsets = [0, 64], sizes = [256, 64], strides = [1, 1]} : vector<256x128xf32> to vector<256x64xf32>
    %slice3A_739 = vector.extract_strided_slice %select_n3A_724 {offsets = [0, 0], sizes = [256, 64], strides = [1, 1]} : vector<256x128xf32> to vector<256x64xf32>
    %concatenate3A_740 = tpu.concatenate %slice3A_738, %slice3A_739 in 1 : vector<256x64xf32>, vector<256x64xf32> -> vector<256x128xf32>
    %slice3A_741 = vector.extract_strided_slice %select_n3A_724 {offsets = [0, 64], sizes = [256, 64], strides = [1, 1]} : vector<256x128xf32> to vector<256x64xf32>
    %slice3A_742 = vector.extract_strided_slice %select_n3A_724 {offsets = [0, 0], sizes = [256, 64], strides = [1, 1]} : vector<256x128xf32> to vector<256x64xf32>
    %concatenate3A_743 = tpu.concatenate %slice3A_741, %slice3A_742 in 1 : vector<256x64xf32>, vector<256x64xf32> -> vector<256x128xf32>
    %select_n3A_744 = arith.select %eq3A_737, %concatenate3A_740, %concatenate3A_743 : vector<256x128xi1>, vector<256x128xf32>
    %slice3A_745 = vector.extract_strided_slice %select_n3A_725 {offsets = [0, 64], sizes = [256, 64], strides = [1, 1]} : vector<256x128xi32> to vector<256x64xi32>
    %slice3A_746 = vector.extract_strided_slice %select_n3A_725 {offsets = [0, 0], sizes = [256, 64], strides = [1, 1]} : vector<256x128xi32> to vector<256x64xi32>
    %concatenate3A_747 = tpu.concatenate %slice3A_745, %slice3A_746 in 1 : vector<256x64xi32>, vector<256x64xi32> -> vector<256x128xi32>
    %slice3A_748 = vector.extract_strided_slice %select_n3A_725 {offsets = [0, 64], sizes = [256, 64], strides = [1, 1]} : vector<256x128xi32> to vector<256x64xi32>
    %slice3A_749 = vector.extract_strided_slice %select_n3A_725 {offsets = [0, 0], sizes = [256, 64], strides = [1, 1]} : vector<256x128xi32> to vector<256x64xi32>
    %concatenate3A_750 = tpu.concatenate %slice3A_748, %slice3A_749 in 1 : vector<256x64xi32>, vector<256x64xi32> -> vector<256x128xi32>
    %select_n3A_751 = arith.select %eq3A_737, %concatenate3A_747, %concatenate3A_750 : vector<256x128xi1>, vector<256x128xi32>
    %gt3A_752 = arith.cmpf ogt, %select_n3A_724, %select_n3A_744 : vector<256x128xf32>
    %eq3A_753 = arith.cmpf oeq, %select_n3A_724, %select_n3A_744 : vector<256x128xf32>
    %lt3A_754 = arith.cmpi slt, %select_n3A_725, %select_n3A_751 : vector<256x128xi32>
    %and3A_755 = arith.andi %eq3A_753, %lt3A_754 : vector<256x128xi1>
    %or3A_756 = arith.ori %gt3A_752, %and3A_755 : vector<256x128xi1>
    %eq3A_757 = arith.xori %eq3A_737, %eq3A_731 : vector<256x128xi1>
    %eq3A_758 = arith.constant dense<true> : vector<256x128xi1>
    %eq3A_759 = arith.xori %eq3A_757, %eq3A_758 : vector<256x128xi1>
    %eq3A_760 = arith.xori %or3A_756, %eq3A_759 : vector<256x128xi1>
    %eq3A_761 = arith.constant dense<true> : vector<256x128xi1>
    %eq3A_762 = arith.xori %eq3A_760, %eq3A_761 : vector<256x128xi1>
    %select_n3A_763 = arith.select %eq3A_762, %select_n3A_724, %select_n3A_744 : vector<256x128xi1>, vector<256x128xf32>
    %select_n3A_764 = arith.select %eq3A_762, %select_n3A_725, %select_n3A_751 : vector<256x128xi1>, vector<256x128xi32>
    %and3A_765 = arith.constant 32 : i32
    %and3A_766 = vector.broadcast %and3A_765 : i32 to vector<256x128xi32>
    %and3A_767 = arith.andi %iota3A_0, %and3A_766 : vector<256x128xi32>
    %eq3A_768 = arith.constant 0 : i32
    %eq3A_769 = vector.broadcast %eq3A_768 : i32 to vector<256x128xi32>
    %eq3A_770 = arith.cmpi eq, %and3A_767, %eq3A_769 : vector<256x128xi32>
    %slice3A_771 = vector.extract_strided_slice %select_n3A_763 {offsets = [0, 32], sizes = [256, 96], strides = [1, 1]} : vector<256x128xf32> to vector<256x96xf32>
    %slice3A_772 = vector.extract_strided_slice %select_n3A_763 {offsets = [0, 0], sizes = [256, 32], strides = [1, 1]} : vector<256x128xf32> to vector<256x32xf32>
    %concatenate3A_773 = tpu.concatenate %slice3A_771, %slice3A_772 in 1 : vector<256x96xf32>, vector<256x32xf32> -> vector<256x128xf32>
    %slice3A_774 = vector.extract_strided_slice %select_n3A_763 {offsets = [0, 96], sizes = [256, 32], strides = [1, 1]} : vector<256x128xf32> to vector<256x32xf32>
    %slice3A_775 = vector.extract_strided_slice %select_n3A_763 {offsets = [0, 0], sizes = [256, 96], strides = [1, 1]} : vector<256x128xf32> to vector<256x96xf32>
    %concatenate3A_776 = tpu.concatenate %slice3A_774, %slice3A_775 in 1 : vector<256x32xf32>, vector<256x96xf32> -> vector<256x128xf32>
    %select_n3A_777 = arith.select %eq3A_770, %concatenate3A_773, %concatenate3A_776 : vector<256x128xi1>, vector<256x128xf32>
    %slice3A_778 = vector.extract_strided_slice %select_n3A_764 {offsets = [0, 32], sizes = [256, 96], strides = [1, 1]} : vector<256x128xi32> to vector<256x96xi32>
    %slice3A_779 = vector.extract_strided_slice %select_n3A_764 {offsets = [0, 0], sizes = [256, 32], strides = [1, 1]} : vector<256x128xi32> to vector<256x32xi32>
    %concatenate3A_780 = tpu.concatenate %slice3A_778, %slice3A_779 in 1 : vector<256x96xi32>, vector<256x32xi32> -> vector<256x128xi32>
    %slice3A_781 = vector.extract_strided_slice %select_n3A_764 {offsets = [0, 96], sizes = [256, 32], strides = [1, 1]} : vector<256x128xi32> to vector<256x32xi32>
    %slice3A_782 = vector.extract_strided_slice %select_n3A_764 {offsets = [0, 0], sizes = [256, 96], strides = [1, 1]} : vector<256x128xi32> to vector<256x96xi32>
    %concatenate3A_783 = tpu.concatenate %slice3A_781, %slice3A_782 in 1 : vector<256x32xi32>, vector<256x96xi32> -> vector<256x128xi32>
    %select_n3A_784 = arith.select %eq3A_770, %concatenate3A_780, %concatenate3A_783 : vector<256x128xi1>, vector<256x128xi32>
    %gt3A_785 = arith.cmpf ogt, %select_n3A_763, %select_n3A_777 : vector<256x128xf32>
    %eq3A_786 = arith.cmpf oeq, %select_n3A_763, %select_n3A_777 : vector<256x128xf32>
    %lt3A_787 = arith.cmpi slt, %select_n3A_764, %select_n3A_784 : vector<256x128xi32>
    %and3A_788 = arith.andi %eq3A_786, %lt3A_787 : vector<256x128xi1>
    %or3A_789 = arith.ori %gt3A_785, %and3A_788 : vector<256x128xi1>
    %eq3A_790 = arith.xori %eq3A_770, %eq3A_731 : vector<256x128xi1>
    %eq3A_791 = arith.constant dense<true> : vector<256x128xi1>
    %eq3A_792 = arith.xori %eq3A_790, %eq3A_791 : vector<256x128xi1>
    %eq3A_793 = arith.xori %or3A_789, %eq3A_792 : vector<256x128xi1>
    %eq3A_794 = arith.constant dense<true> : vector<256x128xi1>
    %eq3A_795 = arith.xori %eq3A_793, %eq3A_794 : vector<256x128xi1>
    %select_n3A_796 = arith.select %eq3A_795, %select_n3A_763, %select_n3A_777 : vector<256x128xi1>, vector<256x128xf32>
    %select_n3A_797 = arith.select %eq3A_795, %select_n3A_764, %select_n3A_784 : vector<256x128xi1>, vector<256x128xi32>
    %and3A_798 = arith.constant 16 : i32
    %and3A_799 = vector.broadcast %and3A_798 : i32 to vector<256x128xi32>
    %and3A_800 = arith.andi %iota3A_0, %and3A_799 : vector<256x128xi32>
    %eq3A_801 = arith.constant 0 : i32
    %eq3A_802 = vector.broadcast %eq3A_801 : i32 to vector<256x128xi32>
    %eq3A_803 = arith.cmpi eq, %and3A_800, %eq3A_802 : vector<256x128xi32>
    %slice3A_804 = vector.extract_strided_slice %select_n3A_796 {offsets = [0, 16], sizes = [256, 112], strides = [1, 1]} : vector<256x128xf32> to vector<256x112xf32>
    %slice3A_805 = vector.extract_strided_slice %select_n3A_796 {offsets = [0, 0], sizes = [256, 16], strides = [1, 1]} : vector<256x128xf32> to vector<256x16xf32>
    %concatenate3A_806 = tpu.concatenate %slice3A_804, %slice3A_805 in 1 : vector<256x112xf32>, vector<256x16xf32> -> vector<256x128xf32>
    %slice3A_807 = vector.extract_strided_slice %select_n3A_796 {offsets = [0, 112], sizes = [256, 16], strides = [1, 1]} : vector<256x128xf32> to vector<256x16xf32>
    %slice3A_808 = vector.extract_strided_slice %select_n3A_796 {offsets = [0, 0], sizes = [256, 112], strides = [1, 1]} : vector<256x128xf32> to vector<256x112xf32>
    %concatenate3A_809 = tpu.concatenate %slice3A_807, %slice3A_808 in 1 : vector<256x16xf32>, vector<256x112xf32> -> vector<256x128xf32>
    %select_n3A_810 = arith.select %eq3A_803, %concatenate3A_806, %concatenate3A_809 : vector<256x128xi1>, vector<256x128xf32>
    %slice3A_811 = vector.extract_strided_slice %select_n3A_797 {offsets = [0, 16], sizes = [256, 112], strides = [1, 1]} : vector<256x128xi32> to vector<256x112xi32>
    %slice3A_812 = vector.extract_strided_slice %select_n3A_797 {offsets = [0, 0], sizes = [256, 16], strides = [1, 1]} : vector<256x128xi32> to vector<256x16xi32>
    %concatenate3A_813 = tpu.concatenate %slice3A_811, %slice3A_812 in 1 : vector<256x112xi32>, vector<256x16xi32> -> vector<256x128xi32>
    %slice3A_814 = vector.extract_strided_slice %select_n3A_797 {offsets = [0, 112], sizes = [256, 16], strides = [1, 1]} : vector<256x128xi32> to vector<256x16xi32>
    %slice3A_815 = vector.extract_strided_slice %select_n3A_797 {offsets = [0, 0], sizes = [256, 112], strides = [1, 1]} : vector<256x128xi32> to vector<256x112xi32>
    %concatenate3A_816 = tpu.concatenate %slice3A_814, %slice3A_815 in 1 : vector<256x16xi32>, vector<256x112xi32> -> vector<256x128xi32>
    %select_n3A_817 = arith.select %eq3A_803, %concatenate3A_813, %concatenate3A_816 : vector<256x128xi1>, vector<256x128xi32>
    %gt3A_818 = arith.cmpf ogt, %select_n3A_796, %select_n3A_810 : vector<256x128xf32>
    %eq3A_819 = arith.cmpf oeq, %select_n3A_796, %select_n3A_810 : vector<256x128xf32>
    %lt3A_820 = arith.cmpi slt, %select_n3A_797, %select_n3A_817 : vector<256x128xi32>
    %and3A_821 = arith.andi %eq3A_819, %lt3A_820 : vector<256x128xi1>
    %or3A_822 = arith.ori %gt3A_818, %and3A_821 : vector<256x128xi1>
    %eq3A_823 = arith.xori %eq3A_803, %eq3A_731 : vector<256x128xi1>
    %eq3A_824 = arith.constant dense<true> : vector<256x128xi1>
    %eq3A_825 = arith.xori %eq3A_823, %eq3A_824 : vector<256x128xi1>
    %eq3A_826 = arith.xori %or3A_822, %eq3A_825 : vector<256x128xi1>
    %eq3A_827 = arith.constant dense<true> : vector<256x128xi1>
    %eq3A_828 = arith.xori %eq3A_826, %eq3A_827 : vector<256x128xi1>
    %select_n3A_829 = arith.select %eq3A_828, %select_n3A_796, %select_n3A_810 : vector<256x128xi1>, vector<256x128xf32>
    %select_n3A_830 = arith.select %eq3A_828, %select_n3A_797, %select_n3A_817 : vector<256x128xi1>, vector<256x128xi32>
    %and3A_831 = arith.constant 8 : i32
    %and3A_832 = vector.broadcast %and3A_831 : i32 to vector<256x128xi32>
    %and3A_833 = arith.andi %iota3A_0, %and3A_832 : vector<256x128xi32>
    %eq3A_834 = arith.constant 0 : i32
    %eq3A_835 = vector.broadcast %eq3A_834 : i32 to vector<256x128xi32>
    %eq3A_836 = arith.cmpi eq, %and3A_833, %eq3A_835 : vector<256x128xi32>
    %slice3A_837 = vector.extract_strided_slice %select_n3A_829 {offsets = [0, 8], sizes = [256, 120], strides = [1, 1]} : vector<256x128xf32> to vector<256x120xf32>
    %slice3A_838 = vector.extract_strided_slice %select_n3A_829 {offsets = [0, 0], sizes = [256, 8], strides = [1, 1]} : vector<256x128xf32> to vector<256x8xf32>
    %concatenate3A_839 = tpu.concatenate %slice3A_837, %slice3A_838 in 1 : vector<256x120xf32>, vector<256x8xf32> -> vector<256x128xf32>
    %slice3A_840 = vector.extract_strided_slice %select_n3A_829 {offsets = [0, 120], sizes = [256, 8], strides = [1, 1]} : vector<256x128xf32> to vector<256x8xf32>
    %slice3A_841 = vector.extract_strided_slice %select_n3A_829 {offsets = [0, 0], sizes = [256, 120], strides = [1, 1]} : vector<256x128xf32> to vector<256x120xf32>
    %concatenate3A_842 = tpu.concatenate %slice3A_840, %slice3A_841 in 1 : vector<256x8xf32>, vector<256x120xf32> -> vector<256x128xf32>
    %select_n3A_843 = arith.select %eq3A_836, %concatenate3A_839, %concatenate3A_842 : vector<256x128xi1>, vector<256x128xf32>
    %slice3A_844 = vector.extract_strided_slice %select_n3A_830 {offsets = [0, 8], sizes = [256, 120], strides = [1, 1]} : vector<256x128xi32> to vector<256x120xi32>
    %slice3A_845 = vector.extract_strided_slice %select_n3A_830 {offsets = [0, 0], sizes = [256, 8], strides = [1, 1]} : vector<256x128xi32> to vector<256x8xi32>
    %concatenate3A_846 = tpu.concatenate %slice3A_844, %slice3A_845 in 1 : vector<256x120xi32>, vector<256x8xi32> -> vector<256x128xi32>
    %slice3A_847 = vector.extract_strided_slice %select_n3A_830 {offsets = [0, 120], sizes = [256, 8], strides = [1, 1]} : vector<256x128xi32> to vector<256x8xi32>
    %slice3A_848 = vector.extract_strided_slice %select_n3A_830 {offsets = [0, 0], sizes = [256, 120], strides = [1, 1]} : vector<256x128xi32> to vector<256x120xi32>
    %concatenate3A_849 = tpu.concatenate %slice3A_847, %slice3A_848 in 1 : vector<256x8xi32>, vector<256x120xi32> -> vector<256x128xi32>
    %select_n3A_850 = arith.select %eq3A_836, %concatenate3A_846, %concatenate3A_849 : vector<256x128xi1>, vector<256x128xi32>
    %gt3A_851 = arith.cmpf ogt, %select_n3A_829, %select_n3A_843 : vector<256x128xf32>
    %eq3A_852 = arith.cmpf oeq, %select_n3A_829, %select_n3A_843 : vector<256x128xf32>
    %lt3A_853 = arith.cmpi slt, %select_n3A_830, %select_n3A_850 : vector<256x128xi32>
    %and3A_854 = arith.andi %eq3A_852, %lt3A_853 : vector<256x128xi1>
    %or3A_855 = arith.ori %gt3A_851, %and3A_854 : vector<256x128xi1>
    %eq3A_856 = arith.xori %eq3A_836, %eq3A_731 : vector<256x128xi1>
    %eq3A_857 = arith.constant dense<true> : vector<256x128xi1>
    %eq3A_858 = arith.xori %eq3A_856, %eq3A_857 : vector<256x128xi1>
    %eq3A_859 = arith.xori %or3A_855, %eq3A_858 : vector<256x128xi1>
    %eq3A_860 = arith.constant dense<true> : vector<256x128xi1>
    %eq3A_861 = arith.xori %eq3A_859, %eq3A_860 : vector<256x128xi1>
    %select_n3A_862 = arith.select %eq3A_861, %select_n3A_829, %select_n3A_843 : vector<256x128xi1>, vector<256x128xf32>
    %select_n3A_863 = arith.select %eq3A_861, %select_n3A_830, %select_n3A_850 : vector<256x128xi1>, vector<256x128xi32>
    %and3A_864 = arith.constant 4 : i32
    %and3A_865 = vector.broadcast %and3A_864 : i32 to vector<256x128xi32>
    %and3A_866 = arith.andi %iota3A_0, %and3A_865 : vector<256x128xi32>
    %eq3A_867 = arith.constant 0 : i32
    %eq3A_868 = vector.broadcast %eq3A_867 : i32 to vector<256x128xi32>
    %eq3A_869 = arith.cmpi eq, %and3A_866, %eq3A_868 : vector<256x128xi32>
    %slice3A_870 = vector.extract_strided_slice %select_n3A_862 {offsets = [0, 4], sizes = [256, 124], strides = [1, 1]} : vector<256x128xf32> to vector<256x124xf32>
    %slice3A_871 = vector.extract_strided_slice %select_n3A_862 {offsets = [0, 0], sizes = [256, 4], strides = [1, 1]} : vector<256x128xf32> to vector<256x4xf32>
    %concatenate3A_872 = tpu.concatenate %slice3A_870, %slice3A_871 in 1 : vector<256x124xf32>, vector<256x4xf32> -> vector<256x128xf32>
    %slice3A_873 = vector.extract_strided_slice %select_n3A_862 {offsets = [0, 124], sizes = [256, 4], strides = [1, 1]} : vector<256x128xf32> to vector<256x4xf32>
    %slice3A_874 = vector.extract_strided_slice %select_n3A_862 {offsets = [0, 0], sizes = [256, 124], strides = [1, 1]} : vector<256x128xf32> to vector<256x124xf32>
    %concatenate3A_875 = tpu.concatenate %slice3A_873, %slice3A_874 in 1 : vector<256x4xf32>, vector<256x124xf32> -> vector<256x128xf32>
    %select_n3A_876 = arith.select %eq3A_869, %concatenate3A_872, %concatenate3A_875 : vector<256x128xi1>, vector<256x128xf32>
    %slice3A_877 = vector.extract_strided_slice %select_n3A_863 {offsets = [0, 4], sizes = [256, 124], strides = [1, 1]} : vector<256x128xi32> to vector<256x124xi32>
    %slice3A_878 = vector.extract_strided_slice %select_n3A_863 {offsets = [0, 0], sizes = [256, 4], strides = [1, 1]} : vector<256x128xi32> to vector<256x4xi32>
    %concatenate3A_879 = tpu.concatenate %slice3A_877, %slice3A_878 in 1 : vector<256x124xi32>, vector<256x4xi32> -> vector<256x128xi32>
    %slice3A_880 = vector.extract_strided_slice %select_n3A_863 {offsets = [0, 124], sizes = [256, 4], strides = [1, 1]} : vector<256x128xi32> to vector<256x4xi32>
    %slice3A_881 = vector.extract_strided_slice %select_n3A_863 {offsets = [0, 0], sizes = [256, 124], strides = [1, 1]} : vector<256x128xi32> to vector<256x124xi32>
    %concatenate3A_882 = tpu.concatenate %slice3A_880, %slice3A_881 in 1 : vector<256x4xi32>, vector<256x124xi32> -> vector<256x128xi32>
    %select_n3A_883 = arith.select %eq3A_869, %concatenate3A_879, %concatenate3A_882 : vector<256x128xi1>, vector<256x128xi32>
    %gt3A_884 = arith.cmpf ogt, %select_n3A_862, %select_n3A_876 : vector<256x128xf32>
    %eq3A_885 = arith.cmpf oeq, %select_n3A_862, %select_n3A_876 : vector<256x128xf32>
    %lt3A_886 = arith.cmpi slt, %select_n3A_863, %select_n3A_883 : vector<256x128xi32>
    %and3A_887 = arith.andi %eq3A_885, %lt3A_886 : vector<256x128xi1>
    %or3A_888 = arith.ori %gt3A_884, %and3A_887 : vector<256x128xi1>
    %eq3A_889 = arith.xori %eq3A_869, %eq3A_731 : vector<256x128xi1>
    %eq3A_890 = arith.constant dense<true> : vector<256x128xi1>
    %eq3A_891 = arith.xori %eq3A_889, %eq3A_890 : vector<256x128xi1>
    %eq3A_892 = arith.xori %or3A_888, %eq3A_891 : vector<256x128xi1>
    %eq3A_893 = arith.constant dense<true> : vector<256x128xi1>
    %eq3A_894 = arith.xori %eq3A_892, %eq3A_893 : vector<256x128xi1>
    %select_n3A_895 = arith.select %eq3A_894, %select_n3A_862, %select_n3A_876 : vector<256x128xi1>, vector<256x128xf32>
    %select_n3A_896 = arith.select %eq3A_894, %select_n3A_863, %select_n3A_883 : vector<256x128xi1>, vector<256x128xi32>
    %and3A_897 = arith.constant 2 : i32
    %and3A_898 = vector.broadcast %and3A_897 : i32 to vector<256x128xi32>
    %and3A_899 = arith.andi %iota3A_0, %and3A_898 : vector<256x128xi32>
    %eq3A_900 = arith.constant 0 : i32
    %eq3A_901 = vector.broadcast %eq3A_900 : i32 to vector<256x128xi32>
    %eq3A_902 = arith.cmpi eq, %and3A_899, %eq3A_901 : vector<256x128xi32>
    %slice3A_903 = vector.extract_strided_slice %select_n3A_895 {offsets = [0, 2], sizes = [256, 126], strides = [1, 1]} : vector<256x128xf32> to vector<256x126xf32>
    %slice3A_904 = vector.extract_strided_slice %select_n3A_895 {offsets = [0, 0], sizes = [256, 2], strides = [1, 1]} : vector<256x128xf32> to vector<256x2xf32>
    %concatenate3A_905 = tpu.concatenate %slice3A_903, %slice3A_904 in 1 : vector<256x126xf32>, vector<256x2xf32> -> vector<256x128xf32>
    %slice3A_906 = vector.extract_strided_slice %select_n3A_895 {offsets = [0, 126], sizes = [256, 2], strides = [1, 1]} : vector<256x128xf32> to vector<256x2xf32>
    %slice3A_907 = vector.extract_strided_slice %select_n3A_895 {offsets = [0, 0], sizes = [256, 126], strides = [1, 1]} : vector<256x128xf32> to vector<256x126xf32>
    %concatenate3A_908 = tpu.concatenate %slice3A_906, %slice3A_907 in 1 : vector<256x2xf32>, vector<256x126xf32> -> vector<256x128xf32>
    %select_n3A_909 = arith.select %eq3A_902, %concatenate3A_905, %concatenate3A_908 : vector<256x128xi1>, vector<256x128xf32>
    %slice3A_910 = vector.extract_strided_slice %select_n3A_896 {offsets = [0, 2], sizes = [256, 126], strides = [1, 1]} : vector<256x128xi32> to vector<256x126xi32>
    %slice3A_911 = vector.extract_strided_slice %select_n3A_896 {offsets = [0, 0], sizes = [256, 2], strides = [1, 1]} : vector<256x128xi32> to vector<256x2xi32>
    %concatenate3A_912 = tpu.concatenate %slice3A_910, %slice3A_911 in 1 : vector<256x126xi32>, vector<256x2xi32> -> vector<256x128xi32>
    %slice3A_913 = vector.extract_strided_slice %select_n3A_896 {offsets = [0, 126], sizes = [256, 2], strides = [1, 1]} : vector<256x128xi32> to vector<256x2xi32>
    %slice3A_914 = vector.extract_strided_slice %select_n3A_896 {offsets = [0, 0], sizes = [256, 126], strides = [1, 1]} : vector<256x128xi32> to vector<256x126xi32>
    %concatenate3A_915 = tpu.concatenate %slice3A_913, %slice3A_914 in 1 : vector<256x2xi32>, vector<256x126xi32> -> vector<256x128xi32>
    %select_n3A_916 = arith.select %eq3A_902, %concatenate3A_912, %concatenate3A_915 : vector<256x128xi1>, vector<256x128xi32>
    %gt3A_917 = arith.cmpf ogt, %select_n3A_895, %select_n3A_909 : vector<256x128xf32>
    %eq3A_918 = arith.cmpf oeq, %select_n3A_895, %select_n3A_909 : vector<256x128xf32>
    %lt3A_919 = arith.cmpi slt, %select_n3A_896, %select_n3A_916 : vector<256x128xi32>
    %and3A_920 = arith.andi %eq3A_918, %lt3A_919 : vector<256x128xi1>
    %or3A_921 = arith.ori %gt3A_917, %and3A_920 : vector<256x128xi1>
    %eq3A_922 = arith.xori %eq3A_902, %eq3A_731 : vector<256x128xi1>
    %eq3A_923 = arith.constant dense<true> : vector<256x128xi1>
    %eq3A_924 = arith.xori %eq3A_922, %eq3A_923 : vector<256x128xi1>
    %eq3A_925 = arith.xori %or3A_921, %eq3A_924 : vector<256x128xi1>
    %eq3A_926 = arith.constant dense<true> : vector<256x128xi1>
    %eq3A_927 = arith.xori %eq3A_925, %eq3A_926 : vector<256x128xi1>
    %select_n3A_928 = arith.select %eq3A_927, %select_n3A_895, %select_n3A_909 : vector<256x128xi1>, vector<256x128xf32>
    %select_n3A_929 = arith.select %eq3A_927, %select_n3A_896, %select_n3A_916 : vector<256x128xi1>, vector<256x128xi32>
    %and3A_930 = arith.constant 1 : i32
    %and3A_931 = vector.broadcast %and3A_930 : i32 to vector<256x128xi32>
    %and3A_932 = arith.andi %iota3A_0, %and3A_931 : vector<256x128xi32>
    %eq3A_933 = arith.constant 0 : i32
    %eq3A_934 = vector.broadcast %eq3A_933 : i32 to vector<256x128xi32>
    %eq3A_935 = arith.cmpi eq, %and3A_932, %eq3A_934 : vector<256x128xi32>
    %slice3A_936 = vector.extract_strided_slice %select_n3A_928 {offsets = [0, 1], sizes = [256, 127], strides = [1, 1]} : vector<256x128xf32> to vector<256x127xf32>
    %slice3A_937 = vector.extract_strided_slice %select_n3A_928 {offsets = [0, 0], sizes = [256, 1], strides = [1, 1]} : vector<256x128xf32> to vector<256x1xf32>
    %concatenate3A_938 = tpu.concatenate %slice3A_936, %slice3A_937 in 1 : vector<256x127xf32>, vector<256x1xf32> -> vector<256x128xf32>
    %slice3A_939 = vector.extract_strided_slice %select_n3A_928 {offsets = [0, 127], sizes = [256, 1], strides = [1, 1]} : vector<256x128xf32> to vector<256x1xf32>
    %slice3A_940 = vector.extract_strided_slice %select_n3A_928 {offsets = [0, 0], sizes = [256, 127], strides = [1, 1]} : vector<256x128xf32> to vector<256x127xf32>
    %concatenate3A_941 = tpu.concatenate %slice3A_939, %slice3A_940 in 1 : vector<256x1xf32>, vector<256x127xf32> -> vector<256x128xf32>
    %select_n3A_942 = arith.select %eq3A_935, %concatenate3A_938, %concatenate3A_941 : vector<256x128xi1>, vector<256x128xf32>
    %slice3A_943 = vector.extract_strided_slice %select_n3A_929 {offsets = [0, 1], sizes = [256, 127], strides = [1, 1]} : vector<256x128xi32> to vector<256x127xi32>
    %slice3A_944 = vector.extract_strided_slice %select_n3A_929 {offsets = [0, 0], sizes = [256, 1], strides = [1, 1]} : vector<256x128xi32> to vector<256x1xi32>
    %concatenate3A_945 = tpu.concatenate %slice3A_943, %slice3A_944 in 1 : vector<256x127xi32>, vector<256x1xi32> -> vector<256x128xi32>
    %slice3A_946 = vector.extract_strided_slice %select_n3A_929 {offsets = [0, 127], sizes = [256, 1], strides = [1, 1]} : vector<256x128xi32> to vector<256x1xi32>
    %slice3A_947 = vector.extract_strided_slice %select_n3A_929 {offsets = [0, 0], sizes = [256, 127], strides = [1, 1]} : vector<256x128xi32> to vector<256x127xi32>
    %concatenate3A_948 = tpu.concatenate %slice3A_946, %slice3A_947 in 1 : vector<256x1xi32>, vector<256x127xi32> -> vector<256x128xi32>
    %select_n3A_949 = arith.select %eq3A_935, %concatenate3A_945, %concatenate3A_948 : vector<256x128xi1>, vector<256x128xi32>
    %gt3A_950 = arith.cmpf ogt, %select_n3A_928, %select_n3A_942 : vector<256x128xf32>
    %eq3A_951 = arith.cmpf oeq, %select_n3A_928, %select_n3A_942 : vector<256x128xf32>
    %lt3A_952 = arith.cmpi slt, %select_n3A_929, %select_n3A_949 : vector<256x128xi32>
    %and3A_953 = arith.andi %eq3A_951, %lt3A_952 : vector<256x128xi1>
    %or3A_954 = arith.ori %gt3A_950, %and3A_953 : vector<256x128xi1>
    %eq3A_955 = arith.xori %eq3A_935, %eq3A_731 : vector<256x128xi1>
    %eq3A_956 = arith.constant dense<true> : vector<256x128xi1>
    %eq3A_957 = arith.xori %eq3A_955, %eq3A_956 : vector<256x128xi1>
    %eq3A_958 = arith.xori %or3A_954, %eq3A_957 : vector<256x128xi1>
    %eq3A_959 = arith.constant dense<true> : vector<256x128xi1>
    %eq3A_960 = arith.xori %eq3A_958, %eq3A_959 : vector<256x128xi1>
    %select_n3A_961 = arith.select %eq3A_960, %select_n3A_928, %select_n3A_942 : vector<256x128xi1>, vector<256x128xf32>
    %select_n3A_962 = arith.select %eq3A_960, %select_n3A_929, %select_n3A_949 : vector<256x128xi1>, vector<256x128xi32>
    %and3A_963 = arith.constant 256 : i32
    %and3A_964 = vector.broadcast %and3A_963 : i32 to vector<256x128xi32>
    %and3A_965 = arith.andi %add3A, %and3A_964 : vector<256x128xi32>
    %eq3A_966 = arith.constant 0 : i32
    %eq3A_967 = vector.broadcast %eq3A_966 : i32 to vector<256x128xi32>
    %eq3A_968 = arith.cmpi eq, %and3A_965, %eq3A_967 : vector<256x128xi32>
    %and3A_969 = arith.constant 1 : i32
    %and3A_970 = vector.broadcast %and3A_969 : i32 to vector<256x128xi32>
    %and3A_971 = arith.andi %iota3A, %and3A_970 : vector<256x128xi32>
    %eq3A_972 = arith.constant 0 : i32
    %eq3A_973 = vector.broadcast %eq3A_972 : i32 to vector<256x128xi32>
    %eq3A_974 = arith.cmpi eq, %and3A_971, %eq3A_973 : vector<256x128xi32>
    %slice3A_975 = vector.extract_strided_slice %select_n3A_961 {offsets = [1, 0], sizes = [255, 128], strides = [1, 1]} : vector<256x128xf32> to vector<255x128xf32>
    %slice3A_976 = vector.extract_strided_slice %select_n3A_961 {offsets = [0, 0], sizes = [1, 128], strides = [1, 1]} : vector<256x128xf32> to vector<1x128xf32>
    %concatenate3A_977 = tpu.concatenate %slice3A_975, %slice3A_976 in 0 : vector<255x128xf32>, vector<1x128xf32> -> vector<256x128xf32>
    %slice3A_978 = vector.extract_strided_slice %select_n3A_961 {offsets = [255, 0], sizes = [1, 128], strides = [1, 1]} : vector<256x128xf32> to vector<1x128xf32>
    %slice3A_979 = vector.extract_strided_slice %select_n3A_961 {offsets = [0, 0], sizes = [255, 128], strides = [1, 1]} : vector<256x128xf32> to vector<255x128xf32>
    %concatenate3A_980 = tpu.concatenate %slice3A_978, %slice3A_979 in 0 : vector<1x128xf32>, vector<255x128xf32> -> vector<256x128xf32>
    %select_n3A_981 = arith.select %eq3A_974, %concatenate3A_977, %concatenate3A_980 : vector<256x128xi1>, vector<256x128xf32>
    %slice3A_982 = vector.extract_strided_slice %select_n3A_962 {offsets = [1, 0], sizes = [255, 128], strides = [1, 1]} : vector<256x128xi32> to vector<255x128xi32>
    %slice3A_983 = vector.extract_strided_slice %select_n3A_962 {offsets = [0, 0], sizes = [1, 128], strides = [1, 1]} : vector<256x128xi32> to vector<1x128xi32>
    %concatenate3A_984 = tpu.concatenate %slice3A_982, %slice3A_983 in 0 : vector<255x128xi32>, vector<1x128xi32> -> vector<256x128xi32>
    %slice3A_985 = vector.extract_strided_slice %select_n3A_962 {offsets = [255, 0], sizes = [1, 128], strides = [1, 1]} : vector<256x128xi32> to vector<1x128xi32>
    %slice3A_986 = vector.extract_strided_slice %select_n3A_962 {offsets = [0, 0], sizes = [255, 128], strides = [1, 1]} : vector<256x128xi32> to vector<255x128xi32>
    %concatenate3A_987 = tpu.concatenate %slice3A_985, %slice3A_986 in 0 : vector<1x128xi32>, vector<255x128xi32> -> vector<256x128xi32>
    %select_n3A_988 = arith.select %eq3A_974, %concatenate3A_984, %concatenate3A_987 : vector<256x128xi1>, vector<256x128xi32>
    %gt3A_989 = arith.cmpf ogt, %select_n3A_961, %select_n3A_981 : vector<256x128xf32>
    %eq3A_990 = arith.cmpf oeq, %select_n3A_961, %select_n3A_981 : vector<256x128xf32>
    %lt3A_991 = arith.cmpi slt, %select_n3A_962, %select_n3A_988 : vector<256x128xi32>
    %and3A_992 = arith.andi %eq3A_990, %lt3A_991 : vector<256x128xi1>
    %or3A_993 = arith.ori %gt3A_989, %and3A_992 : vector<256x128xi1>
    %eq3A_994 = arith.xori %eq3A_974, %eq3A_968 : vector<256x128xi1>
    %eq3A_995 = arith.constant dense<true> : vector<256x128xi1>
    %eq3A_996 = arith.xori %eq3A_994, %eq3A_995 : vector<256x128xi1>
    %eq3A_997 = arith.xori %or3A_993, %eq3A_996 : vector<256x128xi1>
    %eq3A_998 = arith.constant dense<true> : vector<256x128xi1>
    %eq3A_999 = arith.xori %eq3A_997, %eq3A_998 : vector<256x128xi1>
    %select_n3A_1000 = arith.select %eq3A_999, %select_n3A_961, %select_n3A_981 : vector<256x128xi1>, vector<256x128xf32>
    %select_n3A_1001 = arith.select %eq3A_999, %select_n3A_962, %select_n3A_988 : vector<256x128xi1>, vector<256x128xi32>
    %and3A_1002 = arith.constant 64 : i32
    %and3A_1003 = vector.broadcast %and3A_1002 : i32 to vector<256x128xi32>
    %and3A_1004 = arith.andi %iota3A_0, %and3A_1003 : vector<256x128xi32>
    %eq3A_1005 = arith.constant 0 : i32
    %eq3A_1006 = vector.broadcast %eq3A_1005 : i32 to vector<256x128xi32>
    %eq3A_1007 = arith.cmpi eq, %and3A_1004, %eq3A_1006 : vector<256x128xi32>
    %slice3A_1008 = vector.extract_strided_slice %select_n3A_1000 {offsets = [0, 64], sizes = [256, 64], strides = [1, 1]} : vector<256x128xf32> to vector<256x64xf32>
    %slice3A_1009 = vector.extract_strided_slice %select_n3A_1000 {offsets = [0, 0], sizes = [256, 64], strides = [1, 1]} : vector<256x128xf32> to vector<256x64xf32>
    %concatenate3A_1010 = tpu.concatenate %slice3A_1008, %slice3A_1009 in 1 : vector<256x64xf32>, vector<256x64xf32> -> vector<256x128xf32>
    %slice3A_1011 = vector.extract_strided_slice %select_n3A_1000 {offsets = [0, 64], sizes = [256, 64], strides = [1, 1]} : vector<256x128xf32> to vector<256x64xf32>
    %slice3A_1012 = vector.extract_strided_slice %select_n3A_1000 {offsets = [0, 0], sizes = [256, 64], strides = [1, 1]} : vector<256x128xf32> to vector<256x64xf32>
    %concatenate3A_1013 = tpu.concatenate %slice3A_1011, %slice3A_1012 in 1 : vector<256x64xf32>, vector<256x64xf32> -> vector<256x128xf32>
    %select_n3A_1014 = arith.select %eq3A_1007, %concatenate3A_1010, %concatenate3A_1013 : vector<256x128xi1>, vector<256x128xf32>
    %slice3A_1015 = vector.extract_strided_slice %select_n3A_1001 {offsets = [0, 64], sizes = [256, 64], strides = [1, 1]} : vector<256x128xi32> to vector<256x64xi32>
    %slice3A_1016 = vector.extract_strided_slice %select_n3A_1001 {offsets = [0, 0], sizes = [256, 64], strides = [1, 1]} : vector<256x128xi32> to vector<256x64xi32>
    %concatenate3A_1017 = tpu.concatenate %slice3A_1015, %slice3A_1016 in 1 : vector<256x64xi32>, vector<256x64xi32> -> vector<256x128xi32>
    %slice3A_1018 = vector.extract_strided_slice %select_n3A_1001 {offsets = [0, 64], sizes = [256, 64], strides = [1, 1]} : vector<256x128xi32> to vector<256x64xi32>
    %slice3A_1019 = vector.extract_strided_slice %select_n3A_1001 {offsets = [0, 0], sizes = [256, 64], strides = [1, 1]} : vector<256x128xi32> to vector<256x64xi32>
    %concatenate3A_1020 = tpu.concatenate %slice3A_1018, %slice3A_1019 in 1 : vector<256x64xi32>, vector<256x64xi32> -> vector<256x128xi32>
    %select_n3A_1021 = arith.select %eq3A_1007, %concatenate3A_1017, %concatenate3A_1020 : vector<256x128xi1>, vector<256x128xi32>
    %gt3A_1022 = arith.cmpf ogt, %select_n3A_1000, %select_n3A_1014 : vector<256x128xf32>
    %eq3A_1023 = arith.cmpf oeq, %select_n3A_1000, %select_n3A_1014 : vector<256x128xf32>
    %lt3A_1024 = arith.cmpi slt, %select_n3A_1001, %select_n3A_1021 : vector<256x128xi32>
    %and3A_1025 = arith.andi %eq3A_1023, %lt3A_1024 : vector<256x128xi1>
    %or3A_1026 = arith.ori %gt3A_1022, %and3A_1025 : vector<256x128xi1>
    %eq3A_1027 = arith.xori %eq3A_1007, %eq3A_968 : vector<256x128xi1>
    %eq3A_1028 = arith.constant dense<true> : vector<256x128xi1>
    %eq3A_1029 = arith.xori %eq3A_1027, %eq3A_1028 : vector<256x128xi1>
    %eq3A_1030 = arith.xori %or3A_1026, %eq3A_1029 : vector<256x128xi1>
    %eq3A_1031 = arith.constant dense<true> : vector<256x128xi1>
    %eq3A_1032 = arith.xori %eq3A_1030, %eq3A_1031 : vector<256x128xi1>
    %select_n3A_1033 = arith.select %eq3A_1032, %select_n3A_1000, %select_n3A_1014 : vector<256x128xi1>, vector<256x128xf32>
    %select_n3A_1034 = arith.select %eq3A_1032, %select_n3A_1001, %select_n3A_1021 : vector<256x128xi1>, vector<256x128xi32>
    %and3A_1035 = arith.constant 32 : i32
    %and3A_1036 = vector.broadcast %and3A_1035 : i32 to vector<256x128xi32>
    %and3A_1037 = arith.andi %iota3A_0, %and3A_1036 : vector<256x128xi32>
    %eq3A_1038 = arith.constant 0 : i32
    %eq3A_1039 = vector.broadcast %eq3A_1038 : i32 to vector<256x128xi32>
    %eq3A_1040 = arith.cmpi eq, %and3A_1037, %eq3A_1039 : vector<256x128xi32>
    %slice3A_1041 = vector.extract_strided_slice %select_n3A_1033 {offsets = [0, 32], sizes = [256, 96], strides = [1, 1]} : vector<256x128xf32> to vector<256x96xf32>
    %slice3A_1042 = vector.extract_strided_slice %select_n3A_1033 {offsets = [0, 0], sizes = [256, 32], strides = [1, 1]} : vector<256x128xf32> to vector<256x32xf32>
    %concatenate3A_1043 = tpu.concatenate %slice3A_1041, %slice3A_1042 in 1 : vector<256x96xf32>, vector<256x32xf32> -> vector<256x128xf32>
    %slice3A_1044 = vector.extract_strided_slice %select_n3A_1033 {offsets = [0, 96], sizes = [256, 32], strides = [1, 1]} : vector<256x128xf32> to vector<256x32xf32>
    %slice3A_1045 = vector.extract_strided_slice %select_n3A_1033 {offsets = [0, 0], sizes = [256, 96], strides = [1, 1]} : vector<256x128xf32> to vector<256x96xf32>
    %concatenate3A_1046 = tpu.concatenate %slice3A_1044, %slice3A_1045 in 1 : vector<256x32xf32>, vector<256x96xf32> -> vector<256x128xf32>
    %select_n3A_1047 = arith.select %eq3A_1040, %concatenate3A_1043, %concatenate3A_1046 : vector<256x128xi1>, vector<256x128xf32>
    %slice3A_1048 = vector.extract_strided_slice %select_n3A_1034 {offsets = [0, 32], sizes = [256, 96], strides = [1, 1]} : vector<256x128xi32> to vector<256x96xi32>
    %slice3A_1049 = vector.extract_strided_slice %select_n3A_1034 {offsets = [0, 0], sizes = [256, 32], strides = [1, 1]} : vector<256x128xi32> to vector<256x32xi32>
    %concatenate3A_1050 = tpu.concatenate %slice3A_1048, %slice3A_1049 in 1 : vector<256x96xi32>, vector<256x32xi32> -> vector<256x128xi32>
    %slice3A_1051 = vector.extract_strided_slice %select_n3A_1034 {offsets = [0, 96], sizes = [256, 32], strides = [1, 1]} : vector<256x128xi32> to vector<256x32xi32>
    %slice3A_1052 = vector.extract_strided_slice %select_n3A_1034 {offsets = [0, 0], sizes = [256, 96], strides = [1, 1]} : vector<256x128xi32> to vector<256x96xi32>
    %concatenate3A_1053 = tpu.concatenate %slice3A_1051, %slice3A_1052 in 1 : vector<256x32xi32>, vector<256x96xi32> -> vector<256x128xi32>
    %select_n3A_1054 = arith.select %eq3A_1040, %concatenate3A_1050, %concatenate3A_1053 : vector<256x128xi1>, vector<256x128xi32>
    %gt3A_1055 = arith.cmpf ogt, %select_n3A_1033, %select_n3A_1047 : vector<256x128xf32>
    %eq3A_1056 = arith.cmpf oeq, %select_n3A_1033, %select_n3A_1047 : vector<256x128xf32>
    %lt3A_1057 = arith.cmpi slt, %select_n3A_1034, %select_n3A_1054 : vector<256x128xi32>
    %and3A_1058 = arith.andi %eq3A_1056, %lt3A_1057 : vector<256x128xi1>
    %or3A_1059 = arith.ori %gt3A_1055, %and3A_1058 : vector<256x128xi1>
    %eq3A_1060 = arith.xori %eq3A_1040, %eq3A_968 : vector<256x128xi1>
    %eq3A_1061 = arith.constant dense<true> : vector<256x128xi1>
    %eq3A_1062 = arith.xori %eq3A_1060, %eq3A_1061 : vector<256x128xi1>
    %eq3A_1063 = arith.xori %or3A_1059, %eq3A_1062 : vector<256x128xi1>
    %eq3A_1064 = arith.constant dense<true> : vector<256x128xi1>
    %eq3A_1065 = arith.xori %eq3A_1063, %eq3A_1064 : vector<256x128xi1>
    %select_n3A_1066 = arith.select %eq3A_1065, %select_n3A_1033, %select_n3A_1047 : vector<256x128xi1>, vector<256x128xf32>
    %select_n3A_1067 = arith.select %eq3A_1065, %select_n3A_1034, %select_n3A_1054 : vector<256x128xi1>, vector<256x128xi32>
    %and3A_1068 = arith.constant 16 : i32
    %and3A_1069 = vector.broadcast %and3A_1068 : i32 to vector<256x128xi32>
    %and3A_1070 = arith.andi %iota3A_0, %and3A_1069 : vector<256x128xi32>
    %eq3A_1071 = arith.constant 0 : i32
    %eq3A_1072 = vector.broadcast %eq3A_1071 : i32 to vector<256x128xi32>
    %eq3A_1073 = arith.cmpi eq, %and3A_1070, %eq3A_1072 : vector<256x128xi32>
    %slice3A_1074 = vector.extract_strided_slice %select_n3A_1066 {offsets = [0, 16], sizes = [256, 112], strides = [1, 1]} : vector<256x128xf32> to vector<256x112xf32>
    %slice3A_1075 = vector.extract_strided_slice %select_n3A_1066 {offsets = [0, 0], sizes = [256, 16], strides = [1, 1]} : vector<256x128xf32> to vector<256x16xf32>
    %concatenate3A_1076 = tpu.concatenate %slice3A_1074, %slice3A_1075 in 1 : vector<256x112xf32>, vector<256x16xf32> -> vector<256x128xf32>
    %slice3A_1077 = vector.extract_strided_slice %select_n3A_1066 {offsets = [0, 112], sizes = [256, 16], strides = [1, 1]} : vector<256x128xf32> to vector<256x16xf32>
    %slice3A_1078 = vector.extract_strided_slice %select_n3A_1066 {offsets = [0, 0], sizes = [256, 112], strides = [1, 1]} : vector<256x128xf32> to vector<256x112xf32>
    %concatenate3A_1079 = tpu.concatenate %slice3A_1077, %slice3A_1078 in 1 : vector<256x16xf32>, vector<256x112xf32> -> vector<256x128xf32>
    %select_n3A_1080 = arith.select %eq3A_1073, %concatenate3A_1076, %concatenate3A_1079 : vector<256x128xi1>, vector<256x128xf32>
    %slice3A_1081 = vector.extract_strided_slice %select_n3A_1067 {offsets = [0, 16], sizes = [256, 112], strides = [1, 1]} : vector<256x128xi32> to vector<256x112xi32>
    %slice3A_1082 = vector.extract_strided_slice %select_n3A_1067 {offsets = [0, 0], sizes = [256, 16], strides = [1, 1]} : vector<256x128xi32> to vector<256x16xi32>
    %concatenate3A_1083 = tpu.concatenate %slice3A_1081, %slice3A_1082 in 1 : vector<256x112xi32>, vector<256x16xi32> -> vector<256x128xi32>
    %slice3A_1084 = vector.extract_strided_slice %select_n3A_1067 {offsets = [0, 112], sizes = [256, 16], strides = [1, 1]} : vector<256x128xi32> to vector<256x16xi32>
    %slice3A_1085 = vector.extract_strided_slice %select_n3A_1067 {offsets = [0, 0], sizes = [256, 112], strides = [1, 1]} : vector<256x128xi32> to vector<256x112xi32>
    %concatenate3A_1086 = tpu.concatenate %slice3A_1084, %slice3A_1085 in 1 : vector<256x16xi32>, vector<256x112xi32> -> vector<256x128xi32>
    %select_n3A_1087 = arith.select %eq3A_1073, %concatenate3A_1083, %concatenate3A_1086 : vector<256x128xi1>, vector<256x128xi32>
    %gt3A_1088 = arith.cmpf ogt, %select_n3A_1066, %select_n3A_1080 : vector<256x128xf32>
    %eq3A_1089 = arith.cmpf oeq, %select_n3A_1066, %select_n3A_1080 : vector<256x128xf32>
    %lt3A_1090 = arith.cmpi slt, %select_n3A_1067, %select_n3A_1087 : vector<256x128xi32>
    %and3A_1091 = arith.andi %eq3A_1089, %lt3A_1090 : vector<256x128xi1>
    %or3A_1092 = arith.ori %gt3A_1088, %and3A_1091 : vector<256x128xi1>
    %eq3A_1093 = arith.xori %eq3A_1073, %eq3A_968 : vector<256x128xi1>
    %eq3A_1094 = arith.constant dense<true> : vector<256x128xi1>
    %eq3A_1095 = arith.xori %eq3A_1093, %eq3A_1094 : vector<256x128xi1>
    %eq3A_1096 = arith.xori %or3A_1092, %eq3A_1095 : vector<256x128xi1>
    %eq3A_1097 = arith.constant dense<true> : vector<256x128xi1>
    %eq3A_1098 = arith.xori %eq3A_1096, %eq3A_1097 : vector<256x128xi1>
    %select_n3A_1099 = arith.select %eq3A_1098, %select_n3A_1066, %select_n3A_1080 : vector<256x128xi1>, vector<256x128xf32>
    %select_n3A_1100 = arith.select %eq3A_1098, %select_n3A_1067, %select_n3A_1087 : vector<256x128xi1>, vector<256x128xi32>
    %and3A_1101 = arith.constant 8 : i32
    %and3A_1102 = vector.broadcast %and3A_1101 : i32 to vector<256x128xi32>
    %and3A_1103 = arith.andi %iota3A_0, %and3A_1102 : vector<256x128xi32>
    %eq3A_1104 = arith.constant 0 : i32
    %eq3A_1105 = vector.broadcast %eq3A_1104 : i32 to vector<256x128xi32>
    %eq3A_1106 = arith.cmpi eq, %and3A_1103, %eq3A_1105 : vector<256x128xi32>
    %slice3A_1107 = vector.extract_strided_slice %select_n3A_1099 {offsets = [0, 8], sizes = [256, 120], strides = [1, 1]} : vector<256x128xf32> to vector<256x120xf32>
    %slice3A_1108 = vector.extract_strided_slice %select_n3A_1099 {offsets = [0, 0], sizes = [256, 8], strides = [1, 1]} : vector<256x128xf32> to vector<256x8xf32>
    %concatenate3A_1109 = tpu.concatenate %slice3A_1107, %slice3A_1108 in 1 : vector<256x120xf32>, vector<256x8xf32> -> vector<256x128xf32>
    %slice3A_1110 = vector.extract_strided_slice %select_n3A_1099 {offsets = [0, 120], sizes = [256, 8], strides = [1, 1]} : vector<256x128xf32> to vector<256x8xf32>
    %slice3A_1111 = vector.extract_strided_slice %select_n3A_1099 {offsets = [0, 0], sizes = [256, 120], strides = [1, 1]} : vector<256x128xf32> to vector<256x120xf32>
    %concatenate3A_1112 = tpu.concatenate %slice3A_1110, %slice3A_1111 in 1 : vector<256x8xf32>, vector<256x120xf32> -> vector<256x128xf32>
    %select_n3A_1113 = arith.select %eq3A_1106, %concatenate3A_1109, %concatenate3A_1112 : vector<256x128xi1>, vector<256x128xf32>
    %slice3A_1114 = vector.extract_strided_slice %select_n3A_1100 {offsets = [0, 8], sizes = [256, 120], strides = [1, 1]} : vector<256x128xi32> to vector<256x120xi32>
    %slice3A_1115 = vector.extract_strided_slice %select_n3A_1100 {offsets = [0, 0], sizes = [256, 8], strides = [1, 1]} : vector<256x128xi32> to vector<256x8xi32>
    %concatenate3A_1116 = tpu.concatenate %slice3A_1114, %slice3A_1115 in 1 : vector<256x120xi32>, vector<256x8xi32> -> vector<256x128xi32>
    %slice3A_1117 = vector.extract_strided_slice %select_n3A_1100 {offsets = [0, 120], sizes = [256, 8], strides = [1, 1]} : vector<256x128xi32> to vector<256x8xi32>
    %slice3A_1118 = vector.extract_strided_slice %select_n3A_1100 {offsets = [0, 0], sizes = [256, 120], strides = [1, 1]} : vector<256x128xi32> to vector<256x120xi32>
    %concatenate3A_1119 = tpu.concatenate %slice3A_1117, %slice3A_1118 in 1 : vector<256x8xi32>, vector<256x120xi32> -> vector<256x128xi32>
    %select_n3A_1120 = arith.select %eq3A_1106, %concatenate3A_1116, %concatenate3A_1119 : vector<256x128xi1>, vector<256x128xi32>
    %gt3A_1121 = arith.cmpf ogt, %select_n3A_1099, %select_n3A_1113 : vector<256x128xf32>
    %eq3A_1122 = arith.cmpf oeq, %select_n3A_1099, %select_n3A_1113 : vector<256x128xf32>
    %lt3A_1123 = arith.cmpi slt, %select_n3A_1100, %select_n3A_1120 : vector<256x128xi32>
    %and3A_1124 = arith.andi %eq3A_1122, %lt3A_1123 : vector<256x128xi1>
    %or3A_1125 = arith.ori %gt3A_1121, %and3A_1124 : vector<256x128xi1>
    %eq3A_1126 = arith.xori %eq3A_1106, %eq3A_968 : vector<256x128xi1>
    %eq3A_1127 = arith.constant dense<true> : vector<256x128xi1>
    %eq3A_1128 = arith.xori %eq3A_1126, %eq3A_1127 : vector<256x128xi1>
    %eq3A_1129 = arith.xori %or3A_1125, %eq3A_1128 : vector<256x128xi1>
    %eq3A_1130 = arith.constant dense<true> : vector<256x128xi1>
    %eq3A_1131 = arith.xori %eq3A_1129, %eq3A_1130 : vector<256x128xi1>
    %select_n3A_1132 = arith.select %eq3A_1131, %select_n3A_1099, %select_n3A_1113 : vector<256x128xi1>, vector<256x128xf32>
    %select_n3A_1133 = arith.select %eq3A_1131, %select_n3A_1100, %select_n3A_1120 : vector<256x128xi1>, vector<256x128xi32>
    %and3A_1134 = arith.constant 4 : i32
    %and3A_1135 = vector.broadcast %and3A_1134 : i32 to vector<256x128xi32>
    %and3A_1136 = arith.andi %iota3A_0, %and3A_1135 : vector<256x128xi32>
    %eq3A_1137 = arith.constant 0 : i32
    %eq3A_1138 = vector.broadcast %eq3A_1137 : i32 to vector<256x128xi32>
    %eq3A_1139 = arith.cmpi eq, %and3A_1136, %eq3A_1138 : vector<256x128xi32>
    %slice3A_1140 = vector.extract_strided_slice %select_n3A_1132 {offsets = [0, 4], sizes = [256, 124], strides = [1, 1]} : vector<256x128xf32> to vector<256x124xf32>
    %slice3A_1141 = vector.extract_strided_slice %select_n3A_1132 {offsets = [0, 0], sizes = [256, 4], strides = [1, 1]} : vector<256x128xf32> to vector<256x4xf32>
    %concatenate3A_1142 = tpu.concatenate %slice3A_1140, %slice3A_1141 in 1 : vector<256x124xf32>, vector<256x4xf32> -> vector<256x128xf32>
    %slice3A_1143 = vector.extract_strided_slice %select_n3A_1132 {offsets = [0, 124], sizes = [256, 4], strides = [1, 1]} : vector<256x128xf32> to vector<256x4xf32>
    %slice3A_1144 = vector.extract_strided_slice %select_n3A_1132 {offsets = [0, 0], sizes = [256, 124], strides = [1, 1]} : vector<256x128xf32> to vector<256x124xf32>
    %concatenate3A_1145 = tpu.concatenate %slice3A_1143, %slice3A_1144 in 1 : vector<256x4xf32>, vector<256x124xf32> -> vector<256x128xf32>
    %select_n3A_1146 = arith.select %eq3A_1139, %concatenate3A_1142, %concatenate3A_1145 : vector<256x128xi1>, vector<256x128xf32>
    %slice3A_1147 = vector.extract_strided_slice %select_n3A_1133 {offsets = [0, 4], sizes = [256, 124], strides = [1, 1]} : vector<256x128xi32> to vector<256x124xi32>
    %slice3A_1148 = vector.extract_strided_slice %select_n3A_1133 {offsets = [0, 0], sizes = [256, 4], strides = [1, 1]} : vector<256x128xi32> to vector<256x4xi32>
    %concatenate3A_1149 = tpu.concatenate %slice3A_1147, %slice3A_1148 in 1 : vector<256x124xi32>, vector<256x4xi32> -> vector<256x128xi32>
    %slice3A_1150 = vector.extract_strided_slice %select_n3A_1133 {offsets = [0, 124], sizes = [256, 4], strides = [1, 1]} : vector<256x128xi32> to vector<256x4xi32>
    %slice3A_1151 = vector.extract_strided_slice %select_n3A_1133 {offsets = [0, 0], sizes = [256, 124], strides = [1, 1]} : vector<256x128xi32> to vector<256x124xi32>
    %concatenate3A_1152 = tpu.concatenate %slice3A_1150, %slice3A_1151 in 1 : vector<256x4xi32>, vector<256x124xi32> -> vector<256x128xi32>
    %select_n3A_1153 = arith.select %eq3A_1139, %concatenate3A_1149, %concatenate3A_1152 : vector<256x128xi1>, vector<256x128xi32>
    %gt3A_1154 = arith.cmpf ogt, %select_n3A_1132, %select_n3A_1146 : vector<256x128xf32>
    %eq3A_1155 = arith.cmpf oeq, %select_n3A_1132, %select_n3A_1146 : vector<256x128xf32>
    %lt3A_1156 = arith.cmpi slt, %select_n3A_1133, %select_n3A_1153 : vector<256x128xi32>
    %and3A_1157 = arith.andi %eq3A_1155, %lt3A_1156 : vector<256x128xi1>
    %or3A_1158 = arith.ori %gt3A_1154, %and3A_1157 : vector<256x128xi1>
    %eq3A_1159 = arith.xori %eq3A_1139, %eq3A_968 : vector<256x128xi1>
    %eq3A_1160 = arith.constant dense<true> : vector<256x128xi1>
    %eq3A_1161 = arith.xori %eq3A_1159, %eq3A_1160 : vector<256x128xi1>
    %eq3A_1162 = arith.xori %or3A_1158, %eq3A_1161 : vector<256x128xi1>
    %eq3A_1163 = arith.constant dense<true> : vector<256x128xi1>
    %eq3A_1164 = arith.xori %eq3A_1162, %eq3A_1163 : vector<256x128xi1>
    %select_n3A_1165 = arith.select %eq3A_1164, %select_n3A_1132, %select_n3A_1146 : vector<256x128xi1>, vector<256x128xf32>
    %select_n3A_1166 = arith.select %eq3A_1164, %select_n3A_1133, %select_n3A_1153 : vector<256x128xi1>, vector<256x128xi32>
    %and3A_1167 = arith.constant 2 : i32
    %and3A_1168 = vector.broadcast %and3A_1167 : i32 to vector<256x128xi32>
    %and3A_1169 = arith.andi %iota3A_0, %and3A_1168 : vector<256x128xi32>
    %eq3A_1170 = arith.constant 0 : i32
    %eq3A_1171 = vector.broadcast %eq3A_1170 : i32 to vector<256x128xi32>
    %eq3A_1172 = arith.cmpi eq, %and3A_1169, %eq3A_1171 : vector<256x128xi32>
    %slice3A_1173 = vector.extract_strided_slice %select_n3A_1165 {offsets = [0, 2], sizes = [256, 126], strides = [1, 1]} : vector<256x128xf32> to vector<256x126xf32>
    %slice3A_1174 = vector.extract_strided_slice %select_n3A_1165 {offsets = [0, 0], sizes = [256, 2], strides = [1, 1]} : vector<256x128xf32> to vector<256x2xf32>
    %concatenate3A_1175 = tpu.concatenate %slice3A_1173, %slice3A_1174 in 1 : vector<256x126xf32>, vector<256x2xf32> -> vector<256x128xf32>
    %slice3A_1176 = vector.extract_strided_slice %select_n3A_1165 {offsets = [0, 126], sizes = [256, 2], strides = [1, 1]} : vector<256x128xf32> to vector<256x2xf32>
    %slice3A_1177 = vector.extract_strided_slice %select_n3A_1165 {offsets = [0, 0], sizes = [256, 126], strides = [1, 1]} : vector<256x128xf32> to vector<256x126xf32>
    %concatenate3A_1178 = tpu.concatenate %slice3A_1176, %slice3A_1177 in 1 : vector<256x2xf32>, vector<256x126xf32> -> vector<256x128xf32>
    %select_n3A_1179 = arith.select %eq3A_1172, %concatenate3A_1175, %concatenate3A_1178 : vector<256x128xi1>, vector<256x128xf32>
    %slice3A_1180 = vector.extract_strided_slice %select_n3A_1166 {offsets = [0, 2], sizes = [256, 126], strides = [1, 1]} : vector<256x128xi32> to vector<256x126xi32>
    %slice3A_1181 = vector.extract_strided_slice %select_n3A_1166 {offsets = [0, 0], sizes = [256, 2], strides = [1, 1]} : vector<256x128xi32> to vector<256x2xi32>
    %concatenate3A_1182 = tpu.concatenate %slice3A_1180, %slice3A_1181 in 1 : vector<256x126xi32>, vector<256x2xi32> -> vector<256x128xi32>
    %slice3A_1183 = vector.extract_strided_slice %select_n3A_1166 {offsets = [0, 126], sizes = [256, 2], strides = [1, 1]} : vector<256x128xi32> to vector<256x2xi32>
    %slice3A_1184 = vector.extract_strided_slice %select_n3A_1166 {offsets = [0, 0], sizes = [256, 126], strides = [1, 1]} : vector<256x128xi32> to vector<256x126xi32>
    %concatenate3A_1185 = tpu.concatenate %slice3A_1183, %slice3A_1184 in 1 : vector<256x2xi32>, vector<256x126xi32> -> vector<256x128xi32>
    %select_n3A_1186 = arith.select %eq3A_1172, %concatenate3A_1182, %concatenate3A_1185 : vector<256x128xi1>, vector<256x128xi32>
    %gt3A_1187 = arith.cmpf ogt, %select_n3A_1165, %select_n3A_1179 : vector<256x128xf32>
    %eq3A_1188 = arith.cmpf oeq, %select_n3A_1165, %select_n3A_1179 : vector<256x128xf32>
    %lt3A_1189 = arith.cmpi slt, %select_n3A_1166, %select_n3A_1186 : vector<256x128xi32>
    %and3A_1190 = arith.andi %eq3A_1188, %lt3A_1189 : vector<256x128xi1>
    %or3A_1191 = arith.ori %gt3A_1187, %and3A_1190 : vector<256x128xi1>
    %eq3A_1192 = arith.xori %eq3A_1172, %eq3A_968 : vector<256x128xi1>
    %eq3A_1193 = arith.constant dense<true> : vector<256x128xi1>
    %eq3A_1194 = arith.xori %eq3A_1192, %eq3A_1193 : vector<256x128xi1>
    %eq3A_1195 = arith.xori %or3A_1191, %eq3A_1194 : vector<256x128xi1>
    %eq3A_1196 = arith.constant dense<true> : vector<256x128xi1>
    %eq3A_1197 = arith.xori %eq3A_1195, %eq3A_1196 : vector<256x128xi1>
    %select_n3A_1198 = arith.select %eq3A_1197, %select_n3A_1165, %select_n3A_1179 : vector<256x128xi1>, vector<256x128xf32>
    %select_n3A_1199 = arith.select %eq3A_1197, %select_n3A_1166, %select_n3A_1186 : vector<256x128xi1>, vector<256x128xi32>
    %and3A_1200 = arith.constant 1 : i32
    %and3A_1201 = vector.broadcast %and3A_1200 : i32 to vector<256x128xi32>
    %and3A_1202 = arith.andi %iota3A_0, %and3A_1201 : vector<256x128xi32>
    %eq3A_1203 = arith.constant 0 : i32
    %eq3A_1204 = vector.broadcast %eq3A_1203 : i32 to vector<256x128xi32>
    %eq3A_1205 = arith.cmpi eq, %and3A_1202, %eq3A_1204 : vector<256x128xi32>
    %slice3A_1206 = vector.extract_strided_slice %select_n3A_1198 {offsets = [0, 1], sizes = [256, 127], strides = [1, 1]} : vector<256x128xf32> to vector<256x127xf32>
    %slice3A_1207 = vector.extract_strided_slice %select_n3A_1198 {offsets = [0, 0], sizes = [256, 1], strides = [1, 1]} : vector<256x128xf32> to vector<256x1xf32>
    %concatenate3A_1208 = tpu.concatenate %slice3A_1206, %slice3A_1207 in 1 : vector<256x127xf32>, vector<256x1xf32> -> vector<256x128xf32>
    %slice3A_1209 = vector.extract_strided_slice %select_n3A_1198 {offsets = [0, 127], sizes = [256, 1], strides = [1, 1]} : vector<256x128xf32> to vector<256x1xf32>
    %slice3A_1210 = vector.extract_strided_slice %select_n3A_1198 {offsets = [0, 0], sizes = [256, 127], strides = [1, 1]} : vector<256x128xf32> to vector<256x127xf32>
    %concatenate3A_1211 = tpu.concatenate %slice3A_1209, %slice3A_1210 in 1 : vector<256x1xf32>, vector<256x127xf32> -> vector<256x128xf32>
    %select_n3A_1212 = arith.select %eq3A_1205, %concatenate3A_1208, %concatenate3A_1211 : vector<256x128xi1>, vector<256x128xf32>
    %slice3A_1213 = vector.extract_strided_slice %select_n3A_1199 {offsets = [0, 1], sizes = [256, 127], strides = [1, 1]} : vector<256x128xi32> to vector<256x127xi32>
    %slice3A_1214 = vector.extract_strided_slice %select_n3A_1199 {offsets = [0, 0], sizes = [256, 1], strides = [1, 1]} : vector<256x128xi32> to vector<256x1xi32>
    %concatenate3A_1215 = tpu.concatenate %slice3A_1213, %slice3A_1214 in 1 : vector<256x127xi32>, vector<256x1xi32> -> vector<256x128xi32>
    %slice3A_1216 = vector.extract_strided_slice %select_n3A_1199 {offsets = [0, 127], sizes = [256, 1], strides = [1, 1]} : vector<256x128xi32> to vector<256x1xi32>
    %slice3A_1217 = vector.extract_strided_slice %select_n3A_1199 {offsets = [0, 0], sizes = [256, 127], strides = [1, 1]} : vector<256x128xi32> to vector<256x127xi32>
    %concatenate3A_1218 = tpu.concatenate %slice3A_1216, %slice3A_1217 in 1 : vector<256x1xi32>, vector<256x127xi32> -> vector<256x128xi32>
    %select_n3A_1219 = arith.select %eq3A_1205, %concatenate3A_1215, %concatenate3A_1218 : vector<256x128xi1>, vector<256x128xi32>
    %gt3A_1220 = arith.cmpf ogt, %select_n3A_1198, %select_n3A_1212 : vector<256x128xf32>
    %eq3A_1221 = arith.cmpf oeq, %select_n3A_1198, %select_n3A_1212 : vector<256x128xf32>
    %lt3A_1222 = arith.cmpi slt, %select_n3A_1199, %select_n3A_1219 : vector<256x128xi32>
    %and3A_1223 = arith.andi %eq3A_1221, %lt3A_1222 : vector<256x128xi1>
    %or3A_1224 = arith.ori %gt3A_1220, %and3A_1223 : vector<256x128xi1>
    %eq3A_1225 = arith.xori %eq3A_1205, %eq3A_968 : vector<256x128xi1>
    %eq3A_1226 = arith.constant dense<true> : vector<256x128xi1>
    %eq3A_1227 = arith.xori %eq3A_1225, %eq3A_1226 : vector<256x128xi1>
    %eq3A_1228 = arith.xori %or3A_1224, %eq3A_1227 : vector<256x128xi1>
    %eq3A_1229 = arith.constant dense<true> : vector<256x128xi1>
    %eq3A_1230 = arith.xori %eq3A_1228, %eq3A_1229 : vector<256x128xi1>
    %select_n3A_1231 = arith.select %eq3A_1230, %select_n3A_1198, %select_n3A_1212 : vector<256x128xi1>, vector<256x128xf32>
    %select_n3A_1232 = arith.select %eq3A_1230, %select_n3A_1199, %select_n3A_1219 : vector<256x128xi1>, vector<256x128xi32>
    %and3A_1233 = arith.constant 512 : i32
    %and3A_1234 = vector.broadcast %and3A_1233 : i32 to vector<256x128xi32>
    %and3A_1235 = arith.andi %add3A, %and3A_1234 : vector<256x128xi32>
    %eq3A_1236 = arith.constant 0 : i32
    %eq3A_1237 = vector.broadcast %eq3A_1236 : i32 to vector<256x128xi32>
    %eq3A_1238 = arith.cmpi eq, %and3A_1235, %eq3A_1237 : vector<256x128xi32>
    %and3A_1239 = arith.constant 2 : i32
    %and3A_1240 = vector.broadcast %and3A_1239 : i32 to vector<256x128xi32>
    %and3A_1241 = arith.andi %iota3A, %and3A_1240 : vector<256x128xi32>
    %eq3A_1242 = arith.constant 0 : i32
    %eq3A_1243 = vector.broadcast %eq3A_1242 : i32 to vector<256x128xi32>
    %eq3A_1244 = arith.cmpi eq, %and3A_1241, %eq3A_1243 : vector<256x128xi32>
    %slice3A_1245 = vector.extract_strided_slice %select_n3A_1231 {offsets = [2, 0], sizes = [254, 128], strides = [1, 1]} : vector<256x128xf32> to vector<254x128xf32>
    %slice3A_1246 = vector.extract_strided_slice %select_n3A_1231 {offsets = [0, 0], sizes = [2, 128], strides = [1, 1]} : vector<256x128xf32> to vector<2x128xf32>
    %concatenate3A_1247 = tpu.concatenate %slice3A_1245, %slice3A_1246 in 0 : vector<254x128xf32>, vector<2x128xf32> -> vector<256x128xf32>
    %slice3A_1248 = vector.extract_strided_slice %select_n3A_1231 {offsets = [254, 0], sizes = [2, 128], strides = [1, 1]} : vector<256x128xf32> to vector<2x128xf32>
    %slice3A_1249 = vector.extract_strided_slice %select_n3A_1231 {offsets = [0, 0], sizes = [254, 128], strides = [1, 1]} : vector<256x128xf32> to vector<254x128xf32>
    %concatenate3A_1250 = tpu.concatenate %slice3A_1248, %slice3A_1249 in 0 : vector<2x128xf32>, vector<254x128xf32> -> vector<256x128xf32>
    %select_n3A_1251 = arith.select %eq3A_1244, %concatenate3A_1247, %concatenate3A_1250 : vector<256x128xi1>, vector<256x128xf32>
    %slice3A_1252 = vector.extract_strided_slice %select_n3A_1232 {offsets = [2, 0], sizes = [254, 128], strides = [1, 1]} : vector<256x128xi32> to vector<254x128xi32>
    %slice3A_1253 = vector.extract_strided_slice %select_n3A_1232 {offsets = [0, 0], sizes = [2, 128], strides = [1, 1]} : vector<256x128xi32> to vector<2x128xi32>
    %concatenate3A_1254 = tpu.concatenate %slice3A_1252, %slice3A_1253 in 0 : vector<254x128xi32>, vector<2x128xi32> -> vector<256x128xi32>
    %slice3A_1255 = vector.extract_strided_slice %select_n3A_1232 {offsets = [254, 0], sizes = [2, 128], strides = [1, 1]} : vector<256x128xi32> to vector<2x128xi32>
    %slice3A_1256 = vector.extract_strided_slice %select_n3A_1232 {offsets = [0, 0], sizes = [254, 128], strides = [1, 1]} : vector<256x128xi32> to vector<254x128xi32>
    %concatenate3A_1257 = tpu.concatenate %slice3A_1255, %slice3A_1256 in 0 : vector<2x128xi32>, vector<254x128xi32> -> vector<256x128xi32>
    %select_n3A_1258 = arith.select %eq3A_1244, %concatenate3A_1254, %concatenate3A_1257 : vector<256x128xi1>, vector<256x128xi32>
    %gt3A_1259 = arith.cmpf ogt, %select_n3A_1231, %select_n3A_1251 : vector<256x128xf32>
    %eq3A_1260 = arith.cmpf oeq, %select_n3A_1231, %select_n3A_1251 : vector<256x128xf32>
    %lt3A_1261 = arith.cmpi slt, %select_n3A_1232, %select_n3A_1258 : vector<256x128xi32>
    %and3A_1262 = arith.andi %eq3A_1260, %lt3A_1261 : vector<256x128xi1>
    %or3A_1263 = arith.ori %gt3A_1259, %and3A_1262 : vector<256x128xi1>
    %eq3A_1264 = arith.xori %eq3A_1244, %eq3A_1238 : vector<256x128xi1>
    %eq3A_1265 = arith.constant dense<true> : vector<256x128xi1>
    %eq3A_1266 = arith.xori %eq3A_1264, %eq3A_1265 : vector<256x128xi1>
    %eq3A_1267 = arith.xori %or3A_1263, %eq3A_1266 : vector<256x128xi1>
    %eq3A_1268 = arith.constant dense<true> : vector<256x128xi1>
    %eq3A_1269 = arith.xori %eq3A_1267, %eq3A_1268 : vector<256x128xi1>
    %select_n3A_1270 = arith.select %eq3A_1269, %select_n3A_1231, %select_n3A_1251 : vector<256x128xi1>, vector<256x128xf32>
    %select_n3A_1271 = arith.select %eq3A_1269, %select_n3A_1232, %select_n3A_1258 : vector<256x128xi1>, vector<256x128xi32>
    %and3A_1272 = arith.constant 1 : i32
    %and3A_1273 = vector.broadcast %and3A_1272 : i32 to vector<256x128xi32>
    %and3A_1274 = arith.andi %iota3A, %and3A_1273 : vector<256x128xi32>
    %eq3A_1275 = arith.constant 0 : i32
    %eq3A_1276 = vector.broadcast %eq3A_1275 : i32 to vector<256x128xi32>
    %eq3A_1277 = arith.cmpi eq, %and3A_1274, %eq3A_1276 : vector<256x128xi32>
    %slice3A_1278 = vector.extract_strided_slice %select_n3A_1270 {offsets = [1, 0], sizes = [255, 128], strides = [1, 1]} : vector<256x128xf32> to vector<255x128xf32>
    %slice3A_1279 = vector.extract_strided_slice %select_n3A_1270 {offsets = [0, 0], sizes = [1, 128], strides = [1, 1]} : vector<256x128xf32> to vector<1x128xf32>
    %concatenate3A_1280 = tpu.concatenate %slice3A_1278, %slice3A_1279 in 0 : vector<255x128xf32>, vector<1x128xf32> -> vector<256x128xf32>
    %slice3A_1281 = vector.extract_strided_slice %select_n3A_1270 {offsets = [255, 0], sizes = [1, 128], strides = [1, 1]} : vector<256x128xf32> to vector<1x128xf32>
    %slice3A_1282 = vector.extract_strided_slice %select_n3A_1270 {offsets = [0, 0], sizes = [255, 128], strides = [1, 1]} : vector<256x128xf32> to vector<255x128xf32>
    %concatenate3A_1283 = tpu.concatenate %slice3A_1281, %slice3A_1282 in 0 : vector<1x128xf32>, vector<255x128xf32> -> vector<256x128xf32>
    %select_n3A_1284 = arith.select %eq3A_1277, %concatenate3A_1280, %concatenate3A_1283 : vector<256x128xi1>, vector<256x128xf32>
    %slice3A_1285 = vector.extract_strided_slice %select_n3A_1271 {offsets = [1, 0], sizes = [255, 128], strides = [1, 1]} : vector<256x128xi32> to vector<255x128xi32>
    %slice3A_1286 = vector.extract_strided_slice %select_n3A_1271 {offsets = [0, 0], sizes = [1, 128], strides = [1, 1]} : vector<256x128xi32> to vector<1x128xi32>
    %concatenate3A_1287 = tpu.concatenate %slice3A_1285, %slice3A_1286 in 0 : vector<255x128xi32>, vector<1x128xi32> -> vector<256x128xi32>
    %slice3A_1288 = vector.extract_strided_slice %select_n3A_1271 {offsets = [255, 0], sizes = [1, 128], strides = [1, 1]} : vector<256x128xi32> to vector<1x128xi32>
    %slice3A_1289 = vector.extract_strided_slice %select_n3A_1271 {offsets = [0, 0], sizes = [255, 128], strides = [1, 1]} : vector<256x128xi32> to vector<255x128xi32>
    %concatenate3A_1290 = tpu.concatenate %slice3A_1288, %slice3A_1289 in 0 : vector<1x128xi32>, vector<255x128xi32> -> vector<256x128xi32>
    %select_n3A_1291 = arith.select %eq3A_1277, %concatenate3A_1287, %concatenate3A_1290 : vector<256x128xi1>, vector<256x128xi32>
    %gt3A_1292 = arith.cmpf ogt, %select_n3A_1270, %select_n3A_1284 : vector<256x128xf32>
    %eq3A_1293 = arith.cmpf oeq, %select_n3A_1270, %select_n3A_1284 : vector<256x128xf32>
    %lt3A_1294 = arith.cmpi slt, %select_n3A_1271, %select_n3A_1291 : vector<256x128xi32>
    %and3A_1295 = arith.andi %eq3A_1293, %lt3A_1294 : vector<256x128xi1>
    %or3A_1296 = arith.ori %gt3A_1292, %and3A_1295 : vector<256x128xi1>
    %eq3A_1297 = arith.xori %eq3A_1277, %eq3A_1238 : vector<256x128xi1>
    %eq3A_1298 = arith.constant dense<true> : vector<256x128xi1>
    %eq3A_1299 = arith.xori %eq3A_1297, %eq3A_1298 : vector<256x128xi1>
    %eq3A_1300 = arith.xori %or3A_1296, %eq3A_1299 : vector<256x128xi1>
    %eq3A_1301 = arith.constant dense<true> : vector<256x128xi1>
    %eq3A_1302 = arith.xori %eq3A_1300, %eq3A_1301 : vector<256x128xi1>
    %select_n3A_1303 = arith.select %eq3A_1302, %select_n3A_1270, %select_n3A_1284 : vector<256x128xi1>, vector<256x128xf32>
    %select_n3A_1304 = arith.select %eq3A_1302, %select_n3A_1271, %select_n3A_1291 : vector<256x128xi1>, vector<256x128xi32>
    %and3A_1305 = arith.constant 64 : i32
    %and3A_1306 = vector.broadcast %and3A_1305 : i32 to vector<256x128xi32>
    %and3A_1307 = arith.andi %iota3A_0, %and3A_1306 : vector<256x128xi32>
    %eq3A_1308 = arith.constant 0 : i32
    %eq3A_1309 = vector.broadcast %eq3A_1308 : i32 to vector<256x128xi32>
    %eq3A_1310 = arith.cmpi eq, %and3A_1307, %eq3A_1309 : vector<256x128xi32>
    %slice3A_1311 = vector.extract_strided_slice %select_n3A_1303 {offsets = [0, 64], sizes = [256, 64], strides = [1, 1]} : vector<256x128xf32> to vector<256x64xf32>
    %slice3A_1312 = vector.extract_strided_slice %select_n3A_1303 {offsets = [0, 0], sizes = [256, 64], strides = [1, 1]} : vector<256x128xf32> to vector<256x64xf32>
    %concatenate3A_1313 = tpu.concatenate %slice3A_1311, %slice3A_1312 in 1 : vector<256x64xf32>, vector<256x64xf32> -> vector<256x128xf32>
    %slice3A_1314 = vector.extract_strided_slice %select_n3A_1303 {offsets = [0, 64], sizes = [256, 64], strides = [1, 1]} : vector<256x128xf32> to vector<256x64xf32>
    %slice3A_1315 = vector.extract_strided_slice %select_n3A_1303 {offsets = [0, 0], sizes = [256, 64], strides = [1, 1]} : vector<256x128xf32> to vector<256x64xf32>
    %concatenate3A_1316 = tpu.concatenate %slice3A_1314, %slice3A_1315 in 1 : vector<256x64xf32>, vector<256x64xf32> -> vector<256x128xf32>
    %select_n3A_1317 = arith.select %eq3A_1310, %concatenate3A_1313, %concatenate3A_1316 : vector<256x128xi1>, vector<256x128xf32>
    %slice3A_1318 = vector.extract_strided_slice %select_n3A_1304 {offsets = [0, 64], sizes = [256, 64], strides = [1, 1]} : vector<256x128xi32> to vector<256x64xi32>
    %slice3A_1319 = vector.extract_strided_slice %select_n3A_1304 {offsets = [0, 0], sizes = [256, 64], strides = [1, 1]} : vector<256x128xi32> to vector<256x64xi32>
    %concatenate3A_1320 = tpu.concatenate %slice3A_1318, %slice3A_1319 in 1 : vector<256x64xi32>, vector<256x64xi32> -> vector<256x128xi32>
    %slice3A_1321 = vector.extract_strided_slice %select_n3A_1304 {offsets = [0, 64], sizes = [256, 64], strides = [1, 1]} : vector<256x128xi32> to vector<256x64xi32>
    %slice3A_1322 = vector.extract_strided_slice %select_n3A_1304 {offsets = [0, 0], sizes = [256, 64], strides = [1, 1]} : vector<256x128xi32> to vector<256x64xi32>
    %concatenate3A_1323 = tpu.concatenate %slice3A_1321, %slice3A_1322 in 1 : vector<256x64xi32>, vector<256x64xi32> -> vector<256x128xi32>
    %select_n3A_1324 = arith.select %eq3A_1310, %concatenate3A_1320, %concatenate3A_1323 : vector<256x128xi1>, vector<256x128xi32>
    %gt3A_1325 = arith.cmpf ogt, %select_n3A_1303, %select_n3A_1317 : vector<256x128xf32>
    %eq3A_1326 = arith.cmpf oeq, %select_n3A_1303, %select_n3A_1317 : vector<256x128xf32>
    %lt3A_1327 = arith.cmpi slt, %select_n3A_1304, %select_n3A_1324 : vector<256x128xi32>
    %and3A_1328 = arith.andi %eq3A_1326, %lt3A_1327 : vector<256x128xi1>
    %or3A_1329 = arith.ori %gt3A_1325, %and3A_1328 : vector<256x128xi1>
    %eq3A_1330 = arith.xori %eq3A_1310, %eq3A_1238 : vector<256x128xi1>
    %eq3A_1331 = arith.constant dense<true> : vector<256x128xi1>
    %eq3A_1332 = arith.xori %eq3A_1330, %eq3A_1331 : vector<256x128xi1>
    %eq3A_1333 = arith.xori %or3A_1329, %eq3A_1332 : vector<256x128xi1>
    %eq3A_1334 = arith.constant dense<true> : vector<256x128xi1>
    %eq3A_1335 = arith.xori %eq3A_1333, %eq3A_1334 : vector<256x128xi1>
    %select_n3A_1336 = arith.select %eq3A_1335, %select_n3A_1303, %select_n3A_1317 : vector<256x128xi1>, vector<256x128xf32>
    %select_n3A_1337 = arith.select %eq3A_1335, %select_n3A_1304, %select_n3A_1324 : vector<256x128xi1>, vector<256x128xi32>
    %and3A_1338 = arith.constant 32 : i32
    %and3A_1339 = vector.broadcast %and3A_1338 : i32 to vector<256x128xi32>
    %and3A_1340 = arith.andi %iota3A_0, %and3A_1339 : vector<256x128xi32>
    %eq3A_1341 = arith.constant 0 : i32
    %eq3A_1342 = vector.broadcast %eq3A_1341 : i32 to vector<256x128xi32>
    %eq3A_1343 = arith.cmpi eq, %and3A_1340, %eq3A_1342 : vector<256x128xi32>
    %slice3A_1344 = vector.extract_strided_slice %select_n3A_1336 {offsets = [0, 32], sizes = [256, 96], strides = [1, 1]} : vector<256x128xf32> to vector<256x96xf32>
    %slice3A_1345 = vector.extract_strided_slice %select_n3A_1336 {offsets = [0, 0], sizes = [256, 32], strides = [1, 1]} : vector<256x128xf32> to vector<256x32xf32>
    %concatenate3A_1346 = tpu.concatenate %slice3A_1344, %slice3A_1345 in 1 : vector<256x96xf32>, vector<256x32xf32> -> vector<256x128xf32>
    %slice3A_1347 = vector.extract_strided_slice %select_n3A_1336 {offsets = [0, 96], sizes = [256, 32], strides = [1, 1]} : vector<256x128xf32> to vector<256x32xf32>
    %slice3A_1348 = vector.extract_strided_slice %select_n3A_1336 {offsets = [0, 0], sizes = [256, 96], strides = [1, 1]} : vector<256x128xf32> to vector<256x96xf32>
    %concatenate3A_1349 = tpu.concatenate %slice3A_1347, %slice3A_1348 in 1 : vector<256x32xf32>, vector<256x96xf32> -> vector<256x128xf32>
    %select_n3A_1350 = arith.select %eq3A_1343, %concatenate3A_1346, %concatenate3A_1349 : vector<256x128xi1>, vector<256x128xf32>
    %slice3A_1351 = vector.extract_strided_slice %select_n3A_1337 {offsets = [0, 32], sizes = [256, 96], strides = [1, 1]} : vector<256x128xi32> to vector<256x96xi32>
    %slice3A_1352 = vector.extract_strided_slice %select_n3A_1337 {offsets = [0, 0], sizes = [256, 32], strides = [1, 1]} : vector<256x128xi32> to vector<256x32xi32>
    %concatenate3A_1353 = tpu.concatenate %slice3A_1351, %slice3A_1352 in 1 : vector<256x96xi32>, vector<256x32xi32> -> vector<256x128xi32>
    %slice3A_1354 = vector.extract_strided_slice %select_n3A_1337 {offsets = [0, 96], sizes = [256, 32], strides = [1, 1]} : vector<256x128xi32> to vector<256x32xi32>
    %slice3A_1355 = vector.extract_strided_slice %select_n3A_1337 {offsets = [0, 0], sizes = [256, 96], strides = [1, 1]} : vector<256x128xi32> to vector<256x96xi32>
    %concatenate3A_1356 = tpu.concatenate %slice3A_1354, %slice3A_1355 in 1 : vector<256x32xi32>, vector<256x96xi32> -> vector<256x128xi32>
    %select_n3A_1357 = arith.select %eq3A_1343, %concatenate3A_1353, %concatenate3A_1356 : vector<256x128xi1>, vector<256x128xi32>
    %gt3A_1358 = arith.cmpf ogt, %select_n3A_1336, %select_n3A_1350 : vector<256x128xf32>
    %eq3A_1359 = arith.cmpf oeq, %select_n3A_1336, %select_n3A_1350 : vector<256x128xf32>
    %lt3A_1360 = arith.cmpi slt, %select_n3A_1337, %select_n3A_1357 : vector<256x128xi32>
    %and3A_1361 = arith.andi %eq3A_1359, %lt3A_1360 : vector<256x128xi1>
    %or3A_1362 = arith.ori %gt3A_1358, %and3A_1361 : vector<256x128xi1>
    %eq3A_1363 = arith.xori %eq3A_1343, %eq3A_1238 : vector<256x128xi1>
    %eq3A_1364 = arith.constant dense<true> : vector<256x128xi1>
    %eq3A_1365 = arith.xori %eq3A_1363, %eq3A_1364 : vector<256x128xi1>
    %eq3A_1366 = arith.xori %or3A_1362, %eq3A_1365 : vector<256x128xi1>
    %eq3A_1367 = arith.constant dense<true> : vector<256x128xi1>
    %eq3A_1368 = arith.xori %eq3A_1366, %eq3A_1367 : vector<256x128xi1>
    %select_n3A_1369 = arith.select %eq3A_1368, %select_n3A_1336, %select_n3A_1350 : vector<256x128xi1>, vector<256x128xf32>
    %select_n3A_1370 = arith.select %eq3A_1368, %select_n3A_1337, %select_n3A_1357 : vector<256x128xi1>, vector<256x128xi32>
    %and3A_1371 = arith.constant 16 : i32
    %and3A_1372 = vector.broadcast %and3A_1371 : i32 to vector<256x128xi32>
    %and3A_1373 = arith.andi %iota3A_0, %and3A_1372 : vector<256x128xi32>
    %eq3A_1374 = arith.constant 0 : i32
    %eq3A_1375 = vector.broadcast %eq3A_1374 : i32 to vector<256x128xi32>
    %eq3A_1376 = arith.cmpi eq, %and3A_1373, %eq3A_1375 : vector<256x128xi32>
    %slice3A_1377 = vector.extract_strided_slice %select_n3A_1369 {offsets = [0, 16], sizes = [256, 112], strides = [1, 1]} : vector<256x128xf32> to vector<256x112xf32>
    %slice3A_1378 = vector.extract_strided_slice %select_n3A_1369 {offsets = [0, 0], sizes = [256, 16], strides = [1, 1]} : vector<256x128xf32> to vector<256x16xf32>
    %concatenate3A_1379 = tpu.concatenate %slice3A_1377, %slice3A_1378 in 1 : vector<256x112xf32>, vector<256x16xf32> -> vector<256x128xf32>
    %slice3A_1380 = vector.extract_strided_slice %select_n3A_1369 {offsets = [0, 112], sizes = [256, 16], strides = [1, 1]} : vector<256x128xf32> to vector<256x16xf32>
    %slice3A_1381 = vector.extract_strided_slice %select_n3A_1369 {offsets = [0, 0], sizes = [256, 112], strides = [1, 1]} : vector<256x128xf32> to vector<256x112xf32>
    %concatenate3A_1382 = tpu.concatenate %slice3A_1380, %slice3A_1381 in 1 : vector<256x16xf32>, vector<256x112xf32> -> vector<256x128xf32>
    %select_n3A_1383 = arith.select %eq3A_1376, %concatenate3A_1379, %concatenate3A_1382 : vector<256x128xi1>, vector<256x128xf32>
    %slice3A_1384 = vector.extract_strided_slice %select_n3A_1370 {offsets = [0, 16], sizes = [256, 112], strides = [1, 1]} : vector<256x128xi32> to vector<256x112xi32>
    %slice3A_1385 = vector.extract_strided_slice %select_n3A_1370 {offsets = [0, 0], sizes = [256, 16], strides = [1, 1]} : vector<256x128xi32> to vector<256x16xi32>
    %concatenate3A_1386 = tpu.concatenate %slice3A_1384, %slice3A_1385 in 1 : vector<256x112xi32>, vector<256x16xi32> -> vector<256x128xi32>
    %slice3A_1387 = vector.extract_strided_slice %select_n3A_1370 {offsets = [0, 112], sizes = [256, 16], strides = [1, 1]} : vector<256x128xi32> to vector<256x16xi32>
    %slice3A_1388 = vector.extract_strided_slice %select_n3A_1370 {offsets = [0, 0], sizes = [256, 112], strides = [1, 1]} : vector<256x128xi32> to vector<256x112xi32>
    %concatenate3A_1389 = tpu.concatenate %slice3A_1387, %slice3A_1388 in 1 : vector<256x16xi32>, vector<256x112xi32> -> vector<256x128xi32>
    %select_n3A_1390 = arith.select %eq3A_1376, %concatenate3A_1386, %concatenate3A_1389 : vector<256x128xi1>, vector<256x128xi32>
    %gt3A_1391 = arith.cmpf ogt, %select_n3A_1369, %select_n3A_1383 : vector<256x128xf32>
    %eq3A_1392 = arith.cmpf oeq, %select_n3A_1369, %select_n3A_1383 : vector<256x128xf32>
    %lt3A_1393 = arith.cmpi slt, %select_n3A_1370, %select_n3A_1390 : vector<256x128xi32>
    %and3A_1394 = arith.andi %eq3A_1392, %lt3A_1393 : vector<256x128xi1>
    %or3A_1395 = arith.ori %gt3A_1391, %and3A_1394 : vector<256x128xi1>
    %eq3A_1396 = arith.xori %eq3A_1376, %eq3A_1238 : vector<256x128xi1>
    %eq3A_1397 = arith.constant dense<true> : vector<256x128xi1>
    %eq3A_1398 = arith.xori %eq3A_1396, %eq3A_1397 : vector<256x128xi1>
    %eq3A_1399 = arith.xori %or3A_1395, %eq3A_1398 : vector<256x128xi1>
    %eq3A_1400 = arith.constant dense<true> : vector<256x128xi1>
    %eq3A_1401 = arith.xori %eq3A_1399, %eq3A_1400 : vector<256x128xi1>
    %select_n3A_1402 = arith.select %eq3A_1401, %select_n3A_1369, %select_n3A_1383 : vector<256x128xi1>, vector<256x128xf32>
    %select_n3A_1403 = arith.select %eq3A_1401, %select_n3A_1370, %select_n3A_1390 : vector<256x128xi1>, vector<256x128xi32>
    %and3A_1404 = arith.constant 8 : i32
    %and3A_1405 = vector.broadcast %and3A_1404 : i32 to vector<256x128xi32>
    %and3A_1406 = arith.andi %iota3A_0, %and3A_1405 : vector<256x128xi32>
    %eq3A_1407 = arith.constant 0 : i32
    %eq3A_1408 = vector.broadcast %eq3A_1407 : i32 to vector<256x128xi32>
    %eq3A_1409 = arith.cmpi eq, %and3A_1406, %eq3A_1408 : vector<256x128xi32>
    %slice3A_1410 = vector.extract_strided_slice %select_n3A_1402 {offsets = [0, 8], sizes = [256, 120], strides = [1, 1]} : vector<256x128xf32> to vector<256x120xf32>
    %slice3A_1411 = vector.extract_strided_slice %select_n3A_1402 {offsets = [0, 0], sizes = [256, 8], strides = [1, 1]} : vector<256x128xf32> to vector<256x8xf32>
    %concatenate3A_1412 = tpu.concatenate %slice3A_1410, %slice3A_1411 in 1 : vector<256x120xf32>, vector<256x8xf32> -> vector<256x128xf32>
    %slice3A_1413 = vector.extract_strided_slice %select_n3A_1402 {offsets = [0, 120], sizes = [256, 8], strides = [1, 1]} : vector<256x128xf32> to vector<256x8xf32>
    %slice3A_1414 = vector.extract_strided_slice %select_n3A_1402 {offsets = [0, 0], sizes = [256, 120], strides = [1, 1]} : vector<256x128xf32> to vector<256x120xf32>
    %concatenate3A_1415 = tpu.concatenate %slice3A_1413, %slice3A_1414 in 1 : vector<256x8xf32>, vector<256x120xf32> -> vector<256x128xf32>
    %select_n3A_1416 = arith.select %eq3A_1409, %concatenate3A_1412, %concatenate3A_1415 : vector<256x128xi1>, vector<256x128xf32>
    %slice3A_1417 = vector.extract_strided_slice %select_n3A_1403 {offsets = [0, 8], sizes = [256, 120], strides = [1, 1]} : vector<256x128xi32> to vector<256x120xi32>
    %slice3A_1418 = vector.extract_strided_slice %select_n3A_1403 {offsets = [0, 0], sizes = [256, 8], strides = [1, 1]} : vector<256x128xi32> to vector<256x8xi32>
    %concatenate3A_1419 = tpu.concatenate %slice3A_1417, %slice3A_1418 in 1 : vector<256x120xi32>, vector<256x8xi32> -> vector<256x128xi32>
    %slice3A_1420 = vector.extract_strided_slice %select_n3A_1403 {offsets = [0, 120], sizes = [256, 8], strides = [1, 1]} : vector<256x128xi32> to vector<256x8xi32>
    %slice3A_1421 = vector.extract_strided_slice %select_n3A_1403 {offsets = [0, 0], sizes = [256, 120], strides = [1, 1]} : vector<256x128xi32> to vector<256x120xi32>
    %concatenate3A_1422 = tpu.concatenate %slice3A_1420, %slice3A_1421 in 1 : vector<256x8xi32>, vector<256x120xi32> -> vector<256x128xi32>
    %select_n3A_1423 = arith.select %eq3A_1409, %concatenate3A_1419, %concatenate3A_1422 : vector<256x128xi1>, vector<256x128xi32>
    %gt3A_1424 = arith.cmpf ogt, %select_n3A_1402, %select_n3A_1416 : vector<256x128xf32>
    %eq3A_1425 = arith.cmpf oeq, %select_n3A_1402, %select_n3A_1416 : vector<256x128xf32>
    %lt3A_1426 = arith.cmpi slt, %select_n3A_1403, %select_n3A_1423 : vector<256x128xi32>
    %and3A_1427 = arith.andi %eq3A_1425, %lt3A_1426 : vector<256x128xi1>
    %or3A_1428 = arith.ori %gt3A_1424, %and3A_1427 : vector<256x128xi1>
    %eq3A_1429 = arith.xori %eq3A_1409, %eq3A_1238 : vector<256x128xi1>
    %eq3A_1430 = arith.constant dense<true> : vector<256x128xi1>
    %eq3A_1431 = arith.xori %eq3A_1429, %eq3A_1430 : vector<256x128xi1>
    %eq3A_1432 = arith.xori %or3A_1428, %eq3A_1431 : vector<256x128xi1>
    %eq3A_1433 = arith.constant dense<true> : vector<256x128xi1>
    %eq3A_1434 = arith.xori %eq3A_1432, %eq3A_1433 : vector<256x128xi1>
    %select_n3A_1435 = arith.select %eq3A_1434, %select_n3A_1402, %select_n3A_1416 : vector<256x128xi1>, vector<256x128xf32>
    %select_n3A_1436 = arith.select %eq3A_1434, %select_n3A_1403, %select_n3A_1423 : vector<256x128xi1>, vector<256x128xi32>
    %and3A_1437 = arith.constant 4 : i32
    %and3A_1438 = vector.broadcast %and3A_1437 : i32 to vector<256x128xi32>
    %and3A_1439 = arith.andi %iota3A_0, %and3A_1438 : vector<256x128xi32>
    %eq3A_1440 = arith.constant 0 : i32
    %eq3A_1441 = vector.broadcast %eq3A_1440 : i32 to vector<256x128xi32>
    %eq3A_1442 = arith.cmpi eq, %and3A_1439, %eq3A_1441 : vector<256x128xi32>
    %slice3A_1443 = vector.extract_strided_slice %select_n3A_1435 {offsets = [0, 4], sizes = [256, 124], strides = [1, 1]} : vector<256x128xf32> to vector<256x124xf32>
    %slice3A_1444 = vector.extract_strided_slice %select_n3A_1435 {offsets = [0, 0], sizes = [256, 4], strides = [1, 1]} : vector<256x128xf32> to vector<256x4xf32>
    %concatenate3A_1445 = tpu.concatenate %slice3A_1443, %slice3A_1444 in 1 : vector<256x124xf32>, vector<256x4xf32> -> vector<256x128xf32>
    %slice3A_1446 = vector.extract_strided_slice %select_n3A_1435 {offsets = [0, 124], sizes = [256, 4], strides = [1, 1]} : vector<256x128xf32> to vector<256x4xf32>
    %slice3A_1447 = vector.extract_strided_slice %select_n3A_1435 {offsets = [0, 0], sizes = [256, 124], strides = [1, 1]} : vector<256x128xf32> to vector<256x124xf32>
    %concatenate3A_1448 = tpu.concatenate %slice3A_1446, %slice3A_1447 in 1 : vector<256x4xf32>, vector<256x124xf32> -> vector<256x128xf32>
    %select_n3A_1449 = arith.select %eq3A_1442, %concatenate3A_1445, %concatenate3A_1448 : vector<256x128xi1>, vector<256x128xf32>
    %slice3A_1450 = vector.extract_strided_slice %select_n3A_1436 {offsets = [0, 4], sizes = [256, 124], strides = [1, 1]} : vector<256x128xi32> to vector<256x124xi32>
    %slice3A_1451 = vector.extract_strided_slice %select_n3A_1436 {offsets = [0, 0], sizes = [256, 4], strides = [1, 1]} : vector<256x128xi32> to vector<256x4xi32>
    %concatenate3A_1452 = tpu.concatenate %slice3A_1450, %slice3A_1451 in 1 : vector<256x124xi32>, vector<256x4xi32> -> vector<256x128xi32>
    %slice3A_1453 = vector.extract_strided_slice %select_n3A_1436 {offsets = [0, 124], sizes = [256, 4], strides = [1, 1]} : vector<256x128xi32> to vector<256x4xi32>
    %slice3A_1454 = vector.extract_strided_slice %select_n3A_1436 {offsets = [0, 0], sizes = [256, 124], strides = [1, 1]} : vector<256x128xi32> to vector<256x124xi32>
    %concatenate3A_1455 = tpu.concatenate %slice3A_1453, %slice3A_1454 in 1 : vector<256x4xi32>, vector<256x124xi32> -> vector<256x128xi32>
    %select_n3A_1456 = arith.select %eq3A_1442, %concatenate3A_1452, %concatenate3A_1455 : vector<256x128xi1>, vector<256x128xi32>
    %gt3A_1457 = arith.cmpf ogt, %select_n3A_1435, %select_n3A_1449 : vector<256x128xf32>
    %eq3A_1458 = arith.cmpf oeq, %select_n3A_1435, %select_n3A_1449 : vector<256x128xf32>
    %lt3A_1459 = arith.cmpi slt, %select_n3A_1436, %select_n3A_1456 : vector<256x128xi32>
    %and3A_1460 = arith.andi %eq3A_1458, %lt3A_1459 : vector<256x128xi1>
    %or3A_1461 = arith.ori %gt3A_1457, %and3A_1460 : vector<256x128xi1>
    %eq3A_1462 = arith.xori %eq3A_1442, %eq3A_1238 : vector<256x128xi1>
    %eq3A_1463 = arith.constant dense<true> : vector<256x128xi1>
    %eq3A_1464 = arith.xori %eq3A_1462, %eq3A_1463 : vector<256x128xi1>
    %eq3A_1465 = arith.xori %or3A_1461, %eq3A_1464 : vector<256x128xi1>
    %eq3A_1466 = arith.constant dense<true> : vector<256x128xi1>
    %eq3A_1467 = arith.xori %eq3A_1465, %eq3A_1466 : vector<256x128xi1>
    %select_n3A_1468 = arith.select %eq3A_1467, %select_n3A_1435, %select_n3A_1449 : vector<256x128xi1>, vector<256x128xf32>
    %select_n3A_1469 = arith.select %eq3A_1467, %select_n3A_1436, %select_n3A_1456 : vector<256x128xi1>, vector<256x128xi32>
    %and3A_1470 = arith.constant 2 : i32
    %and3A_1471 = vector.broadcast %and3A_1470 : i32 to vector<256x128xi32>
    %and3A_1472 = arith.andi %iota3A_0, %and3A_1471 : vector<256x128xi32>
    %eq3A_1473 = arith.constant 0 : i32
    %eq3A_1474 = vector.broadcast %eq3A_1473 : i32 to vector<256x128xi32>
    %eq3A_1475 = arith.cmpi eq, %and3A_1472, %eq3A_1474 : vector<256x128xi32>
    %slice3A_1476 = vector.extract_strided_slice %select_n3A_1468 {offsets = [0, 2], sizes = [256, 126], strides = [1, 1]} : vector<256x128xf32> to vector<256x126xf32>
    %slice3A_1477 = vector.extract_strided_slice %select_n3A_1468 {offsets = [0, 0], sizes = [256, 2], strides = [1, 1]} : vector<256x128xf32> to vector<256x2xf32>
    %concatenate3A_1478 = tpu.concatenate %slice3A_1476, %slice3A_1477 in 1 : vector<256x126xf32>, vector<256x2xf32> -> vector<256x128xf32>
    %slice3A_1479 = vector.extract_strided_slice %select_n3A_1468 {offsets = [0, 126], sizes = [256, 2], strides = [1, 1]} : vector<256x128xf32> to vector<256x2xf32>
    %slice3A_1480 = vector.extract_strided_slice %select_n3A_1468 {offsets = [0, 0], sizes = [256, 126], strides = [1, 1]} : vector<256x128xf32> to vector<256x126xf32>
    %concatenate3A_1481 = tpu.concatenate %slice3A_1479, %slice3A_1480 in 1 : vector<256x2xf32>, vector<256x126xf32> -> vector<256x128xf32>
    %select_n3A_1482 = arith.select %eq3A_1475, %concatenate3A_1478, %concatenate3A_1481 : vector<256x128xi1>, vector<256x128xf32>
    %slice3A_1483 = vector.extract_strided_slice %select_n3A_1469 {offsets = [0, 2], sizes = [256, 126], strides = [1, 1]} : vector<256x128xi32> to vector<256x126xi32>
    %slice3A_1484 = vector.extract_strided_slice %select_n3A_1469 {offsets = [0, 0], sizes = [256, 2], strides = [1, 1]} : vector<256x128xi32> to vector<256x2xi32>
    %concatenate3A_1485 = tpu.concatenate %slice3A_1483, %slice3A_1484 in 1 : vector<256x126xi32>, vector<256x2xi32> -> vector<256x128xi32>
    %slice3A_1486 = vector.extract_strided_slice %select_n3A_1469 {offsets = [0, 126], sizes = [256, 2], strides = [1, 1]} : vector<256x128xi32> to vector<256x2xi32>
    %slice3A_1487 = vector.extract_strided_slice %select_n3A_1469 {offsets = [0, 0], sizes = [256, 126], strides = [1, 1]} : vector<256x128xi32> to vector<256x126xi32>
    %concatenate3A_1488 = tpu.concatenate %slice3A_1486, %slice3A_1487 in 1 : vector<256x2xi32>, vector<256x126xi32> -> vector<256x128xi32>
    %select_n3A_1489 = arith.select %eq3A_1475, %concatenate3A_1485, %concatenate3A_1488 : vector<256x128xi1>, vector<256x128xi32>
    %gt3A_1490 = arith.cmpf ogt, %select_n3A_1468, %select_n3A_1482 : vector<256x128xf32>
    %eq3A_1491 = arith.cmpf oeq, %select_n3A_1468, %select_n3A_1482 : vector<256x128xf32>
    %lt3A_1492 = arith.cmpi slt, %select_n3A_1469, %select_n3A_1489 : vector<256x128xi32>
    %and3A_1493 = arith.andi %eq3A_1491, %lt3A_1492 : vector<256x128xi1>
    %or3A_1494 = arith.ori %gt3A_1490, %and3A_1493 : vector<256x128xi1>
    %eq3A_1495 = arith.xori %eq3A_1475, %eq3A_1238 : vector<256x128xi1>
    %eq3A_1496 = arith.constant dense<true> : vector<256x128xi1>
    %eq3A_1497 = arith.xori %eq3A_1495, %eq3A_1496 : vector<256x128xi1>
    %eq3A_1498 = arith.xori %or3A_1494, %eq3A_1497 : vector<256x128xi1>
    %eq3A_1499 = arith.constant dense<true> : vector<256x128xi1>
    %eq3A_1500 = arith.xori %eq3A_1498, %eq3A_1499 : vector<256x128xi1>
    %select_n3A_1501 = arith.select %eq3A_1500, %select_n3A_1468, %select_n3A_1482 : vector<256x128xi1>, vector<256x128xf32>
    %select_n3A_1502 = arith.select %eq3A_1500, %select_n3A_1469, %select_n3A_1489 : vector<256x128xi1>, vector<256x128xi32>
    %and3A_1503 = arith.constant 1 : i32
    %and3A_1504 = vector.broadcast %and3A_1503 : i32 to vector<256x128xi32>
    %and3A_1505 = arith.andi %iota3A_0, %and3A_1504 : vector<256x128xi32>
    %eq3A_1506 = arith.constant 0 : i32
    %eq3A_1507 = vector.broadcast %eq3A_1506 : i32 to vector<256x128xi32>
    %eq3A_1508 = arith.cmpi eq, %and3A_1505, %eq3A_1507 : vector<256x128xi32>
    %slice3A_1509 = vector.extract_strided_slice %select_n3A_1501 {offsets = [0, 1], sizes = [256, 127], strides = [1, 1]} : vector<256x128xf32> to vector<256x127xf32>
    %slice3A_1510 = vector.extract_strided_slice %select_n3A_1501 {offsets = [0, 0], sizes = [256, 1], strides = [1, 1]} : vector<256x128xf32> to vector<256x1xf32>
    %concatenate3A_1511 = tpu.concatenate %slice3A_1509, %slice3A_1510 in 1 : vector<256x127xf32>, vector<256x1xf32> -> vector<256x128xf32>
    %slice3A_1512 = vector.extract_strided_slice %select_n3A_1501 {offsets = [0, 127], sizes = [256, 1], strides = [1, 1]} : vector<256x128xf32> to vector<256x1xf32>
    %slice3A_1513 = vector.extract_strided_slice %select_n3A_1501 {offsets = [0, 0], sizes = [256, 127], strides = [1, 1]} : vector<256x128xf32> to vector<256x127xf32>
    %concatenate3A_1514 = tpu.concatenate %slice3A_1512, %slice3A_1513 in 1 : vector<256x1xf32>, vector<256x127xf32> -> vector<256x128xf32>
    %select_n3A_1515 = arith.select %eq3A_1508, %concatenate3A_1511, %concatenate3A_1514 : vector<256x128xi1>, vector<256x128xf32>
    %slice3A_1516 = vector.extract_strided_slice %select_n3A_1502 {offsets = [0, 1], sizes = [256, 127], strides = [1, 1]} : vector<256x128xi32> to vector<256x127xi32>
    %slice3A_1517 = vector.extract_strided_slice %select_n3A_1502 {offsets = [0, 0], sizes = [256, 1], strides = [1, 1]} : vector<256x128xi32> to vector<256x1xi32>
    %concatenate3A_1518 = tpu.concatenate %slice3A_1516, %slice3A_1517 in 1 : vector<256x127xi32>, vector<256x1xi32> -> vector<256x128xi32>
    %slice3A_1519 = vector.extract_strided_slice %select_n3A_1502 {offsets = [0, 127], sizes = [256, 1], strides = [1, 1]} : vector<256x128xi32> to vector<256x1xi32>
    %slice3A_1520 = vector.extract_strided_slice %select_n3A_1502 {offsets = [0, 0], sizes = [256, 127], strides = [1, 1]} : vector<256x128xi32> to vector<256x127xi32>
    %concatenate3A_1521 = tpu.concatenate %slice3A_1519, %slice3A_1520 in 1 : vector<256x1xi32>, vector<256x127xi32> -> vector<256x128xi32>
    %select_n3A_1522 = arith.select %eq3A_1508, %concatenate3A_1518, %concatenate3A_1521 : vector<256x128xi1>, vector<256x128xi32>
    %gt3A_1523 = arith.cmpf ogt, %select_n3A_1501, %select_n3A_1515 : vector<256x128xf32>
    %eq3A_1524 = arith.cmpf oeq, %select_n3A_1501, %select_n3A_1515 : vector<256x128xf32>
    %lt3A_1525 = arith.cmpi slt, %select_n3A_1502, %select_n3A_1522 : vector<256x128xi32>
    %and3A_1526 = arith.andi %eq3A_1524, %lt3A_1525 : vector<256x128xi1>
    %or3A_1527 = arith.ori %gt3A_1523, %and3A_1526 : vector<256x128xi1>
    %eq3A_1528 = arith.xori %eq3A_1508, %eq3A_1238 : vector<256x128xi1>
    %eq3A_1529 = arith.constant dense<true> : vector<256x128xi1>
    %eq3A_1530 = arith.xori %eq3A_1528, %eq3A_1529 : vector<256x128xi1>
    %eq3A_1531 = arith.xori %or3A_1527, %eq3A_1530 : vector<256x128xi1>
    %eq3A_1532 = arith.constant dense<true> : vector<256x128xi1>
    %eq3A_1533 = arith.xori %eq3A_1531, %eq3A_1532 : vector<256x128xi1>
    %select_n3A_1534 = arith.select %eq3A_1533, %select_n3A_1501, %select_n3A_1515 : vector<256x128xi1>, vector<256x128xf32>
    %select_n3A_1535 = arith.select %eq3A_1533, %select_n3A_1502, %select_n3A_1522 : vector<256x128xi1>, vector<256x128xi32>
    %and3A_1536 = arith.constant 1024 : i32
    %and3A_1537 = vector.broadcast %and3A_1536 : i32 to vector<256x128xi32>
    %and3A_1538 = arith.andi %add3A, %and3A_1537 : vector<256x128xi32>
    %eq3A_1539 = arith.constant 0 : i32
    %eq3A_1540 = vector.broadcast %eq3A_1539 : i32 to vector<256x128xi32>
    %eq3A_1541 = arith.cmpi eq, %and3A_1538, %eq3A_1540 : vector<256x128xi32>
    %and3A_1542 = arith.constant 4 : i32
    %and3A_1543 = vector.broadcast %and3A_1542 : i32 to vector<256x128xi32>
    %and3A_1544 = arith.andi %iota3A, %and3A_1543 : vector<256x128xi32>
    %eq3A_1545 = arith.constant 0 : i32
    %eq3A_1546 = vector.broadcast %eq3A_1545 : i32 to vector<256x128xi32>
    %eq3A_1547 = arith.cmpi eq, %and3A_1544, %eq3A_1546 : vector<256x128xi32>
    %slice3A_1548 = vector.extract_strided_slice %select_n3A_1534 {offsets = [4, 0], sizes = [252, 128], strides = [1, 1]} : vector<256x128xf32> to vector<252x128xf32>
    %slice3A_1549 = vector.extract_strided_slice %select_n3A_1534 {offsets = [0, 0], sizes = [4, 128], strides = [1, 1]} : vector<256x128xf32> to vector<4x128xf32>
    %concatenate3A_1550 = tpu.concatenate %slice3A_1548, %slice3A_1549 in 0 : vector<252x128xf32>, vector<4x128xf32> -> vector<256x128xf32>
    %slice3A_1551 = vector.extract_strided_slice %select_n3A_1534 {offsets = [252, 0], sizes = [4, 128], strides = [1, 1]} : vector<256x128xf32> to vector<4x128xf32>
    %slice3A_1552 = vector.extract_strided_slice %select_n3A_1534 {offsets = [0, 0], sizes = [252, 128], strides = [1, 1]} : vector<256x128xf32> to vector<252x128xf32>
    %concatenate3A_1553 = tpu.concatenate %slice3A_1551, %slice3A_1552 in 0 : vector<4x128xf32>, vector<252x128xf32> -> vector<256x128xf32>
    %select_n3A_1554 = arith.select %eq3A_1547, %concatenate3A_1550, %concatenate3A_1553 : vector<256x128xi1>, vector<256x128xf32>
    %slice3A_1555 = vector.extract_strided_slice %select_n3A_1535 {offsets = [4, 0], sizes = [252, 128], strides = [1, 1]} : vector<256x128xi32> to vector<252x128xi32>
    %slice3A_1556 = vector.extract_strided_slice %select_n3A_1535 {offsets = [0, 0], sizes = [4, 128], strides = [1, 1]} : vector<256x128xi32> to vector<4x128xi32>
    %concatenate3A_1557 = tpu.concatenate %slice3A_1555, %slice3A_1556 in 0 : vector<252x128xi32>, vector<4x128xi32> -> vector<256x128xi32>
    %slice3A_1558 = vector.extract_strided_slice %select_n3A_1535 {offsets = [252, 0], sizes = [4, 128], strides = [1, 1]} : vector<256x128xi32> to vector<4x128xi32>
    %slice3A_1559 = vector.extract_strided_slice %select_n3A_1535 {offsets = [0, 0], sizes = [252, 128], strides = [1, 1]} : vector<256x128xi32> to vector<252x128xi32>
    %concatenate3A_1560 = tpu.concatenate %slice3A_1558, %slice3A_1559 in 0 : vector<4x128xi32>, vector<252x128xi32> -> vector<256x128xi32>
    %select_n3A_1561 = arith.select %eq3A_1547, %concatenate3A_1557, %concatenate3A_1560 : vector<256x128xi1>, vector<256x128xi32>
    %gt3A_1562 = arith.cmpf ogt, %select_n3A_1534, %select_n3A_1554 : vector<256x128xf32>
    %eq3A_1563 = arith.cmpf oeq, %select_n3A_1534, %select_n3A_1554 : vector<256x128xf32>
    %lt3A_1564 = arith.cmpi slt, %select_n3A_1535, %select_n3A_1561 : vector<256x128xi32>
    %and3A_1565 = arith.andi %eq3A_1563, %lt3A_1564 : vector<256x128xi1>
    %or3A_1566 = arith.ori %gt3A_1562, %and3A_1565 : vector<256x128xi1>
    %eq3A_1567 = arith.xori %eq3A_1547, %eq3A_1541 : vector<256x128xi1>
    %eq3A_1568 = arith.constant dense<true> : vector<256x128xi1>
    %eq3A_1569 = arith.xori %eq3A_1567, %eq3A_1568 : vector<256x128xi1>
    %eq3A_1570 = arith.xori %or3A_1566, %eq3A_1569 : vector<256x128xi1>
    %eq3A_1571 = arith.constant dense<true> : vector<256x128xi1>
    %eq3A_1572 = arith.xori %eq3A_1570, %eq3A_1571 : vector<256x128xi1>
    %select_n3A_1573 = arith.select %eq3A_1572, %select_n3A_1534, %select_n3A_1554 : vector<256x128xi1>, vector<256x128xf32>
    %select_n3A_1574 = arith.select %eq3A_1572, %select_n3A_1535, %select_n3A_1561 : vector<256x128xi1>, vector<256x128xi32>
    %and3A_1575 = arith.constant 2 : i32
    %and3A_1576 = vector.broadcast %and3A_1575 : i32 to vector<256x128xi32>
    %and3A_1577 = arith.andi %iota3A, %and3A_1576 : vector<256x128xi32>
    %eq3A_1578 = arith.constant 0 : i32
    %eq3A_1579 = vector.broadcast %eq3A_1578 : i32 to vector<256x128xi32>
    %eq3A_1580 = arith.cmpi eq, %and3A_1577, %eq3A_1579 : vector<256x128xi32>
    %slice3A_1581 = vector.extract_strided_slice %select_n3A_1573 {offsets = [2, 0], sizes = [254, 128], strides = [1, 1]} : vector<256x128xf32> to vector<254x128xf32>
    %slice3A_1582 = vector.extract_strided_slice %select_n3A_1573 {offsets = [0, 0], sizes = [2, 128], strides = [1, 1]} : vector<256x128xf32> to vector<2x128xf32>
    %concatenate3A_1583 = tpu.concatenate %slice3A_1581, %slice3A_1582 in 0 : vector<254x128xf32>, vector<2x128xf32> -> vector<256x128xf32>
    %slice3A_1584 = vector.extract_strided_slice %select_n3A_1573 {offsets = [254, 0], sizes = [2, 128], strides = [1, 1]} : vector<256x128xf32> to vector<2x128xf32>
    %slice3A_1585 = vector.extract_strided_slice %select_n3A_1573 {offsets = [0, 0], sizes = [254, 128], strides = [1, 1]} : vector<256x128xf32> to vector<254x128xf32>
    %concatenate3A_1586 = tpu.concatenate %slice3A_1584, %slice3A_1585 in 0 : vector<2x128xf32>, vector<254x128xf32> -> vector<256x128xf32>
    %select_n3A_1587 = arith.select %eq3A_1580, %concatenate3A_1583, %concatenate3A_1586 : vector<256x128xi1>, vector<256x128xf32>
    %slice3A_1588 = vector.extract_strided_slice %select_n3A_1574 {offsets = [2, 0], sizes = [254, 128], strides = [1, 1]} : vector<256x128xi32> to vector<254x128xi32>
    %slice3A_1589 = vector.extract_strided_slice %select_n3A_1574 {offsets = [0, 0], sizes = [2, 128], strides = [1, 1]} : vector<256x128xi32> to vector<2x128xi32>
    %concatenate3A_1590 = tpu.concatenate %slice3A_1588, %slice3A_1589 in 0 : vector<254x128xi32>, vector<2x128xi32> -> vector<256x128xi32>
    %slice3A_1591 = vector.extract_strided_slice %select_n3A_1574 {offsets = [254, 0], sizes = [2, 128], strides = [1, 1]} : vector<256x128xi32> to vector<2x128xi32>
    %slice3A_1592 = vector.extract_strided_slice %select_n3A_1574 {offsets = [0, 0], sizes = [254, 128], strides = [1, 1]} : vector<256x128xi32> to vector<254x128xi32>
    %concatenate3A_1593 = tpu.concatenate %slice3A_1591, %slice3A_1592 in 0 : vector<2x128xi32>, vector<254x128xi32> -> vector<256x128xi32>
    %select_n3A_1594 = arith.select %eq3A_1580, %concatenate3A_1590, %concatenate3A_1593 : vector<256x128xi1>, vector<256x128xi32>
    %gt3A_1595 = arith.cmpf ogt, %select_n3A_1573, %select_n3A_1587 : vector<256x128xf32>
    %eq3A_1596 = arith.cmpf oeq, %select_n3A_1573, %select_n3A_1587 : vector<256x128xf32>
    %lt3A_1597 = arith.cmpi slt, %select_n3A_1574, %select_n3A_1594 : vector<256x128xi32>
    %and3A_1598 = arith.andi %eq3A_1596, %lt3A_1597 : vector<256x128xi1>
    %or3A_1599 = arith.ori %gt3A_1595, %and3A_1598 : vector<256x128xi1>
    %eq3A_1600 = arith.xori %eq3A_1580, %eq3A_1541 : vector<256x128xi1>
    %eq3A_1601 = arith.constant dense<true> : vector<256x128xi1>
    %eq3A_1602 = arith.xori %eq3A_1600, %eq3A_1601 : vector<256x128xi1>
    %eq3A_1603 = arith.xori %or3A_1599, %eq3A_1602 : vector<256x128xi1>
    %eq3A_1604 = arith.constant dense<true> : vector<256x128xi1>
    %eq3A_1605 = arith.xori %eq3A_1603, %eq3A_1604 : vector<256x128xi1>
    %select_n3A_1606 = arith.select %eq3A_1605, %select_n3A_1573, %select_n3A_1587 : vector<256x128xi1>, vector<256x128xf32>
    %select_n3A_1607 = arith.select %eq3A_1605, %select_n3A_1574, %select_n3A_1594 : vector<256x128xi1>, vector<256x128xi32>
    %and3A_1608 = arith.constant 1 : i32
    %and3A_1609 = vector.broadcast %and3A_1608 : i32 to vector<256x128xi32>
    %and3A_1610 = arith.andi %iota3A, %and3A_1609 : vector<256x128xi32>
    %eq3A_1611 = arith.constant 0 : i32
    %eq3A_1612 = vector.broadcast %eq3A_1611 : i32 to vector<256x128xi32>
    %eq3A_1613 = arith.cmpi eq, %and3A_1610, %eq3A_1612 : vector<256x128xi32>
    %slice3A_1614 = vector.extract_strided_slice %select_n3A_1606 {offsets = [1, 0], sizes = [255, 128], strides = [1, 1]} : vector<256x128xf32> to vector<255x128xf32>
    %slice3A_1615 = vector.extract_strided_slice %select_n3A_1606 {offsets = [0, 0], sizes = [1, 128], strides = [1, 1]} : vector<256x128xf32> to vector<1x128xf32>
    %concatenate3A_1616 = tpu.concatenate %slice3A_1614, %slice3A_1615 in 0 : vector<255x128xf32>, vector<1x128xf32> -> vector<256x128xf32>
    %slice3A_1617 = vector.extract_strided_slice %select_n3A_1606 {offsets = [255, 0], sizes = [1, 128], strides = [1, 1]} : vector<256x128xf32> to vector<1x128xf32>
    %slice3A_1618 = vector.extract_strided_slice %select_n3A_1606 {offsets = [0, 0], sizes = [255, 128], strides = [1, 1]} : vector<256x128xf32> to vector<255x128xf32>
    %concatenate3A_1619 = tpu.concatenate %slice3A_1617, %slice3A_1618 in 0 : vector<1x128xf32>, vector<255x128xf32> -> vector<256x128xf32>
    %select_n3A_1620 = arith.select %eq3A_1613, %concatenate3A_1616, %concatenate3A_1619 : vector<256x128xi1>, vector<256x128xf32>
    %slice3A_1621 = vector.extract_strided_slice %select_n3A_1607 {offsets = [1, 0], sizes = [255, 128], strides = [1, 1]} : vector<256x128xi32> to vector<255x128xi32>
    %slice3A_1622 = vector.extract_strided_slice %select_n3A_1607 {offsets = [0, 0], sizes = [1, 128], strides = [1, 1]} : vector<256x128xi32> to vector<1x128xi32>
    %concatenate3A_1623 = tpu.concatenate %slice3A_1621, %slice3A_1622 in 0 : vector<255x128xi32>, vector<1x128xi32> -> vector<256x128xi32>
    %slice3A_1624 = vector.extract_strided_slice %select_n3A_1607 {offsets = [255, 0], sizes = [1, 128], strides = [1, 1]} : vector<256x128xi32> to vector<1x128xi32>
    %slice3A_1625 = vector.extract_strided_slice %select_n3A_1607 {offsets = [0, 0], sizes = [255, 128], strides = [1, 1]} : vector<256x128xi32> to vector<255x128xi32>
    %concatenate3A_1626 = tpu.concatenate %slice3A_1624, %slice3A_1625 in 0 : vector<1x128xi32>, vector<255x128xi32> -> vector<256x128xi32>
    %select_n3A_1627 = arith.select %eq3A_1613, %concatenate3A_1623, %concatenate3A_1626 : vector<256x128xi1>, vector<256x128xi32>
    %gt3A_1628 = arith.cmpf ogt, %select_n3A_1606, %select_n3A_1620 : vector<256x128xf32>
    %eq3A_1629 = arith.cmpf oeq, %select_n3A_1606, %select_n3A_1620 : vector<256x128xf32>
    %lt3A_1630 = arith.cmpi slt, %select_n3A_1607, %select_n3A_1627 : vector<256x128xi32>
    %and3A_1631 = arith.andi %eq3A_1629, %lt3A_1630 : vector<256x128xi1>
    %or3A_1632 = arith.ori %gt3A_1628, %and3A_1631 : vector<256x128xi1>
    %eq3A_1633 = arith.xori %eq3A_1613, %eq3A_1541 : vector<256x128xi1>
    %eq3A_1634 = arith.constant dense<true> : vector<256x128xi1>
    %eq3A_1635 = arith.xori %eq3A_1633, %eq3A_1634 : vector<256x128xi1>
    %eq3A_1636 = arith.xori %or3A_1632, %eq3A_1635 : vector<256x128xi1>
    %eq3A_1637 = arith.constant dense<true> : vector<256x128xi1>
    %eq3A_1638 = arith.xori %eq3A_1636, %eq3A_1637 : vector<256x128xi1>
    %select_n3A_1639 = arith.select %eq3A_1638, %select_n3A_1606, %select_n3A_1620 : vector<256x128xi1>, vector<256x128xf32>
    %select_n3A_1640 = arith.select %eq3A_1638, %select_n3A_1607, %select_n3A_1627 : vector<256x128xi1>, vector<256x128xi32>
    %and3A_1641 = arith.constant 64 : i32
    %and3A_1642 = vector.broadcast %and3A_1641 : i32 to vector<256x128xi32>
    %and3A_1643 = arith.andi %iota3A_0, %and3A_1642 : vector<256x128xi32>
    %eq3A_1644 = arith.constant 0 : i32
    %eq3A_1645 = vector.broadcast %eq3A_1644 : i32 to vector<256x128xi32>
    %eq3A_1646 = arith.cmpi eq, %and3A_1643, %eq3A_1645 : vector<256x128xi32>
    %slice3A_1647 = vector.extract_strided_slice %select_n3A_1639 {offsets = [0, 64], sizes = [256, 64], strides = [1, 1]} : vector<256x128xf32> to vector<256x64xf32>
    %slice3A_1648 = vector.extract_strided_slice %select_n3A_1639 {offsets = [0, 0], sizes = [256, 64], strides = [1, 1]} : vector<256x128xf32> to vector<256x64xf32>
    %concatenate3A_1649 = tpu.concatenate %slice3A_1647, %slice3A_1648 in 1 : vector<256x64xf32>, vector<256x64xf32> -> vector<256x128xf32>
    %slice3A_1650 = vector.extract_strided_slice %select_n3A_1639 {offsets = [0, 64], sizes = [256, 64], strides = [1, 1]} : vector<256x128xf32> to vector<256x64xf32>
    %slice3A_1651 = vector.extract_strided_slice %select_n3A_1639 {offsets = [0, 0], sizes = [256, 64], strides = [1, 1]} : vector<256x128xf32> to vector<256x64xf32>
    %concatenate3A_1652 = tpu.concatenate %slice3A_1650, %slice3A_1651 in 1 : vector<256x64xf32>, vector<256x64xf32> -> vector<256x128xf32>
    %select_n3A_1653 = arith.select %eq3A_1646, %concatenate3A_1649, %concatenate3A_1652 : vector<256x128xi1>, vector<256x128xf32>
    %slice3A_1654 = vector.extract_strided_slice %select_n3A_1640 {offsets = [0, 64], sizes = [256, 64], strides = [1, 1]} : vector<256x128xi32> to vector<256x64xi32>
    %slice3A_1655 = vector.extract_strided_slice %select_n3A_1640 {offsets = [0, 0], sizes = [256, 64], strides = [1, 1]} : vector<256x128xi32> to vector<256x64xi32>
    %concatenate3A_1656 = tpu.concatenate %slice3A_1654, %slice3A_1655 in 1 : vector<256x64xi32>, vector<256x64xi32> -> vector<256x128xi32>
    %slice3A_1657 = vector.extract_strided_slice %select_n3A_1640 {offsets = [0, 64], sizes = [256, 64], strides = [1, 1]} : vector<256x128xi32> to vector<256x64xi32>
    %slice3A_1658 = vector.extract_strided_slice %select_n3A_1640 {offsets = [0, 0], sizes = [256, 64], strides = [1, 1]} : vector<256x128xi32> to vector<256x64xi32>
    %concatenate3A_1659 = tpu.concatenate %slice3A_1657, %slice3A_1658 in 1 : vector<256x64xi32>, vector<256x64xi32> -> vector<256x128xi32>
    %select_n3A_1660 = arith.select %eq3A_1646, %concatenate3A_1656, %concatenate3A_1659 : vector<256x128xi1>, vector<256x128xi32>
    %gt3A_1661 = arith.cmpf ogt, %select_n3A_1639, %select_n3A_1653 : vector<256x128xf32>
    %eq3A_1662 = arith.cmpf oeq, %select_n3A_1639, %select_n3A_1653 : vector<256x128xf32>
    %lt3A_1663 = arith.cmpi slt, %select_n3A_1640, %select_n3A_1660 : vector<256x128xi32>
    %and3A_1664 = arith.andi %eq3A_1662, %lt3A_1663 : vector<256x128xi1>
    %or3A_1665 = arith.ori %gt3A_1661, %and3A_1664 : vector<256x128xi1>
    %eq3A_1666 = arith.xori %eq3A_1646, %eq3A_1541 : vector<256x128xi1>
    %eq3A_1667 = arith.constant dense<true> : vector<256x128xi1>
    %eq3A_1668 = arith.xori %eq3A_1666, %eq3A_1667 : vector<256x128xi1>
    %eq3A_1669 = arith.xori %or3A_1665, %eq3A_1668 : vector<256x128xi1>
    %eq3A_1670 = arith.constant dense<true> : vector<256x128xi1>
    %eq3A_1671 = arith.xori %eq3A_1669, %eq3A_1670 : vector<256x128xi1>
    %select_n3A_1672 = arith.select %eq3A_1671, %select_n3A_1639, %select_n3A_1653 : vector<256x128xi1>, vector<256x128xf32>
    %select_n3A_1673 = arith.select %eq3A_1671, %select_n3A_1640, %select_n3A_1660 : vector<256x128xi1>, vector<256x128xi32>
    %and3A_1674 = arith.constant 32 : i32
    %and3A_1675 = vector.broadcast %and3A_1674 : i32 to vector<256x128xi32>
    %and3A_1676 = arith.andi %iota3A_0, %and3A_1675 : vector<256x128xi32>
    %eq3A_1677 = arith.constant 0 : i32
    %eq3A_1678 = vector.broadcast %eq3A_1677 : i32 to vector<256x128xi32>
    %eq3A_1679 = arith.cmpi eq, %and3A_1676, %eq3A_1678 : vector<256x128xi32>
    %slice3A_1680 = vector.extract_strided_slice %select_n3A_1672 {offsets = [0, 32], sizes = [256, 96], strides = [1, 1]} : vector<256x128xf32> to vector<256x96xf32>
    %slice3A_1681 = vector.extract_strided_slice %select_n3A_1672 {offsets = [0, 0], sizes = [256, 32], strides = [1, 1]} : vector<256x128xf32> to vector<256x32xf32>
    %concatenate3A_1682 = tpu.concatenate %slice3A_1680, %slice3A_1681 in 1 : vector<256x96xf32>, vector<256x32xf32> -> vector<256x128xf32>
    %slice3A_1683 = vector.extract_strided_slice %select_n3A_1672 {offsets = [0, 96], sizes = [256, 32], strides = [1, 1]} : vector<256x128xf32> to vector<256x32xf32>
    %slice3A_1684 = vector.extract_strided_slice %select_n3A_1672 {offsets = [0, 0], sizes = [256, 96], strides = [1, 1]} : vector<256x128xf32> to vector<256x96xf32>
    %concatenate3A_1685 = tpu.concatenate %slice3A_1683, %slice3A_1684 in 1 : vector<256x32xf32>, vector<256x96xf32> -> vector<256x128xf32>
    %select_n3A_1686 = arith.select %eq3A_1679, %concatenate3A_1682, %concatenate3A_1685 : vector<256x128xi1>, vector<256x128xf32>
    %slice3A_1687 = vector.extract_strided_slice %select_n3A_1673 {offsets = [0, 32], sizes = [256, 96], strides = [1, 1]} : vector<256x128xi32> to vector<256x96xi32>
    %slice3A_1688 = vector.extract_strided_slice %select_n3A_1673 {offsets = [0, 0], sizes = [256, 32], strides = [1, 1]} : vector<256x128xi32> to vector<256x32xi32>
    %concatenate3A_1689 = tpu.concatenate %slice3A_1687, %slice3A_1688 in 1 : vector<256x96xi32>, vector<256x32xi32> -> vector<256x128xi32>
    %slice3A_1690 = vector.extract_strided_slice %select_n3A_1673 {offsets = [0, 96], sizes = [256, 32], strides = [1, 1]} : vector<256x128xi32> to vector<256x32xi32>
    %slice3A_1691 = vector.extract_strided_slice %select_n3A_1673 {offsets = [0, 0], sizes = [256, 96], strides = [1, 1]} : vector<256x128xi32> to vector<256x96xi32>
    %concatenate3A_1692 = tpu.concatenate %slice3A_1690, %slice3A_1691 in 1 : vector<256x32xi32>, vector<256x96xi32> -> vector<256x128xi32>
    %select_n3A_1693 = arith.select %eq3A_1679, %concatenate3A_1689, %concatenate3A_1692 : vector<256x128xi1>, vector<256x128xi32>
    %gt3A_1694 = arith.cmpf ogt, %select_n3A_1672, %select_n3A_1686 : vector<256x128xf32>
    %eq3A_1695 = arith.cmpf oeq, %select_n3A_1672, %select_n3A_1686 : vector<256x128xf32>
    %lt3A_1696 = arith.cmpi slt, %select_n3A_1673, %select_n3A_1693 : vector<256x128xi32>
    %and3A_1697 = arith.andi %eq3A_1695, %lt3A_1696 : vector<256x128xi1>
    %or3A_1698 = arith.ori %gt3A_1694, %and3A_1697 : vector<256x128xi1>
    %eq3A_1699 = arith.xori %eq3A_1679, %eq3A_1541 : vector<256x128xi1>
    %eq3A_1700 = arith.constant dense<true> : vector<256x128xi1>
    %eq3A_1701 = arith.xori %eq3A_1699, %eq3A_1700 : vector<256x128xi1>
    %eq3A_1702 = arith.xori %or3A_1698, %eq3A_1701 : vector<256x128xi1>
    %eq3A_1703 = arith.constant dense<true> : vector<256x128xi1>
    %eq3A_1704 = arith.xori %eq3A_1702, %eq3A_1703 : vector<256x128xi1>
    %select_n3A_1705 = arith.select %eq3A_1704, %select_n3A_1672, %select_n3A_1686 : vector<256x128xi1>, vector<256x128xf32>
    %select_n3A_1706 = arith.select %eq3A_1704, %select_n3A_1673, %select_n3A_1693 : vector<256x128xi1>, vector<256x128xi32>
    %and3A_1707 = arith.constant 16 : i32
    %and3A_1708 = vector.broadcast %and3A_1707 : i32 to vector<256x128xi32>
    %and3A_1709 = arith.andi %iota3A_0, %and3A_1708 : vector<256x128xi32>
    %eq3A_1710 = arith.constant 0 : i32
    %eq3A_1711 = vector.broadcast %eq3A_1710 : i32 to vector<256x128xi32>
    %eq3A_1712 = arith.cmpi eq, %and3A_1709, %eq3A_1711 : vector<256x128xi32>
    %slice3A_1713 = vector.extract_strided_slice %select_n3A_1705 {offsets = [0, 16], sizes = [256, 112], strides = [1, 1]} : vector<256x128xf32> to vector<256x112xf32>
    %slice3A_1714 = vector.extract_strided_slice %select_n3A_1705 {offsets = [0, 0], sizes = [256, 16], strides = [1, 1]} : vector<256x128xf32> to vector<256x16xf32>
    %concatenate3A_1715 = tpu.concatenate %slice3A_1713, %slice3A_1714 in 1 : vector<256x112xf32>, vector<256x16xf32> -> vector<256x128xf32>
    %slice3A_1716 = vector.extract_strided_slice %select_n3A_1705 {offsets = [0, 112], sizes = [256, 16], strides = [1, 1]} : vector<256x128xf32> to vector<256x16xf32>
    %slice3A_1717 = vector.extract_strided_slice %select_n3A_1705 {offsets = [0, 0], sizes = [256, 112], strides = [1, 1]} : vector<256x128xf32> to vector<256x112xf32>
    %concatenate3A_1718 = tpu.concatenate %slice3A_1716, %slice3A_1717 in 1 : vector<256x16xf32>, vector<256x112xf32> -> vector<256x128xf32>
    %select_n3A_1719 = arith.select %eq3A_1712, %concatenate3A_1715, %concatenate3A_1718 : vector<256x128xi1>, vector<256x128xf32>
    %slice3A_1720 = vector.extract_strided_slice %select_n3A_1706 {offsets = [0, 16], sizes = [256, 112], strides = [1, 1]} : vector<256x128xi32> to vector<256x112xi32>
    %slice3A_1721 = vector.extract_strided_slice %select_n3A_1706 {offsets = [0, 0], sizes = [256, 16], strides = [1, 1]} : vector<256x128xi32> to vector<256x16xi32>
    %concatenate3A_1722 = tpu.concatenate %slice3A_1720, %slice3A_1721 in 1 : vector<256x112xi32>, vector<256x16xi32> -> vector<256x128xi32>
    %slice3A_1723 = vector.extract_strided_slice %select_n3A_1706 {offsets = [0, 112], sizes = [256, 16], strides = [1, 1]} : vector<256x128xi32> to vector<256x16xi32>
    %slice3A_1724 = vector.extract_strided_slice %select_n3A_1706 {offsets = [0, 0], sizes = [256, 112], strides = [1, 1]} : vector<256x128xi32> to vector<256x112xi32>
    %concatenate3A_1725 = tpu.concatenate %slice3A_1723, %slice3A_1724 in 1 : vector<256x16xi32>, vector<256x112xi32> -> vector<256x128xi32>
    %select_n3A_1726 = arith.select %eq3A_1712, %concatenate3A_1722, %concatenate3A_1725 : vector<256x128xi1>, vector<256x128xi32>
    %gt3A_1727 = arith.cmpf ogt, %select_n3A_1705, %select_n3A_1719 : vector<256x128xf32>
    %eq3A_1728 = arith.cmpf oeq, %select_n3A_1705, %select_n3A_1719 : vector<256x128xf32>
    %lt3A_1729 = arith.cmpi slt, %select_n3A_1706, %select_n3A_1726 : vector<256x128xi32>
    %and3A_1730 = arith.andi %eq3A_1728, %lt3A_1729 : vector<256x128xi1>
    %or3A_1731 = arith.ori %gt3A_1727, %and3A_1730 : vector<256x128xi1>
    %eq3A_1732 = arith.xori %eq3A_1712, %eq3A_1541 : vector<256x128xi1>
    %eq3A_1733 = arith.constant dense<true> : vector<256x128xi1>
    %eq3A_1734 = arith.xori %eq3A_1732, %eq3A_1733 : vector<256x128xi1>
    %eq3A_1735 = arith.xori %or3A_1731, %eq3A_1734 : vector<256x128xi1>
    %eq3A_1736 = arith.constant dense<true> : vector<256x128xi1>
    %eq3A_1737 = arith.xori %eq3A_1735, %eq3A_1736 : vector<256x128xi1>
    %select_n3A_1738 = arith.select %eq3A_1737, %select_n3A_1705, %select_n3A_1719 : vector<256x128xi1>, vector<256x128xf32>
    %select_n3A_1739 = arith.select %eq3A_1737, %select_n3A_1706, %select_n3A_1726 : vector<256x128xi1>, vector<256x128xi32>
    %and3A_1740 = arith.constant 8 : i32
    %and3A_1741 = vector.broadcast %and3A_1740 : i32 to vector<256x128xi32>
    %and3A_1742 = arith.andi %iota3A_0, %and3A_1741 : vector<256x128xi32>
    %eq3A_1743 = arith.constant 0 : i32
    %eq3A_1744 = vector.broadcast %eq3A_1743 : i32 to vector<256x128xi32>
    %eq3A_1745 = arith.cmpi eq, %and3A_1742, %eq3A_1744 : vector<256x128xi32>
    %slice3A_1746 = vector.extract_strided_slice %select_n3A_1738 {offsets = [0, 8], sizes = [256, 120], strides = [1, 1]} : vector<256x128xf32> to vector<256x120xf32>
    %slice3A_1747 = vector.extract_strided_slice %select_n3A_1738 {offsets = [0, 0], sizes = [256, 8], strides = [1, 1]} : vector<256x128xf32> to vector<256x8xf32>
    %concatenate3A_1748 = tpu.concatenate %slice3A_1746, %slice3A_1747 in 1 : vector<256x120xf32>, vector<256x8xf32> -> vector<256x128xf32>
    %slice3A_1749 = vector.extract_strided_slice %select_n3A_1738 {offsets = [0, 120], sizes = [256, 8], strides = [1, 1]} : vector<256x128xf32> to vector<256x8xf32>
    %slice3A_1750 = vector.extract_strided_slice %select_n3A_1738 {offsets = [0, 0], sizes = [256, 120], strides = [1, 1]} : vector<256x128xf32> to vector<256x120xf32>
    %concatenate3A_1751 = tpu.concatenate %slice3A_1749, %slice3A_1750 in 1 : vector<256x8xf32>, vector<256x120xf32> -> vector<256x128xf32>
    %select_n3A_1752 = arith.select %eq3A_1745, %concatenate3A_1748, %concatenate3A_1751 : vector<256x128xi1>, vector<256x128xf32>
    %slice3A_1753 = vector.extract_strided_slice %select_n3A_1739 {offsets = [0, 8], sizes = [256, 120], strides = [1, 1]} : vector<256x128xi32> to vector<256x120xi32>
    %slice3A_1754 = vector.extract_strided_slice %select_n3A_1739 {offsets = [0, 0], sizes = [256, 8], strides = [1, 1]} : vector<256x128xi32> to vector<256x8xi32>
    %concatenate3A_1755 = tpu.concatenate %slice3A_1753, %slice3A_1754 in 1 : vector<256x120xi32>, vector<256x8xi32> -> vector<256x128xi32>
    %slice3A_1756 = vector.extract_strided_slice %select_n3A_1739 {offsets = [0, 120], sizes = [256, 8], strides = [1, 1]} : vector<256x128xi32> to vector<256x8xi32>
    %slice3A_1757 = vector.extract_strided_slice %select_n3A_1739 {offsets = [0, 0], sizes = [256, 120], strides = [1, 1]} : vector<256x128xi32> to vector<256x120xi32>
    %concatenate3A_1758 = tpu.concatenate %slice3A_1756, %slice3A_1757 in 1 : vector<256x8xi32>, vector<256x120xi32> -> vector<256x128xi32>
    %select_n3A_1759 = arith.select %eq3A_1745, %concatenate3A_1755, %concatenate3A_1758 : vector<256x128xi1>, vector<256x128xi32>
    %gt3A_1760 = arith.cmpf ogt, %select_n3A_1738, %select_n3A_1752 : vector<256x128xf32>
    %eq3A_1761 = arith.cmpf oeq, %select_n3A_1738, %select_n3A_1752 : vector<256x128xf32>
    %lt3A_1762 = arith.cmpi slt, %select_n3A_1739, %select_n3A_1759 : vector<256x128xi32>
    %and3A_1763 = arith.andi %eq3A_1761, %lt3A_1762 : vector<256x128xi1>
    %or3A_1764 = arith.ori %gt3A_1760, %and3A_1763 : vector<256x128xi1>
    %eq3A_1765 = arith.xori %eq3A_1745, %eq3A_1541 : vector<256x128xi1>
    %eq3A_1766 = arith.constant dense<true> : vector<256x128xi1>
    %eq3A_1767 = arith.xori %eq3A_1765, %eq3A_1766 : vector<256x128xi1>
    %eq3A_1768 = arith.xori %or3A_1764, %eq3A_1767 : vector<256x128xi1>
    %eq3A_1769 = arith.constant dense<true> : vector<256x128xi1>
    %eq3A_1770 = arith.xori %eq3A_1768, %eq3A_1769 : vector<256x128xi1>
    %select_n3A_1771 = arith.select %eq3A_1770, %select_n3A_1738, %select_n3A_1752 : vector<256x128xi1>, vector<256x128xf32>
    %select_n3A_1772 = arith.select %eq3A_1770, %select_n3A_1739, %select_n3A_1759 : vector<256x128xi1>, vector<256x128xi32>
    %and3A_1773 = arith.constant 4 : i32
    %and3A_1774 = vector.broadcast %and3A_1773 : i32 to vector<256x128xi32>
    %and3A_1775 = arith.andi %iota3A_0, %and3A_1774 : vector<256x128xi32>
    %eq3A_1776 = arith.constant 0 : i32
    %eq3A_1777 = vector.broadcast %eq3A_1776 : i32 to vector<256x128xi32>
    %eq3A_1778 = arith.cmpi eq, %and3A_1775, %eq3A_1777 : vector<256x128xi32>
    %slice3A_1779 = vector.extract_strided_slice %select_n3A_1771 {offsets = [0, 4], sizes = [256, 124], strides = [1, 1]} : vector<256x128xf32> to vector<256x124xf32>
    %slice3A_1780 = vector.extract_strided_slice %select_n3A_1771 {offsets = [0, 0], sizes = [256, 4], strides = [1, 1]} : vector<256x128xf32> to vector<256x4xf32>
    %concatenate3A_1781 = tpu.concatenate %slice3A_1779, %slice3A_1780 in 1 : vector<256x124xf32>, vector<256x4xf32> -> vector<256x128xf32>
    %slice3A_1782 = vector.extract_strided_slice %select_n3A_1771 {offsets = [0, 124], sizes = [256, 4], strides = [1, 1]} : vector<256x128xf32> to vector<256x4xf32>
    %slice3A_1783 = vector.extract_strided_slice %select_n3A_1771 {offsets = [0, 0], sizes = [256, 124], strides = [1, 1]} : vector<256x128xf32> to vector<256x124xf32>
    %concatenate3A_1784 = tpu.concatenate %slice3A_1782, %slice3A_1783 in 1 : vector<256x4xf32>, vector<256x124xf32> -> vector<256x128xf32>
    %select_n3A_1785 = arith.select %eq3A_1778, %concatenate3A_1781, %concatenate3A_1784 : vector<256x128xi1>, vector<256x128xf32>
    %slice3A_1786 = vector.extract_strided_slice %select_n3A_1772 {offsets = [0, 4], sizes = [256, 124], strides = [1, 1]} : vector<256x128xi32> to vector<256x124xi32>
    %slice3A_1787 = vector.extract_strided_slice %select_n3A_1772 {offsets = [0, 0], sizes = [256, 4], strides = [1, 1]} : vector<256x128xi32> to vector<256x4xi32>
    %concatenate3A_1788 = tpu.concatenate %slice3A_1786, %slice3A_1787 in 1 : vector<256x124xi32>, vector<256x4xi32> -> vector<256x128xi32>
    %slice3A_1789 = vector.extract_strided_slice %select_n3A_1772 {offsets = [0, 124], sizes = [256, 4], strides = [1, 1]} : vector<256x128xi32> to vector<256x4xi32>
    %slice3A_1790 = vector.extract_strided_slice %select_n3A_1772 {offsets = [0, 0], sizes = [256, 124], strides = [1, 1]} : vector<256x128xi32> to vector<256x124xi32>
    %concatenate3A_1791 = tpu.concatenate %slice3A_1789, %slice3A_1790 in 1 : vector<256x4xi32>, vector<256x124xi32> -> vector<256x128xi32>
    %select_n3A_1792 = arith.select %eq3A_1778, %concatenate3A_1788, %concatenate3A_1791 : vector<256x128xi1>, vector<256x128xi32>
    %gt3A_1793 = arith.cmpf ogt, %select_n3A_1771, %select_n3A_1785 : vector<256x128xf32>
    %eq3A_1794 = arith.cmpf oeq, %select_n3A_1771, %select_n3A_1785 : vector<256x128xf32>
    %lt3A_1795 = arith.cmpi slt, %select_n3A_1772, %select_n3A_1792 : vector<256x128xi32>
    %and3A_1796 = arith.andi %eq3A_1794, %lt3A_1795 : vector<256x128xi1>
    %or3A_1797 = arith.ori %gt3A_1793, %and3A_1796 : vector<256x128xi1>
    %eq3A_1798 = arith.xori %eq3A_1778, %eq3A_1541 : vector<256x128xi1>
    %eq3A_1799 = arith.constant dense<true> : vector<256x128xi1>
    %eq3A_1800 = arith.xori %eq3A_1798, %eq3A_1799 : vector<256x128xi1>
    %eq3A_1801 = arith.xori %or3A_1797, %eq3A_1800 : vector<256x128xi1>
    %eq3A_1802 = arith.constant dense<true> : vector<256x128xi1>
    %eq3A_1803 = arith.xori %eq3A_1801, %eq3A_1802 : vector<256x128xi1>
    %select_n3A_1804 = arith.select %eq3A_1803, %select_n3A_1771, %select_n3A_1785 : vector<256x128xi1>, vector<256x128xf32>
    %select_n3A_1805 = arith.select %eq3A_1803, %select_n3A_1772, %select_n3A_1792 : vector<256x128xi1>, vector<256x128xi32>
    %and3A_1806 = arith.constant 2 : i32
    %and3A_1807 = vector.broadcast %and3A_1806 : i32 to vector<256x128xi32>
    %and3A_1808 = arith.andi %iota3A_0, %and3A_1807 : vector<256x128xi32>
    %eq3A_1809 = arith.constant 0 : i32
    %eq3A_1810 = vector.broadcast %eq3A_1809 : i32 to vector<256x128xi32>
    %eq3A_1811 = arith.cmpi eq, %and3A_1808, %eq3A_1810 : vector<256x128xi32>
    %slice3A_1812 = vector.extract_strided_slice %select_n3A_1804 {offsets = [0, 2], sizes = [256, 126], strides = [1, 1]} : vector<256x128xf32> to vector<256x126xf32>
    %slice3A_1813 = vector.extract_strided_slice %select_n3A_1804 {offsets = [0, 0], sizes = [256, 2], strides = [1, 1]} : vector<256x128xf32> to vector<256x2xf32>
    %concatenate3A_1814 = tpu.concatenate %slice3A_1812, %slice3A_1813 in 1 : vector<256x126xf32>, vector<256x2xf32> -> vector<256x128xf32>
    %slice3A_1815 = vector.extract_strided_slice %select_n3A_1804 {offsets = [0, 126], sizes = [256, 2], strides = [1, 1]} : vector<256x128xf32> to vector<256x2xf32>
    %slice3A_1816 = vector.extract_strided_slice %select_n3A_1804 {offsets = [0, 0], sizes = [256, 126], strides = [1, 1]} : vector<256x128xf32> to vector<256x126xf32>
    %concatenate3A_1817 = tpu.concatenate %slice3A_1815, %slice3A_1816 in 1 : vector<256x2xf32>, vector<256x126xf32> -> vector<256x128xf32>
    %select_n3A_1818 = arith.select %eq3A_1811, %concatenate3A_1814, %concatenate3A_1817 : vector<256x128xi1>, vector<256x128xf32>
    %slice3A_1819 = vector.extract_strided_slice %select_n3A_1805 {offsets = [0, 2], sizes = [256, 126], strides = [1, 1]} : vector<256x128xi32> to vector<256x126xi32>
    %slice3A_1820 = vector.extract_strided_slice %select_n3A_1805 {offsets = [0, 0], sizes = [256, 2], strides = [1, 1]} : vector<256x128xi32> to vector<256x2xi32>
    %concatenate3A_1821 = tpu.concatenate %slice3A_1819, %slice3A_1820 in 1 : vector<256x126xi32>, vector<256x2xi32> -> vector<256x128xi32>
    %slice3A_1822 = vector.extract_strided_slice %select_n3A_1805 {offsets = [0, 126], sizes = [256, 2], strides = [1, 1]} : vector<256x128xi32> to vector<256x2xi32>
    %slice3A_1823 = vector.extract_strided_slice %select_n3A_1805 {offsets = [0, 0], sizes = [256, 126], strides = [1, 1]} : vector<256x128xi32> to vector<256x126xi32>
    %concatenate3A_1824 = tpu.concatenate %slice3A_1822, %slice3A_1823 in 1 : vector<256x2xi32>, vector<256x126xi32> -> vector<256x128xi32>
    %select_n3A_1825 = arith.select %eq3A_1811, %concatenate3A_1821, %concatenate3A_1824 : vector<256x128xi1>, vector<256x128xi32>
    %gt3A_1826 = arith.cmpf ogt, %select_n3A_1804, %select_n3A_1818 : vector<256x128xf32>
    %eq3A_1827 = arith.cmpf oeq, %select_n3A_1804, %select_n3A_1818 : vector<256x128xf32>
    %lt3A_1828 = arith.cmpi slt, %select_n3A_1805, %select_n3A_1825 : vector<256x128xi32>
    %and3A_1829 = arith.andi %eq3A_1827, %lt3A_1828 : vector<256x128xi1>
    %or3A_1830 = arith.ori %gt3A_1826, %and3A_1829 : vector<256x128xi1>
    %eq3A_1831 = arith.xori %eq3A_1811, %eq3A_1541 : vector<256x128xi1>
    %eq3A_1832 = arith.constant dense<true> : vector<256x128xi1>
    %eq3A_1833 = arith.xori %eq3A_1831, %eq3A_1832 : vector<256x128xi1>
    %eq3A_1834 = arith.xori %or3A_1830, %eq3A_1833 : vector<256x128xi1>
    %eq3A_1835 = arith.constant dense<true> : vector<256x128xi1>
    %eq3A_1836 = arith.xori %eq3A_1834, %eq3A_1835 : vector<256x128xi1>
    %select_n3A_1837 = arith.select %eq3A_1836, %select_n3A_1804, %select_n3A_1818 : vector<256x128xi1>, vector<256x128xf32>
    %select_n3A_1838 = arith.select %eq3A_1836, %select_n3A_1805, %select_n3A_1825 : vector<256x128xi1>, vector<256x128xi32>
    %and3A_1839 = arith.constant 1 : i32
    %and3A_1840 = vector.broadcast %and3A_1839 : i32 to vector<256x128xi32>
    %and3A_1841 = arith.andi %iota3A_0, %and3A_1840 : vector<256x128xi32>
    %eq3A_1842 = arith.constant 0 : i32
    %eq3A_1843 = vector.broadcast %eq3A_1842 : i32 to vector<256x128xi32>
    %eq3A_1844 = arith.cmpi eq, %and3A_1841, %eq3A_1843 : vector<256x128xi32>
    %slice3A_1845 = vector.extract_strided_slice %select_n3A_1837 {offsets = [0, 1], sizes = [256, 127], strides = [1, 1]} : vector<256x128xf32> to vector<256x127xf32>
    %slice3A_1846 = vector.extract_strided_slice %select_n3A_1837 {offsets = [0, 0], sizes = [256, 1], strides = [1, 1]} : vector<256x128xf32> to vector<256x1xf32>
    %concatenate3A_1847 = tpu.concatenate %slice3A_1845, %slice3A_1846 in 1 : vector<256x127xf32>, vector<256x1xf32> -> vector<256x128xf32>
    %slice3A_1848 = vector.extract_strided_slice %select_n3A_1837 {offsets = [0, 127], sizes = [256, 1], strides = [1, 1]} : vector<256x128xf32> to vector<256x1xf32>
    %slice3A_1849 = vector.extract_strided_slice %select_n3A_1837 {offsets = [0, 0], sizes = [256, 127], strides = [1, 1]} : vector<256x128xf32> to vector<256x127xf32>
    %concatenate3A_1850 = tpu.concatenate %slice3A_1848, %slice3A_1849 in 1 : vector<256x1xf32>, vector<256x127xf32> -> vector<256x128xf32>
    %select_n3A_1851 = arith.select %eq3A_1844, %concatenate3A_1847, %concatenate3A_1850 : vector<256x128xi1>, vector<256x128xf32>
    %slice3A_1852 = vector.extract_strided_slice %select_n3A_1838 {offsets = [0, 1], sizes = [256, 127], strides = [1, 1]} : vector<256x128xi32> to vector<256x127xi32>
    %slice3A_1853 = vector.extract_strided_slice %select_n3A_1838 {offsets = [0, 0], sizes = [256, 1], strides = [1, 1]} : vector<256x128xi32> to vector<256x1xi32>
    %concatenate3A_1854 = tpu.concatenate %slice3A_1852, %slice3A_1853 in 1 : vector<256x127xi32>, vector<256x1xi32> -> vector<256x128xi32>
    %slice3A_1855 = vector.extract_strided_slice %select_n3A_1838 {offsets = [0, 127], sizes = [256, 1], strides = [1, 1]} : vector<256x128xi32> to vector<256x1xi32>
    %slice3A_1856 = vector.extract_strided_slice %select_n3A_1838 {offsets = [0, 0], sizes = [256, 127], strides = [1, 1]} : vector<256x128xi32> to vector<256x127xi32>
    %concatenate3A_1857 = tpu.concatenate %slice3A_1855, %slice3A_1856 in 1 : vector<256x1xi32>, vector<256x127xi32> -> vector<256x128xi32>
    %select_n3A_1858 = arith.select %eq3A_1844, %concatenate3A_1854, %concatenate3A_1857 : vector<256x128xi1>, vector<256x128xi32>
    %gt3A_1859 = arith.cmpf ogt, %select_n3A_1837, %select_n3A_1851 : vector<256x128xf32>
    %eq3A_1860 = arith.cmpf oeq, %select_n3A_1837, %select_n3A_1851 : vector<256x128xf32>
    %lt3A_1861 = arith.cmpi slt, %select_n3A_1838, %select_n3A_1858 : vector<256x128xi32>
    %and3A_1862 = arith.andi %eq3A_1860, %lt3A_1861 : vector<256x128xi1>
    %or3A_1863 = arith.ori %gt3A_1859, %and3A_1862 : vector<256x128xi1>
    %eq3A_1864 = arith.xori %eq3A_1844, %eq3A_1541 : vector<256x128xi1>
    %eq3A_1865 = arith.constant dense<true> : vector<256x128xi1>
    %eq3A_1866 = arith.xori %eq3A_1864, %eq3A_1865 : vector<256x128xi1>
    %eq3A_1867 = arith.xori %or3A_1863, %eq3A_1866 : vector<256x128xi1>
    %eq3A_1868 = arith.constant dense<true> : vector<256x128xi1>
    %eq3A_1869 = arith.xori %eq3A_1867, %eq3A_1868 : vector<256x128xi1>
    %select_n3A_1870 = arith.select %eq3A_1869, %select_n3A_1837, %select_n3A_1851 : vector<256x128xi1>, vector<256x128xf32>
    %select_n3A_1871 = arith.select %eq3A_1869, %select_n3A_1838, %select_n3A_1858 : vector<256x128xi1>, vector<256x128xi32>
    %and3A_1872 = arith.constant 2048 : i32
    %and3A_1873 = vector.broadcast %and3A_1872 : i32 to vector<256x128xi32>
    %and3A_1874 = arith.andi %add3A, %and3A_1873 : vector<256x128xi32>
    %eq3A_1875 = arith.constant 0 : i32
    %eq3A_1876 = vector.broadcast %eq3A_1875 : i32 to vector<256x128xi32>
    %eq3A_1877 = arith.cmpi eq, %and3A_1874, %eq3A_1876 : vector<256x128xi32>
    %and3A_1878 = arith.constant 8 : i32
    %and3A_1879 = vector.broadcast %and3A_1878 : i32 to vector<256x128xi32>
    %and3A_1880 = arith.andi %iota3A, %and3A_1879 : vector<256x128xi32>
    %eq3A_1881 = arith.constant 0 : i32
    %eq3A_1882 = vector.broadcast %eq3A_1881 : i32 to vector<256x128xi32>
    %eq3A_1883 = arith.cmpi eq, %and3A_1880, %eq3A_1882 : vector<256x128xi32>
    %slice3A_1884 = vector.extract_strided_slice %select_n3A_1870 {offsets = [8, 0], sizes = [248, 128], strides = [1, 1]} : vector<256x128xf32> to vector<248x128xf32>
    %slice3A_1885 = vector.extract_strided_slice %select_n3A_1870 {offsets = [0, 0], sizes = [8, 128], strides = [1, 1]} : vector<256x128xf32> to vector<8x128xf32>
    %concatenate3A_1886 = tpu.concatenate %slice3A_1884, %slice3A_1885 in 0 : vector<248x128xf32>, vector<8x128xf32> -> vector<256x128xf32>
    %slice3A_1887 = vector.extract_strided_slice %select_n3A_1870 {offsets = [248, 0], sizes = [8, 128], strides = [1, 1]} : vector<256x128xf32> to vector<8x128xf32>
    %slice3A_1888 = vector.extract_strided_slice %select_n3A_1870 {offsets = [0, 0], sizes = [248, 128], strides = [1, 1]} : vector<256x128xf32> to vector<248x128xf32>
    %concatenate3A_1889 = tpu.concatenate %slice3A_1887, %slice3A_1888 in 0 : vector<8x128xf32>, vector<248x128xf32> -> vector<256x128xf32>
    %select_n3A_1890 = arith.select %eq3A_1883, %concatenate3A_1886, %concatenate3A_1889 : vector<256x128xi1>, vector<256x128xf32>
    %slice3A_1891 = vector.extract_strided_slice %select_n3A_1871 {offsets = [8, 0], sizes = [248, 128], strides = [1, 1]} : vector<256x128xi32> to vector<248x128xi32>
    %slice3A_1892 = vector.extract_strided_slice %select_n3A_1871 {offsets = [0, 0], sizes = [8, 128], strides = [1, 1]} : vector<256x128xi32> to vector<8x128xi32>
    %concatenate3A_1893 = tpu.concatenate %slice3A_1891, %slice3A_1892 in 0 : vector<248x128xi32>, vector<8x128xi32> -> vector<256x128xi32>
    %slice3A_1894 = vector.extract_strided_slice %select_n3A_1871 {offsets = [248, 0], sizes = [8, 128], strides = [1, 1]} : vector<256x128xi32> to vector<8x128xi32>
    %slice3A_1895 = vector.extract_strided_slice %select_n3A_1871 {offsets = [0, 0], sizes = [248, 128], strides = [1, 1]} : vector<256x128xi32> to vector<248x128xi32>
    %concatenate3A_1896 = tpu.concatenate %slice3A_1894, %slice3A_1895 in 0 : vector<8x128xi32>, vector<248x128xi32> -> vector<256x128xi32>
    %select_n3A_1897 = arith.select %eq3A_1883, %concatenate3A_1893, %concatenate3A_1896 : vector<256x128xi1>, vector<256x128xi32>
    %gt3A_1898 = arith.cmpf ogt, %select_n3A_1870, %select_n3A_1890 : vector<256x128xf32>
    %eq3A_1899 = arith.cmpf oeq, %select_n3A_1870, %select_n3A_1890 : vector<256x128xf32>
    %lt3A_1900 = arith.cmpi slt, %select_n3A_1871, %select_n3A_1897 : vector<256x128xi32>
    %and3A_1901 = arith.andi %eq3A_1899, %lt3A_1900 : vector<256x128xi1>
    %or3A_1902 = arith.ori %gt3A_1898, %and3A_1901 : vector<256x128xi1>
    %eq3A_1903 = arith.xori %eq3A_1883, %eq3A_1877 : vector<256x128xi1>
    %eq3A_1904 = arith.constant dense<true> : vector<256x128xi1>
    %eq3A_1905 = arith.xori %eq3A_1903, %eq3A_1904 : vector<256x128xi1>
    %eq3A_1906 = arith.xori %or3A_1902, %eq3A_1905 : vector<256x128xi1>
    %eq3A_1907 = arith.constant dense<true> : vector<256x128xi1>
    %eq3A_1908 = arith.xori %eq3A_1906, %eq3A_1907 : vector<256x128xi1>
    %select_n3A_1909 = arith.select %eq3A_1908, %select_n3A_1870, %select_n3A_1890 : vector<256x128xi1>, vector<256x128xf32>
    %select_n3A_1910 = arith.select %eq3A_1908, %select_n3A_1871, %select_n3A_1897 : vector<256x128xi1>, vector<256x128xi32>
    %and3A_1911 = arith.constant 4 : i32
    %and3A_1912 = vector.broadcast %and3A_1911 : i32 to vector<256x128xi32>
    %and3A_1913 = arith.andi %iota3A, %and3A_1912 : vector<256x128xi32>
    %eq3A_1914 = arith.constant 0 : i32
    %eq3A_1915 = vector.broadcast %eq3A_1914 : i32 to vector<256x128xi32>
    %eq3A_1916 = arith.cmpi eq, %and3A_1913, %eq3A_1915 : vector<256x128xi32>
    %slice3A_1917 = vector.extract_strided_slice %select_n3A_1909 {offsets = [4, 0], sizes = [252, 128], strides = [1, 1]} : vector<256x128xf32> to vector<252x128xf32>
    %slice3A_1918 = vector.extract_strided_slice %select_n3A_1909 {offsets = [0, 0], sizes = [4, 128], strides = [1, 1]} : vector<256x128xf32> to vector<4x128xf32>
    %concatenate3A_1919 = tpu.concatenate %slice3A_1917, %slice3A_1918 in 0 : vector<252x128xf32>, vector<4x128xf32> -> vector<256x128xf32>
    %slice3A_1920 = vector.extract_strided_slice %select_n3A_1909 {offsets = [252, 0], sizes = [4, 128], strides = [1, 1]} : vector<256x128xf32> to vector<4x128xf32>
    %slice3A_1921 = vector.extract_strided_slice %select_n3A_1909 {offsets = [0, 0], sizes = [252, 128], strides = [1, 1]} : vector<256x128xf32> to vector<252x128xf32>
    %concatenate3A_1922 = tpu.concatenate %slice3A_1920, %slice3A_1921 in 0 : vector<4x128xf32>, vector<252x128xf32> -> vector<256x128xf32>
    %select_n3A_1923 = arith.select %eq3A_1916, %concatenate3A_1919, %concatenate3A_1922 : vector<256x128xi1>, vector<256x128xf32>
    %slice3A_1924 = vector.extract_strided_slice %select_n3A_1910 {offsets = [4, 0], sizes = [252, 128], strides = [1, 1]} : vector<256x128xi32> to vector<252x128xi32>
    %slice3A_1925 = vector.extract_strided_slice %select_n3A_1910 {offsets = [0, 0], sizes = [4, 128], strides = [1, 1]} : vector<256x128xi32> to vector<4x128xi32>
    %concatenate3A_1926 = tpu.concatenate %slice3A_1924, %slice3A_1925 in 0 : vector<252x128xi32>, vector<4x128xi32> -> vector<256x128xi32>
    %slice3A_1927 = vector.extract_strided_slice %select_n3A_1910 {offsets = [252, 0], sizes = [4, 128], strides = [1, 1]} : vector<256x128xi32> to vector<4x128xi32>
    %slice3A_1928 = vector.extract_strided_slice %select_n3A_1910 {offsets = [0, 0], sizes = [252, 128], strides = [1, 1]} : vector<256x128xi32> to vector<252x128xi32>
    %concatenate3A_1929 = tpu.concatenate %slice3A_1927, %slice3A_1928 in 0 : vector<4x128xi32>, vector<252x128xi32> -> vector<256x128xi32>
    %select_n3A_1930 = arith.select %eq3A_1916, %concatenate3A_1926, %concatenate3A_1929 : vector<256x128xi1>, vector<256x128xi32>
    %gt3A_1931 = arith.cmpf ogt, %select_n3A_1909, %select_n3A_1923 : vector<256x128xf32>
    %eq3A_1932 = arith.cmpf oeq, %select_n3A_1909, %select_n3A_1923 : vector<256x128xf32>
    %lt3A_1933 = arith.cmpi slt, %select_n3A_1910, %select_n3A_1930 : vector<256x128xi32>
    %and3A_1934 = arith.andi %eq3A_1932, %lt3A_1933 : vector<256x128xi1>
    %or3A_1935 = arith.ori %gt3A_1931, %and3A_1934 : vector<256x128xi1>
    %eq3A_1936 = arith.xori %eq3A_1916, %eq3A_1877 : vector<256x128xi1>
    %eq3A_1937 = arith.constant dense<true> : vector<256x128xi1>
    %eq3A_1938 = arith.xori %eq3A_1936, %eq3A_1937 : vector<256x128xi1>
    %eq3A_1939 = arith.xori %or3A_1935, %eq3A_1938 : vector<256x128xi1>
    %eq3A_1940 = arith.constant dense<true> : vector<256x128xi1>
    %eq3A_1941 = arith.xori %eq3A_1939, %eq3A_1940 : vector<256x128xi1>
    %select_n3A_1942 = arith.select %eq3A_1941, %select_n3A_1909, %select_n3A_1923 : vector<256x128xi1>, vector<256x128xf32>
    %select_n3A_1943 = arith.select %eq3A_1941, %select_n3A_1910, %select_n3A_1930 : vector<256x128xi1>, vector<256x128xi32>
    %and3A_1944 = arith.constant 2 : i32
    %and3A_1945 = vector.broadcast %and3A_1944 : i32 to vector<256x128xi32>
    %and3A_1946 = arith.andi %iota3A, %and3A_1945 : vector<256x128xi32>
    %eq3A_1947 = arith.constant 0 : i32
    %eq3A_1948 = vector.broadcast %eq3A_1947 : i32 to vector<256x128xi32>
    %eq3A_1949 = arith.cmpi eq, %and3A_1946, %eq3A_1948 : vector<256x128xi32>
    %slice3A_1950 = vector.extract_strided_slice %select_n3A_1942 {offsets = [2, 0], sizes = [254, 128], strides = [1, 1]} : vector<256x128xf32> to vector<254x128xf32>
    %slice3A_1951 = vector.extract_strided_slice %select_n3A_1942 {offsets = [0, 0], sizes = [2, 128], strides = [1, 1]} : vector<256x128xf32> to vector<2x128xf32>
    %concatenate3A_1952 = tpu.concatenate %slice3A_1950, %slice3A_1951 in 0 : vector<254x128xf32>, vector<2x128xf32> -> vector<256x128xf32>
    %slice3A_1953 = vector.extract_strided_slice %select_n3A_1942 {offsets = [254, 0], sizes = [2, 128], strides = [1, 1]} : vector<256x128xf32> to vector<2x128xf32>
    %slice3A_1954 = vector.extract_strided_slice %select_n3A_1942 {offsets = [0, 0], sizes = [254, 128], strides = [1, 1]} : vector<256x128xf32> to vector<254x128xf32>
    %concatenate3A_1955 = tpu.concatenate %slice3A_1953, %slice3A_1954 in 0 : vector<2x128xf32>, vector<254x128xf32> -> vector<256x128xf32>
    %select_n3A_1956 = arith.select %eq3A_1949, %concatenate3A_1952, %concatenate3A_1955 : vector<256x128xi1>, vector<256x128xf32>
    %slice3A_1957 = vector.extract_strided_slice %select_n3A_1943 {offsets = [2, 0], sizes = [254, 128], strides = [1, 1]} : vector<256x128xi32> to vector<254x128xi32>
    %slice3A_1958 = vector.extract_strided_slice %select_n3A_1943 {offsets = [0, 0], sizes = [2, 128], strides = [1, 1]} : vector<256x128xi32> to vector<2x128xi32>
    %concatenate3A_1959 = tpu.concatenate %slice3A_1957, %slice3A_1958 in 0 : vector<254x128xi32>, vector<2x128xi32> -> vector<256x128xi32>
    %slice3A_1960 = vector.extract_strided_slice %select_n3A_1943 {offsets = [254, 0], sizes = [2, 128], strides = [1, 1]} : vector<256x128xi32> to vector<2x128xi32>
    %slice3A_1961 = vector.extract_strided_slice %select_n3A_1943 {offsets = [0, 0], sizes = [254, 128], strides = [1, 1]} : vector<256x128xi32> to vector<254x128xi32>
    %concatenate3A_1962 = tpu.concatenate %slice3A_1960, %slice3A_1961 in 0 : vector<2x128xi32>, vector<254x128xi32> -> vector<256x128xi32>
    %select_n3A_1963 = arith.select %eq3A_1949, %concatenate3A_1959, %concatenate3A_1962 : vector<256x128xi1>, vector<256x128xi32>
    %gt3A_1964 = arith.cmpf ogt, %select_n3A_1942, %select_n3A_1956 : vector<256x128xf32>
    %eq3A_1965 = arith.cmpf oeq, %select_n3A_1942, %select_n3A_1956 : vector<256x128xf32>
    %lt3A_1966 = arith.cmpi slt, %select_n3A_1943, %select_n3A_1963 : vector<256x128xi32>
    %and3A_1967 = arith.andi %eq3A_1965, %lt3A_1966 : vector<256x128xi1>
    %or3A_1968 = arith.ori %gt3A_1964, %and3A_1967 : vector<256x128xi1>
    %eq3A_1969 = arith.xori %eq3A_1949, %eq3A_1877 : vector<256x128xi1>
    %eq3A_1970 = arith.constant dense<true> : vector<256x128xi1>
    %eq3A_1971 = arith.xori %eq3A_1969, %eq3A_1970 : vector<256x128xi1>
    %eq3A_1972 = arith.xori %or3A_1968, %eq3A_1971 : vector<256x128xi1>
    %eq3A_1973 = arith.constant dense<true> : vector<256x128xi1>
    %eq3A_1974 = arith.xori %eq3A_1972, %eq3A_1973 : vector<256x128xi1>
    %select_n3A_1975 = arith.select %eq3A_1974, %select_n3A_1942, %select_n3A_1956 : vector<256x128xi1>, vector<256x128xf32>
    %select_n3A_1976 = arith.select %eq3A_1974, %select_n3A_1943, %select_n3A_1963 : vector<256x128xi1>, vector<256x128xi32>
    %and3A_1977 = arith.constant 1 : i32
    %and3A_1978 = vector.broadcast %and3A_1977 : i32 to vector<256x128xi32>
    %and3A_1979 = arith.andi %iota3A, %and3A_1978 : vector<256x128xi32>
    %eq3A_1980 = arith.constant 0 : i32
    %eq3A_1981 = vector.broadcast %eq3A_1980 : i32 to vector<256x128xi32>
    %eq3A_1982 = arith.cmpi eq, %and3A_1979, %eq3A_1981 : vector<256x128xi32>
    %slice3A_1983 = vector.extract_strided_slice %select_n3A_1975 {offsets = [1, 0], sizes = [255, 128], strides = [1, 1]} : vector<256x128xf32> to vector<255x128xf32>
    %slice3A_1984 = vector.extract_strided_slice %select_n3A_1975 {offsets = [0, 0], sizes = [1, 128], strides = [1, 1]} : vector<256x128xf32> to vector<1x128xf32>
    %concatenate3A_1985 = tpu.concatenate %slice3A_1983, %slice3A_1984 in 0 : vector<255x128xf32>, vector<1x128xf32> -> vector<256x128xf32>
    %slice3A_1986 = vector.extract_strided_slice %select_n3A_1975 {offsets = [255, 0], sizes = [1, 128], strides = [1, 1]} : vector<256x128xf32> to vector<1x128xf32>
    %slice3A_1987 = vector.extract_strided_slice %select_n3A_1975 {offsets = [0, 0], sizes = [255, 128], strides = [1, 1]} : vector<256x128xf32> to vector<255x128xf32>
    %concatenate3A_1988 = tpu.concatenate %slice3A_1986, %slice3A_1987 in 0 : vector<1x128xf32>, vector<255x128xf32> -> vector<256x128xf32>
    %select_n3A_1989 = arith.select %eq3A_1982, %concatenate3A_1985, %concatenate3A_1988 : vector<256x128xi1>, vector<256x128xf32>
    %slice3A_1990 = vector.extract_strided_slice %select_n3A_1976 {offsets = [1, 0], sizes = [255, 128], strides = [1, 1]} : vector<256x128xi32> to vector<255x128xi32>
    %slice3A_1991 = vector.extract_strided_slice %select_n3A_1976 {offsets = [0, 0], sizes = [1, 128], strides = [1, 1]} : vector<256x128xi32> to vector<1x128xi32>
    %concatenate3A_1992 = tpu.concatenate %slice3A_1990, %slice3A_1991 in 0 : vector<255x128xi32>, vector<1x128xi32> -> vector<256x128xi32>
    %slice3A_1993 = vector.extract_strided_slice %select_n3A_1976 {offsets = [255, 0], sizes = [1, 128], strides = [1, 1]} : vector<256x128xi32> to vector<1x128xi32>
    %slice3A_1994 = vector.extract_strided_slice %select_n3A_1976 {offsets = [0, 0], sizes = [255, 128], strides = [1, 1]} : vector<256x128xi32> to vector<255x128xi32>
    %concatenate3A_1995 = tpu.concatenate %slice3A_1993, %slice3A_1994 in 0 : vector<1x128xi32>, vector<255x128xi32> -> vector<256x128xi32>
    %select_n3A_1996 = arith.select %eq3A_1982, %concatenate3A_1992, %concatenate3A_1995 : vector<256x128xi1>, vector<256x128xi32>
    %gt3A_1997 = arith.cmpf ogt, %select_n3A_1975, %select_n3A_1989 : vector<256x128xf32>
    %eq3A_1998 = arith.cmpf oeq, %select_n3A_1975, %select_n3A_1989 : vector<256x128xf32>
    %lt3A_1999 = arith.cmpi slt, %select_n3A_1976, %select_n3A_1996 : vector<256x128xi32>
    %and3A_2000 = arith.andi %eq3A_1998, %lt3A_1999 : vector<256x128xi1>
    %or3A_2001 = arith.ori %gt3A_1997, %and3A_2000 : vector<256x128xi1>
    %eq3A_2002 = arith.xori %eq3A_1982, %eq3A_1877 : vector<256x128xi1>
    %eq3A_2003 = arith.constant dense<true> : vector<256x128xi1>
    %eq3A_2004 = arith.xori %eq3A_2002, %eq3A_2003 : vector<256x128xi1>
    %eq3A_2005 = arith.xori %or3A_2001, %eq3A_2004 : vector<256x128xi1>
    %eq3A_2006 = arith.constant dense<true> : vector<256x128xi1>
    %eq3A_2007 = arith.xori %eq3A_2005, %eq3A_2006 : vector<256x128xi1>
    %select_n3A_2008 = arith.select %eq3A_2007, %select_n3A_1975, %select_n3A_1989 : vector<256x128xi1>, vector<256x128xf32>
    %select_n3A_2009 = arith.select %eq3A_2007, %select_n3A_1976, %select_n3A_1996 : vector<256x128xi1>, vector<256x128xi32>
    %and3A_2010 = arith.constant 64 : i32
    %and3A_2011 = vector.broadcast %and3A_2010 : i32 to vector<256x128xi32>
    %and3A_2012 = arith.andi %iota3A_0, %and3A_2011 : vector<256x128xi32>
    %eq3A_2013 = arith.constant 0 : i32
    %eq3A_2014 = vector.broadcast %eq3A_2013 : i32 to vector<256x128xi32>
    %eq3A_2015 = arith.cmpi eq, %and3A_2012, %eq3A_2014 : vector<256x128xi32>
    %slice3A_2016 = vector.extract_strided_slice %select_n3A_2008 {offsets = [0, 64], sizes = [256, 64], strides = [1, 1]} : vector<256x128xf32> to vector<256x64xf32>
    %slice3A_2017 = vector.extract_strided_slice %select_n3A_2008 {offsets = [0, 0], sizes = [256, 64], strides = [1, 1]} : vector<256x128xf32> to vector<256x64xf32>
    %concatenate3A_2018 = tpu.concatenate %slice3A_2016, %slice3A_2017 in 1 : vector<256x64xf32>, vector<256x64xf32> -> vector<256x128xf32>
    %slice3A_2019 = vector.extract_strided_slice %select_n3A_2008 {offsets = [0, 64], sizes = [256, 64], strides = [1, 1]} : vector<256x128xf32> to vector<256x64xf32>
    %slice3A_2020 = vector.extract_strided_slice %select_n3A_2008 {offsets = [0, 0], sizes = [256, 64], strides = [1, 1]} : vector<256x128xf32> to vector<256x64xf32>
    %concatenate3A_2021 = tpu.concatenate %slice3A_2019, %slice3A_2020 in 1 : vector<256x64xf32>, vector<256x64xf32> -> vector<256x128xf32>
    %select_n3A_2022 = arith.select %eq3A_2015, %concatenate3A_2018, %concatenate3A_2021 : vector<256x128xi1>, vector<256x128xf32>
    %slice3A_2023 = vector.extract_strided_slice %select_n3A_2009 {offsets = [0, 64], sizes = [256, 64], strides = [1, 1]} : vector<256x128xi32> to vector<256x64xi32>
    %slice3A_2024 = vector.extract_strided_slice %select_n3A_2009 {offsets = [0, 0], sizes = [256, 64], strides = [1, 1]} : vector<256x128xi32> to vector<256x64xi32>
    %concatenate3A_2025 = tpu.concatenate %slice3A_2023, %slice3A_2024 in 1 : vector<256x64xi32>, vector<256x64xi32> -> vector<256x128xi32>
    %slice3A_2026 = vector.extract_strided_slice %select_n3A_2009 {offsets = [0, 64], sizes = [256, 64], strides = [1, 1]} : vector<256x128xi32> to vector<256x64xi32>
    %slice3A_2027 = vector.extract_strided_slice %select_n3A_2009 {offsets = [0, 0], sizes = [256, 64], strides = [1, 1]} : vector<256x128xi32> to vector<256x64xi32>
    %concatenate3A_2028 = tpu.concatenate %slice3A_2026, %slice3A_2027 in 1 : vector<256x64xi32>, vector<256x64xi32> -> vector<256x128xi32>
    %select_n3A_2029 = arith.select %eq3A_2015, %concatenate3A_2025, %concatenate3A_2028 : vector<256x128xi1>, vector<256x128xi32>
    %gt3A_2030 = arith.cmpf ogt, %select_n3A_2008, %select_n3A_2022 : vector<256x128xf32>
    %eq3A_2031 = arith.cmpf oeq, %select_n3A_2008, %select_n3A_2022 : vector<256x128xf32>
    %lt3A_2032 = arith.cmpi slt, %select_n3A_2009, %select_n3A_2029 : vector<256x128xi32>
    %and3A_2033 = arith.andi %eq3A_2031, %lt3A_2032 : vector<256x128xi1>
    %or3A_2034 = arith.ori %gt3A_2030, %and3A_2033 : vector<256x128xi1>
    %eq3A_2035 = arith.xori %eq3A_2015, %eq3A_1877 : vector<256x128xi1>
    %eq3A_2036 = arith.constant dense<true> : vector<256x128xi1>
    %eq3A_2037 = arith.xori %eq3A_2035, %eq3A_2036 : vector<256x128xi1>
    %eq3A_2038 = arith.xori %or3A_2034, %eq3A_2037 : vector<256x128xi1>
    %eq3A_2039 = arith.constant dense<true> : vector<256x128xi1>
    %eq3A_2040 = arith.xori %eq3A_2038, %eq3A_2039 : vector<256x128xi1>
    %select_n3A_2041 = arith.select %eq3A_2040, %select_n3A_2008, %select_n3A_2022 : vector<256x128xi1>, vector<256x128xf32>
    %select_n3A_2042 = arith.select %eq3A_2040, %select_n3A_2009, %select_n3A_2029 : vector<256x128xi1>, vector<256x128xi32>
    %and3A_2043 = arith.constant 32 : i32
    %and3A_2044 = vector.broadcast %and3A_2043 : i32 to vector<256x128xi32>
    %and3A_2045 = arith.andi %iota3A_0, %and3A_2044 : vector<256x128xi32>
    %eq3A_2046 = arith.constant 0 : i32
    %eq3A_2047 = vector.broadcast %eq3A_2046 : i32 to vector<256x128xi32>
    %eq3A_2048 = arith.cmpi eq, %and3A_2045, %eq3A_2047 : vector<256x128xi32>
    %slice3A_2049 = vector.extract_strided_slice %select_n3A_2041 {offsets = [0, 32], sizes = [256, 96], strides = [1, 1]} : vector<256x128xf32> to vector<256x96xf32>
    %slice3A_2050 = vector.extract_strided_slice %select_n3A_2041 {offsets = [0, 0], sizes = [256, 32], strides = [1, 1]} : vector<256x128xf32> to vector<256x32xf32>
    %concatenate3A_2051 = tpu.concatenate %slice3A_2049, %slice3A_2050 in 1 : vector<256x96xf32>, vector<256x32xf32> -> vector<256x128xf32>
    %slice3A_2052 = vector.extract_strided_slice %select_n3A_2041 {offsets = [0, 96], sizes = [256, 32], strides = [1, 1]} : vector<256x128xf32> to vector<256x32xf32>
    %slice3A_2053 = vector.extract_strided_slice %select_n3A_2041 {offsets = [0, 0], sizes = [256, 96], strides = [1, 1]} : vector<256x128xf32> to vector<256x96xf32>
    %concatenate3A_2054 = tpu.concatenate %slice3A_2052, %slice3A_2053 in 1 : vector<256x32xf32>, vector<256x96xf32> -> vector<256x128xf32>
    %select_n3A_2055 = arith.select %eq3A_2048, %concatenate3A_2051, %concatenate3A_2054 : vector<256x128xi1>, vector<256x128xf32>
    %slice3A_2056 = vector.extract_strided_slice %select_n3A_2042 {offsets = [0, 32], sizes = [256, 96], strides = [1, 1]} : vector<256x128xi32> to vector<256x96xi32>
    %slice3A_2057 = vector.extract_strided_slice %select_n3A_2042 {offsets = [0, 0], sizes = [256, 32], strides = [1, 1]} : vector<256x128xi32> to vector<256x32xi32>
    %concatenate3A_2058 = tpu.concatenate %slice3A_2056, %slice3A_2057 in 1 : vector<256x96xi32>, vector<256x32xi32> -> vector<256x128xi32>
    %slice3A_2059 = vector.extract_strided_slice %select_n3A_2042 {offsets = [0, 96], sizes = [256, 32], strides = [1, 1]} : vector<256x128xi32> to vector<256x32xi32>
    %slice3A_2060 = vector.extract_strided_slice %select_n3A_2042 {offsets = [0, 0], sizes = [256, 96], strides = [1, 1]} : vector<256x128xi32> to vector<256x96xi32>
    %concatenate3A_2061 = tpu.concatenate %slice3A_2059, %slice3A_2060 in 1 : vector<256x32xi32>, vector<256x96xi32> -> vector<256x128xi32>
    %select_n3A_2062 = arith.select %eq3A_2048, %concatenate3A_2058, %concatenate3A_2061 : vector<256x128xi1>, vector<256x128xi32>
    %gt3A_2063 = arith.cmpf ogt, %select_n3A_2041, %select_n3A_2055 : vector<256x128xf32>
    %eq3A_2064 = arith.cmpf oeq, %select_n3A_2041, %select_n3A_2055 : vector<256x128xf32>
    %lt3A_2065 = arith.cmpi slt, %select_n3A_2042, %select_n3A_2062 : vector<256x128xi32>
    %and3A_2066 = arith.andi %eq3A_2064, %lt3A_2065 : vector<256x128xi1>
    %or3A_2067 = arith.ori %gt3A_2063, %and3A_2066 : vector<256x128xi1>
    %eq3A_2068 = arith.xori %eq3A_2048, %eq3A_1877 : vector<256x128xi1>
    %eq3A_2069 = arith.constant dense<true> : vector<256x128xi1>
    %eq3A_2070 = arith.xori %eq3A_2068, %eq3A_2069 : vector<256x128xi1>
    %eq3A_2071 = arith.xori %or3A_2067, %eq3A_2070 : vector<256x128xi1>
    %eq3A_2072 = arith.constant dense<true> : vector<256x128xi1>
    %eq3A_2073 = arith.xori %eq3A_2071, %eq3A_2072 : vector<256x128xi1>
    %select_n3A_2074 = arith.select %eq3A_2073, %select_n3A_2041, %select_n3A_2055 : vector<256x128xi1>, vector<256x128xf32>
    %select_n3A_2075 = arith.select %eq3A_2073, %select_n3A_2042, %select_n3A_2062 : vector<256x128xi1>, vector<256x128xi32>
    %and3A_2076 = arith.constant 16 : i32
    %and3A_2077 = vector.broadcast %and3A_2076 : i32 to vector<256x128xi32>
    %and3A_2078 = arith.andi %iota3A_0, %and3A_2077 : vector<256x128xi32>
    %eq3A_2079 = arith.constant 0 : i32
    %eq3A_2080 = vector.broadcast %eq3A_2079 : i32 to vector<256x128xi32>
    %eq3A_2081 = arith.cmpi eq, %and3A_2078, %eq3A_2080 : vector<256x128xi32>
    %slice3A_2082 = vector.extract_strided_slice %select_n3A_2074 {offsets = [0, 16], sizes = [256, 112], strides = [1, 1]} : vector<256x128xf32> to vector<256x112xf32>
    %slice3A_2083 = vector.extract_strided_slice %select_n3A_2074 {offsets = [0, 0], sizes = [256, 16], strides = [1, 1]} : vector<256x128xf32> to vector<256x16xf32>
    %concatenate3A_2084 = tpu.concatenate %slice3A_2082, %slice3A_2083 in 1 : vector<256x112xf32>, vector<256x16xf32> -> vector<256x128xf32>
    %slice3A_2085 = vector.extract_strided_slice %select_n3A_2074 {offsets = [0, 112], sizes = [256, 16], strides = [1, 1]} : vector<256x128xf32> to vector<256x16xf32>
    %slice3A_2086 = vector.extract_strided_slice %select_n3A_2074 {offsets = [0, 0], sizes = [256, 112], strides = [1, 1]} : vector<256x128xf32> to vector<256x112xf32>
    %concatenate3A_2087 = tpu.concatenate %slice3A_2085, %slice3A_2086 in 1 : vector<256x16xf32>, vector<256x112xf32> -> vector<256x128xf32>
    %select_n3A_2088 = arith.select %eq3A_2081, %concatenate3A_2084, %concatenate3A_2087 : vector<256x128xi1>, vector<256x128xf32>
    %slice3A_2089 = vector.extract_strided_slice %select_n3A_2075 {offsets = [0, 16], sizes = [256, 112], strides = [1, 1]} : vector<256x128xi32> to vector<256x112xi32>
    %slice3A_2090 = vector.extract_strided_slice %select_n3A_2075 {offsets = [0, 0], sizes = [256, 16], strides = [1, 1]} : vector<256x128xi32> to vector<256x16xi32>
    %concatenate3A_2091 = tpu.concatenate %slice3A_2089, %slice3A_2090 in 1 : vector<256x112xi32>, vector<256x16xi32> -> vector<256x128xi32>
    %slice3A_2092 = vector.extract_strided_slice %select_n3A_2075 {offsets = [0, 112], sizes = [256, 16], strides = [1, 1]} : vector<256x128xi32> to vector<256x16xi32>
    %slice3A_2093 = vector.extract_strided_slice %select_n3A_2075 {offsets = [0, 0], sizes = [256, 112], strides = [1, 1]} : vector<256x128xi32> to vector<256x112xi32>
    %concatenate3A_2094 = tpu.concatenate %slice3A_2092, %slice3A_2093 in 1 : vector<256x16xi32>, vector<256x112xi32> -> vector<256x128xi32>
    %select_n3A_2095 = arith.select %eq3A_2081, %concatenate3A_2091, %concatenate3A_2094 : vector<256x128xi1>, vector<256x128xi32>
    %gt3A_2096 = arith.cmpf ogt, %select_n3A_2074, %select_n3A_2088 : vector<256x128xf32>
    %eq3A_2097 = arith.cmpf oeq, %select_n3A_2074, %select_n3A_2088 : vector<256x128xf32>
    %lt3A_2098 = arith.cmpi slt, %select_n3A_2075, %select_n3A_2095 : vector<256x128xi32>
    %and3A_2099 = arith.andi %eq3A_2097, %lt3A_2098 : vector<256x128xi1>
    %or3A_2100 = arith.ori %gt3A_2096, %and3A_2099 : vector<256x128xi1>
    %eq3A_2101 = arith.xori %eq3A_2081, %eq3A_1877 : vector<256x128xi1>
    %eq3A_2102 = arith.constant dense<true> : vector<256x128xi1>
    %eq3A_2103 = arith.xori %eq3A_2101, %eq3A_2102 : vector<256x128xi1>
    %eq3A_2104 = arith.xori %or3A_2100, %eq3A_2103 : vector<256x128xi1>
    %eq3A_2105 = arith.constant dense<true> : vector<256x128xi1>
    %eq3A_2106 = arith.xori %eq3A_2104, %eq3A_2105 : vector<256x128xi1>
    %select_n3A_2107 = arith.select %eq3A_2106, %select_n3A_2074, %select_n3A_2088 : vector<256x128xi1>, vector<256x128xf32>
    %select_n3A_2108 = arith.select %eq3A_2106, %select_n3A_2075, %select_n3A_2095 : vector<256x128xi1>, vector<256x128xi32>
    %and3A_2109 = arith.constant 8 : i32
    %and3A_2110 = vector.broadcast %and3A_2109 : i32 to vector<256x128xi32>
    %and3A_2111 = arith.andi %iota3A_0, %and3A_2110 : vector<256x128xi32>
    %eq3A_2112 = arith.constant 0 : i32
    %eq3A_2113 = vector.broadcast %eq3A_2112 : i32 to vector<256x128xi32>
    %eq3A_2114 = arith.cmpi eq, %and3A_2111, %eq3A_2113 : vector<256x128xi32>
    %slice3A_2115 = vector.extract_strided_slice %select_n3A_2107 {offsets = [0, 8], sizes = [256, 120], strides = [1, 1]} : vector<256x128xf32> to vector<256x120xf32>
    %slice3A_2116 = vector.extract_strided_slice %select_n3A_2107 {offsets = [0, 0], sizes = [256, 8], strides = [1, 1]} : vector<256x128xf32> to vector<256x8xf32>
    %concatenate3A_2117 = tpu.concatenate %slice3A_2115, %slice3A_2116 in 1 : vector<256x120xf32>, vector<256x8xf32> -> vector<256x128xf32>
    %slice3A_2118 = vector.extract_strided_slice %select_n3A_2107 {offsets = [0, 120], sizes = [256, 8], strides = [1, 1]} : vector<256x128xf32> to vector<256x8xf32>
    %slice3A_2119 = vector.extract_strided_slice %select_n3A_2107 {offsets = [0, 0], sizes = [256, 120], strides = [1, 1]} : vector<256x128xf32> to vector<256x120xf32>
    %concatenate3A_2120 = tpu.concatenate %slice3A_2118, %slice3A_2119 in 1 : vector<256x8xf32>, vector<256x120xf32> -> vector<256x128xf32>
    %select_n3A_2121 = arith.select %eq3A_2114, %concatenate3A_2117, %concatenate3A_2120 : vector<256x128xi1>, vector<256x128xf32>
    %slice3A_2122 = vector.extract_strided_slice %select_n3A_2108 {offsets = [0, 8], sizes = [256, 120], strides = [1, 1]} : vector<256x128xi32> to vector<256x120xi32>
    %slice3A_2123 = vector.extract_strided_slice %select_n3A_2108 {offsets = [0, 0], sizes = [256, 8], strides = [1, 1]} : vector<256x128xi32> to vector<256x8xi32>
    %concatenate3A_2124 = tpu.concatenate %slice3A_2122, %slice3A_2123 in 1 : vector<256x120xi32>, vector<256x8xi32> -> vector<256x128xi32>
    %slice3A_2125 = vector.extract_strided_slice %select_n3A_2108 {offsets = [0, 120], sizes = [256, 8], strides = [1, 1]} : vector<256x128xi32> to vector<256x8xi32>
    %slice3A_2126 = vector.extract_strided_slice %select_n3A_2108 {offsets = [0, 0], sizes = [256, 120], strides = [1, 1]} : vector<256x128xi32> to vector<256x120xi32>
    %concatenate3A_2127 = tpu.concatenate %slice3A_2125, %slice3A_2126 in 1 : vector<256x8xi32>, vector<256x120xi32> -> vector<256x128xi32>
    %select_n3A_2128 = arith.select %eq3A_2114, %concatenate3A_2124, %concatenate3A_2127 : vector<256x128xi1>, vector<256x128xi32>
    %gt3A_2129 = arith.cmpf ogt, %select_n3A_2107, %select_n3A_2121 : vector<256x128xf32>
    %eq3A_2130 = arith.cmpf oeq, %select_n3A_2107, %select_n3A_2121 : vector<256x128xf32>
    %lt3A_2131 = arith.cmpi slt, %select_n3A_2108, %select_n3A_2128 : vector<256x128xi32>
    %and3A_2132 = arith.andi %eq3A_2130, %lt3A_2131 : vector<256x128xi1>
    %or3A_2133 = arith.ori %gt3A_2129, %and3A_2132 : vector<256x128xi1>
    %eq3A_2134 = arith.xori %eq3A_2114, %eq3A_1877 : vector<256x128xi1>
    %eq3A_2135 = arith.constant dense<true> : vector<256x128xi1>
    %eq3A_2136 = arith.xori %eq3A_2134, %eq3A_2135 : vector<256x128xi1>
    %eq3A_2137 = arith.xori %or3A_2133, %eq3A_2136 : vector<256x128xi1>
    %eq3A_2138 = arith.constant dense<true> : vector<256x128xi1>
    %eq3A_2139 = arith.xori %eq3A_2137, %eq3A_2138 : vector<256x128xi1>
    %select_n3A_2140 = arith.select %eq3A_2139, %select_n3A_2107, %select_n3A_2121 : vector<256x128xi1>, vector<256x128xf32>
    %select_n3A_2141 = arith.select %eq3A_2139, %select_n3A_2108, %select_n3A_2128 : vector<256x128xi1>, vector<256x128xi32>
    %and3A_2142 = arith.constant 4 : i32
    %and3A_2143 = vector.broadcast %and3A_2142 : i32 to vector<256x128xi32>
    %and3A_2144 = arith.andi %iota3A_0, %and3A_2143 : vector<256x128xi32>
    %eq3A_2145 = arith.constant 0 : i32
    %eq3A_2146 = vector.broadcast %eq3A_2145 : i32 to vector<256x128xi32>
    %eq3A_2147 = arith.cmpi eq, %and3A_2144, %eq3A_2146 : vector<256x128xi32>
    %slice3A_2148 = vector.extract_strided_slice %select_n3A_2140 {offsets = [0, 4], sizes = [256, 124], strides = [1, 1]} : vector<256x128xf32> to vector<256x124xf32>
    %slice3A_2149 = vector.extract_strided_slice %select_n3A_2140 {offsets = [0, 0], sizes = [256, 4], strides = [1, 1]} : vector<256x128xf32> to vector<256x4xf32>
    %concatenate3A_2150 = tpu.concatenate %slice3A_2148, %slice3A_2149 in 1 : vector<256x124xf32>, vector<256x4xf32> -> vector<256x128xf32>
    %slice3A_2151 = vector.extract_strided_slice %select_n3A_2140 {offsets = [0, 124], sizes = [256, 4], strides = [1, 1]} : vector<256x128xf32> to vector<256x4xf32>
    %slice3A_2152 = vector.extract_strided_slice %select_n3A_2140 {offsets = [0, 0], sizes = [256, 124], strides = [1, 1]} : vector<256x128xf32> to vector<256x124xf32>
    %concatenate3A_2153 = tpu.concatenate %slice3A_2151, %slice3A_2152 in 1 : vector<256x4xf32>, vector<256x124xf32> -> vector<256x128xf32>
    %select_n3A_2154 = arith.select %eq3A_2147, %concatenate3A_2150, %concatenate3A_2153 : vector<256x128xi1>, vector<256x128xf32>
    %slice3A_2155 = vector.extract_strided_slice %select_n3A_2141 {offsets = [0, 4], sizes = [256, 124], strides = [1, 1]} : vector<256x128xi32> to vector<256x124xi32>
    %slice3A_2156 = vector.extract_strided_slice %select_n3A_2141 {offsets = [0, 0], sizes = [256, 4], strides = [1, 1]} : vector<256x128xi32> to vector<256x4xi32>
    %concatenate3A_2157 = tpu.concatenate %slice3A_2155, %slice3A_2156 in 1 : vector<256x124xi32>, vector<256x4xi32> -> vector<256x128xi32>
    %slice3A_2158 = vector.extract_strided_slice %select_n3A_2141 {offsets = [0, 124], sizes = [256, 4], strides = [1, 1]} : vector<256x128xi32> to vector<256x4xi32>
    %slice3A_2159 = vector.extract_strided_slice %select_n3A_2141 {offsets = [0, 0], sizes = [256, 124], strides = [1, 1]} : vector<256x128xi32> to vector<256x124xi32>
    %concatenate3A_2160 = tpu.concatenate %slice3A_2158, %slice3A_2159 in 1 : vector<256x4xi32>, vector<256x124xi32> -> vector<256x128xi32>
    %select_n3A_2161 = arith.select %eq3A_2147, %concatenate3A_2157, %concatenate3A_2160 : vector<256x128xi1>, vector<256x128xi32>
    %gt3A_2162 = arith.cmpf ogt, %select_n3A_2140, %select_n3A_2154 : vector<256x128xf32>
    %eq3A_2163 = arith.cmpf oeq, %select_n3A_2140, %select_n3A_2154 : vector<256x128xf32>
    %lt3A_2164 = arith.cmpi slt, %select_n3A_2141, %select_n3A_2161 : vector<256x128xi32>
    %and3A_2165 = arith.andi %eq3A_2163, %lt3A_2164 : vector<256x128xi1>
    %or3A_2166 = arith.ori %gt3A_2162, %and3A_2165 : vector<256x128xi1>
    %eq3A_2167 = arith.xori %eq3A_2147, %eq3A_1877 : vector<256x128xi1>
    %eq3A_2168 = arith.constant dense<true> : vector<256x128xi1>
    %eq3A_2169 = arith.xori %eq3A_2167, %eq3A_2168 : vector<256x128xi1>
    %eq3A_2170 = arith.xori %or3A_2166, %eq3A_2169 : vector<256x128xi1>
    %eq3A_2171 = arith.constant dense<true> : vector<256x128xi1>
    %eq3A_2172 = arith.xori %eq3A_2170, %eq3A_2171 : vector<256x128xi1>
    %select_n3A_2173 = arith.select %eq3A_2172, %select_n3A_2140, %select_n3A_2154 : vector<256x128xi1>, vector<256x128xf32>
    %select_n3A_2174 = arith.select %eq3A_2172, %select_n3A_2141, %select_n3A_2161 : vector<256x128xi1>, vector<256x128xi32>
    %and3A_2175 = arith.constant 2 : i32
    %and3A_2176 = vector.broadcast %and3A_2175 : i32 to vector<256x128xi32>
    %and3A_2177 = arith.andi %iota3A_0, %and3A_2176 : vector<256x128xi32>
    %eq3A_2178 = arith.constant 0 : i32
    %eq3A_2179 = vector.broadcast %eq3A_2178 : i32 to vector<256x128xi32>
    %eq3A_2180 = arith.cmpi eq, %and3A_2177, %eq3A_2179 : vector<256x128xi32>
    %slice3A_2181 = vector.extract_strided_slice %select_n3A_2173 {offsets = [0, 2], sizes = [256, 126], strides = [1, 1]} : vector<256x128xf32> to vector<256x126xf32>
    %slice3A_2182 = vector.extract_strided_slice %select_n3A_2173 {offsets = [0, 0], sizes = [256, 2], strides = [1, 1]} : vector<256x128xf32> to vector<256x2xf32>
    %concatenate3A_2183 = tpu.concatenate %slice3A_2181, %slice3A_2182 in 1 : vector<256x126xf32>, vector<256x2xf32> -> vector<256x128xf32>
    %slice3A_2184 = vector.extract_strided_slice %select_n3A_2173 {offsets = [0, 126], sizes = [256, 2], strides = [1, 1]} : vector<256x128xf32> to vector<256x2xf32>
    %slice3A_2185 = vector.extract_strided_slice %select_n3A_2173 {offsets = [0, 0], sizes = [256, 126], strides = [1, 1]} : vector<256x128xf32> to vector<256x126xf32>
    %concatenate3A_2186 = tpu.concatenate %slice3A_2184, %slice3A_2185 in 1 : vector<256x2xf32>, vector<256x126xf32> -> vector<256x128xf32>
    %select_n3A_2187 = arith.select %eq3A_2180, %concatenate3A_2183, %concatenate3A_2186 : vector<256x128xi1>, vector<256x128xf32>
    %slice3A_2188 = vector.extract_strided_slice %select_n3A_2174 {offsets = [0, 2], sizes = [256, 126], strides = [1, 1]} : vector<256x128xi32> to vector<256x126xi32>
    %slice3A_2189 = vector.extract_strided_slice %select_n3A_2174 {offsets = [0, 0], sizes = [256, 2], strides = [1, 1]} : vector<256x128xi32> to vector<256x2xi32>
    %concatenate3A_2190 = tpu.concatenate %slice3A_2188, %slice3A_2189 in 1 : vector<256x126xi32>, vector<256x2xi32> -> vector<256x128xi32>
    %slice3A_2191 = vector.extract_strided_slice %select_n3A_2174 {offsets = [0, 126], sizes = [256, 2], strides = [1, 1]} : vector<256x128xi32> to vector<256x2xi32>
    %slice3A_2192 = vector.extract_strided_slice %select_n3A_2174 {offsets = [0, 0], sizes = [256, 126], strides = [1, 1]} : vector<256x128xi32> to vector<256x126xi32>
    %concatenate3A_2193 = tpu.concatenate %slice3A_2191, %slice3A_2192 in 1 : vector<256x2xi32>, vector<256x126xi32> -> vector<256x128xi32>
    %select_n3A_2194 = arith.select %eq3A_2180, %concatenate3A_2190, %concatenate3A_2193 : vector<256x128xi1>, vector<256x128xi32>
    %gt3A_2195 = arith.cmpf ogt, %select_n3A_2173, %select_n3A_2187 : vector<256x128xf32>
    %eq3A_2196 = arith.cmpf oeq, %select_n3A_2173, %select_n3A_2187 : vector<256x128xf32>
    %lt3A_2197 = arith.cmpi slt, %select_n3A_2174, %select_n3A_2194 : vector<256x128xi32>
    %and3A_2198 = arith.andi %eq3A_2196, %lt3A_2197 : vector<256x128xi1>
    %or3A_2199 = arith.ori %gt3A_2195, %and3A_2198 : vector<256x128xi1>
    %eq3A_2200 = arith.xori %eq3A_2180, %eq3A_1877 : vector<256x128xi1>
    %eq3A_2201 = arith.constant dense<true> : vector<256x128xi1>
    %eq3A_2202 = arith.xori %eq3A_2200, %eq3A_2201 : vector<256x128xi1>
    %eq3A_2203 = arith.xori %or3A_2199, %eq3A_2202 : vector<256x128xi1>
    %eq3A_2204 = arith.constant dense<true> : vector<256x128xi1>
    %eq3A_2205 = arith.xori %eq3A_2203, %eq3A_2204 : vector<256x128xi1>
    %select_n3A_2206 = arith.select %eq3A_2205, %select_n3A_2173, %select_n3A_2187 : vector<256x128xi1>, vector<256x128xf32>
    %select_n3A_2207 = arith.select %eq3A_2205, %select_n3A_2174, %select_n3A_2194 : vector<256x128xi1>, vector<256x128xi32>
    %and3A_2208 = arith.constant 1 : i32
    %and3A_2209 = vector.broadcast %and3A_2208 : i32 to vector<256x128xi32>
    %and3A_2210 = arith.andi %iota3A_0, %and3A_2209 : vector<256x128xi32>
    %eq3A_2211 = arith.constant 0 : i32
    %eq3A_2212 = vector.broadcast %eq3A_2211 : i32 to vector<256x128xi32>
    %eq3A_2213 = arith.cmpi eq, %and3A_2210, %eq3A_2212 : vector<256x128xi32>
    %slice3A_2214 = vector.extract_strided_slice %select_n3A_2206 {offsets = [0, 1], sizes = [256, 127], strides = [1, 1]} : vector<256x128xf32> to vector<256x127xf32>
    %slice3A_2215 = vector.extract_strided_slice %select_n3A_2206 {offsets = [0, 0], sizes = [256, 1], strides = [1, 1]} : vector<256x128xf32> to vector<256x1xf32>
    %concatenate3A_2216 = tpu.concatenate %slice3A_2214, %slice3A_2215 in 1 : vector<256x127xf32>, vector<256x1xf32> -> vector<256x128xf32>
    %slice3A_2217 = vector.extract_strided_slice %select_n3A_2206 {offsets = [0, 127], sizes = [256, 1], strides = [1, 1]} : vector<256x128xf32> to vector<256x1xf32>
    %slice3A_2218 = vector.extract_strided_slice %select_n3A_2206 {offsets = [0, 0], sizes = [256, 127], strides = [1, 1]} : vector<256x128xf32> to vector<256x127xf32>
    %concatenate3A_2219 = tpu.concatenate %slice3A_2217, %slice3A_2218 in 1 : vector<256x1xf32>, vector<256x127xf32> -> vector<256x128xf32>
    %select_n3A_2220 = arith.select %eq3A_2213, %concatenate3A_2216, %concatenate3A_2219 : vector<256x128xi1>, vector<256x128xf32>
    %slice3A_2221 = vector.extract_strided_slice %select_n3A_2207 {offsets = [0, 1], sizes = [256, 127], strides = [1, 1]} : vector<256x128xi32> to vector<256x127xi32>
    %slice3A_2222 = vector.extract_strided_slice %select_n3A_2207 {offsets = [0, 0], sizes = [256, 1], strides = [1, 1]} : vector<256x128xi32> to vector<256x1xi32>
    %concatenate3A_2223 = tpu.concatenate %slice3A_2221, %slice3A_2222 in 1 : vector<256x127xi32>, vector<256x1xi32> -> vector<256x128xi32>
    %slice3A_2224 = vector.extract_strided_slice %select_n3A_2207 {offsets = [0, 127], sizes = [256, 1], strides = [1, 1]} : vector<256x128xi32> to vector<256x1xi32>
    %slice3A_2225 = vector.extract_strided_slice %select_n3A_2207 {offsets = [0, 0], sizes = [256, 127], strides = [1, 1]} : vector<256x128xi32> to vector<256x127xi32>
    %concatenate3A_2226 = tpu.concatenate %slice3A_2224, %slice3A_2225 in 1 : vector<256x1xi32>, vector<256x127xi32> -> vector<256x128xi32>
    %select_n3A_2227 = arith.select %eq3A_2213, %concatenate3A_2223, %concatenate3A_2226 : vector<256x128xi1>, vector<256x128xi32>
    %gt3A_2228 = arith.cmpf ogt, %select_n3A_2206, %select_n3A_2220 : vector<256x128xf32>
    %eq3A_2229 = arith.cmpf oeq, %select_n3A_2206, %select_n3A_2220 : vector<256x128xf32>
    %lt3A_2230 = arith.cmpi slt, %select_n3A_2207, %select_n3A_2227 : vector<256x128xi32>
    %and3A_2231 = arith.andi %eq3A_2229, %lt3A_2230 : vector<256x128xi1>
    %or3A_2232 = arith.ori %gt3A_2228, %and3A_2231 : vector<256x128xi1>
    %eq3A_2233 = arith.xori %eq3A_2213, %eq3A_1877 : vector<256x128xi1>
    %eq3A_2234 = arith.constant dense<true> : vector<256x128xi1>
    %eq3A_2235 = arith.xori %eq3A_2233, %eq3A_2234 : vector<256x128xi1>
    %eq3A_2236 = arith.xori %or3A_2232, %eq3A_2235 : vector<256x128xi1>
    %eq3A_2237 = arith.constant dense<true> : vector<256x128xi1>
    %eq3A_2238 = arith.xori %eq3A_2236, %eq3A_2237 : vector<256x128xi1>
    %select_n3A_2239 = arith.select %eq3A_2238, %select_n3A_2206, %select_n3A_2220 : vector<256x128xi1>, vector<256x128xf32>
    %select_n3A_2240 = arith.select %eq3A_2238, %select_n3A_2207, %select_n3A_2227 : vector<256x128xi1>, vector<256x128xi32>
    %slice3A_2241 = vector.extract_strided_slice %select_n3A_2239 {offsets = [0, 0], sizes = [16, 128], strides = [1, 1]} : vector<256x128xf32> to vector<16x128xf32>
    %slice3A_2242 = vector.extract_strided_slice %select_n3A_2239 {offsets = [32, 0], sizes = [16, 128], strides = [1, 1]} : vector<256x128xf32> to vector<16x128xf32>
    %slice3A_2243 = vector.extract_strided_slice %select_n3A_2239 {offsets = [64, 0], sizes = [16, 128], strides = [1, 1]} : vector<256x128xf32> to vector<16x128xf32>
    %slice3A_2244 = vector.extract_strided_slice %select_n3A_2239 {offsets = [96, 0], sizes = [16, 128], strides = [1, 1]} : vector<256x128xf32> to vector<16x128xf32>
    %slice3A_2245 = vector.extract_strided_slice %select_n3A_2239 {offsets = [128, 0], sizes = [16, 128], strides = [1, 1]} : vector<256x128xf32> to vector<16x128xf32>
    %slice3A_2246 = vector.extract_strided_slice %select_n3A_2239 {offsets = [160, 0], sizes = [16, 128], strides = [1, 1]} : vector<256x128xf32> to vector<16x128xf32>
    %slice3A_2247 = vector.extract_strided_slice %select_n3A_2239 {offsets = [192, 0], sizes = [16, 128], strides = [1, 1]} : vector<256x128xf32> to vector<16x128xf32>
    %slice3A_2248 = vector.extract_strided_slice %select_n3A_2239 {offsets = [224, 0], sizes = [16, 128], strides = [1, 1]} : vector<256x128xf32> to vector<16x128xf32>
    %concatenate3A_2249 = tpu.concatenate %slice3A_2241, %slice3A_2242, %slice3A_2243, %slice3A_2244, %slice3A_2245, %slice3A_2246, %slice3A_2247, %slice3A_2248 in 0 : vector<16x128xf32>, vector<16x128xf32>, vector<16x128xf32>, vector<16x128xf32>, vector<16x128xf32>, vector<16x128xf32>, vector<16x128xf32>, vector<16x128xf32> -> vector<128x128xf32>
    %slice3A_2250 = vector.extract_strided_slice %select_n3A_2240 {offsets = [0, 0], sizes = [16, 128], strides = [1, 1]} : vector<256x128xi32> to vector<16x128xi32>
    %slice3A_2251 = vector.extract_strided_slice %select_n3A_2240 {offsets = [32, 0], sizes = [16, 128], strides = [1, 1]} : vector<256x128xi32> to vector<16x128xi32>
    %slice3A_2252 = vector.extract_strided_slice %select_n3A_2240 {offsets = [64, 0], sizes = [16, 128], strides = [1, 1]} : vector<256x128xi32> to vector<16x128xi32>
    %slice3A_2253 = vector.extract_strided_slice %select_n3A_2240 {offsets = [96, 0], sizes = [16, 128], strides = [1, 1]} : vector<256x128xi32> to vector<16x128xi32>
    %slice3A_2254 = vector.extract_strided_slice %select_n3A_2240 {offsets = [128, 0], sizes = [16, 128], strides = [1, 1]} : vector<256x128xi32> to vector<16x128xi32>
    %slice3A_2255 = vector.extract_strided_slice %select_n3A_2240 {offsets = [160, 0], sizes = [16, 128], strides = [1, 1]} : vector<256x128xi32> to vector<16x128xi32>
    %slice3A_2256 = vector.extract_strided_slice %select_n3A_2240 {offsets = [192, 0], sizes = [16, 128], strides = [1, 1]} : vector<256x128xi32> to vector<16x128xi32>
    %slice3A_2257 = vector.extract_strided_slice %select_n3A_2240 {offsets = [224, 0], sizes = [16, 128], strides = [1, 1]} : vector<256x128xi32> to vector<16x128xi32>
    %concatenate3A_2258 = tpu.concatenate %slice3A_2250, %slice3A_2251, %slice3A_2252, %slice3A_2253, %slice3A_2254, %slice3A_2255, %slice3A_2256, %slice3A_2257 in 0 : vector<16x128xi32>, vector<16x128xi32>, vector<16x128xi32>, vector<16x128xi32>, vector<16x128xi32>, vector<16x128xi32>, vector<16x128xi32>, vector<16x128xi32> -> vector<128x128xi32>
    %slice3A_2259 = vector.extract_strided_slice %select_n3A_2239 {offsets = [16, 0], sizes = [16, 128], strides = [1, 1]} : vector<256x128xf32> to vector<16x128xf32>
    %slice3A_2260 = vector.extract_strided_slice %select_n3A_2239 {offsets = [48, 0], sizes = [16, 128], strides = [1, 1]} : vector<256x128xf32> to vector<16x128xf32>
    %slice3A_2261 = vector.extract_strided_slice %select_n3A_2239 {offsets = [80, 0], sizes = [16, 128], strides = [1, 1]} : vector<256x128xf32> to vector<16x128xf32>
    %slice3A_2262 = vector.extract_strided_slice %select_n3A_2239 {offsets = [112, 0], sizes = [16, 128], strides = [1, 1]} : vector<256x128xf32> to vector<16x128xf32>
    %slice3A_2263 = vector.extract_strided_slice %select_n3A_2239 {offsets = [144, 0], sizes = [16, 128], strides = [1, 1]} : vector<256x128xf32> to vector<16x128xf32>
    %slice3A_2264 = vector.extract_strided_slice %select_n3A_2239 {offsets = [176, 0], sizes = [16, 128], strides = [1, 1]} : vector<256x128xf32> to vector<16x128xf32>
    %slice3A_2265 = vector.extract_strided_slice %select_n3A_2239 {offsets = [208, 0], sizes = [16, 128], strides = [1, 1]} : vector<256x128xf32> to vector<16x128xf32>
    %slice3A_2266 = vector.extract_strided_slice %select_n3A_2239 {offsets = [240, 0], sizes = [16, 128], strides = [1, 1]} : vector<256x128xf32> to vector<16x128xf32>
    %concatenate3A_2267 = tpu.concatenate %slice3A_2259, %slice3A_2260, %slice3A_2261, %slice3A_2262, %slice3A_2263, %slice3A_2264, %slice3A_2265, %slice3A_2266 in 0 : vector<16x128xf32>, vector<16x128xf32>, vector<16x128xf32>, vector<16x128xf32>, vector<16x128xf32>, vector<16x128xf32>, vector<16x128xf32>, vector<16x128xf32> -> vector<128x128xf32>
    %slice3A_2268 = vector.extract_strided_slice %select_n3A_2240 {offsets = [16, 0], sizes = [16, 128], strides = [1, 1]} : vector<256x128xi32> to vector<16x128xi32>
    %slice3A_2269 = vector.extract_strided_slice %select_n3A_2240 {offsets = [48, 0], sizes = [16, 128], strides = [1, 1]} : vector<256x128xi32> to vector<16x128xi32>
    %slice3A_2270 = vector.extract_strided_slice %select_n3A_2240 {offsets = [80, 0], sizes = [16, 128], strides = [1, 1]} : vector<256x128xi32> to vector<16x128xi32>
    %slice3A_2271 = vector.extract_strided_slice %select_n3A_2240 {offsets = [112, 0], sizes = [16, 128], strides = [1, 1]} : vector<256x128xi32> to vector<16x128xi32>
    %slice3A_2272 = vector.extract_strided_slice %select_n3A_2240 {offsets = [144, 0], sizes = [16, 128], strides = [1, 1]} : vector<256x128xi32> to vector<16x128xi32>
    %slice3A_2273 = vector.extract_strided_slice %select_n3A_2240 {offsets = [176, 0], sizes = [16, 128], strides = [1, 1]} : vector<256x128xi32> to vector<16x128xi32>
    %slice3A_2274 = vector.extract_strided_slice %select_n3A_2240 {offsets = [208, 0], sizes = [16, 128], strides = [1, 1]} : vector<256x128xi32> to vector<16x128xi32>
    %slice3A_2275 = vector.extract_strided_slice %select_n3A_2240 {offsets = [240, 0], sizes = [16, 128], strides = [1, 1]} : vector<256x128xi32> to vector<16x128xi32>
    %concatenate3A_2276 = tpu.concatenate %slice3A_2268, %slice3A_2269, %slice3A_2270, %slice3A_2271, %slice3A_2272, %slice3A_2273, %slice3A_2274, %slice3A_2275 in 0 : vector<16x128xi32>, vector<16x128xi32>, vector<16x128xi32>, vector<16x128xi32>, vector<16x128xi32>, vector<16x128xi32>, vector<16x128xi32>, vector<16x128xi32> -> vector<128x128xi32>
    %gt3A_2277 = arith.cmpf ogt, %concatenate3A_2249, %concatenate3A_2267 : vector<128x128xf32>
    %eq3A_2278 = arith.cmpf oeq, %concatenate3A_2249, %concatenate3A_2267 : vector<128x128xf32>
    %lt3A_2279 = arith.cmpi slt, %concatenate3A_2258, %concatenate3A_2276 : vector<128x128xi32>
    %and3A_2280 = arith.andi %eq3A_2278, %lt3A_2279 : vector<128x128xi1>
    %or3A_2281 = arith.ori %gt3A_2277, %and3A_2280 : vector<128x128xi1>
    %select_n3A_2282 = arith.select %or3A_2281, %concatenate3A_2249, %concatenate3A_2267 : vector<128x128xi1>, vector<128x128xf32>
    %select_n3A_2283 = arith.select %or3A_2281, %concatenate3A_2258, %concatenate3A_2276 : vector<128x128xi1>, vector<128x128xi32>
    %iota3A_2284 = tpu.iota {dimensions = array<i32: 0>} : vector<128x128xi32>
    %iota3A_2285 = tpu.iota {dimensions = array<i32: 1>} : vector<128x128xi32>
    %mul3A_2286 = arith.constant 128 : i32
    %mul3A_2287 = vector.broadcast %mul3A_2286 : i32 to vector<128x128xi32>
    %mul3A_2288 = arith.muli %iota3A_2284, %mul3A_2287 : vector<128x128xi32>
    %add3A_2289 = arith.addi %mul3A_2288, %iota3A_2285 : vector<128x128xi32>
    %and3A_2290 = arith.constant 2048 : i32
    %and3A_2291 = vector.broadcast %and3A_2290 : i32 to vector<128x128xi32>
    %and3A_2292 = arith.andi %add3A_2289, %and3A_2291 : vector<128x128xi32>
    %eq3A_2293 = arith.constant 0 : i32
    %eq3A_2294 = vector.broadcast %eq3A_2293 : i32 to vector<128x128xi32>
    %eq3A_2295 = arith.cmpi eq, %and3A_2292, %eq3A_2294 : vector<128x128xi32>
    %and3A_2296 = arith.constant 8 : i32
    %and3A_2297 = vector.broadcast %and3A_2296 : i32 to vector<128x128xi32>
    %and3A_2298 = arith.andi %iota3A_2284, %and3A_2297 : vector<128x128xi32>
    %eq3A_2299 = arith.constant 0 : i32
    %eq3A_2300 = vector.broadcast %eq3A_2299 : i32 to vector<128x128xi32>
    %eq3A_2301 = arith.cmpi eq, %and3A_2298, %eq3A_2300 : vector<128x128xi32>
    %slice3A_2302 = vector.extract_strided_slice %select_n3A_2282 {offsets = [8, 0], sizes = [120, 128], strides = [1, 1]} : vector<128x128xf32> to vector<120x128xf32>
    %slice3A_2303 = vector.extract_strided_slice %select_n3A_2282 {offsets = [0, 0], sizes = [8, 128], strides = [1, 1]} : vector<128x128xf32> to vector<8x128xf32>
    %concatenate3A_2304 = tpu.concatenate %slice3A_2302, %slice3A_2303 in 0 : vector<120x128xf32>, vector<8x128xf32> -> vector<128x128xf32>
    %slice3A_2305 = vector.extract_strided_slice %select_n3A_2282 {offsets = [120, 0], sizes = [8, 128], strides = [1, 1]} : vector<128x128xf32> to vector<8x128xf32>
    %slice3A_2306 = vector.extract_strided_slice %select_n3A_2282 {offsets = [0, 0], sizes = [120, 128], strides = [1, 1]} : vector<128x128xf32> to vector<120x128xf32>
    %concatenate3A_2307 = tpu.concatenate %slice3A_2305, %slice3A_2306 in 0 : vector<8x128xf32>, vector<120x128xf32> -> vector<128x128xf32>
    %select_n3A_2308 = arith.select %eq3A_2301, %concatenate3A_2304, %concatenate3A_2307 : vector<128x128xi1>, vector<128x128xf32>
    %slice3A_2309 = vector.extract_strided_slice %select_n3A_2283 {offsets = [8, 0], sizes = [120, 128], strides = [1, 1]} : vector<128x128xi32> to vector<120x128xi32>
    %slice3A_2310 = vector.extract_strided_slice %select_n3A_2283 {offsets = [0, 0], sizes = [8, 128], strides = [1, 1]} : vector<128x128xi32> to vector<8x128xi32>
    %concatenate3A_2311 = tpu.concatenate %slice3A_2309, %slice3A_2310 in 0 : vector<120x128xi32>, vector<8x128xi32> -> vector<128x128xi32>
    %slice3A_2312 = vector.extract_strided_slice %select_n3A_2283 {offsets = [120, 0], sizes = [8, 128], strides = [1, 1]} : vector<128x128xi32> to vector<8x128xi32>
    %slice3A_2313 = vector.extract_strided_slice %select_n3A_2283 {offsets = [0, 0], sizes = [120, 128], strides = [1, 1]} : vector<128x128xi32> to vector<120x128xi32>
    %concatenate3A_2314 = tpu.concatenate %slice3A_2312, %slice3A_2313 in 0 : vector<8x128xi32>, vector<120x128xi32> -> vector<128x128xi32>
    %select_n3A_2315 = arith.select %eq3A_2301, %concatenate3A_2311, %concatenate3A_2314 : vector<128x128xi1>, vector<128x128xi32>
    %gt3A_2316 = arith.cmpf ogt, %select_n3A_2282, %select_n3A_2308 : vector<128x128xf32>
    %eq3A_2317 = arith.cmpf oeq, %select_n3A_2282, %select_n3A_2308 : vector<128x128xf32>
    %lt3A_2318 = arith.cmpi slt, %select_n3A_2283, %select_n3A_2315 : vector<128x128xi32>
    %and3A_2319 = arith.andi %eq3A_2317, %lt3A_2318 : vector<128x128xi1>
    %or3A_2320 = arith.ori %gt3A_2316, %and3A_2319 : vector<128x128xi1>
    %eq3A_2321 = arith.xori %eq3A_2301, %eq3A_2295 : vector<128x128xi1>
    %eq3A_2322 = arith.constant dense<true> : vector<128x128xi1>
    %eq3A_2323 = arith.xori %eq3A_2321, %eq3A_2322 : vector<128x128xi1>
    %eq3A_2324 = arith.xori %or3A_2320, %eq3A_2323 : vector<128x128xi1>
    %eq3A_2325 = arith.constant dense<true> : vector<128x128xi1>
    %eq3A_2326 = arith.xori %eq3A_2324, %eq3A_2325 : vector<128x128xi1>
    %select_n3A_2327 = arith.select %eq3A_2326, %select_n3A_2282, %select_n3A_2308 : vector<128x128xi1>, vector<128x128xf32>
    %select_n3A_2328 = arith.select %eq3A_2326, %select_n3A_2283, %select_n3A_2315 : vector<128x128xi1>, vector<128x128xi32>
    %and3A_2329 = arith.constant 4 : i32
    %and3A_2330 = vector.broadcast %and3A_2329 : i32 to vector<128x128xi32>
    %and3A_2331 = arith.andi %iota3A_2284, %and3A_2330 : vector<128x128xi32>
    %eq3A_2332 = arith.constant 0 : i32
    %eq3A_2333 = vector.broadcast %eq3A_2332 : i32 to vector<128x128xi32>
    %eq3A_2334 = arith.cmpi eq, %and3A_2331, %eq3A_2333 : vector<128x128xi32>
    %slice3A_2335 = vector.extract_strided_slice %select_n3A_2327 {offsets = [4, 0], sizes = [124, 128], strides = [1, 1]} : vector<128x128xf32> to vector<124x128xf32>
    %slice3A_2336 = vector.extract_strided_slice %select_n3A_2327 {offsets = [0, 0], sizes = [4, 128], strides = [1, 1]} : vector<128x128xf32> to vector<4x128xf32>
    %concatenate3A_2337 = tpu.concatenate %slice3A_2335, %slice3A_2336 in 0 : vector<124x128xf32>, vector<4x128xf32> -> vector<128x128xf32>
    %slice3A_2338 = vector.extract_strided_slice %select_n3A_2327 {offsets = [124, 0], sizes = [4, 128], strides = [1, 1]} : vector<128x128xf32> to vector<4x128xf32>
    %slice3A_2339 = vector.extract_strided_slice %select_n3A_2327 {offsets = [0, 0], sizes = [124, 128], strides = [1, 1]} : vector<128x128xf32> to vector<124x128xf32>
    %concatenate3A_2340 = tpu.concatenate %slice3A_2338, %slice3A_2339 in 0 : vector<4x128xf32>, vector<124x128xf32> -> vector<128x128xf32>
    %select_n3A_2341 = arith.select %eq3A_2334, %concatenate3A_2337, %concatenate3A_2340 : vector<128x128xi1>, vector<128x128xf32>
    %slice3A_2342 = vector.extract_strided_slice %select_n3A_2328 {offsets = [4, 0], sizes = [124, 128], strides = [1, 1]} : vector<128x128xi32> to vector<124x128xi32>
    %slice3A_2343 = vector.extract_strided_slice %select_n3A_2328 {offsets = [0, 0], sizes = [4, 128], strides = [1, 1]} : vector<128x128xi32> to vector<4x128xi32>
    %concatenate3A_2344 = tpu.concatenate %slice3A_2342, %slice3A_2343 in 0 : vector<124x128xi32>, vector<4x128xi32> -> vector<128x128xi32>
    %slice3A_2345 = vector.extract_strided_slice %select_n3A_2328 {offsets = [124, 0], sizes = [4, 128], strides = [1, 1]} : vector<128x128xi32> to vector<4x128xi32>
    %slice3A_2346 = vector.extract_strided_slice %select_n3A_2328 {offsets = [0, 0], sizes = [124, 128], strides = [1, 1]} : vector<128x128xi32> to vector<124x128xi32>
    %concatenate3A_2347 = tpu.concatenate %slice3A_2345, %slice3A_2346 in 0 : vector<4x128xi32>, vector<124x128xi32> -> vector<128x128xi32>
    %select_n3A_2348 = arith.select %eq3A_2334, %concatenate3A_2344, %concatenate3A_2347 : vector<128x128xi1>, vector<128x128xi32>
    %gt3A_2349 = arith.cmpf ogt, %select_n3A_2327, %select_n3A_2341 : vector<128x128xf32>
    %eq3A_2350 = arith.cmpf oeq, %select_n3A_2327, %select_n3A_2341 : vector<128x128xf32>
    %lt3A_2351 = arith.cmpi slt, %select_n3A_2328, %select_n3A_2348 : vector<128x128xi32>
    %and3A_2352 = arith.andi %eq3A_2350, %lt3A_2351 : vector<128x128xi1>
    %or3A_2353 = arith.ori %gt3A_2349, %and3A_2352 : vector<128x128xi1>
    %eq3A_2354 = arith.xori %eq3A_2334, %eq3A_2295 : vector<128x128xi1>
    %eq3A_2355 = arith.constant dense<true> : vector<128x128xi1>
    %eq3A_2356 = arith.xori %eq3A_2354, %eq3A_2355 : vector<128x128xi1>
    %eq3A_2357 = arith.xori %or3A_2353, %eq3A_2356 : vector<128x128xi1>
    %eq3A_2358 = arith.constant dense<true> : vector<128x128xi1>
    %eq3A_2359 = arith.xori %eq3A_2357, %eq3A_2358 : vector<128x128xi1>
    %select_n3A_2360 = arith.select %eq3A_2359, %select_n3A_2327, %select_n3A_2341 : vector<128x128xi1>, vector<128x128xf32>
    %select_n3A_2361 = arith.select %eq3A_2359, %select_n3A_2328, %select_n3A_2348 : vector<128x128xi1>, vector<128x128xi32>
    %and3A_2362 = arith.constant 2 : i32
    %and3A_2363 = vector.broadcast %and3A_2362 : i32 to vector<128x128xi32>
    %and3A_2364 = arith.andi %iota3A_2284, %and3A_2363 : vector<128x128xi32>
    %eq3A_2365 = arith.constant 0 : i32
    %eq3A_2366 = vector.broadcast %eq3A_2365 : i32 to vector<128x128xi32>
    %eq3A_2367 = arith.cmpi eq, %and3A_2364, %eq3A_2366 : vector<128x128xi32>
    %slice3A_2368 = vector.extract_strided_slice %select_n3A_2360 {offsets = [2, 0], sizes = [126, 128], strides = [1, 1]} : vector<128x128xf32> to vector<126x128xf32>
    %slice3A_2369 = vector.extract_strided_slice %select_n3A_2360 {offsets = [0, 0], sizes = [2, 128], strides = [1, 1]} : vector<128x128xf32> to vector<2x128xf32>
    %concatenate3A_2370 = tpu.concatenate %slice3A_2368, %slice3A_2369 in 0 : vector<126x128xf32>, vector<2x128xf32> -> vector<128x128xf32>
    %slice3A_2371 = vector.extract_strided_slice %select_n3A_2360 {offsets = [126, 0], sizes = [2, 128], strides = [1, 1]} : vector<128x128xf32> to vector<2x128xf32>
    %slice3A_2372 = vector.extract_strided_slice %select_n3A_2360 {offsets = [0, 0], sizes = [126, 128], strides = [1, 1]} : vector<128x128xf32> to vector<126x128xf32>
    %concatenate3A_2373 = tpu.concatenate %slice3A_2371, %slice3A_2372 in 0 : vector<2x128xf32>, vector<126x128xf32> -> vector<128x128xf32>
    %select_n3A_2374 = arith.select %eq3A_2367, %concatenate3A_2370, %concatenate3A_2373 : vector<128x128xi1>, vector<128x128xf32>
    %slice3A_2375 = vector.extract_strided_slice %select_n3A_2361 {offsets = [2, 0], sizes = [126, 128], strides = [1, 1]} : vector<128x128xi32> to vector<126x128xi32>
    %slice3A_2376 = vector.extract_strided_slice %select_n3A_2361 {offsets = [0, 0], sizes = [2, 128], strides = [1, 1]} : vector<128x128xi32> to vector<2x128xi32>
    %concatenate3A_2377 = tpu.concatenate %slice3A_2375, %slice3A_2376 in 0 : vector<126x128xi32>, vector<2x128xi32> -> vector<128x128xi32>
    %slice3A_2378 = vector.extract_strided_slice %select_n3A_2361 {offsets = [126, 0], sizes = [2, 128], strides = [1, 1]} : vector<128x128xi32> to vector<2x128xi32>
    %slice3A_2379 = vector.extract_strided_slice %select_n3A_2361 {offsets = [0, 0], sizes = [126, 128], strides = [1, 1]} : vector<128x128xi32> to vector<126x128xi32>
    %concatenate3A_2380 = tpu.concatenate %slice3A_2378, %slice3A_2379 in 0 : vector<2x128xi32>, vector<126x128xi32> -> vector<128x128xi32>
    %select_n3A_2381 = arith.select %eq3A_2367, %concatenate3A_2377, %concatenate3A_2380 : vector<128x128xi1>, vector<128x128xi32>
    %gt3A_2382 = arith.cmpf ogt, %select_n3A_2360, %select_n3A_2374 : vector<128x128xf32>
    %eq3A_2383 = arith.cmpf oeq, %select_n3A_2360, %select_n3A_2374 : vector<128x128xf32>
    %lt3A_2384 = arith.cmpi slt, %select_n3A_2361, %select_n3A_2381 : vector<128x128xi32>
    %and3A_2385 = arith.andi %eq3A_2383, %lt3A_2384 : vector<128x128xi1>
    %or3A_2386 = arith.ori %gt3A_2382, %and3A_2385 : vector<128x128xi1>
    %eq3A_2387 = arith.xori %eq3A_2367, %eq3A_2295 : vector<128x128xi1>
    %eq3A_2388 = arith.constant dense<true> : vector<128x128xi1>
    %eq3A_2389 = arith.xori %eq3A_2387, %eq3A_2388 : vector<128x128xi1>
    %eq3A_2390 = arith.xori %or3A_2386, %eq3A_2389 : vector<128x128xi1>
    %eq3A_2391 = arith.constant dense<true> : vector<128x128xi1>
    %eq3A_2392 = arith.xori %eq3A_2390, %eq3A_2391 : vector<128x128xi1>
    %select_n3A_2393 = arith.select %eq3A_2392, %select_n3A_2360, %select_n3A_2374 : vector<128x128xi1>, vector<128x128xf32>
    %select_n3A_2394 = arith.select %eq3A_2392, %select_n3A_2361, %select_n3A_2381 : vector<128x128xi1>, vector<128x128xi32>
    %and3A_2395 = arith.constant 1 : i32
    %and3A_2396 = vector.broadcast %and3A_2395 : i32 to vector<128x128xi32>
    %and3A_2397 = arith.andi %iota3A_2284, %and3A_2396 : vector<128x128xi32>
    %eq3A_2398 = arith.constant 0 : i32
    %eq3A_2399 = vector.broadcast %eq3A_2398 : i32 to vector<128x128xi32>
    %eq3A_2400 = arith.cmpi eq, %and3A_2397, %eq3A_2399 : vector<128x128xi32>
    %slice3A_2401 = vector.extract_strided_slice %select_n3A_2393 {offsets = [1, 0], sizes = [127, 128], strides = [1, 1]} : vector<128x128xf32> to vector<127x128xf32>
    %slice3A_2402 = vector.extract_strided_slice %select_n3A_2393 {offsets = [0, 0], sizes = [1, 128], strides = [1, 1]} : vector<128x128xf32> to vector<1x128xf32>
    %concatenate3A_2403 = tpu.concatenate %slice3A_2401, %slice3A_2402 in 0 : vector<127x128xf32>, vector<1x128xf32> -> vector<128x128xf32>
    %slice3A_2404 = vector.extract_strided_slice %select_n3A_2393 {offsets = [127, 0], sizes = [1, 128], strides = [1, 1]} : vector<128x128xf32> to vector<1x128xf32>
    %slice3A_2405 = vector.extract_strided_slice %select_n3A_2393 {offsets = [0, 0], sizes = [127, 128], strides = [1, 1]} : vector<128x128xf32> to vector<127x128xf32>
    %concatenate3A_2406 = tpu.concatenate %slice3A_2404, %slice3A_2405 in 0 : vector<1x128xf32>, vector<127x128xf32> -> vector<128x128xf32>
    %select_n3A_2407 = arith.select %eq3A_2400, %concatenate3A_2403, %concatenate3A_2406 : vector<128x128xi1>, vector<128x128xf32>
    %slice3A_2408 = vector.extract_strided_slice %select_n3A_2394 {offsets = [1, 0], sizes = [127, 128], strides = [1, 1]} : vector<128x128xi32> to vector<127x128xi32>
    %slice3A_2409 = vector.extract_strided_slice %select_n3A_2394 {offsets = [0, 0], sizes = [1, 128], strides = [1, 1]} : vector<128x128xi32> to vector<1x128xi32>
    %concatenate3A_2410 = tpu.concatenate %slice3A_2408, %slice3A_2409 in 0 : vector<127x128xi32>, vector<1x128xi32> -> vector<128x128xi32>
    %slice3A_2411 = vector.extract_strided_slice %select_n3A_2394 {offsets = [127, 0], sizes = [1, 128], strides = [1, 1]} : vector<128x128xi32> to vector<1x128xi32>
    %slice3A_2412 = vector.extract_strided_slice %select_n3A_2394 {offsets = [0, 0], sizes = [127, 128], strides = [1, 1]} : vector<128x128xi32> to vector<127x128xi32>
    %concatenate3A_2413 = tpu.concatenate %slice3A_2411, %slice3A_2412 in 0 : vector<1x128xi32>, vector<127x128xi32> -> vector<128x128xi32>
    %select_n3A_2414 = arith.select %eq3A_2400, %concatenate3A_2410, %concatenate3A_2413 : vector<128x128xi1>, vector<128x128xi32>
    %gt3A_2415 = arith.cmpf ogt, %select_n3A_2393, %select_n3A_2407 : vector<128x128xf32>
    %eq3A_2416 = arith.cmpf oeq, %select_n3A_2393, %select_n3A_2407 : vector<128x128xf32>
    %lt3A_2417 = arith.cmpi slt, %select_n3A_2394, %select_n3A_2414 : vector<128x128xi32>
    %and3A_2418 = arith.andi %eq3A_2416, %lt3A_2417 : vector<128x128xi1>
    %or3A_2419 = arith.ori %gt3A_2415, %and3A_2418 : vector<128x128xi1>
    %eq3A_2420 = arith.xori %eq3A_2400, %eq3A_2295 : vector<128x128xi1>
    %eq3A_2421 = arith.constant dense<true> : vector<128x128xi1>
    %eq3A_2422 = arith.xori %eq3A_2420, %eq3A_2421 : vector<128x128xi1>
    %eq3A_2423 = arith.xori %or3A_2419, %eq3A_2422 : vector<128x128xi1>
    %eq3A_2424 = arith.constant dense<true> : vector<128x128xi1>
    %eq3A_2425 = arith.xori %eq3A_2423, %eq3A_2424 : vector<128x128xi1>
    %select_n3A_2426 = arith.select %eq3A_2425, %select_n3A_2393, %select_n3A_2407 : vector<128x128xi1>, vector<128x128xf32>
    %select_n3A_2427 = arith.select %eq3A_2425, %select_n3A_2394, %select_n3A_2414 : vector<128x128xi1>, vector<128x128xi32>
    %and3A_2428 = arith.constant 64 : i32
    %and3A_2429 = vector.broadcast %and3A_2428 : i32 to vector<128x128xi32>
    %and3A_2430 = arith.andi %iota3A_2285, %and3A_2429 : vector<128x128xi32>
    %eq3A_2431 = arith.constant 0 : i32
    %eq3A_2432 = vector.broadcast %eq3A_2431 : i32 to vector<128x128xi32>
    %eq3A_2433 = arith.cmpi eq, %and3A_2430, %eq3A_2432 : vector<128x128xi32>
    %slice3A_2434 = vector.extract_strided_slice %select_n3A_2426 {offsets = [0, 64], sizes = [128, 64], strides = [1, 1]} : vector<128x128xf32> to vector<128x64xf32>
    %slice3A_2435 = vector.extract_strided_slice %select_n3A_2426 {offsets = [0, 0], sizes = [128, 64], strides = [1, 1]} : vector<128x128xf32> to vector<128x64xf32>
    %concatenate3A_2436 = tpu.concatenate %slice3A_2434, %slice3A_2435 in 1 : vector<128x64xf32>, vector<128x64xf32> -> vector<128x128xf32>
    %slice3A_2437 = vector.extract_strided_slice %select_n3A_2426 {offsets = [0, 64], sizes = [128, 64], strides = [1, 1]} : vector<128x128xf32> to vector<128x64xf32>
    %slice3A_2438 = vector.extract_strided_slice %select_n3A_2426 {offsets = [0, 0], sizes = [128, 64], strides = [1, 1]} : vector<128x128xf32> to vector<128x64xf32>
    %concatenate3A_2439 = tpu.concatenate %slice3A_2437, %slice3A_2438 in 1 : vector<128x64xf32>, vector<128x64xf32> -> vector<128x128xf32>
    %select_n3A_2440 = arith.select %eq3A_2433, %concatenate3A_2436, %concatenate3A_2439 : vector<128x128xi1>, vector<128x128xf32>
    %slice3A_2441 = vector.extract_strided_slice %select_n3A_2427 {offsets = [0, 64], sizes = [128, 64], strides = [1, 1]} : vector<128x128xi32> to vector<128x64xi32>
    %slice3A_2442 = vector.extract_strided_slice %select_n3A_2427 {offsets = [0, 0], sizes = [128, 64], strides = [1, 1]} : vector<128x128xi32> to vector<128x64xi32>
    %concatenate3A_2443 = tpu.concatenate %slice3A_2441, %slice3A_2442 in 1 : vector<128x64xi32>, vector<128x64xi32> -> vector<128x128xi32>
    %slice3A_2444 = vector.extract_strided_slice %select_n3A_2427 {offsets = [0, 64], sizes = [128, 64], strides = [1, 1]} : vector<128x128xi32> to vector<128x64xi32>
    %slice3A_2445 = vector.extract_strided_slice %select_n3A_2427 {offsets = [0, 0], sizes = [128, 64], strides = [1, 1]} : vector<128x128xi32> to vector<128x64xi32>
    %concatenate3A_2446 = tpu.concatenate %slice3A_2444, %slice3A_2445 in 1 : vector<128x64xi32>, vector<128x64xi32> -> vector<128x128xi32>
    %select_n3A_2447 = arith.select %eq3A_2433, %concatenate3A_2443, %concatenate3A_2446 : vector<128x128xi1>, vector<128x128xi32>
    %gt3A_2448 = arith.cmpf ogt, %select_n3A_2426, %select_n3A_2440 : vector<128x128xf32>
    %eq3A_2449 = arith.cmpf oeq, %select_n3A_2426, %select_n3A_2440 : vector<128x128xf32>
    %lt3A_2450 = arith.cmpi slt, %select_n3A_2427, %select_n3A_2447 : vector<128x128xi32>
    %and3A_2451 = arith.andi %eq3A_2449, %lt3A_2450 : vector<128x128xi1>
    %or3A_2452 = arith.ori %gt3A_2448, %and3A_2451 : vector<128x128xi1>
    %eq3A_2453 = arith.xori %eq3A_2433, %eq3A_2295 : vector<128x128xi1>
    %eq3A_2454 = arith.constant dense<true> : vector<128x128xi1>
    %eq3A_2455 = arith.xori %eq3A_2453, %eq3A_2454 : vector<128x128xi1>
    %eq3A_2456 = arith.xori %or3A_2452, %eq3A_2455 : vector<128x128xi1>
    %eq3A_2457 = arith.constant dense<true> : vector<128x128xi1>
    %eq3A_2458 = arith.xori %eq3A_2456, %eq3A_2457 : vector<128x128xi1>
    %select_n3A_2459 = arith.select %eq3A_2458, %select_n3A_2426, %select_n3A_2440 : vector<128x128xi1>, vector<128x128xf32>
    %select_n3A_2460 = arith.select %eq3A_2458, %select_n3A_2427, %select_n3A_2447 : vector<128x128xi1>, vector<128x128xi32>
    %and3A_2461 = arith.constant 32 : i32
    %and3A_2462 = vector.broadcast %and3A_2461 : i32 to vector<128x128xi32>
    %and3A_2463 = arith.andi %iota3A_2285, %and3A_2462 : vector<128x128xi32>
    %eq3A_2464 = arith.constant 0 : i32
    %eq3A_2465 = vector.broadcast %eq3A_2464 : i32 to vector<128x128xi32>
    %eq3A_2466 = arith.cmpi eq, %and3A_2463, %eq3A_2465 : vector<128x128xi32>
    %slice3A_2467 = vector.extract_strided_slice %select_n3A_2459 {offsets = [0, 32], sizes = [128, 96], strides = [1, 1]} : vector<128x128xf32> to vector<128x96xf32>
    %slice3A_2468 = vector.extract_strided_slice %select_n3A_2459 {offsets = [0, 0], sizes = [128, 32], strides = [1, 1]} : vector<128x128xf32> to vector<128x32xf32>
    %concatenate3A_2469 = tpu.concatenate %slice3A_2467, %slice3A_2468 in 1 : vector<128x96xf32>, vector<128x32xf32> -> vector<128x128xf32>
    %slice3A_2470 = vector.extract_strided_slice %select_n3A_2459 {offsets = [0, 96], sizes = [128, 32], strides = [1, 1]} : vector<128x128xf32> to vector<128x32xf32>
    %slice3A_2471 = vector.extract_strided_slice %select_n3A_2459 {offsets = [0, 0], sizes = [128, 96], strides = [1, 1]} : vector<128x128xf32> to vector<128x96xf32>
    %concatenate3A_2472 = tpu.concatenate %slice3A_2470, %slice3A_2471 in 1 : vector<128x32xf32>, vector<128x96xf32> -> vector<128x128xf32>
    %select_n3A_2473 = arith.select %eq3A_2466, %concatenate3A_2469, %concatenate3A_2472 : vector<128x128xi1>, vector<128x128xf32>
    %slice3A_2474 = vector.extract_strided_slice %select_n3A_2460 {offsets = [0, 32], sizes = [128, 96], strides = [1, 1]} : vector<128x128xi32> to vector<128x96xi32>
    %slice3A_2475 = vector.extract_strided_slice %select_n3A_2460 {offsets = [0, 0], sizes = [128, 32], strides = [1, 1]} : vector<128x128xi32> to vector<128x32xi32>
    %concatenate3A_2476 = tpu.concatenate %slice3A_2474, %slice3A_2475 in 1 : vector<128x96xi32>, vector<128x32xi32> -> vector<128x128xi32>
    %slice3A_2477 = vector.extract_strided_slice %select_n3A_2460 {offsets = [0, 96], sizes = [128, 32], strides = [1, 1]} : vector<128x128xi32> to vector<128x32xi32>
    %slice3A_2478 = vector.extract_strided_slice %select_n3A_2460 {offsets = [0, 0], sizes = [128, 96], strides = [1, 1]} : vector<128x128xi32> to vector<128x96xi32>
    %concatenate3A_2479 = tpu.concatenate %slice3A_2477, %slice3A_2478 in 1 : vector<128x32xi32>, vector<128x96xi32> -> vector<128x128xi32>
    %select_n3A_2480 = arith.select %eq3A_2466, %concatenate3A_2476, %concatenate3A_2479 : vector<128x128xi1>, vector<128x128xi32>
    %gt3A_2481 = arith.cmpf ogt, %select_n3A_2459, %select_n3A_2473 : vector<128x128xf32>
    %eq3A_2482 = arith.cmpf oeq, %select_n3A_2459, %select_n3A_2473 : vector<128x128xf32>
    %lt3A_2483 = arith.cmpi slt, %select_n3A_2460, %select_n3A_2480 : vector<128x128xi32>
    %and3A_2484 = arith.andi %eq3A_2482, %lt3A_2483 : vector<128x128xi1>
    %or3A_2485 = arith.ori %gt3A_2481, %and3A_2484 : vector<128x128xi1>
    %eq3A_2486 = arith.xori %eq3A_2466, %eq3A_2295 : vector<128x128xi1>
    %eq3A_2487 = arith.constant dense<true> : vector<128x128xi1>
    %eq3A_2488 = arith.xori %eq3A_2486, %eq3A_2487 : vector<128x128xi1>
    %eq3A_2489 = arith.xori %or3A_2485, %eq3A_2488 : vector<128x128xi1>
    %eq3A_2490 = arith.constant dense<true> : vector<128x128xi1>
    %eq3A_2491 = arith.xori %eq3A_2489, %eq3A_2490 : vector<128x128xi1>
    %select_n3A_2492 = arith.select %eq3A_2491, %select_n3A_2459, %select_n3A_2473 : vector<128x128xi1>, vector<128x128xf32>
    %select_n3A_2493 = arith.select %eq3A_2491, %select_n3A_2460, %select_n3A_2480 : vector<128x128xi1>, vector<128x128xi32>
    %and3A_2494 = arith.constant 16 : i32
    %and3A_2495 = vector.broadcast %and3A_2494 : i32 to vector<128x128xi32>
    %and3A_2496 = arith.andi %iota3A_2285, %and3A_2495 : vector<128x128xi32>
    %eq3A_2497 = arith.constant 0 : i32
    %eq3A_2498 = vector.broadcast %eq3A_2497 : i32 to vector<128x128xi32>
    %eq3A_2499 = arith.cmpi eq, %and3A_2496, %eq3A_2498 : vector<128x128xi32>
    %slice3A_2500 = vector.extract_strided_slice %select_n3A_2492 {offsets = [0, 16], sizes = [128, 112], strides = [1, 1]} : vector<128x128xf32> to vector<128x112xf32>
    %slice3A_2501 = vector.extract_strided_slice %select_n3A_2492 {offsets = [0, 0], sizes = [128, 16], strides = [1, 1]} : vector<128x128xf32> to vector<128x16xf32>
    %concatenate3A_2502 = tpu.concatenate %slice3A_2500, %slice3A_2501 in 1 : vector<128x112xf32>, vector<128x16xf32> -> vector<128x128xf32>
    %slice3A_2503 = vector.extract_strided_slice %select_n3A_2492 {offsets = [0, 112], sizes = [128, 16], strides = [1, 1]} : vector<128x128xf32> to vector<128x16xf32>
    %slice3A_2504 = vector.extract_strided_slice %select_n3A_2492 {offsets = [0, 0], sizes = [128, 112], strides = [1, 1]} : vector<128x128xf32> to vector<128x112xf32>
    %concatenate3A_2505 = tpu.concatenate %slice3A_2503, %slice3A_2504 in 1 : vector<128x16xf32>, vector<128x112xf32> -> vector<128x128xf32>
    %select_n3A_2506 = arith.select %eq3A_2499, %concatenate3A_2502, %concatenate3A_2505 : vector<128x128xi1>, vector<128x128xf32>
    %slice3A_2507 = vector.extract_strided_slice %select_n3A_2493 {offsets = [0, 16], sizes = [128, 112], strides = [1, 1]} : vector<128x128xi32> to vector<128x112xi32>
    %slice3A_2508 = vector.extract_strided_slice %select_n3A_2493 {offsets = [0, 0], sizes = [128, 16], strides = [1, 1]} : vector<128x128xi32> to vector<128x16xi32>
    %concatenate3A_2509 = tpu.concatenate %slice3A_2507, %slice3A_2508 in 1 : vector<128x112xi32>, vector<128x16xi32> -> vector<128x128xi32>
    %slice3A_2510 = vector.extract_strided_slice %select_n3A_2493 {offsets = [0, 112], sizes = [128, 16], strides = [1, 1]} : vector<128x128xi32> to vector<128x16xi32>
    %slice3A_2511 = vector.extract_strided_slice %select_n3A_2493 {offsets = [0, 0], sizes = [128, 112], strides = [1, 1]} : vector<128x128xi32> to vector<128x112xi32>
    %concatenate3A_2512 = tpu.concatenate %slice3A_2510, %slice3A_2511 in 1 : vector<128x16xi32>, vector<128x112xi32> -> vector<128x128xi32>
    %select_n3A_2513 = arith.select %eq3A_2499, %concatenate3A_2509, %concatenate3A_2512 : vector<128x128xi1>, vector<128x128xi32>
    %gt3A_2514 = arith.cmpf ogt, %select_n3A_2492, %select_n3A_2506 : vector<128x128xf32>
    %eq3A_2515 = arith.cmpf oeq, %select_n3A_2492, %select_n3A_2506 : vector<128x128xf32>
    %lt3A_2516 = arith.cmpi slt, %select_n3A_2493, %select_n3A_2513 : vector<128x128xi32>
    %and3A_2517 = arith.andi %eq3A_2515, %lt3A_2516 : vector<128x128xi1>
    %or3A_2518 = arith.ori %gt3A_2514, %and3A_2517 : vector<128x128xi1>
    %eq3A_2519 = arith.xori %eq3A_2499, %eq3A_2295 : vector<128x128xi1>
    %eq3A_2520 = arith.constant dense<true> : vector<128x128xi1>
    %eq3A_2521 = arith.xori %eq3A_2519, %eq3A_2520 : vector<128x128xi1>
    %eq3A_2522 = arith.xori %or3A_2518, %eq3A_2521 : vector<128x128xi1>
    %eq3A_2523 = arith.constant dense<true> : vector<128x128xi1>
    %eq3A_2524 = arith.xori %eq3A_2522, %eq3A_2523 : vector<128x128xi1>
    %select_n3A_2525 = arith.select %eq3A_2524, %select_n3A_2492, %select_n3A_2506 : vector<128x128xi1>, vector<128x128xf32>
    %select_n3A_2526 = arith.select %eq3A_2524, %select_n3A_2493, %select_n3A_2513 : vector<128x128xi1>, vector<128x128xi32>
    %and3A_2527 = arith.constant 8 : i32
    %and3A_2528 = vector.broadcast %and3A_2527 : i32 to vector<128x128xi32>
    %and3A_2529 = arith.andi %iota3A_2285, %and3A_2528 : vector<128x128xi32>
    %eq3A_2530 = arith.constant 0 : i32
    %eq3A_2531 = vector.broadcast %eq3A_2530 : i32 to vector<128x128xi32>
    %eq3A_2532 = arith.cmpi eq, %and3A_2529, %eq3A_2531 : vector<128x128xi32>
    %slice3A_2533 = vector.extract_strided_slice %select_n3A_2525 {offsets = [0, 8], sizes = [128, 120], strides = [1, 1]} : vector<128x128xf32> to vector<128x120xf32>
    %slice3A_2534 = vector.extract_strided_slice %select_n3A_2525 {offsets = [0, 0], sizes = [128, 8], strides = [1, 1]} : vector<128x128xf32> to vector<128x8xf32>
    %concatenate3A_2535 = tpu.concatenate %slice3A_2533, %slice3A_2534 in 1 : vector<128x120xf32>, vector<128x8xf32> -> vector<128x128xf32>
    %slice3A_2536 = vector.extract_strided_slice %select_n3A_2525 {offsets = [0, 120], sizes = [128, 8], strides = [1, 1]} : vector<128x128xf32> to vector<128x8xf32>
    %slice3A_2537 = vector.extract_strided_slice %select_n3A_2525 {offsets = [0, 0], sizes = [128, 120], strides = [1, 1]} : vector<128x128xf32> to vector<128x120xf32>
    %concatenate3A_2538 = tpu.concatenate %slice3A_2536, %slice3A_2537 in 1 : vector<128x8xf32>, vector<128x120xf32> -> vector<128x128xf32>
    %select_n3A_2539 = arith.select %eq3A_2532, %concatenate3A_2535, %concatenate3A_2538 : vector<128x128xi1>, vector<128x128xf32>
    %slice3A_2540 = vector.extract_strided_slice %select_n3A_2526 {offsets = [0, 8], sizes = [128, 120], strides = [1, 1]} : vector<128x128xi32> to vector<128x120xi32>
    %slice3A_2541 = vector.extract_strided_slice %select_n3A_2526 {offsets = [0, 0], sizes = [128, 8], strides = [1, 1]} : vector<128x128xi32> to vector<128x8xi32>
    %concatenate3A_2542 = tpu.concatenate %slice3A_2540, %slice3A_2541 in 1 : vector<128x120xi32>, vector<128x8xi32> -> vector<128x128xi32>
    %slice3A_2543 = vector.extract_strided_slice %select_n3A_2526 {offsets = [0, 120], sizes = [128, 8], strides = [1, 1]} : vector<128x128xi32> to vector<128x8xi32>
    %slice3A_2544 = vector.extract_strided_slice %select_n3A_2526 {offsets = [0, 0], sizes = [128, 120], strides = [1, 1]} : vector<128x128xi32> to vector<128x120xi32>
    %concatenate3A_2545 = tpu.concatenate %slice3A_2543, %slice3A_2544 in 1 : vector<128x8xi32>, vector<128x120xi32> -> vector<128x128xi32>
    %select_n3A_2546 = arith.select %eq3A_2532, %concatenate3A_2542, %concatenate3A_2545 : vector<128x128xi1>, vector<128x128xi32>
    %gt3A_2547 = arith.cmpf ogt, %select_n3A_2525, %select_n3A_2539 : vector<128x128xf32>
    %eq3A_2548 = arith.cmpf oeq, %select_n3A_2525, %select_n3A_2539 : vector<128x128xf32>
    %lt3A_2549 = arith.cmpi slt, %select_n3A_2526, %select_n3A_2546 : vector<128x128xi32>
    %and3A_2550 = arith.andi %eq3A_2548, %lt3A_2549 : vector<128x128xi1>
    %or3A_2551 = arith.ori %gt3A_2547, %and3A_2550 : vector<128x128xi1>
    %eq3A_2552 = arith.xori %eq3A_2532, %eq3A_2295 : vector<128x128xi1>
    %eq3A_2553 = arith.constant dense<true> : vector<128x128xi1>
    %eq3A_2554 = arith.xori %eq3A_2552, %eq3A_2553 : vector<128x128xi1>
    %eq3A_2555 = arith.xori %or3A_2551, %eq3A_2554 : vector<128x128xi1>
    %eq3A_2556 = arith.constant dense<true> : vector<128x128xi1>
    %eq3A_2557 = arith.xori %eq3A_2555, %eq3A_2556 : vector<128x128xi1>
    %select_n3A_2558 = arith.select %eq3A_2557, %select_n3A_2525, %select_n3A_2539 : vector<128x128xi1>, vector<128x128xf32>
    %select_n3A_2559 = arith.select %eq3A_2557, %select_n3A_2526, %select_n3A_2546 : vector<128x128xi1>, vector<128x128xi32>
    %and3A_2560 = arith.constant 4 : i32
    %and3A_2561 = vector.broadcast %and3A_2560 : i32 to vector<128x128xi32>
    %and3A_2562 = arith.andi %iota3A_2285, %and3A_2561 : vector<128x128xi32>
    %eq3A_2563 = arith.constant 0 : i32
    %eq3A_2564 = vector.broadcast %eq3A_2563 : i32 to vector<128x128xi32>
    %eq3A_2565 = arith.cmpi eq, %and3A_2562, %eq3A_2564 : vector<128x128xi32>
    %slice3A_2566 = vector.extract_strided_slice %select_n3A_2558 {offsets = [0, 4], sizes = [128, 124], strides = [1, 1]} : vector<128x128xf32> to vector<128x124xf32>
    %slice3A_2567 = vector.extract_strided_slice %select_n3A_2558 {offsets = [0, 0], sizes = [128, 4], strides = [1, 1]} : vector<128x128xf32> to vector<128x4xf32>
    %concatenate3A_2568 = tpu.concatenate %slice3A_2566, %slice3A_2567 in 1 : vector<128x124xf32>, vector<128x4xf32> -> vector<128x128xf32>
    %slice3A_2569 = vector.extract_strided_slice %select_n3A_2558 {offsets = [0, 124], sizes = [128, 4], strides = [1, 1]} : vector<128x128xf32> to vector<128x4xf32>
    %slice3A_2570 = vector.extract_strided_slice %select_n3A_2558 {offsets = [0, 0], sizes = [128, 124], strides = [1, 1]} : vector<128x128xf32> to vector<128x124xf32>
    %concatenate3A_2571 = tpu.concatenate %slice3A_2569, %slice3A_2570 in 1 : vector<128x4xf32>, vector<128x124xf32> -> vector<128x128xf32>
    %select_n3A_2572 = arith.select %eq3A_2565, %concatenate3A_2568, %concatenate3A_2571 : vector<128x128xi1>, vector<128x128xf32>
    %slice3A_2573 = vector.extract_strided_slice %select_n3A_2559 {offsets = [0, 4], sizes = [128, 124], strides = [1, 1]} : vector<128x128xi32> to vector<128x124xi32>
    %slice3A_2574 = vector.extract_strided_slice %select_n3A_2559 {offsets = [0, 0], sizes = [128, 4], strides = [1, 1]} : vector<128x128xi32> to vector<128x4xi32>
    %concatenate3A_2575 = tpu.concatenate %slice3A_2573, %slice3A_2574 in 1 : vector<128x124xi32>, vector<128x4xi32> -> vector<128x128xi32>
    %slice3A_2576 = vector.extract_strided_slice %select_n3A_2559 {offsets = [0, 124], sizes = [128, 4], strides = [1, 1]} : vector<128x128xi32> to vector<128x4xi32>
    %slice3A_2577 = vector.extract_strided_slice %select_n3A_2559 {offsets = [0, 0], sizes = [128, 124], strides = [1, 1]} : vector<128x128xi32> to vector<128x124xi32>
    %concatenate3A_2578 = tpu.concatenate %slice3A_2576, %slice3A_2577 in 1 : vector<128x4xi32>, vector<128x124xi32> -> vector<128x128xi32>
    %select_n3A_2579 = arith.select %eq3A_2565, %concatenate3A_2575, %concatenate3A_2578 : vector<128x128xi1>, vector<128x128xi32>
    %gt3A_2580 = arith.cmpf ogt, %select_n3A_2558, %select_n3A_2572 : vector<128x128xf32>
    %eq3A_2581 = arith.cmpf oeq, %select_n3A_2558, %select_n3A_2572 : vector<128x128xf32>
    %lt3A_2582 = arith.cmpi slt, %select_n3A_2559, %select_n3A_2579 : vector<128x128xi32>
    %and3A_2583 = arith.andi %eq3A_2581, %lt3A_2582 : vector<128x128xi1>
    %or3A_2584 = arith.ori %gt3A_2580, %and3A_2583 : vector<128x128xi1>
    %eq3A_2585 = arith.xori %eq3A_2565, %eq3A_2295 : vector<128x128xi1>
    %eq3A_2586 = arith.constant dense<true> : vector<128x128xi1>
    %eq3A_2587 = arith.xori %eq3A_2585, %eq3A_2586 : vector<128x128xi1>
    %eq3A_2588 = arith.xori %or3A_2584, %eq3A_2587 : vector<128x128xi1>
    %eq3A_2589 = arith.constant dense<true> : vector<128x128xi1>
    %eq3A_2590 = arith.xori %eq3A_2588, %eq3A_2589 : vector<128x128xi1>
    %select_n3A_2591 = arith.select %eq3A_2590, %select_n3A_2558, %select_n3A_2572 : vector<128x128xi1>, vector<128x128xf32>
    %select_n3A_2592 = arith.select %eq3A_2590, %select_n3A_2559, %select_n3A_2579 : vector<128x128xi1>, vector<128x128xi32>
    %and3A_2593 = arith.constant 2 : i32
    %and3A_2594 = vector.broadcast %and3A_2593 : i32 to vector<128x128xi32>
    %and3A_2595 = arith.andi %iota3A_2285, %and3A_2594 : vector<128x128xi32>
    %eq3A_2596 = arith.constant 0 : i32
    %eq3A_2597 = vector.broadcast %eq3A_2596 : i32 to vector<128x128xi32>
    %eq3A_2598 = arith.cmpi eq, %and3A_2595, %eq3A_2597 : vector<128x128xi32>
    %slice3A_2599 = vector.extract_strided_slice %select_n3A_2591 {offsets = [0, 2], sizes = [128, 126], strides = [1, 1]} : vector<128x128xf32> to vector<128x126xf32>
    %slice3A_2600 = vector.extract_strided_slice %select_n3A_2591 {offsets = [0, 0], sizes = [128, 2], strides = [1, 1]} : vector<128x128xf32> to vector<128x2xf32>
    %concatenate3A_2601 = tpu.concatenate %slice3A_2599, %slice3A_2600 in 1 : vector<128x126xf32>, vector<128x2xf32> -> vector<128x128xf32>
    %slice3A_2602 = vector.extract_strided_slice %select_n3A_2591 {offsets = [0, 126], sizes = [128, 2], strides = [1, 1]} : vector<128x128xf32> to vector<128x2xf32>
    %slice3A_2603 = vector.extract_strided_slice %select_n3A_2591 {offsets = [0, 0], sizes = [128, 126], strides = [1, 1]} : vector<128x128xf32> to vector<128x126xf32>
    %concatenate3A_2604 = tpu.concatenate %slice3A_2602, %slice3A_2603 in 1 : vector<128x2xf32>, vector<128x126xf32> -> vector<128x128xf32>
    %select_n3A_2605 = arith.select %eq3A_2598, %concatenate3A_2601, %concatenate3A_2604 : vector<128x128xi1>, vector<128x128xf32>
    %slice3A_2606 = vector.extract_strided_slice %select_n3A_2592 {offsets = [0, 2], sizes = [128, 126], strides = [1, 1]} : vector<128x128xi32> to vector<128x126xi32>
    %slice3A_2607 = vector.extract_strided_slice %select_n3A_2592 {offsets = [0, 0], sizes = [128, 2], strides = [1, 1]} : vector<128x128xi32> to vector<128x2xi32>
    %concatenate3A_2608 = tpu.concatenate %slice3A_2606, %slice3A_2607 in 1 : vector<128x126xi32>, vector<128x2xi32> -> vector<128x128xi32>
    %slice3A_2609 = vector.extract_strided_slice %select_n3A_2592 {offsets = [0, 126], sizes = [128, 2], strides = [1, 1]} : vector<128x128xi32> to vector<128x2xi32>
    %slice3A_2610 = vector.extract_strided_slice %select_n3A_2592 {offsets = [0, 0], sizes = [128, 126], strides = [1, 1]} : vector<128x128xi32> to vector<128x126xi32>
    %concatenate3A_2611 = tpu.concatenate %slice3A_2609, %slice3A_2610 in 1 : vector<128x2xi32>, vector<128x126xi32> -> vector<128x128xi32>
    %select_n3A_2612 = arith.select %eq3A_2598, %concatenate3A_2608, %concatenate3A_2611 : vector<128x128xi1>, vector<128x128xi32>
    %gt3A_2613 = arith.cmpf ogt, %select_n3A_2591, %select_n3A_2605 : vector<128x128xf32>
    %eq3A_2614 = arith.cmpf oeq, %select_n3A_2591, %select_n3A_2605 : vector<128x128xf32>
    %lt3A_2615 = arith.cmpi slt, %select_n3A_2592, %select_n3A_2612 : vector<128x128xi32>
    %and3A_2616 = arith.andi %eq3A_2614, %lt3A_2615 : vector<128x128xi1>
    %or3A_2617 = arith.ori %gt3A_2613, %and3A_2616 : vector<128x128xi1>
    %eq3A_2618 = arith.xori %eq3A_2598, %eq3A_2295 : vector<128x128xi1>
    %eq3A_2619 = arith.constant dense<true> : vector<128x128xi1>
    %eq3A_2620 = arith.xori %eq3A_2618, %eq3A_2619 : vector<128x128xi1>
    %eq3A_2621 = arith.xori %or3A_2617, %eq3A_2620 : vector<128x128xi1>
    %eq3A_2622 = arith.constant dense<true> : vector<128x128xi1>
    %eq3A_2623 = arith.xori %eq3A_2621, %eq3A_2622 : vector<128x128xi1>
    %select_n3A_2624 = arith.select %eq3A_2623, %select_n3A_2591, %select_n3A_2605 : vector<128x128xi1>, vector<128x128xf32>
    %select_n3A_2625 = arith.select %eq3A_2623, %select_n3A_2592, %select_n3A_2612 : vector<128x128xi1>, vector<128x128xi32>
    %and3A_2626 = arith.constant 1 : i32
    %and3A_2627 = vector.broadcast %and3A_2626 : i32 to vector<128x128xi32>
    %and3A_2628 = arith.andi %iota3A_2285, %and3A_2627 : vector<128x128xi32>
    %eq3A_2629 = arith.constant 0 : i32
    %eq3A_2630 = vector.broadcast %eq3A_2629 : i32 to vector<128x128xi32>
    %eq3A_2631 = arith.cmpi eq, %and3A_2628, %eq3A_2630 : vector<128x128xi32>
    %slice3A_2632 = vector.extract_strided_slice %select_n3A_2624 {offsets = [0, 1], sizes = [128, 127], strides = [1, 1]} : vector<128x128xf32> to vector<128x127xf32>
    %slice3A_2633 = vector.extract_strided_slice %select_n3A_2624 {offsets = [0, 0], sizes = [128, 1], strides = [1, 1]} : vector<128x128xf32> to vector<128x1xf32>
    %concatenate3A_2634 = tpu.concatenate %slice3A_2632, %slice3A_2633 in 1 : vector<128x127xf32>, vector<128x1xf32> -> vector<128x128xf32>
    %slice3A_2635 = vector.extract_strided_slice %select_n3A_2624 {offsets = [0, 127], sizes = [128, 1], strides = [1, 1]} : vector<128x128xf32> to vector<128x1xf32>
    %slice3A_2636 = vector.extract_strided_slice %select_n3A_2624 {offsets = [0, 0], sizes = [128, 127], strides = [1, 1]} : vector<128x128xf32> to vector<128x127xf32>
    %concatenate3A_2637 = tpu.concatenate %slice3A_2635, %slice3A_2636 in 1 : vector<128x1xf32>, vector<128x127xf32> -> vector<128x128xf32>
    %select_n3A_2638 = arith.select %eq3A_2631, %concatenate3A_2634, %concatenate3A_2637 : vector<128x128xi1>, vector<128x128xf32>
    %slice3A_2639 = vector.extract_strided_slice %select_n3A_2625 {offsets = [0, 1], sizes = [128, 127], strides = [1, 1]} : vector<128x128xi32> to vector<128x127xi32>
    %slice3A_2640 = vector.extract_strided_slice %select_n3A_2625 {offsets = [0, 0], sizes = [128, 1], strides = [1, 1]} : vector<128x128xi32> to vector<128x1xi32>
    %concatenate3A_2641 = tpu.concatenate %slice3A_2639, %slice3A_2640 in 1 : vector<128x127xi32>, vector<128x1xi32> -> vector<128x128xi32>
    %slice3A_2642 = vector.extract_strided_slice %select_n3A_2625 {offsets = [0, 127], sizes = [128, 1], strides = [1, 1]} : vector<128x128xi32> to vector<128x1xi32>
    %slice3A_2643 = vector.extract_strided_slice %select_n3A_2625 {offsets = [0, 0], sizes = [128, 127], strides = [1, 1]} : vector<128x128xi32> to vector<128x127xi32>
    %concatenate3A_2644 = tpu.concatenate %slice3A_2642, %slice3A_2643 in 1 : vector<128x1xi32>, vector<128x127xi32> -> vector<128x128xi32>
    %select_n3A_2645 = arith.select %eq3A_2631, %concatenate3A_2641, %concatenate3A_2644 : vector<128x128xi1>, vector<128x128xi32>
    %gt3A_2646 = arith.cmpf ogt, %select_n3A_2624, %select_n3A_2638 : vector<128x128xf32>
    %eq3A_2647 = arith.cmpf oeq, %select_n3A_2624, %select_n3A_2638 : vector<128x128xf32>
    %lt3A_2648 = arith.cmpi slt, %select_n3A_2625, %select_n3A_2645 : vector<128x128xi32>
    %and3A_2649 = arith.andi %eq3A_2647, %lt3A_2648 : vector<128x128xi1>
    %or3A_2650 = arith.ori %gt3A_2646, %and3A_2649 : vector<128x128xi1>
    %eq3A_2651 = arith.xori %eq3A_2631, %eq3A_2295 : vector<128x128xi1>
    %eq3A_2652 = arith.constant dense<true> : vector<128x128xi1>
    %eq3A_2653 = arith.xori %eq3A_2651, %eq3A_2652 : vector<128x128xi1>
    %eq3A_2654 = arith.xori %or3A_2650, %eq3A_2653 : vector<128x128xi1>
    %eq3A_2655 = arith.constant dense<true> : vector<128x128xi1>
    %eq3A_2656 = arith.xori %eq3A_2654, %eq3A_2655 : vector<128x128xi1>
    %select_n3A_2657 = arith.select %eq3A_2656, %select_n3A_2624, %select_n3A_2638 : vector<128x128xi1>, vector<128x128xf32>
    %select_n3A_2658 = arith.select %eq3A_2656, %select_n3A_2625, %select_n3A_2645 : vector<128x128xi1>, vector<128x128xi32>
    %slice3A_2659 = vector.extract_strided_slice %select_n3A_2657 {offsets = [0, 0], sizes = [16, 128], strides = [1, 1]} : vector<128x128xf32> to vector<16x128xf32>
    %slice3A_2660 = vector.extract_strided_slice %select_n3A_2657 {offsets = [32, 0], sizes = [16, 128], strides = [1, 1]} : vector<128x128xf32> to vector<16x128xf32>
    %slice3A_2661 = vector.extract_strided_slice %select_n3A_2657 {offsets = [64, 0], sizes = [16, 128], strides = [1, 1]} : vector<128x128xf32> to vector<16x128xf32>
    %slice3A_2662 = vector.extract_strided_slice %select_n3A_2657 {offsets = [96, 0], sizes = [16, 128], strides = [1, 1]} : vector<128x128xf32> to vector<16x128xf32>
    %concatenate3A_2663 = tpu.concatenate %slice3A_2659, %slice3A_2660, %slice3A_2661, %slice3A_2662 in 0 : vector<16x128xf32>, vector<16x128xf32>, vector<16x128xf32>, vector<16x128xf32> -> vector<64x128xf32>
    %slice3A_2664 = vector.extract_strided_slice %select_n3A_2658 {offsets = [0, 0], sizes = [16, 128], strides = [1, 1]} : vector<128x128xi32> to vector<16x128xi32>
    %slice3A_2665 = vector.extract_strided_slice %select_n3A_2658 {offsets = [32, 0], sizes = [16, 128], strides = [1, 1]} : vector<128x128xi32> to vector<16x128xi32>
    %slice3A_2666 = vector.extract_strided_slice %select_n3A_2658 {offsets = [64, 0], sizes = [16, 128], strides = [1, 1]} : vector<128x128xi32> to vector<16x128xi32>
    %slice3A_2667 = vector.extract_strided_slice %select_n3A_2658 {offsets = [96, 0], sizes = [16, 128], strides = [1, 1]} : vector<128x128xi32> to vector<16x128xi32>
    %concatenate3A_2668 = tpu.concatenate %slice3A_2664, %slice3A_2665, %slice3A_2666, %slice3A_2667 in 0 : vector<16x128xi32>, vector<16x128xi32>, vector<16x128xi32>, vector<16x128xi32> -> vector<64x128xi32>
    %slice3A_2669 = vector.extract_strided_slice %select_n3A_2657 {offsets = [16, 0], sizes = [16, 128], strides = [1, 1]} : vector<128x128xf32> to vector<16x128xf32>
    %slice3A_2670 = vector.extract_strided_slice %select_n3A_2657 {offsets = [48, 0], sizes = [16, 128], strides = [1, 1]} : vector<128x128xf32> to vector<16x128xf32>
    %slice3A_2671 = vector.extract_strided_slice %select_n3A_2657 {offsets = [80, 0], sizes = [16, 128], strides = [1, 1]} : vector<128x128xf32> to vector<16x128xf32>
    %slice3A_2672 = vector.extract_strided_slice %select_n3A_2657 {offsets = [112, 0], sizes = [16, 128], strides = [1, 1]} : vector<128x128xf32> to vector<16x128xf32>
    %concatenate3A_2673 = tpu.concatenate %slice3A_2669, %slice3A_2670, %slice3A_2671, %slice3A_2672 in 0 : vector<16x128xf32>, vector<16x128xf32>, vector<16x128xf32>, vector<16x128xf32> -> vector<64x128xf32>
    %slice3A_2674 = vector.extract_strided_slice %select_n3A_2658 {offsets = [16, 0], sizes = [16, 128], strides = [1, 1]} : vector<128x128xi32> to vector<16x128xi32>
    %slice3A_2675 = vector.extract_strided_slice %select_n3A_2658 {offsets = [48, 0], sizes = [16, 128], strides = [1, 1]} : vector<128x128xi32> to vector<16x128xi32>
    %slice3A_2676 = vector.extract_strided_slice %select_n3A_2658 {offsets = [80, 0], sizes = [16, 128], strides = [1, 1]} : vector<128x128xi32> to vector<16x128xi32>
    %slice3A_2677 = vector.extract_strided_slice %select_n3A_2658 {offsets = [112, 0], sizes = [16, 128], strides = [1, 1]} : vector<128x128xi32> to vector<16x128xi32>
    %concatenate3A_2678 = tpu.concatenate %slice3A_2674, %slice3A_2675, %slice3A_2676, %slice3A_2677 in 0 : vector<16x128xi32>, vector<16x128xi32>, vector<16x128xi32>, vector<16x128xi32> -> vector<64x128xi32>
    %gt3A_2679 = arith.cmpf ogt, %concatenate3A_2663, %concatenate3A_2673 : vector<64x128xf32>
    %eq3A_2680 = arith.cmpf oeq, %concatenate3A_2663, %concatenate3A_2673 : vector<64x128xf32>
    %lt3A_2681 = arith.cmpi slt, %concatenate3A_2668, %concatenate3A_2678 : vector<64x128xi32>
    %and3A_2682 = arith.andi %eq3A_2680, %lt3A_2681 : vector<64x128xi1>
    %or3A_2683 = arith.ori %gt3A_2679, %and3A_2682 : vector<64x128xi1>
    %select_n3A_2684 = arith.select %or3A_2683, %concatenate3A_2663, %concatenate3A_2673 : vector<64x128xi1>, vector<64x128xf32>
    %select_n3A_2685 = arith.select %or3A_2683, %concatenate3A_2668, %concatenate3A_2678 : vector<64x128xi1>, vector<64x128xi32>
    %iota3A_2686 = tpu.iota {dimensions = array<i32: 0>} : vector<64x128xi32>
    %iota3A_2687 = tpu.iota {dimensions = array<i32: 1>} : vector<64x128xi32>
    %mul3A_2688 = arith.constant 128 : i32
    %mul3A_2689 = vector.broadcast %mul3A_2688 : i32 to vector<64x128xi32>
    %mul3A_2690 = arith.muli %iota3A_2686, %mul3A_2689 : vector<64x128xi32>
    %add3A_2691 = arith.addi %mul3A_2690, %iota3A_2687 : vector<64x128xi32>
    %and3A_2692 = arith.constant 2048 : i32
    %and3A_2693 = vector.broadcast %and3A_2692 : i32 to vector<64x128xi32>
    %and3A_2694 = arith.andi %add3A_2691, %and3A_2693 : vector<64x128xi32>
    %eq3A_2695 = arith.constant 0 : i32
    %eq3A_2696 = vector.broadcast %eq3A_2695 : i32 to vector<64x128xi32>
    %eq3A_2697 = arith.cmpi eq, %and3A_2694, %eq3A_2696 : vector<64x128xi32>
    %and3A_2698 = arith.constant 8 : i32
    %and3A_2699 = vector.broadcast %and3A_2698 : i32 to vector<64x128xi32>
    %and3A_2700 = arith.andi %iota3A_2686, %and3A_2699 : vector<64x128xi32>
    %eq3A_2701 = arith.constant 0 : i32
    %eq3A_2702 = vector.broadcast %eq3A_2701 : i32 to vector<64x128xi32>
    %eq3A_2703 = arith.cmpi eq, %and3A_2700, %eq3A_2702 : vector<64x128xi32>
    %slice3A_2704 = vector.extract_strided_slice %select_n3A_2684 {offsets = [8, 0], sizes = [56, 128], strides = [1, 1]} : vector<64x128xf32> to vector<56x128xf32>
    %slice3A_2705 = vector.extract_strided_slice %select_n3A_2684 {offsets = [0, 0], sizes = [8, 128], strides = [1, 1]} : vector<64x128xf32> to vector<8x128xf32>
    %concatenate3A_2706 = tpu.concatenate %slice3A_2704, %slice3A_2705 in 0 : vector<56x128xf32>, vector<8x128xf32> -> vector<64x128xf32>
    %slice3A_2707 = vector.extract_strided_slice %select_n3A_2684 {offsets = [56, 0], sizes = [8, 128], strides = [1, 1]} : vector<64x128xf32> to vector<8x128xf32>
    %slice3A_2708 = vector.extract_strided_slice %select_n3A_2684 {offsets = [0, 0], sizes = [56, 128], strides = [1, 1]} : vector<64x128xf32> to vector<56x128xf32>
    %concatenate3A_2709 = tpu.concatenate %slice3A_2707, %slice3A_2708 in 0 : vector<8x128xf32>, vector<56x128xf32> -> vector<64x128xf32>
    %select_n3A_2710 = arith.select %eq3A_2703, %concatenate3A_2706, %concatenate3A_2709 : vector<64x128xi1>, vector<64x128xf32>
    %slice3A_2711 = vector.extract_strided_slice %select_n3A_2685 {offsets = [8, 0], sizes = [56, 128], strides = [1, 1]} : vector<64x128xi32> to vector<56x128xi32>
    %slice3A_2712 = vector.extract_strided_slice %select_n3A_2685 {offsets = [0, 0], sizes = [8, 128], strides = [1, 1]} : vector<64x128xi32> to vector<8x128xi32>
    %concatenate3A_2713 = tpu.concatenate %slice3A_2711, %slice3A_2712 in 0 : vector<56x128xi32>, vector<8x128xi32> -> vector<64x128xi32>
    %slice3A_2714 = vector.extract_strided_slice %select_n3A_2685 {offsets = [56, 0], sizes = [8, 128], strides = [1, 1]} : vector<64x128xi32> to vector<8x128xi32>
    %slice3A_2715 = vector.extract_strided_slice %select_n3A_2685 {offsets = [0, 0], sizes = [56, 128], strides = [1, 1]} : vector<64x128xi32> to vector<56x128xi32>
    %concatenate3A_2716 = tpu.concatenate %slice3A_2714, %slice3A_2715 in 0 : vector<8x128xi32>, vector<56x128xi32> -> vector<64x128xi32>
    %select_n3A_2717 = arith.select %eq3A_2703, %concatenate3A_2713, %concatenate3A_2716 : vector<64x128xi1>, vector<64x128xi32>
    %gt3A_2718 = arith.cmpf ogt, %select_n3A_2684, %select_n3A_2710 : vector<64x128xf32>
    %eq3A_2719 = arith.cmpf oeq, %select_n3A_2684, %select_n3A_2710 : vector<64x128xf32>
    %lt3A_2720 = arith.cmpi slt, %select_n3A_2685, %select_n3A_2717 : vector<64x128xi32>
    %and3A_2721 = arith.andi %eq3A_2719, %lt3A_2720 : vector<64x128xi1>
    %or3A_2722 = arith.ori %gt3A_2718, %and3A_2721 : vector<64x128xi1>
    %eq3A_2723 = arith.xori %eq3A_2703, %eq3A_2697 : vector<64x128xi1>
    %eq3A_2724 = arith.constant dense<true> : vector<64x128xi1>
    %eq3A_2725 = arith.xori %eq3A_2723, %eq3A_2724 : vector<64x128xi1>
    %eq3A_2726 = arith.xori %or3A_2722, %eq3A_2725 : vector<64x128xi1>
    %eq3A_2727 = arith.constant dense<true> : vector<64x128xi1>
    %eq3A_2728 = arith.xori %eq3A_2726, %eq3A_2727 : vector<64x128xi1>
    %select_n3A_2729 = arith.select %eq3A_2728, %select_n3A_2684, %select_n3A_2710 : vector<64x128xi1>, vector<64x128xf32>
    %select_n3A_2730 = arith.select %eq3A_2728, %select_n3A_2685, %select_n3A_2717 : vector<64x128xi1>, vector<64x128xi32>
    %and3A_2731 = arith.constant 4 : i32
    %and3A_2732 = vector.broadcast %and3A_2731 : i32 to vector<64x128xi32>
    %and3A_2733 = arith.andi %iota3A_2686, %and3A_2732 : vector<64x128xi32>
    %eq3A_2734 = arith.constant 0 : i32
    %eq3A_2735 = vector.broadcast %eq3A_2734 : i32 to vector<64x128xi32>
    %eq3A_2736 = arith.cmpi eq, %and3A_2733, %eq3A_2735 : vector<64x128xi32>
    %slice3A_2737 = vector.extract_strided_slice %select_n3A_2729 {offsets = [4, 0], sizes = [60, 128], strides = [1, 1]} : vector<64x128xf32> to vector<60x128xf32>
    %slice3A_2738 = vector.extract_strided_slice %select_n3A_2729 {offsets = [0, 0], sizes = [4, 128], strides = [1, 1]} : vector<64x128xf32> to vector<4x128xf32>
    %concatenate3A_2739 = tpu.concatenate %slice3A_2737, %slice3A_2738 in 0 : vector<60x128xf32>, vector<4x128xf32> -> vector<64x128xf32>
    %slice3A_2740 = vector.extract_strided_slice %select_n3A_2729 {offsets = [60, 0], sizes = [4, 128], strides = [1, 1]} : vector<64x128xf32> to vector<4x128xf32>
    %slice3A_2741 = vector.extract_strided_slice %select_n3A_2729 {offsets = [0, 0], sizes = [60, 128], strides = [1, 1]} : vector<64x128xf32> to vector<60x128xf32>
    %concatenate3A_2742 = tpu.concatenate %slice3A_2740, %slice3A_2741 in 0 : vector<4x128xf32>, vector<60x128xf32> -> vector<64x128xf32>
    %select_n3A_2743 = arith.select %eq3A_2736, %concatenate3A_2739, %concatenate3A_2742 : vector<64x128xi1>, vector<64x128xf32>
    %slice3A_2744 = vector.extract_strided_slice %select_n3A_2730 {offsets = [4, 0], sizes = [60, 128], strides = [1, 1]} : vector<64x128xi32> to vector<60x128xi32>
    %slice3A_2745 = vector.extract_strided_slice %select_n3A_2730 {offsets = [0, 0], sizes = [4, 128], strides = [1, 1]} : vector<64x128xi32> to vector<4x128xi32>
    %concatenate3A_2746 = tpu.concatenate %slice3A_2744, %slice3A_2745 in 0 : vector<60x128xi32>, vector<4x128xi32> -> vector<64x128xi32>
    %slice3A_2747 = vector.extract_strided_slice %select_n3A_2730 {offsets = [60, 0], sizes = [4, 128], strides = [1, 1]} : vector<64x128xi32> to vector<4x128xi32>
    %slice3A_2748 = vector.extract_strided_slice %select_n3A_2730 {offsets = [0, 0], sizes = [60, 128], strides = [1, 1]} : vector<64x128xi32> to vector<60x128xi32>
    %concatenate3A_2749 = tpu.concatenate %slice3A_2747, %slice3A_2748 in 0 : vector<4x128xi32>, vector<60x128xi32> -> vector<64x128xi32>
    %select_n3A_2750 = arith.select %eq3A_2736, %concatenate3A_2746, %concatenate3A_2749 : vector<64x128xi1>, vector<64x128xi32>
    %gt3A_2751 = arith.cmpf ogt, %select_n3A_2729, %select_n3A_2743 : vector<64x128xf32>
    %eq3A_2752 = arith.cmpf oeq, %select_n3A_2729, %select_n3A_2743 : vector<64x128xf32>
    %lt3A_2753 = arith.cmpi slt, %select_n3A_2730, %select_n3A_2750 : vector<64x128xi32>
    %and3A_2754 = arith.andi %eq3A_2752, %lt3A_2753 : vector<64x128xi1>
    %or3A_2755 = arith.ori %gt3A_2751, %and3A_2754 : vector<64x128xi1>
    %eq3A_2756 = arith.xori %eq3A_2736, %eq3A_2697 : vector<64x128xi1>
    %eq3A_2757 = arith.constant dense<true> : vector<64x128xi1>
    %eq3A_2758 = arith.xori %eq3A_2756, %eq3A_2757 : vector<64x128xi1>
    %eq3A_2759 = arith.xori %or3A_2755, %eq3A_2758 : vector<64x128xi1>
    %eq3A_2760 = arith.constant dense<true> : vector<64x128xi1>
    %eq3A_2761 = arith.xori %eq3A_2759, %eq3A_2760 : vector<64x128xi1>
    %select_n3A_2762 = arith.select %eq3A_2761, %select_n3A_2729, %select_n3A_2743 : vector<64x128xi1>, vector<64x128xf32>
    %select_n3A_2763 = arith.select %eq3A_2761, %select_n3A_2730, %select_n3A_2750 : vector<64x128xi1>, vector<64x128xi32>
    %and3A_2764 = arith.constant 2 : i32
    %and3A_2765 = vector.broadcast %and3A_2764 : i32 to vector<64x128xi32>
    %and3A_2766 = arith.andi %iota3A_2686, %and3A_2765 : vector<64x128xi32>
    %eq3A_2767 = arith.constant 0 : i32
    %eq3A_2768 = vector.broadcast %eq3A_2767 : i32 to vector<64x128xi32>
    %eq3A_2769 = arith.cmpi eq, %and3A_2766, %eq3A_2768 : vector<64x128xi32>
    %slice3A_2770 = vector.extract_strided_slice %select_n3A_2762 {offsets = [2, 0], sizes = [62, 128], strides = [1, 1]} : vector<64x128xf32> to vector<62x128xf32>
    %slice3A_2771 = vector.extract_strided_slice %select_n3A_2762 {offsets = [0, 0], sizes = [2, 128], strides = [1, 1]} : vector<64x128xf32> to vector<2x128xf32>
    %concatenate3A_2772 = tpu.concatenate %slice3A_2770, %slice3A_2771 in 0 : vector<62x128xf32>, vector<2x128xf32> -> vector<64x128xf32>
    %slice3A_2773 = vector.extract_strided_slice %select_n3A_2762 {offsets = [62, 0], sizes = [2, 128], strides = [1, 1]} : vector<64x128xf32> to vector<2x128xf32>
    %slice3A_2774 = vector.extract_strided_slice %select_n3A_2762 {offsets = [0, 0], sizes = [62, 128], strides = [1, 1]} : vector<64x128xf32> to vector<62x128xf32>
    %concatenate3A_2775 = tpu.concatenate %slice3A_2773, %slice3A_2774 in 0 : vector<2x128xf32>, vector<62x128xf32> -> vector<64x128xf32>
    %select_n3A_2776 = arith.select %eq3A_2769, %concatenate3A_2772, %concatenate3A_2775 : vector<64x128xi1>, vector<64x128xf32>
    %slice3A_2777 = vector.extract_strided_slice %select_n3A_2763 {offsets = [2, 0], sizes = [62, 128], strides = [1, 1]} : vector<64x128xi32> to vector<62x128xi32>
    %slice3A_2778 = vector.extract_strided_slice %select_n3A_2763 {offsets = [0, 0], sizes = [2, 128], strides = [1, 1]} : vector<64x128xi32> to vector<2x128xi32>
    %concatenate3A_2779 = tpu.concatenate %slice3A_2777, %slice3A_2778 in 0 : vector<62x128xi32>, vector<2x128xi32> -> vector<64x128xi32>
    %slice3A_2780 = vector.extract_strided_slice %select_n3A_2763 {offsets = [62, 0], sizes = [2, 128], strides = [1, 1]} : vector<64x128xi32> to vector<2x128xi32>
    %slice3A_2781 = vector.extract_strided_slice %select_n3A_2763 {offsets = [0, 0], sizes = [62, 128], strides = [1, 1]} : vector<64x128xi32> to vector<62x128xi32>
    %concatenate3A_2782 = tpu.concatenate %slice3A_2780, %slice3A_2781 in 0 : vector<2x128xi32>, vector<62x128xi32> -> vector<64x128xi32>
    %select_n3A_2783 = arith.select %eq3A_2769, %concatenate3A_2779, %concatenate3A_2782 : vector<64x128xi1>, vector<64x128xi32>
    %gt3A_2784 = arith.cmpf ogt, %select_n3A_2762, %select_n3A_2776 : vector<64x128xf32>
    %eq3A_2785 = arith.cmpf oeq, %select_n3A_2762, %select_n3A_2776 : vector<64x128xf32>
    %lt3A_2786 = arith.cmpi slt, %select_n3A_2763, %select_n3A_2783 : vector<64x128xi32>
    %and3A_2787 = arith.andi %eq3A_2785, %lt3A_2786 : vector<64x128xi1>
    %or3A_2788 = arith.ori %gt3A_2784, %and3A_2787 : vector<64x128xi1>
    %eq3A_2789 = arith.xori %eq3A_2769, %eq3A_2697 : vector<64x128xi1>
    %eq3A_2790 = arith.constant dense<true> : vector<64x128xi1>
    %eq3A_2791 = arith.xori %eq3A_2789, %eq3A_2790 : vector<64x128xi1>
    %eq3A_2792 = arith.xori %or3A_2788, %eq3A_2791 : vector<64x128xi1>
    %eq3A_2793 = arith.constant dense<true> : vector<64x128xi1>
    %eq3A_2794 = arith.xori %eq3A_2792, %eq3A_2793 : vector<64x128xi1>
    %select_n3A_2795 = arith.select %eq3A_2794, %select_n3A_2762, %select_n3A_2776 : vector<64x128xi1>, vector<64x128xf32>
    %select_n3A_2796 = arith.select %eq3A_2794, %select_n3A_2763, %select_n3A_2783 : vector<64x128xi1>, vector<64x128xi32>
    %and3A_2797 = arith.constant 1 : i32
    %and3A_2798 = vector.broadcast %and3A_2797 : i32 to vector<64x128xi32>
    %and3A_2799 = arith.andi %iota3A_2686, %and3A_2798 : vector<64x128xi32>
    %eq3A_2800 = arith.constant 0 : i32
    %eq3A_2801 = vector.broadcast %eq3A_2800 : i32 to vector<64x128xi32>
    %eq3A_2802 = arith.cmpi eq, %and3A_2799, %eq3A_2801 : vector<64x128xi32>
    %slice3A_2803 = vector.extract_strided_slice %select_n3A_2795 {offsets = [1, 0], sizes = [63, 128], strides = [1, 1]} : vector<64x128xf32> to vector<63x128xf32>
    %slice3A_2804 = vector.extract_strided_slice %select_n3A_2795 {offsets = [0, 0], sizes = [1, 128], strides = [1, 1]} : vector<64x128xf32> to vector<1x128xf32>
    %concatenate3A_2805 = tpu.concatenate %slice3A_2803, %slice3A_2804 in 0 : vector<63x128xf32>, vector<1x128xf32> -> vector<64x128xf32>
    %slice3A_2806 = vector.extract_strided_slice %select_n3A_2795 {offsets = [63, 0], sizes = [1, 128], strides = [1, 1]} : vector<64x128xf32> to vector<1x128xf32>
    %slice3A_2807 = vector.extract_strided_slice %select_n3A_2795 {offsets = [0, 0], sizes = [63, 128], strides = [1, 1]} : vector<64x128xf32> to vector<63x128xf32>
    %concatenate3A_2808 = tpu.concatenate %slice3A_2806, %slice3A_2807 in 0 : vector<1x128xf32>, vector<63x128xf32> -> vector<64x128xf32>
    %select_n3A_2809 = arith.select %eq3A_2802, %concatenate3A_2805, %concatenate3A_2808 : vector<64x128xi1>, vector<64x128xf32>
    %slice3A_2810 = vector.extract_strided_slice %select_n3A_2796 {offsets = [1, 0], sizes = [63, 128], strides = [1, 1]} : vector<64x128xi32> to vector<63x128xi32>
    %slice3A_2811 = vector.extract_strided_slice %select_n3A_2796 {offsets = [0, 0], sizes = [1, 128], strides = [1, 1]} : vector<64x128xi32> to vector<1x128xi32>
    %concatenate3A_2812 = tpu.concatenate %slice3A_2810, %slice3A_2811 in 0 : vector<63x128xi32>, vector<1x128xi32> -> vector<64x128xi32>
    %slice3A_2813 = vector.extract_strided_slice %select_n3A_2796 {offsets = [63, 0], sizes = [1, 128], strides = [1, 1]} : vector<64x128xi32> to vector<1x128xi32>
    %slice3A_2814 = vector.extract_strided_slice %select_n3A_2796 {offsets = [0, 0], sizes = [63, 128], strides = [1, 1]} : vector<64x128xi32> to vector<63x128xi32>
    %concatenate3A_2815 = tpu.concatenate %slice3A_2813, %slice3A_2814 in 0 : vector<1x128xi32>, vector<63x128xi32> -> vector<64x128xi32>
    %select_n3A_2816 = arith.select %eq3A_2802, %concatenate3A_2812, %concatenate3A_2815 : vector<64x128xi1>, vector<64x128xi32>
    %gt3A_2817 = arith.cmpf ogt, %select_n3A_2795, %select_n3A_2809 : vector<64x128xf32>
    %eq3A_2818 = arith.cmpf oeq, %select_n3A_2795, %select_n3A_2809 : vector<64x128xf32>
    %lt3A_2819 = arith.cmpi slt, %select_n3A_2796, %select_n3A_2816 : vector<64x128xi32>
    %and3A_2820 = arith.andi %eq3A_2818, %lt3A_2819 : vector<64x128xi1>
    %or3A_2821 = arith.ori %gt3A_2817, %and3A_2820 : vector<64x128xi1>
    %eq3A_2822 = arith.xori %eq3A_2802, %eq3A_2697 : vector<64x128xi1>
    %eq3A_2823 = arith.constant dense<true> : vector<64x128xi1>
    %eq3A_2824 = arith.xori %eq3A_2822, %eq3A_2823 : vector<64x128xi1>
    %eq3A_2825 = arith.xori %or3A_2821, %eq3A_2824 : vector<64x128xi1>
    %eq3A_2826 = arith.constant dense<true> : vector<64x128xi1>
    %eq3A_2827 = arith.xori %eq3A_2825, %eq3A_2826 : vector<64x128xi1>
    %select_n3A_2828 = arith.select %eq3A_2827, %select_n3A_2795, %select_n3A_2809 : vector<64x128xi1>, vector<64x128xf32>
    %select_n3A_2829 = arith.select %eq3A_2827, %select_n3A_2796, %select_n3A_2816 : vector<64x128xi1>, vector<64x128xi32>
    %and3A_2830 = arith.constant 64 : i32
    %and3A_2831 = vector.broadcast %and3A_2830 : i32 to vector<64x128xi32>
    %and3A_2832 = arith.andi %iota3A_2687, %and3A_2831 : vector<64x128xi32>
    %eq3A_2833 = arith.constant 0 : i32
    %eq3A_2834 = vector.broadcast %eq3A_2833 : i32 to vector<64x128xi32>
    %eq3A_2835 = arith.cmpi eq, %and3A_2832, %eq3A_2834 : vector<64x128xi32>
    %slice3A_2836 = vector.extract_strided_slice %select_n3A_2828 {offsets = [0, 64], sizes = [64, 64], strides = [1, 1]} : vector<64x128xf32> to vector<64x64xf32>
    %slice3A_2837 = vector.extract_strided_slice %select_n3A_2828 {offsets = [0, 0], sizes = [64, 64], strides = [1, 1]} : vector<64x128xf32> to vector<64x64xf32>
    %concatenate3A_2838 = tpu.concatenate %slice3A_2836, %slice3A_2837 in 1 : vector<64x64xf32>, vector<64x64xf32> -> vector<64x128xf32>
    %slice3A_2839 = vector.extract_strided_slice %select_n3A_2828 {offsets = [0, 64], sizes = [64, 64], strides = [1, 1]} : vector<64x128xf32> to vector<64x64xf32>
    %slice3A_2840 = vector.extract_strided_slice %select_n3A_2828 {offsets = [0, 0], sizes = [64, 64], strides = [1, 1]} : vector<64x128xf32> to vector<64x64xf32>
    %concatenate3A_2841 = tpu.concatenate %slice3A_2839, %slice3A_2840 in 1 : vector<64x64xf32>, vector<64x64xf32> -> vector<64x128xf32>
    %select_n3A_2842 = arith.select %eq3A_2835, %concatenate3A_2838, %concatenate3A_2841 : vector<64x128xi1>, vector<64x128xf32>
    %slice3A_2843 = vector.extract_strided_slice %select_n3A_2829 {offsets = [0, 64], sizes = [64, 64], strides = [1, 1]} : vector<64x128xi32> to vector<64x64xi32>
    %slice3A_2844 = vector.extract_strided_slice %select_n3A_2829 {offsets = [0, 0], sizes = [64, 64], strides = [1, 1]} : vector<64x128xi32> to vector<64x64xi32>
    %concatenate3A_2845 = tpu.concatenate %slice3A_2843, %slice3A_2844 in 1 : vector<64x64xi32>, vector<64x64xi32> -> vector<64x128xi32>
    %slice3A_2846 = vector.extract_strided_slice %select_n3A_2829 {offsets = [0, 64], sizes = [64, 64], strides = [1, 1]} : vector<64x128xi32> to vector<64x64xi32>
    %slice3A_2847 = vector.extract_strided_slice %select_n3A_2829 {offsets = [0, 0], sizes = [64, 64], strides = [1, 1]} : vector<64x128xi32> to vector<64x64xi32>
    %concatenate3A_2848 = tpu.concatenate %slice3A_2846, %slice3A_2847 in 1 : vector<64x64xi32>, vector<64x64xi32> -> vector<64x128xi32>
    %select_n3A_2849 = arith.select %eq3A_2835, %concatenate3A_2845, %concatenate3A_2848 : vector<64x128xi1>, vector<64x128xi32>
    %gt3A_2850 = arith.cmpf ogt, %select_n3A_2828, %select_n3A_2842 : vector<64x128xf32>
    %eq3A_2851 = arith.cmpf oeq, %select_n3A_2828, %select_n3A_2842 : vector<64x128xf32>
    %lt3A_2852 = arith.cmpi slt, %select_n3A_2829, %select_n3A_2849 : vector<64x128xi32>
    %and3A_2853 = arith.andi %eq3A_2851, %lt3A_2852 : vector<64x128xi1>
    %or3A_2854 = arith.ori %gt3A_2850, %and3A_2853 : vector<64x128xi1>
    %eq3A_2855 = arith.xori %eq3A_2835, %eq3A_2697 : vector<64x128xi1>
    %eq3A_2856 = arith.constant dense<true> : vector<64x128xi1>
    %eq3A_2857 = arith.xori %eq3A_2855, %eq3A_2856 : vector<64x128xi1>
    %eq3A_2858 = arith.xori %or3A_2854, %eq3A_2857 : vector<64x128xi1>
    %eq3A_2859 = arith.constant dense<true> : vector<64x128xi1>
    %eq3A_2860 = arith.xori %eq3A_2858, %eq3A_2859 : vector<64x128xi1>
    %select_n3A_2861 = arith.select %eq3A_2860, %select_n3A_2828, %select_n3A_2842 : vector<64x128xi1>, vector<64x128xf32>
    %select_n3A_2862 = arith.select %eq3A_2860, %select_n3A_2829, %select_n3A_2849 : vector<64x128xi1>, vector<64x128xi32>
    %and3A_2863 = arith.constant 32 : i32
    %and3A_2864 = vector.broadcast %and3A_2863 : i32 to vector<64x128xi32>
    %and3A_2865 = arith.andi %iota3A_2687, %and3A_2864 : vector<64x128xi32>
    %eq3A_2866 = arith.constant 0 : i32
    %eq3A_2867 = vector.broadcast %eq3A_2866 : i32 to vector<64x128xi32>
    %eq3A_2868 = arith.cmpi eq, %and3A_2865, %eq3A_2867 : vector<64x128xi32>
    %slice3A_2869 = vector.extract_strided_slice %select_n3A_2861 {offsets = [0, 32], sizes = [64, 96], strides = [1, 1]} : vector<64x128xf32> to vector<64x96xf32>
    %slice3A_2870 = vector.extract_strided_slice %select_n3A_2861 {offsets = [0, 0], sizes = [64, 32], strides = [1, 1]} : vector<64x128xf32> to vector<64x32xf32>
    %concatenate3A_2871 = tpu.concatenate %slice3A_2869, %slice3A_2870 in 1 : vector<64x96xf32>, vector<64x32xf32> -> vector<64x128xf32>
    %slice3A_2872 = vector.extract_strided_slice %select_n3A_2861 {offsets = [0, 96], sizes = [64, 32], strides = [1, 1]} : vector<64x128xf32> to vector<64x32xf32>
    %slice3A_2873 = vector.extract_strided_slice %select_n3A_2861 {offsets = [0, 0], sizes = [64, 96], strides = [1, 1]} : vector<64x128xf32> to vector<64x96xf32>
    %concatenate3A_2874 = tpu.concatenate %slice3A_2872, %slice3A_2873 in 1 : vector<64x32xf32>, vector<64x96xf32> -> vector<64x128xf32>
    %select_n3A_2875 = arith.select %eq3A_2868, %concatenate3A_2871, %concatenate3A_2874 : vector<64x128xi1>, vector<64x128xf32>
    %slice3A_2876 = vector.extract_strided_slice %select_n3A_2862 {offsets = [0, 32], sizes = [64, 96], strides = [1, 1]} : vector<64x128xi32> to vector<64x96xi32>
    %slice3A_2877 = vector.extract_strided_slice %select_n3A_2862 {offsets = [0, 0], sizes = [64, 32], strides = [1, 1]} : vector<64x128xi32> to vector<64x32xi32>
    %concatenate3A_2878 = tpu.concatenate %slice3A_2876, %slice3A_2877 in 1 : vector<64x96xi32>, vector<64x32xi32> -> vector<64x128xi32>
    %slice3A_2879 = vector.extract_strided_slice %select_n3A_2862 {offsets = [0, 96], sizes = [64, 32], strides = [1, 1]} : vector<64x128xi32> to vector<64x32xi32>
    %slice3A_2880 = vector.extract_strided_slice %select_n3A_2862 {offsets = [0, 0], sizes = [64, 96], strides = [1, 1]} : vector<64x128xi32> to vector<64x96xi32>
    %concatenate3A_2881 = tpu.concatenate %slice3A_2879, %slice3A_2880 in 1 : vector<64x32xi32>, vector<64x96xi32> -> vector<64x128xi32>
    %select_n3A_2882 = arith.select %eq3A_2868, %concatenate3A_2878, %concatenate3A_2881 : vector<64x128xi1>, vector<64x128xi32>
    %gt3A_2883 = arith.cmpf ogt, %select_n3A_2861, %select_n3A_2875 : vector<64x128xf32>
    %eq3A_2884 = arith.cmpf oeq, %select_n3A_2861, %select_n3A_2875 : vector<64x128xf32>
    %lt3A_2885 = arith.cmpi slt, %select_n3A_2862, %select_n3A_2882 : vector<64x128xi32>
    %and3A_2886 = arith.andi %eq3A_2884, %lt3A_2885 : vector<64x128xi1>
    %or3A_2887 = arith.ori %gt3A_2883, %and3A_2886 : vector<64x128xi1>
    %eq3A_2888 = arith.xori %eq3A_2868, %eq3A_2697 : vector<64x128xi1>
    %eq3A_2889 = arith.constant dense<true> : vector<64x128xi1>
    %eq3A_2890 = arith.xori %eq3A_2888, %eq3A_2889 : vector<64x128xi1>
    %eq3A_2891 = arith.xori %or3A_2887, %eq3A_2890 : vector<64x128xi1>
    %eq3A_2892 = arith.constant dense<true> : vector<64x128xi1>
    %eq3A_2893 = arith.xori %eq3A_2891, %eq3A_2892 : vector<64x128xi1>
    %select_n3A_2894 = arith.select %eq3A_2893, %select_n3A_2861, %select_n3A_2875 : vector<64x128xi1>, vector<64x128xf32>
    %select_n3A_2895 = arith.select %eq3A_2893, %select_n3A_2862, %select_n3A_2882 : vector<64x128xi1>, vector<64x128xi32>
    %and3A_2896 = arith.constant 16 : i32
    %and3A_2897 = vector.broadcast %and3A_2896 : i32 to vector<64x128xi32>
    %and3A_2898 = arith.andi %iota3A_2687, %and3A_2897 : vector<64x128xi32>
    %eq3A_2899 = arith.constant 0 : i32
    %eq3A_2900 = vector.broadcast %eq3A_2899 : i32 to vector<64x128xi32>
    %eq3A_2901 = arith.cmpi eq, %and3A_2898, %eq3A_2900 : vector<64x128xi32>
    %slice3A_2902 = vector.extract_strided_slice %select_n3A_2894 {offsets = [0, 16], sizes = [64, 112], strides = [1, 1]} : vector<64x128xf32> to vector<64x112xf32>
    %slice3A_2903 = vector.extract_strided_slice %select_n3A_2894 {offsets = [0, 0], sizes = [64, 16], strides = [1, 1]} : vector<64x128xf32> to vector<64x16xf32>
    %concatenate3A_2904 = tpu.concatenate %slice3A_2902, %slice3A_2903 in 1 : vector<64x112xf32>, vector<64x16xf32> -> vector<64x128xf32>
    %slice3A_2905 = vector.extract_strided_slice %select_n3A_2894 {offsets = [0, 112], sizes = [64, 16], strides = [1, 1]} : vector<64x128xf32> to vector<64x16xf32>
    %slice3A_2906 = vector.extract_strided_slice %select_n3A_2894 {offsets = [0, 0], sizes = [64, 112], strides = [1, 1]} : vector<64x128xf32> to vector<64x112xf32>
    %concatenate3A_2907 = tpu.concatenate %slice3A_2905, %slice3A_2906 in 1 : vector<64x16xf32>, vector<64x112xf32> -> vector<64x128xf32>
    %select_n3A_2908 = arith.select %eq3A_2901, %concatenate3A_2904, %concatenate3A_2907 : vector<64x128xi1>, vector<64x128xf32>
    %slice3A_2909 = vector.extract_strided_slice %select_n3A_2895 {offsets = [0, 16], sizes = [64, 112], strides = [1, 1]} : vector<64x128xi32> to vector<64x112xi32>
    %slice3A_2910 = vector.extract_strided_slice %select_n3A_2895 {offsets = [0, 0], sizes = [64, 16], strides = [1, 1]} : vector<64x128xi32> to vector<64x16xi32>
    %concatenate3A_2911 = tpu.concatenate %slice3A_2909, %slice3A_2910 in 1 : vector<64x112xi32>, vector<64x16xi32> -> vector<64x128xi32>
    %slice3A_2912 = vector.extract_strided_slice %select_n3A_2895 {offsets = [0, 112], sizes = [64, 16], strides = [1, 1]} : vector<64x128xi32> to vector<64x16xi32>
    %slice3A_2913 = vector.extract_strided_slice %select_n3A_2895 {offsets = [0, 0], sizes = [64, 112], strides = [1, 1]} : vector<64x128xi32> to vector<64x112xi32>
    %concatenate3A_2914 = tpu.concatenate %slice3A_2912, %slice3A_2913 in 1 : vector<64x16xi32>, vector<64x112xi32> -> vector<64x128xi32>
    %select_n3A_2915 = arith.select %eq3A_2901, %concatenate3A_2911, %concatenate3A_2914 : vector<64x128xi1>, vector<64x128xi32>
    %gt3A_2916 = arith.cmpf ogt, %select_n3A_2894, %select_n3A_2908 : vector<64x128xf32>
    %eq3A_2917 = arith.cmpf oeq, %select_n3A_2894, %select_n3A_2908 : vector<64x128xf32>
    %lt3A_2918 = arith.cmpi slt, %select_n3A_2895, %select_n3A_2915 : vector<64x128xi32>
    %and3A_2919 = arith.andi %eq3A_2917, %lt3A_2918 : vector<64x128xi1>
    %or3A_2920 = arith.ori %gt3A_2916, %and3A_2919 : vector<64x128xi1>
    %eq3A_2921 = arith.xori %eq3A_2901, %eq3A_2697 : vector<64x128xi1>
    %eq3A_2922 = arith.constant dense<true> : vector<64x128xi1>
    %eq3A_2923 = arith.xori %eq3A_2921, %eq3A_2922 : vector<64x128xi1>
    %eq3A_2924 = arith.xori %or3A_2920, %eq3A_2923 : vector<64x128xi1>
    %eq3A_2925 = arith.constant dense<true> : vector<64x128xi1>
    %eq3A_2926 = arith.xori %eq3A_2924, %eq3A_2925 : vector<64x128xi1>
    %select_n3A_2927 = arith.select %eq3A_2926, %select_n3A_2894, %select_n3A_2908 : vector<64x128xi1>, vector<64x128xf32>
    %select_n3A_2928 = arith.select %eq3A_2926, %select_n3A_2895, %select_n3A_2915 : vector<64x128xi1>, vector<64x128xi32>
    %and3A_2929 = arith.constant 8 : i32
    %and3A_2930 = vector.broadcast %and3A_2929 : i32 to vector<64x128xi32>
    %and3A_2931 = arith.andi %iota3A_2687, %and3A_2930 : vector<64x128xi32>
    %eq3A_2932 = arith.constant 0 : i32
    %eq3A_2933 = vector.broadcast %eq3A_2932 : i32 to vector<64x128xi32>
    %eq3A_2934 = arith.cmpi eq, %and3A_2931, %eq3A_2933 : vector<64x128xi32>
    %slice3A_2935 = vector.extract_strided_slice %select_n3A_2927 {offsets = [0, 8], sizes = [64, 120], strides = [1, 1]} : vector<64x128xf32> to vector<64x120xf32>
    %slice3A_2936 = vector.extract_strided_slice %select_n3A_2927 {offsets = [0, 0], sizes = [64, 8], strides = [1, 1]} : vector<64x128xf32> to vector<64x8xf32>
    %concatenate3A_2937 = tpu.concatenate %slice3A_2935, %slice3A_2936 in 1 : vector<64x120xf32>, vector<64x8xf32> -> vector<64x128xf32>
    %slice3A_2938 = vector.extract_strided_slice %select_n3A_2927 {offsets = [0, 120], sizes = [64, 8], strides = [1, 1]} : vector<64x128xf32> to vector<64x8xf32>
    %slice3A_2939 = vector.extract_strided_slice %select_n3A_2927 {offsets = [0, 0], sizes = [64, 120], strides = [1, 1]} : vector<64x128xf32> to vector<64x120xf32>
    %concatenate3A_2940 = tpu.concatenate %slice3A_2938, %slice3A_2939 in 1 : vector<64x8xf32>, vector<64x120xf32> -> vector<64x128xf32>
    %select_n3A_2941 = arith.select %eq3A_2934, %concatenate3A_2937, %concatenate3A_2940 : vector<64x128xi1>, vector<64x128xf32>
    %slice3A_2942 = vector.extract_strided_slice %select_n3A_2928 {offsets = [0, 8], sizes = [64, 120], strides = [1, 1]} : vector<64x128xi32> to vector<64x120xi32>
    %slice3A_2943 = vector.extract_strided_slice %select_n3A_2928 {offsets = [0, 0], sizes = [64, 8], strides = [1, 1]} : vector<64x128xi32> to vector<64x8xi32>
    %concatenate3A_2944 = tpu.concatenate %slice3A_2942, %slice3A_2943 in 1 : vector<64x120xi32>, vector<64x8xi32> -> vector<64x128xi32>
    %slice3A_2945 = vector.extract_strided_slice %select_n3A_2928 {offsets = [0, 120], sizes = [64, 8], strides = [1, 1]} : vector<64x128xi32> to vector<64x8xi32>
    %slice3A_2946 = vector.extract_strided_slice %select_n3A_2928 {offsets = [0, 0], sizes = [64, 120], strides = [1, 1]} : vector<64x128xi32> to vector<64x120xi32>
    %concatenate3A_2947 = tpu.concatenate %slice3A_2945, %slice3A_2946 in 1 : vector<64x8xi32>, vector<64x120xi32> -> vector<64x128xi32>
    %select_n3A_2948 = arith.select %eq3A_2934, %concatenate3A_2944, %concatenate3A_2947 : vector<64x128xi1>, vector<64x128xi32>
    %gt3A_2949 = arith.cmpf ogt, %select_n3A_2927, %select_n3A_2941 : vector<64x128xf32>
    %eq3A_2950 = arith.cmpf oeq, %select_n3A_2927, %select_n3A_2941 : vector<64x128xf32>
    %lt3A_2951 = arith.cmpi slt, %select_n3A_2928, %select_n3A_2948 : vector<64x128xi32>
    %and3A_2952 = arith.andi %eq3A_2950, %lt3A_2951 : vector<64x128xi1>
    %or3A_2953 = arith.ori %gt3A_2949, %and3A_2952 : vector<64x128xi1>
    %eq3A_2954 = arith.xori %eq3A_2934, %eq3A_2697 : vector<64x128xi1>
    %eq3A_2955 = arith.constant dense<true> : vector<64x128xi1>
    %eq3A_2956 = arith.xori %eq3A_2954, %eq3A_2955 : vector<64x128xi1>
    %eq3A_2957 = arith.xori %or3A_2953, %eq3A_2956 : vector<64x128xi1>
    %eq3A_2958 = arith.constant dense<true> : vector<64x128xi1>
    %eq3A_2959 = arith.xori %eq3A_2957, %eq3A_2958 : vector<64x128xi1>
    %select_n3A_2960 = arith.select %eq3A_2959, %select_n3A_2927, %select_n3A_2941 : vector<64x128xi1>, vector<64x128xf32>
    %select_n3A_2961 = arith.select %eq3A_2959, %select_n3A_2928, %select_n3A_2948 : vector<64x128xi1>, vector<64x128xi32>
    %and3A_2962 = arith.constant 4 : i32
    %and3A_2963 = vector.broadcast %and3A_2962 : i32 to vector<64x128xi32>
    %and3A_2964 = arith.andi %iota3A_2687, %and3A_2963 : vector<64x128xi32>
    %eq3A_2965 = arith.constant 0 : i32
    %eq3A_2966 = vector.broadcast %eq3A_2965 : i32 to vector<64x128xi32>
    %eq3A_2967 = arith.cmpi eq, %and3A_2964, %eq3A_2966 : vector<64x128xi32>
    %slice3A_2968 = vector.extract_strided_slice %select_n3A_2960 {offsets = [0, 4], sizes = [64, 124], strides = [1, 1]} : vector<64x128xf32> to vector<64x124xf32>
    %slice3A_2969 = vector.extract_strided_slice %select_n3A_2960 {offsets = [0, 0], sizes = [64, 4], strides = [1, 1]} : vector<64x128xf32> to vector<64x4xf32>
    %concatenate3A_2970 = tpu.concatenate %slice3A_2968, %slice3A_2969 in 1 : vector<64x124xf32>, vector<64x4xf32> -> vector<64x128xf32>
    %slice3A_2971 = vector.extract_strided_slice %select_n3A_2960 {offsets = [0, 124], sizes = [64, 4], strides = [1, 1]} : vector<64x128xf32> to vector<64x4xf32>
    %slice3A_2972 = vector.extract_strided_slice %select_n3A_2960 {offsets = [0, 0], sizes = [64, 124], strides = [1, 1]} : vector<64x128xf32> to vector<64x124xf32>
    %concatenate3A_2973 = tpu.concatenate %slice3A_2971, %slice3A_2972 in 1 : vector<64x4xf32>, vector<64x124xf32> -> vector<64x128xf32>
    %select_n3A_2974 = arith.select %eq3A_2967, %concatenate3A_2970, %concatenate3A_2973 : vector<64x128xi1>, vector<64x128xf32>
    %slice3A_2975 = vector.extract_strided_slice %select_n3A_2961 {offsets = [0, 4], sizes = [64, 124], strides = [1, 1]} : vector<64x128xi32> to vector<64x124xi32>
    %slice3A_2976 = vector.extract_strided_slice %select_n3A_2961 {offsets = [0, 0], sizes = [64, 4], strides = [1, 1]} : vector<64x128xi32> to vector<64x4xi32>
    %concatenate3A_2977 = tpu.concatenate %slice3A_2975, %slice3A_2976 in 1 : vector<64x124xi32>, vector<64x4xi32> -> vector<64x128xi32>
    %slice3A_2978 = vector.extract_strided_slice %select_n3A_2961 {offsets = [0, 124], sizes = [64, 4], strides = [1, 1]} : vector<64x128xi32> to vector<64x4xi32>
    %slice3A_2979 = vector.extract_strided_slice %select_n3A_2961 {offsets = [0, 0], sizes = [64, 124], strides = [1, 1]} : vector<64x128xi32> to vector<64x124xi32>
    %concatenate3A_2980 = tpu.concatenate %slice3A_2978, %slice3A_2979 in 1 : vector<64x4xi32>, vector<64x124xi32> -> vector<64x128xi32>
    %select_n3A_2981 = arith.select %eq3A_2967, %concatenate3A_2977, %concatenate3A_2980 : vector<64x128xi1>, vector<64x128xi32>
    %gt3A_2982 = arith.cmpf ogt, %select_n3A_2960, %select_n3A_2974 : vector<64x128xf32>
    %eq3A_2983 = arith.cmpf oeq, %select_n3A_2960, %select_n3A_2974 : vector<64x128xf32>
    %lt3A_2984 = arith.cmpi slt, %select_n3A_2961, %select_n3A_2981 : vector<64x128xi32>
    %and3A_2985 = arith.andi %eq3A_2983, %lt3A_2984 : vector<64x128xi1>
    %or3A_2986 = arith.ori %gt3A_2982, %and3A_2985 : vector<64x128xi1>
    %eq3A_2987 = arith.xori %eq3A_2967, %eq3A_2697 : vector<64x128xi1>
    %eq3A_2988 = arith.constant dense<true> : vector<64x128xi1>
    %eq3A_2989 = arith.xori %eq3A_2987, %eq3A_2988 : vector<64x128xi1>
    %eq3A_2990 = arith.xori %or3A_2986, %eq3A_2989 : vector<64x128xi1>
    %eq3A_2991 = arith.constant dense<true> : vector<64x128xi1>
    %eq3A_2992 = arith.xori %eq3A_2990, %eq3A_2991 : vector<64x128xi1>
    %select_n3A_2993 = arith.select %eq3A_2992, %select_n3A_2960, %select_n3A_2974 : vector<64x128xi1>, vector<64x128xf32>
    %select_n3A_2994 = arith.select %eq3A_2992, %select_n3A_2961, %select_n3A_2981 : vector<64x128xi1>, vector<64x128xi32>
    %and3A_2995 = arith.constant 2 : i32
    %and3A_2996 = vector.broadcast %and3A_2995 : i32 to vector<64x128xi32>
    %and3A_2997 = arith.andi %iota3A_2687, %and3A_2996 : vector<64x128xi32>
    %eq3A_2998 = arith.constant 0 : i32
    %eq3A_2999 = vector.broadcast %eq3A_2998 : i32 to vector<64x128xi32>
    %eq3A_3000 = arith.cmpi eq, %and3A_2997, %eq3A_2999 : vector<64x128xi32>
    %slice3A_3001 = vector.extract_strided_slice %select_n3A_2993 {offsets = [0, 2], sizes = [64, 126], strides = [1, 1]} : vector<64x128xf32> to vector<64x126xf32>
    %slice3A_3002 = vector.extract_strided_slice %select_n3A_2993 {offsets = [0, 0], sizes = [64, 2], strides = [1, 1]} : vector<64x128xf32> to vector<64x2xf32>
    %concatenate3A_3003 = tpu.concatenate %slice3A_3001, %slice3A_3002 in 1 : vector<64x126xf32>, vector<64x2xf32> -> vector<64x128xf32>
    %slice3A_3004 = vector.extract_strided_slice %select_n3A_2993 {offsets = [0, 126], sizes = [64, 2], strides = [1, 1]} : vector<64x128xf32> to vector<64x2xf32>
    %slice3A_3005 = vector.extract_strided_slice %select_n3A_2993 {offsets = [0, 0], sizes = [64, 126], strides = [1, 1]} : vector<64x128xf32> to vector<64x126xf32>
    %concatenate3A_3006 = tpu.concatenate %slice3A_3004, %slice3A_3005 in 1 : vector<64x2xf32>, vector<64x126xf32> -> vector<64x128xf32>
    %select_n3A_3007 = arith.select %eq3A_3000, %concatenate3A_3003, %concatenate3A_3006 : vector<64x128xi1>, vector<64x128xf32>
    %slice3A_3008 = vector.extract_strided_slice %select_n3A_2994 {offsets = [0, 2], sizes = [64, 126], strides = [1, 1]} : vector<64x128xi32> to vector<64x126xi32>
    %slice3A_3009 = vector.extract_strided_slice %select_n3A_2994 {offsets = [0, 0], sizes = [64, 2], strides = [1, 1]} : vector<64x128xi32> to vector<64x2xi32>
    %concatenate3A_3010 = tpu.concatenate %slice3A_3008, %slice3A_3009 in 1 : vector<64x126xi32>, vector<64x2xi32> -> vector<64x128xi32>
    %slice3A_3011 = vector.extract_strided_slice %select_n3A_2994 {offsets = [0, 126], sizes = [64, 2], strides = [1, 1]} : vector<64x128xi32> to vector<64x2xi32>
    %slice3A_3012 = vector.extract_strided_slice %select_n3A_2994 {offsets = [0, 0], sizes = [64, 126], strides = [1, 1]} : vector<64x128xi32> to vector<64x126xi32>
    %concatenate3A_3013 = tpu.concatenate %slice3A_3011, %slice3A_3012 in 1 : vector<64x2xi32>, vector<64x126xi32> -> vector<64x128xi32>
    %select_n3A_3014 = arith.select %eq3A_3000, %concatenate3A_3010, %concatenate3A_3013 : vector<64x128xi1>, vector<64x128xi32>
    %gt3A_3015 = arith.cmpf ogt, %select_n3A_2993, %select_n3A_3007 : vector<64x128xf32>
    %eq3A_3016 = arith.cmpf oeq, %select_n3A_2993, %select_n3A_3007 : vector<64x128xf32>
    %lt3A_3017 = arith.cmpi slt, %select_n3A_2994, %select_n3A_3014 : vector<64x128xi32>
    %and3A_3018 = arith.andi %eq3A_3016, %lt3A_3017 : vector<64x128xi1>
    %or3A_3019 = arith.ori %gt3A_3015, %and3A_3018 : vector<64x128xi1>
    %eq3A_3020 = arith.xori %eq3A_3000, %eq3A_2697 : vector<64x128xi1>
    %eq3A_3021 = arith.constant dense<true> : vector<64x128xi1>
    %eq3A_3022 = arith.xori %eq3A_3020, %eq3A_3021 : vector<64x128xi1>
    %eq3A_3023 = arith.xori %or3A_3019, %eq3A_3022 : vector<64x128xi1>
    %eq3A_3024 = arith.constant dense<true> : vector<64x128xi1>
    %eq3A_3025 = arith.xori %eq3A_3023, %eq3A_3024 : vector<64x128xi1>
    %select_n3A_3026 = arith.select %eq3A_3025, %select_n3A_2993, %select_n3A_3007 : vector<64x128xi1>, vector<64x128xf32>
    %select_n3A_3027 = arith.select %eq3A_3025, %select_n3A_2994, %select_n3A_3014 : vector<64x128xi1>, vector<64x128xi32>
    %and3A_3028 = arith.constant 1 : i32
    %and3A_3029 = vector.broadcast %and3A_3028 : i32 to vector<64x128xi32>
    %and3A_3030 = arith.andi %iota3A_2687, %and3A_3029 : vector<64x128xi32>
    %eq3A_3031 = arith.constant 0 : i32
    %eq3A_3032 = vector.broadcast %eq3A_3031 : i32 to vector<64x128xi32>
    %eq3A_3033 = arith.cmpi eq, %and3A_3030, %eq3A_3032 : vector<64x128xi32>
    %slice3A_3034 = vector.extract_strided_slice %select_n3A_3026 {offsets = [0, 1], sizes = [64, 127], strides = [1, 1]} : vector<64x128xf32> to vector<64x127xf32>
    %slice3A_3035 = vector.extract_strided_slice %select_n3A_3026 {offsets = [0, 0], sizes = [64, 1], strides = [1, 1]} : vector<64x128xf32> to vector<64x1xf32>
    %concatenate3A_3036 = tpu.concatenate %slice3A_3034, %slice3A_3035 in 1 : vector<64x127xf32>, vector<64x1xf32> -> vector<64x128xf32>
    %slice3A_3037 = vector.extract_strided_slice %select_n3A_3026 {offsets = [0, 127], sizes = [64, 1], strides = [1, 1]} : vector<64x128xf32> to vector<64x1xf32>
    %slice3A_3038 = vector.extract_strided_slice %select_n3A_3026 {offsets = [0, 0], sizes = [64, 127], strides = [1, 1]} : vector<64x128xf32> to vector<64x127xf32>
    %concatenate3A_3039 = tpu.concatenate %slice3A_3037, %slice3A_3038 in 1 : vector<64x1xf32>, vector<64x127xf32> -> vector<64x128xf32>
    %select_n3A_3040 = arith.select %eq3A_3033, %concatenate3A_3036, %concatenate3A_3039 : vector<64x128xi1>, vector<64x128xf32>
    %slice3A_3041 = vector.extract_strided_slice %select_n3A_3027 {offsets = [0, 1], sizes = [64, 127], strides = [1, 1]} : vector<64x128xi32> to vector<64x127xi32>
    %slice3A_3042 = vector.extract_strided_slice %select_n3A_3027 {offsets = [0, 0], sizes = [64, 1], strides = [1, 1]} : vector<64x128xi32> to vector<64x1xi32>
    %concatenate3A_3043 = tpu.concatenate %slice3A_3041, %slice3A_3042 in 1 : vector<64x127xi32>, vector<64x1xi32> -> vector<64x128xi32>
    %slice3A_3044 = vector.extract_strided_slice %select_n3A_3027 {offsets = [0, 127], sizes = [64, 1], strides = [1, 1]} : vector<64x128xi32> to vector<64x1xi32>
    %slice3A_3045 = vector.extract_strided_slice %select_n3A_3027 {offsets = [0, 0], sizes = [64, 127], strides = [1, 1]} : vector<64x128xi32> to vector<64x127xi32>
    %concatenate3A_3046 = tpu.concatenate %slice3A_3044, %slice3A_3045 in 1 : vector<64x1xi32>, vector<64x127xi32> -> vector<64x128xi32>
    %select_n3A_3047 = arith.select %eq3A_3033, %concatenate3A_3043, %concatenate3A_3046 : vector<64x128xi1>, vector<64x128xi32>
    %gt3A_3048 = arith.cmpf ogt, %select_n3A_3026, %select_n3A_3040 : vector<64x128xf32>
    %eq3A_3049 = arith.cmpf oeq, %select_n3A_3026, %select_n3A_3040 : vector<64x128xf32>
    %lt3A_3050 = arith.cmpi slt, %select_n3A_3027, %select_n3A_3047 : vector<64x128xi32>
    %and3A_3051 = arith.andi %eq3A_3049, %lt3A_3050 : vector<64x128xi1>
    %or3A_3052 = arith.ori %gt3A_3048, %and3A_3051 : vector<64x128xi1>
    %eq3A_3053 = arith.xori %eq3A_3033, %eq3A_2697 : vector<64x128xi1>
    %eq3A_3054 = arith.constant dense<true> : vector<64x128xi1>
    %eq3A_3055 = arith.xori %eq3A_3053, %eq3A_3054 : vector<64x128xi1>
    %eq3A_3056 = arith.xori %or3A_3052, %eq3A_3055 : vector<64x128xi1>
    %eq3A_3057 = arith.constant dense<true> : vector<64x128xi1>
    %eq3A_3058 = arith.xori %eq3A_3056, %eq3A_3057 : vector<64x128xi1>
    %select_n3A_3059 = arith.select %eq3A_3058, %select_n3A_3026, %select_n3A_3040 : vector<64x128xi1>, vector<64x128xf32>
    %select_n3A_3060 = arith.select %eq3A_3058, %select_n3A_3027, %select_n3A_3047 : vector<64x128xi1>, vector<64x128xi32>
    %slice3A_3061 = vector.extract_strided_slice %select_n3A_3059 {offsets = [0, 0], sizes = [16, 128], strides = [1, 1]} : vector<64x128xf32> to vector<16x128xf32>
    %slice3A_3062 = vector.extract_strided_slice %select_n3A_3059 {offsets = [32, 0], sizes = [16, 128], strides = [1, 1]} : vector<64x128xf32> to vector<16x128xf32>
    %concatenate3A_3063 = tpu.concatenate %slice3A_3061, %slice3A_3062 in 0 : vector<16x128xf32>, vector<16x128xf32> -> vector<32x128xf32>
    %slice3A_3064 = vector.extract_strided_slice %select_n3A_3060 {offsets = [0, 0], sizes = [16, 128], strides = [1, 1]} : vector<64x128xi32> to vector<16x128xi32>
    %slice3A_3065 = vector.extract_strided_slice %select_n3A_3060 {offsets = [32, 0], sizes = [16, 128], strides = [1, 1]} : vector<64x128xi32> to vector<16x128xi32>
    %concatenate3A_3066 = tpu.concatenate %slice3A_3064, %slice3A_3065 in 0 : vector<16x128xi32>, vector<16x128xi32> -> vector<32x128xi32>
    %slice3A_3067 = vector.extract_strided_slice %select_n3A_3059 {offsets = [16, 0], sizes = [16, 128], strides = [1, 1]} : vector<64x128xf32> to vector<16x128xf32>
    %slice3A_3068 = vector.extract_strided_slice %select_n3A_3059 {offsets = [48, 0], sizes = [16, 128], strides = [1, 1]} : vector<64x128xf32> to vector<16x128xf32>
    %concatenate3A_3069 = tpu.concatenate %slice3A_3067, %slice3A_3068 in 0 : vector<16x128xf32>, vector<16x128xf32> -> vector<32x128xf32>
    %slice3A_3070 = vector.extract_strided_slice %select_n3A_3060 {offsets = [16, 0], sizes = [16, 128], strides = [1, 1]} : vector<64x128xi32> to vector<16x128xi32>
    %slice3A_3071 = vector.extract_strided_slice %select_n3A_3060 {offsets = [48, 0], sizes = [16, 128], strides = [1, 1]} : vector<64x128xi32> to vector<16x128xi32>
    %concatenate3A_3072 = tpu.concatenate %slice3A_3070, %slice3A_3071 in 0 : vector<16x128xi32>, vector<16x128xi32> -> vector<32x128xi32>
    %gt3A_3073 = arith.cmpf ogt, %concatenate3A_3063, %concatenate3A_3069 : vector<32x128xf32>
    %eq3A_3074 = arith.cmpf oeq, %concatenate3A_3063, %concatenate3A_3069 : vector<32x128xf32>
    %lt3A_3075 = arith.cmpi slt, %concatenate3A_3066, %concatenate3A_3072 : vector<32x128xi32>
    %and3A_3076 = arith.andi %eq3A_3074, %lt3A_3075 : vector<32x128xi1>
    %or3A_3077 = arith.ori %gt3A_3073, %and3A_3076 : vector<32x128xi1>
    %select_n3A_3078 = arith.select %or3A_3077, %concatenate3A_3063, %concatenate3A_3069 : vector<32x128xi1>, vector<32x128xf32>
    %select_n3A_3079 = arith.select %or3A_3077, %concatenate3A_3066, %concatenate3A_3072 : vector<32x128xi1>, vector<32x128xi32>
    %iota3A_3080 = tpu.iota {dimensions = array<i32: 0>} : vector<32x128xi32>
    %iota3A_3081 = tpu.iota {dimensions = array<i32: 1>} : vector<32x128xi32>
    %mul3A_3082 = arith.constant 128 : i32
    %mul3A_3083 = vector.broadcast %mul3A_3082 : i32 to vector<32x128xi32>
    %mul3A_3084 = arith.muli %iota3A_3080, %mul3A_3083 : vector<32x128xi32>
    %add3A_3085 = arith.addi %mul3A_3084, %iota3A_3081 : vector<32x128xi32>
    %and3A_3086 = arith.constant 2048 : i32
    %and3A_3087 = vector.broadcast %and3A_3086 : i32 to vector<32x128xi32>
    %and3A_3088 = arith.andi %add3A_3085, %and3A_3087 : vector<32x128xi32>
    %eq3A_3089 = arith.constant 0 : i32
    %eq3A_3090 = vector.broadcast %eq3A_3089 : i32 to vector<32x128xi32>
    %eq3A_3091 = arith.cmpi eq, %and3A_3088, %eq3A_3090 : vector<32x128xi32>
    %and3A_3092 = arith.constant 8 : i32
    %and3A_3093 = vector.broadcast %and3A_3092 : i32 to vector<32x128xi32>
    %and3A_3094 = arith.andi %iota3A_3080, %and3A_3093 : vector<32x128xi32>
    %eq3A_3095 = arith.constant 0 : i32
    %eq3A_3096 = vector.broadcast %eq3A_3095 : i32 to vector<32x128xi32>
    %eq3A_3097 = arith.cmpi eq, %and3A_3094, %eq3A_3096 : vector<32x128xi32>
    %slice3A_3098 = vector.extract_strided_slice %select_n3A_3078 {offsets = [8, 0], sizes = [24, 128], strides = [1, 1]} : vector<32x128xf32> to vector<24x128xf32>
    %slice3A_3099 = vector.extract_strided_slice %select_n3A_3078 {offsets = [0, 0], sizes = [8, 128], strides = [1, 1]} : vector<32x128xf32> to vector<8x128xf32>
    %concatenate3A_3100 = tpu.concatenate %slice3A_3098, %slice3A_3099 in 0 : vector<24x128xf32>, vector<8x128xf32> -> vector<32x128xf32>
    %slice3A_3101 = vector.extract_strided_slice %select_n3A_3078 {offsets = [24, 0], sizes = [8, 128], strides = [1, 1]} : vector<32x128xf32> to vector<8x128xf32>
    %slice3A_3102 = vector.extract_strided_slice %select_n3A_3078 {offsets = [0, 0], sizes = [24, 128], strides = [1, 1]} : vector<32x128xf32> to vector<24x128xf32>
    %concatenate3A_3103 = tpu.concatenate %slice3A_3101, %slice3A_3102 in 0 : vector<8x128xf32>, vector<24x128xf32> -> vector<32x128xf32>
    %select_n3A_3104 = arith.select %eq3A_3097, %concatenate3A_3100, %concatenate3A_3103 : vector<32x128xi1>, vector<32x128xf32>
    %slice3A_3105 = vector.extract_strided_slice %select_n3A_3079 {offsets = [8, 0], sizes = [24, 128], strides = [1, 1]} : vector<32x128xi32> to vector<24x128xi32>
    %slice3A_3106 = vector.extract_strided_slice %select_n3A_3079 {offsets = [0, 0], sizes = [8, 128], strides = [1, 1]} : vector<32x128xi32> to vector<8x128xi32>
    %concatenate3A_3107 = tpu.concatenate %slice3A_3105, %slice3A_3106 in 0 : vector<24x128xi32>, vector<8x128xi32> -> vector<32x128xi32>
    %slice3A_3108 = vector.extract_strided_slice %select_n3A_3079 {offsets = [24, 0], sizes = [8, 128], strides = [1, 1]} : vector<32x128xi32> to vector<8x128xi32>
    %slice3A_3109 = vector.extract_strided_slice %select_n3A_3079 {offsets = [0, 0], sizes = [24, 128], strides = [1, 1]} : vector<32x128xi32> to vector<24x128xi32>
    %concatenate3A_3110 = tpu.concatenate %slice3A_3108, %slice3A_3109 in 0 : vector<8x128xi32>, vector<24x128xi32> -> vector<32x128xi32>
    %select_n3A_3111 = arith.select %eq3A_3097, %concatenate3A_3107, %concatenate3A_3110 : vector<32x128xi1>, vector<32x128xi32>
    %gt3A_3112 = arith.cmpf ogt, %select_n3A_3078, %select_n3A_3104 : vector<32x128xf32>
    %eq3A_3113 = arith.cmpf oeq, %select_n3A_3078, %select_n3A_3104 : vector<32x128xf32>
    %lt3A_3114 = arith.cmpi slt, %select_n3A_3079, %select_n3A_3111 : vector<32x128xi32>
    %and3A_3115 = arith.andi %eq3A_3113, %lt3A_3114 : vector<32x128xi1>
    %or3A_3116 = arith.ori %gt3A_3112, %and3A_3115 : vector<32x128xi1>
    %eq3A_3117 = arith.xori %eq3A_3097, %eq3A_3091 : vector<32x128xi1>
    %eq3A_3118 = arith.constant dense<true> : vector<32x128xi1>
    %eq3A_3119 = arith.xori %eq3A_3117, %eq3A_3118 : vector<32x128xi1>
    %eq3A_3120 = arith.xori %or3A_3116, %eq3A_3119 : vector<32x128xi1>
    %eq3A_3121 = arith.constant dense<true> : vector<32x128xi1>
    %eq3A_3122 = arith.xori %eq3A_3120, %eq3A_3121 : vector<32x128xi1>
    %select_n3A_3123 = arith.select %eq3A_3122, %select_n3A_3078, %select_n3A_3104 : vector<32x128xi1>, vector<32x128xf32>
    %select_n3A_3124 = arith.select %eq3A_3122, %select_n3A_3079, %select_n3A_3111 : vector<32x128xi1>, vector<32x128xi32>
    %and3A_3125 = arith.constant 4 : i32
    %and3A_3126 = vector.broadcast %and3A_3125 : i32 to vector<32x128xi32>
    %and3A_3127 = arith.andi %iota3A_3080, %and3A_3126 : vector<32x128xi32>
    %eq3A_3128 = arith.constant 0 : i32
    %eq3A_3129 = vector.broadcast %eq3A_3128 : i32 to vector<32x128xi32>
    %eq3A_3130 = arith.cmpi eq, %and3A_3127, %eq3A_3129 : vector<32x128xi32>
    %slice3A_3131 = vector.extract_strided_slice %select_n3A_3123 {offsets = [4, 0], sizes = [28, 128], strides = [1, 1]} : vector<32x128xf32> to vector<28x128xf32>
    %slice3A_3132 = vector.extract_strided_slice %select_n3A_3123 {offsets = [0, 0], sizes = [4, 128], strides = [1, 1]} : vector<32x128xf32> to vector<4x128xf32>
    %concatenate3A_3133 = tpu.concatenate %slice3A_3131, %slice3A_3132 in 0 : vector<28x128xf32>, vector<4x128xf32> -> vector<32x128xf32>
    %slice3A_3134 = vector.extract_strided_slice %select_n3A_3123 {offsets = [28, 0], sizes = [4, 128], strides = [1, 1]} : vector<32x128xf32> to vector<4x128xf32>
    %slice3A_3135 = vector.extract_strided_slice %select_n3A_3123 {offsets = [0, 0], sizes = [28, 128], strides = [1, 1]} : vector<32x128xf32> to vector<28x128xf32>
    %concatenate3A_3136 = tpu.concatenate %slice3A_3134, %slice3A_3135 in 0 : vector<4x128xf32>, vector<28x128xf32> -> vector<32x128xf32>
    %select_n3A_3137 = arith.select %eq3A_3130, %concatenate3A_3133, %concatenate3A_3136 : vector<32x128xi1>, vector<32x128xf32>
    %slice3A_3138 = vector.extract_strided_slice %select_n3A_3124 {offsets = [4, 0], sizes = [28, 128], strides = [1, 1]} : vector<32x128xi32> to vector<28x128xi32>
    %slice3A_3139 = vector.extract_strided_slice %select_n3A_3124 {offsets = [0, 0], sizes = [4, 128], strides = [1, 1]} : vector<32x128xi32> to vector<4x128xi32>
    %concatenate3A_3140 = tpu.concatenate %slice3A_3138, %slice3A_3139 in 0 : vector<28x128xi32>, vector<4x128xi32> -> vector<32x128xi32>
    %slice3A_3141 = vector.extract_strided_slice %select_n3A_3124 {offsets = [28, 0], sizes = [4, 128], strides = [1, 1]} : vector<32x128xi32> to vector<4x128xi32>
    %slice3A_3142 = vector.extract_strided_slice %select_n3A_3124 {offsets = [0, 0], sizes = [28, 128], strides = [1, 1]} : vector<32x128xi32> to vector<28x128xi32>
    %concatenate3A_3143 = tpu.concatenate %slice3A_3141, %slice3A_3142 in 0 : vector<4x128xi32>, vector<28x128xi32> -> vector<32x128xi32>
    %select_n3A_3144 = arith.select %eq3A_3130, %concatenate3A_3140, %concatenate3A_3143 : vector<32x128xi1>, vector<32x128xi32>
    %gt3A_3145 = arith.cmpf ogt, %select_n3A_3123, %select_n3A_3137 : vector<32x128xf32>
    %eq3A_3146 = arith.cmpf oeq, %select_n3A_3123, %select_n3A_3137 : vector<32x128xf32>
    %lt3A_3147 = arith.cmpi slt, %select_n3A_3124, %select_n3A_3144 : vector<32x128xi32>
    %and3A_3148 = arith.andi %eq3A_3146, %lt3A_3147 : vector<32x128xi1>
    %or3A_3149 = arith.ori %gt3A_3145, %and3A_3148 : vector<32x128xi1>
    %eq3A_3150 = arith.xori %eq3A_3130, %eq3A_3091 : vector<32x128xi1>
    %eq3A_3151 = arith.constant dense<true> : vector<32x128xi1>
    %eq3A_3152 = arith.xori %eq3A_3150, %eq3A_3151 : vector<32x128xi1>
    %eq3A_3153 = arith.xori %or3A_3149, %eq3A_3152 : vector<32x128xi1>
    %eq3A_3154 = arith.constant dense<true> : vector<32x128xi1>
    %eq3A_3155 = arith.xori %eq3A_3153, %eq3A_3154 : vector<32x128xi1>
    %select_n3A_3156 = arith.select %eq3A_3155, %select_n3A_3123, %select_n3A_3137 : vector<32x128xi1>, vector<32x128xf32>
    %select_n3A_3157 = arith.select %eq3A_3155, %select_n3A_3124, %select_n3A_3144 : vector<32x128xi1>, vector<32x128xi32>
    %and3A_3158 = arith.constant 2 : i32
    %and3A_3159 = vector.broadcast %and3A_3158 : i32 to vector<32x128xi32>
    %and3A_3160 = arith.andi %iota3A_3080, %and3A_3159 : vector<32x128xi32>
    %eq3A_3161 = arith.constant 0 : i32
    %eq3A_3162 = vector.broadcast %eq3A_3161 : i32 to vector<32x128xi32>
    %eq3A_3163 = arith.cmpi eq, %and3A_3160, %eq3A_3162 : vector<32x128xi32>
    %slice3A_3164 = vector.extract_strided_slice %select_n3A_3156 {offsets = [2, 0], sizes = [30, 128], strides = [1, 1]} : vector<32x128xf32> to vector<30x128xf32>
    %slice3A_3165 = vector.extract_strided_slice %select_n3A_3156 {offsets = [0, 0], sizes = [2, 128], strides = [1, 1]} : vector<32x128xf32> to vector<2x128xf32>
    %concatenate3A_3166 = tpu.concatenate %slice3A_3164, %slice3A_3165 in 0 : vector<30x128xf32>, vector<2x128xf32> -> vector<32x128xf32>
    %slice3A_3167 = vector.extract_strided_slice %select_n3A_3156 {offsets = [30, 0], sizes = [2, 128], strides = [1, 1]} : vector<32x128xf32> to vector<2x128xf32>
    %slice3A_3168 = vector.extract_strided_slice %select_n3A_3156 {offsets = [0, 0], sizes = [30, 128], strides = [1, 1]} : vector<32x128xf32> to vector<30x128xf32>
    %concatenate3A_3169 = tpu.concatenate %slice3A_3167, %slice3A_3168 in 0 : vector<2x128xf32>, vector<30x128xf32> -> vector<32x128xf32>
    %select_n3A_3170 = arith.select %eq3A_3163, %concatenate3A_3166, %concatenate3A_3169 : vector<32x128xi1>, vector<32x128xf32>
    %slice3A_3171 = vector.extract_strided_slice %select_n3A_3157 {offsets = [2, 0], sizes = [30, 128], strides = [1, 1]} : vector<32x128xi32> to vector<30x128xi32>
    %slice3A_3172 = vector.extract_strided_slice %select_n3A_3157 {offsets = [0, 0], sizes = [2, 128], strides = [1, 1]} : vector<32x128xi32> to vector<2x128xi32>
    %concatenate3A_3173 = tpu.concatenate %slice3A_3171, %slice3A_3172 in 0 : vector<30x128xi32>, vector<2x128xi32> -> vector<32x128xi32>
    %slice3A_3174 = vector.extract_strided_slice %select_n3A_3157 {offsets = [30, 0], sizes = [2, 128], strides = [1, 1]} : vector<32x128xi32> to vector<2x128xi32>
    %slice3A_3175 = vector.extract_strided_slice %select_n3A_3157 {offsets = [0, 0], sizes = [30, 128], strides = [1, 1]} : vector<32x128xi32> to vector<30x128xi32>
    %concatenate3A_3176 = tpu.concatenate %slice3A_3174, %slice3A_3175 in 0 : vector<2x128xi32>, vector<30x128xi32> -> vector<32x128xi32>
    %select_n3A_3177 = arith.select %eq3A_3163, %concatenate3A_3173, %concatenate3A_3176 : vector<32x128xi1>, vector<32x128xi32>
    %gt3A_3178 = arith.cmpf ogt, %select_n3A_3156, %select_n3A_3170 : vector<32x128xf32>
    %eq3A_3179 = arith.cmpf oeq, %select_n3A_3156, %select_n3A_3170 : vector<32x128xf32>
    %lt3A_3180 = arith.cmpi slt, %select_n3A_3157, %select_n3A_3177 : vector<32x128xi32>
    %and3A_3181 = arith.andi %eq3A_3179, %lt3A_3180 : vector<32x128xi1>
    %or3A_3182 = arith.ori %gt3A_3178, %and3A_3181 : vector<32x128xi1>
    %eq3A_3183 = arith.xori %eq3A_3163, %eq3A_3091 : vector<32x128xi1>
    %eq3A_3184 = arith.constant dense<true> : vector<32x128xi1>
    %eq3A_3185 = arith.xori %eq3A_3183, %eq3A_3184 : vector<32x128xi1>
    %eq3A_3186 = arith.xori %or3A_3182, %eq3A_3185 : vector<32x128xi1>
    %eq3A_3187 = arith.constant dense<true> : vector<32x128xi1>
    %eq3A_3188 = arith.xori %eq3A_3186, %eq3A_3187 : vector<32x128xi1>
    %select_n3A_3189 = arith.select %eq3A_3188, %select_n3A_3156, %select_n3A_3170 : vector<32x128xi1>, vector<32x128xf32>
    %select_n3A_3190 = arith.select %eq3A_3188, %select_n3A_3157, %select_n3A_3177 : vector<32x128xi1>, vector<32x128xi32>
    %and3A_3191 = arith.constant 1 : i32
    %and3A_3192 = vector.broadcast %and3A_3191 : i32 to vector<32x128xi32>
    %and3A_3193 = arith.andi %iota3A_3080, %and3A_3192 : vector<32x128xi32>
    %eq3A_3194 = arith.constant 0 : i32
    %eq3A_3195 = vector.broadcast %eq3A_3194 : i32 to vector<32x128xi32>
    %eq3A_3196 = arith.cmpi eq, %and3A_3193, %eq3A_3195 : vector<32x128xi32>
    %slice3A_3197 = vector.extract_strided_slice %select_n3A_3189 {offsets = [1, 0], sizes = [31, 128], strides = [1, 1]} : vector<32x128xf32> to vector<31x128xf32>
    %slice3A_3198 = vector.extract_strided_slice %select_n3A_3189 {offsets = [0, 0], sizes = [1, 128], strides = [1, 1]} : vector<32x128xf32> to vector<1x128xf32>
    %concatenate3A_3199 = tpu.concatenate %slice3A_3197, %slice3A_3198 in 0 : vector<31x128xf32>, vector<1x128xf32> -> vector<32x128xf32>
    %slice3A_3200 = vector.extract_strided_slice %select_n3A_3189 {offsets = [31, 0], sizes = [1, 128], strides = [1, 1]} : vector<32x128xf32> to vector<1x128xf32>
    %slice3A_3201 = vector.extract_strided_slice %select_n3A_3189 {offsets = [0, 0], sizes = [31, 128], strides = [1, 1]} : vector<32x128xf32> to vector<31x128xf32>
    %concatenate3A_3202 = tpu.concatenate %slice3A_3200, %slice3A_3201 in 0 : vector<1x128xf32>, vector<31x128xf32> -> vector<32x128xf32>
    %select_n3A_3203 = arith.select %eq3A_3196, %concatenate3A_3199, %concatenate3A_3202 : vector<32x128xi1>, vector<32x128xf32>
    %slice3A_3204 = vector.extract_strided_slice %select_n3A_3190 {offsets = [1, 0], sizes = [31, 128], strides = [1, 1]} : vector<32x128xi32> to vector<31x128xi32>
    %slice3A_3205 = vector.extract_strided_slice %select_n3A_3190 {offsets = [0, 0], sizes = [1, 128], strides = [1, 1]} : vector<32x128xi32> to vector<1x128xi32>
    %concatenate3A_3206 = tpu.concatenate %slice3A_3204, %slice3A_3205 in 0 : vector<31x128xi32>, vector<1x128xi32> -> vector<32x128xi32>
    %slice3A_3207 = vector.extract_strided_slice %select_n3A_3190 {offsets = [31, 0], sizes = [1, 128], strides = [1, 1]} : vector<32x128xi32> to vector<1x128xi32>
    %slice3A_3208 = vector.extract_strided_slice %select_n3A_3190 {offsets = [0, 0], sizes = [31, 128], strides = [1, 1]} : vector<32x128xi32> to vector<31x128xi32>
    %concatenate3A_3209 = tpu.concatenate %slice3A_3207, %slice3A_3208 in 0 : vector<1x128xi32>, vector<31x128xi32> -> vector<32x128xi32>
    %select_n3A_3210 = arith.select %eq3A_3196, %concatenate3A_3206, %concatenate3A_3209 : vector<32x128xi1>, vector<32x128xi32>
    %gt3A_3211 = arith.cmpf ogt, %select_n3A_3189, %select_n3A_3203 : vector<32x128xf32>
    %eq3A_3212 = arith.cmpf oeq, %select_n3A_3189, %select_n3A_3203 : vector<32x128xf32>
    %lt3A_3213 = arith.cmpi slt, %select_n3A_3190, %select_n3A_3210 : vector<32x128xi32>
    %and3A_3214 = arith.andi %eq3A_3212, %lt3A_3213 : vector<32x128xi1>
    %or3A_3215 = arith.ori %gt3A_3211, %and3A_3214 : vector<32x128xi1>
    %eq3A_3216 = arith.xori %eq3A_3196, %eq3A_3091 : vector<32x128xi1>
    %eq3A_3217 = arith.constant dense<true> : vector<32x128xi1>
    %eq3A_3218 = arith.xori %eq3A_3216, %eq3A_3217 : vector<32x128xi1>
    %eq3A_3219 = arith.xori %or3A_3215, %eq3A_3218 : vector<32x128xi1>
    %eq3A_3220 = arith.constant dense<true> : vector<32x128xi1>
    %eq3A_3221 = arith.xori %eq3A_3219, %eq3A_3220 : vector<32x128xi1>
    %select_n3A_3222 = arith.select %eq3A_3221, %select_n3A_3189, %select_n3A_3203 : vector<32x128xi1>, vector<32x128xf32>
    %select_n3A_3223 = arith.select %eq3A_3221, %select_n3A_3190, %select_n3A_3210 : vector<32x128xi1>, vector<32x128xi32>
    %and3A_3224 = arith.constant 64 : i32
    %and3A_3225 = vector.broadcast %and3A_3224 : i32 to vector<32x128xi32>
    %and3A_3226 = arith.andi %iota3A_3081, %and3A_3225 : vector<32x128xi32>
    %eq3A_3227 = arith.constant 0 : i32
    %eq3A_3228 = vector.broadcast %eq3A_3227 : i32 to vector<32x128xi32>
    %eq3A_3229 = arith.cmpi eq, %and3A_3226, %eq3A_3228 : vector<32x128xi32>
    %slice3A_3230 = vector.extract_strided_slice %select_n3A_3222 {offsets = [0, 64], sizes = [32, 64], strides = [1, 1]} : vector<32x128xf32> to vector<32x64xf32>
    %slice3A_3231 = vector.extract_strided_slice %select_n3A_3222 {offsets = [0, 0], sizes = [32, 64], strides = [1, 1]} : vector<32x128xf32> to vector<32x64xf32>
    %concatenate3A_3232 = tpu.concatenate %slice3A_3230, %slice3A_3231 in 1 : vector<32x64xf32>, vector<32x64xf32> -> vector<32x128xf32>
    %slice3A_3233 = vector.extract_strided_slice %select_n3A_3222 {offsets = [0, 64], sizes = [32, 64], strides = [1, 1]} : vector<32x128xf32> to vector<32x64xf32>
    %slice3A_3234 = vector.extract_strided_slice %select_n3A_3222 {offsets = [0, 0], sizes = [32, 64], strides = [1, 1]} : vector<32x128xf32> to vector<32x64xf32>
    %concatenate3A_3235 = tpu.concatenate %slice3A_3233, %slice3A_3234 in 1 : vector<32x64xf32>, vector<32x64xf32> -> vector<32x128xf32>
    %select_n3A_3236 = arith.select %eq3A_3229, %concatenate3A_3232, %concatenate3A_3235 : vector<32x128xi1>, vector<32x128xf32>
    %slice3A_3237 = vector.extract_strided_slice %select_n3A_3223 {offsets = [0, 64], sizes = [32, 64], strides = [1, 1]} : vector<32x128xi32> to vector<32x64xi32>
    %slice3A_3238 = vector.extract_strided_slice %select_n3A_3223 {offsets = [0, 0], sizes = [32, 64], strides = [1, 1]} : vector<32x128xi32> to vector<32x64xi32>
    %concatenate3A_3239 = tpu.concatenate %slice3A_3237, %slice3A_3238 in 1 : vector<32x64xi32>, vector<32x64xi32> -> vector<32x128xi32>
    %slice3A_3240 = vector.extract_strided_slice %select_n3A_3223 {offsets = [0, 64], sizes = [32, 64], strides = [1, 1]} : vector<32x128xi32> to vector<32x64xi32>
    %slice3A_3241 = vector.extract_strided_slice %select_n3A_3223 {offsets = [0, 0], sizes = [32, 64], strides = [1, 1]} : vector<32x128xi32> to vector<32x64xi32>
    %concatenate3A_3242 = tpu.concatenate %slice3A_3240, %slice3A_3241 in 1 : vector<32x64xi32>, vector<32x64xi32> -> vector<32x128xi32>
    %select_n3A_3243 = arith.select %eq3A_3229, %concatenate3A_3239, %concatenate3A_3242 : vector<32x128xi1>, vector<32x128xi32>
    %gt3A_3244 = arith.cmpf ogt, %select_n3A_3222, %select_n3A_3236 : vector<32x128xf32>
    %eq3A_3245 = arith.cmpf oeq, %select_n3A_3222, %select_n3A_3236 : vector<32x128xf32>
    %lt3A_3246 = arith.cmpi slt, %select_n3A_3223, %select_n3A_3243 : vector<32x128xi32>
    %and3A_3247 = arith.andi %eq3A_3245, %lt3A_3246 : vector<32x128xi1>
    %or3A_3248 = arith.ori %gt3A_3244, %and3A_3247 : vector<32x128xi1>
    %eq3A_3249 = arith.xori %eq3A_3229, %eq3A_3091 : vector<32x128xi1>
    %eq3A_3250 = arith.constant dense<true> : vector<32x128xi1>
    %eq3A_3251 = arith.xori %eq3A_3249, %eq3A_3250 : vector<32x128xi1>
    %eq3A_3252 = arith.xori %or3A_3248, %eq3A_3251 : vector<32x128xi1>
    %eq3A_3253 = arith.constant dense<true> : vector<32x128xi1>
    %eq3A_3254 = arith.xori %eq3A_3252, %eq3A_3253 : vector<32x128xi1>
    %select_n3A_3255 = arith.select %eq3A_3254, %select_n3A_3222, %select_n3A_3236 : vector<32x128xi1>, vector<32x128xf32>
    %select_n3A_3256 = arith.select %eq3A_3254, %select_n3A_3223, %select_n3A_3243 : vector<32x128xi1>, vector<32x128xi32>
    %and3A_3257 = arith.constant 32 : i32
    %and3A_3258 = vector.broadcast %and3A_3257 : i32 to vector<32x128xi32>
    %and3A_3259 = arith.andi %iota3A_3081, %and3A_3258 : vector<32x128xi32>
    %eq3A_3260 = arith.constant 0 : i32
    %eq3A_3261 = vector.broadcast %eq3A_3260 : i32 to vector<32x128xi32>
    %eq3A_3262 = arith.cmpi eq, %and3A_3259, %eq3A_3261 : vector<32x128xi32>
    %slice3A_3263 = vector.extract_strided_slice %select_n3A_3255 {offsets = [0, 32], sizes = [32, 96], strides = [1, 1]} : vector<32x128xf32> to vector<32x96xf32>
    %slice3A_3264 = vector.extract_strided_slice %select_n3A_3255 {offsets = [0, 0], sizes = [32, 32], strides = [1, 1]} : vector<32x128xf32> to vector<32x32xf32>
    %concatenate3A_3265 = tpu.concatenate %slice3A_3263, %slice3A_3264 in 1 : vector<32x96xf32>, vector<32x32xf32> -> vector<32x128xf32>
    %slice3A_3266 = vector.extract_strided_slice %select_n3A_3255 {offsets = [0, 96], sizes = [32, 32], strides = [1, 1]} : vector<32x128xf32> to vector<32x32xf32>
    %slice3A_3267 = vector.extract_strided_slice %select_n3A_3255 {offsets = [0, 0], sizes = [32, 96], strides = [1, 1]} : vector<32x128xf32> to vector<32x96xf32>
    %concatenate3A_3268 = tpu.concatenate %slice3A_3266, %slice3A_3267 in 1 : vector<32x32xf32>, vector<32x96xf32> -> vector<32x128xf32>
    %select_n3A_3269 = arith.select %eq3A_3262, %concatenate3A_3265, %concatenate3A_3268 : vector<32x128xi1>, vector<32x128xf32>
    %slice3A_3270 = vector.extract_strided_slice %select_n3A_3256 {offsets = [0, 32], sizes = [32, 96], strides = [1, 1]} : vector<32x128xi32> to vector<32x96xi32>
    %slice3A_3271 = vector.extract_strided_slice %select_n3A_3256 {offsets = [0, 0], sizes = [32, 32], strides = [1, 1]} : vector<32x128xi32> to vector<32x32xi32>
    %concatenate3A_3272 = tpu.concatenate %slice3A_3270, %slice3A_3271 in 1 : vector<32x96xi32>, vector<32x32xi32> -> vector<32x128xi32>
    %slice3A_3273 = vector.extract_strided_slice %select_n3A_3256 {offsets = [0, 96], sizes = [32, 32], strides = [1, 1]} : vector<32x128xi32> to vector<32x32xi32>
    %slice3A_3274 = vector.extract_strided_slice %select_n3A_3256 {offsets = [0, 0], sizes = [32, 96], strides = [1, 1]} : vector<32x128xi32> to vector<32x96xi32>
    %concatenate3A_3275 = tpu.concatenate %slice3A_3273, %slice3A_3274 in 1 : vector<32x32xi32>, vector<32x96xi32> -> vector<32x128xi32>
    %select_n3A_3276 = arith.select %eq3A_3262, %concatenate3A_3272, %concatenate3A_3275 : vector<32x128xi1>, vector<32x128xi32>
    %gt3A_3277 = arith.cmpf ogt, %select_n3A_3255, %select_n3A_3269 : vector<32x128xf32>
    %eq3A_3278 = arith.cmpf oeq, %select_n3A_3255, %select_n3A_3269 : vector<32x128xf32>
    %lt3A_3279 = arith.cmpi slt, %select_n3A_3256, %select_n3A_3276 : vector<32x128xi32>
    %and3A_3280 = arith.andi %eq3A_3278, %lt3A_3279 : vector<32x128xi1>
    %or3A_3281 = arith.ori %gt3A_3277, %and3A_3280 : vector<32x128xi1>
    %eq3A_3282 = arith.xori %eq3A_3262, %eq3A_3091 : vector<32x128xi1>
    %eq3A_3283 = arith.constant dense<true> : vector<32x128xi1>
    %eq3A_3284 = arith.xori %eq3A_3282, %eq3A_3283 : vector<32x128xi1>
    %eq3A_3285 = arith.xori %or3A_3281, %eq3A_3284 : vector<32x128xi1>
    %eq3A_3286 = arith.constant dense<true> : vector<32x128xi1>
    %eq3A_3287 = arith.xori %eq3A_3285, %eq3A_3286 : vector<32x128xi1>
    %select_n3A_3288 = arith.select %eq3A_3287, %select_n3A_3255, %select_n3A_3269 : vector<32x128xi1>, vector<32x128xf32>
    %select_n3A_3289 = arith.select %eq3A_3287, %select_n3A_3256, %select_n3A_3276 : vector<32x128xi1>, vector<32x128xi32>
    %and3A_3290 = arith.constant 16 : i32
    %and3A_3291 = vector.broadcast %and3A_3290 : i32 to vector<32x128xi32>
    %and3A_3292 = arith.andi %iota3A_3081, %and3A_3291 : vector<32x128xi32>
    %eq3A_3293 = arith.constant 0 : i32
    %eq3A_3294 = vector.broadcast %eq3A_3293 : i32 to vector<32x128xi32>
    %eq3A_3295 = arith.cmpi eq, %and3A_3292, %eq3A_3294 : vector<32x128xi32>
    %slice3A_3296 = vector.extract_strided_slice %select_n3A_3288 {offsets = [0, 16], sizes = [32, 112], strides = [1, 1]} : vector<32x128xf32> to vector<32x112xf32>
    %slice3A_3297 = vector.extract_strided_slice %select_n3A_3288 {offsets = [0, 0], sizes = [32, 16], strides = [1, 1]} : vector<32x128xf32> to vector<32x16xf32>
    %concatenate3A_3298 = tpu.concatenate %slice3A_3296, %slice3A_3297 in 1 : vector<32x112xf32>, vector<32x16xf32> -> vector<32x128xf32>
    %slice3A_3299 = vector.extract_strided_slice %select_n3A_3288 {offsets = [0, 112], sizes = [32, 16], strides = [1, 1]} : vector<32x128xf32> to vector<32x16xf32>
    %slice3A_3300 = vector.extract_strided_slice %select_n3A_3288 {offsets = [0, 0], sizes = [32, 112], strides = [1, 1]} : vector<32x128xf32> to vector<32x112xf32>
    %concatenate3A_3301 = tpu.concatenate %slice3A_3299, %slice3A_3300 in 1 : vector<32x16xf32>, vector<32x112xf32> -> vector<32x128xf32>
    %select_n3A_3302 = arith.select %eq3A_3295, %concatenate3A_3298, %concatenate3A_3301 : vector<32x128xi1>, vector<32x128xf32>
    %slice3A_3303 = vector.extract_strided_slice %select_n3A_3289 {offsets = [0, 16], sizes = [32, 112], strides = [1, 1]} : vector<32x128xi32> to vector<32x112xi32>
    %slice3A_3304 = vector.extract_strided_slice %select_n3A_3289 {offsets = [0, 0], sizes = [32, 16], strides = [1, 1]} : vector<32x128xi32> to vector<32x16xi32>
    %concatenate3A_3305 = tpu.concatenate %slice3A_3303, %slice3A_3304 in 1 : vector<32x112xi32>, vector<32x16xi32> -> vector<32x128xi32>
    %slice3A_3306 = vector.extract_strided_slice %select_n3A_3289 {offsets = [0, 112], sizes = [32, 16], strides = [1, 1]} : vector<32x128xi32> to vector<32x16xi32>
    %slice3A_3307 = vector.extract_strided_slice %select_n3A_3289 {offsets = [0, 0], sizes = [32, 112], strides = [1, 1]} : vector<32x128xi32> to vector<32x112xi32>
    %concatenate3A_3308 = tpu.concatenate %slice3A_3306, %slice3A_3307 in 1 : vector<32x16xi32>, vector<32x112xi32> -> vector<32x128xi32>
    %select_n3A_3309 = arith.select %eq3A_3295, %concatenate3A_3305, %concatenate3A_3308 : vector<32x128xi1>, vector<32x128xi32>
    %gt3A_3310 = arith.cmpf ogt, %select_n3A_3288, %select_n3A_3302 : vector<32x128xf32>
    %eq3A_3311 = arith.cmpf oeq, %select_n3A_3288, %select_n3A_3302 : vector<32x128xf32>
    %lt3A_3312 = arith.cmpi slt, %select_n3A_3289, %select_n3A_3309 : vector<32x128xi32>
    %and3A_3313 = arith.andi %eq3A_3311, %lt3A_3312 : vector<32x128xi1>
    %or3A_3314 = arith.ori %gt3A_3310, %and3A_3313 : vector<32x128xi1>
    %eq3A_3315 = arith.xori %eq3A_3295, %eq3A_3091 : vector<32x128xi1>
    %eq3A_3316 = arith.constant dense<true> : vector<32x128xi1>
    %eq3A_3317 = arith.xori %eq3A_3315, %eq3A_3316 : vector<32x128xi1>
    %eq3A_3318 = arith.xori %or3A_3314, %eq3A_3317 : vector<32x128xi1>
    %eq3A_3319 = arith.constant dense<true> : vector<32x128xi1>
    %eq3A_3320 = arith.xori %eq3A_3318, %eq3A_3319 : vector<32x128xi1>
    %select_n3A_3321 = arith.select %eq3A_3320, %select_n3A_3288, %select_n3A_3302 : vector<32x128xi1>, vector<32x128xf32>
    %select_n3A_3322 = arith.select %eq3A_3320, %select_n3A_3289, %select_n3A_3309 : vector<32x128xi1>, vector<32x128xi32>
    %and3A_3323 = arith.constant 8 : i32
    %and3A_3324 = vector.broadcast %and3A_3323 : i32 to vector<32x128xi32>
    %and3A_3325 = arith.andi %iota3A_3081, %and3A_3324 : vector<32x128xi32>
    %eq3A_3326 = arith.constant 0 : i32
    %eq3A_3327 = vector.broadcast %eq3A_3326 : i32 to vector<32x128xi32>
    %eq3A_3328 = arith.cmpi eq, %and3A_3325, %eq3A_3327 : vector<32x128xi32>
    %slice3A_3329 = vector.extract_strided_slice %select_n3A_3321 {offsets = [0, 8], sizes = [32, 120], strides = [1, 1]} : vector<32x128xf32> to vector<32x120xf32>
    %slice3A_3330 = vector.extract_strided_slice %select_n3A_3321 {offsets = [0, 0], sizes = [32, 8], strides = [1, 1]} : vector<32x128xf32> to vector<32x8xf32>
    %concatenate3A_3331 = tpu.concatenate %slice3A_3329, %slice3A_3330 in 1 : vector<32x120xf32>, vector<32x8xf32> -> vector<32x128xf32>
    %slice3A_3332 = vector.extract_strided_slice %select_n3A_3321 {offsets = [0, 120], sizes = [32, 8], strides = [1, 1]} : vector<32x128xf32> to vector<32x8xf32>
    %slice3A_3333 = vector.extract_strided_slice %select_n3A_3321 {offsets = [0, 0], sizes = [32, 120], strides = [1, 1]} : vector<32x128xf32> to vector<32x120xf32>
    %concatenate3A_3334 = tpu.concatenate %slice3A_3332, %slice3A_3333 in 1 : vector<32x8xf32>, vector<32x120xf32> -> vector<32x128xf32>
    %select_n3A_3335 = arith.select %eq3A_3328, %concatenate3A_3331, %concatenate3A_3334 : vector<32x128xi1>, vector<32x128xf32>
    %slice3A_3336 = vector.extract_strided_slice %select_n3A_3322 {offsets = [0, 8], sizes = [32, 120], strides = [1, 1]} : vector<32x128xi32> to vector<32x120xi32>
    %slice3A_3337 = vector.extract_strided_slice %select_n3A_3322 {offsets = [0, 0], sizes = [32, 8], strides = [1, 1]} : vector<32x128xi32> to vector<32x8xi32>
    %concatenate3A_3338 = tpu.concatenate %slice3A_3336, %slice3A_3337 in 1 : vector<32x120xi32>, vector<32x8xi32> -> vector<32x128xi32>
    %slice3A_3339 = vector.extract_strided_slice %select_n3A_3322 {offsets = [0, 120], sizes = [32, 8], strides = [1, 1]} : vector<32x128xi32> to vector<32x8xi32>
    %slice3A_3340 = vector.extract_strided_slice %select_n3A_3322 {offsets = [0, 0], sizes = [32, 120], strides = [1, 1]} : vector<32x128xi32> to vector<32x120xi32>
    %concatenate3A_3341 = tpu.concatenate %slice3A_3339, %slice3A_3340 in 1 : vector<32x8xi32>, vector<32x120xi32> -> vector<32x128xi32>
    %select_n3A_3342 = arith.select %eq3A_3328, %concatenate3A_3338, %concatenate3A_3341 : vector<32x128xi1>, vector<32x128xi32>
    %gt3A_3343 = arith.cmpf ogt, %select_n3A_3321, %select_n3A_3335 : vector<32x128xf32>
    %eq3A_3344 = arith.cmpf oeq, %select_n3A_3321, %select_n3A_3335 : vector<32x128xf32>
    %lt3A_3345 = arith.cmpi slt, %select_n3A_3322, %select_n3A_3342 : vector<32x128xi32>
    %and3A_3346 = arith.andi %eq3A_3344, %lt3A_3345 : vector<32x128xi1>
    %or3A_3347 = arith.ori %gt3A_3343, %and3A_3346 : vector<32x128xi1>
    %eq3A_3348 = arith.xori %eq3A_3328, %eq3A_3091 : vector<32x128xi1>
    %eq3A_3349 = arith.constant dense<true> : vector<32x128xi1>
    %eq3A_3350 = arith.xori %eq3A_3348, %eq3A_3349 : vector<32x128xi1>
    %eq3A_3351 = arith.xori %or3A_3347, %eq3A_3350 : vector<32x128xi1>
    %eq3A_3352 = arith.constant dense<true> : vector<32x128xi1>
    %eq3A_3353 = arith.xori %eq3A_3351, %eq3A_3352 : vector<32x128xi1>
    %select_n3A_3354 = arith.select %eq3A_3353, %select_n3A_3321, %select_n3A_3335 : vector<32x128xi1>, vector<32x128xf32>
    %select_n3A_3355 = arith.select %eq3A_3353, %select_n3A_3322, %select_n3A_3342 : vector<32x128xi1>, vector<32x128xi32>
    %and3A_3356 = arith.constant 4 : i32
    %and3A_3357 = vector.broadcast %and3A_3356 : i32 to vector<32x128xi32>
    %and3A_3358 = arith.andi %iota3A_3081, %and3A_3357 : vector<32x128xi32>
    %eq3A_3359 = arith.constant 0 : i32
    %eq3A_3360 = vector.broadcast %eq3A_3359 : i32 to vector<32x128xi32>
    %eq3A_3361 = arith.cmpi eq, %and3A_3358, %eq3A_3360 : vector<32x128xi32>
    %slice3A_3362 = vector.extract_strided_slice %select_n3A_3354 {offsets = [0, 4], sizes = [32, 124], strides = [1, 1]} : vector<32x128xf32> to vector<32x124xf32>
    %slice3A_3363 = vector.extract_strided_slice %select_n3A_3354 {offsets = [0, 0], sizes = [32, 4], strides = [1, 1]} : vector<32x128xf32> to vector<32x4xf32>
    %concatenate3A_3364 = tpu.concatenate %slice3A_3362, %slice3A_3363 in 1 : vector<32x124xf32>, vector<32x4xf32> -> vector<32x128xf32>
    %slice3A_3365 = vector.extract_strided_slice %select_n3A_3354 {offsets = [0, 124], sizes = [32, 4], strides = [1, 1]} : vector<32x128xf32> to vector<32x4xf32>
    %slice3A_3366 = vector.extract_strided_slice %select_n3A_3354 {offsets = [0, 0], sizes = [32, 124], strides = [1, 1]} : vector<32x128xf32> to vector<32x124xf32>
    %concatenate3A_3367 = tpu.concatenate %slice3A_3365, %slice3A_3366 in 1 : vector<32x4xf32>, vector<32x124xf32> -> vector<32x128xf32>
    %select_n3A_3368 = arith.select %eq3A_3361, %concatenate3A_3364, %concatenate3A_3367 : vector<32x128xi1>, vector<32x128xf32>
    %slice3A_3369 = vector.extract_strided_slice %select_n3A_3355 {offsets = [0, 4], sizes = [32, 124], strides = [1, 1]} : vector<32x128xi32> to vector<32x124xi32>
    %slice3A_3370 = vector.extract_strided_slice %select_n3A_3355 {offsets = [0, 0], sizes = [32, 4], strides = [1, 1]} : vector<32x128xi32> to vector<32x4xi32>
    %concatenate3A_3371 = tpu.concatenate %slice3A_3369, %slice3A_3370 in 1 : vector<32x124xi32>, vector<32x4xi32> -> vector<32x128xi32>
    %slice3A_3372 = vector.extract_strided_slice %select_n3A_3355 {offsets = [0, 124], sizes = [32, 4], strides = [1, 1]} : vector<32x128xi32> to vector<32x4xi32>
    %slice3A_3373 = vector.extract_strided_slice %select_n3A_3355 {offsets = [0, 0], sizes = [32, 124], strides = [1, 1]} : vector<32x128xi32> to vector<32x124xi32>
    %concatenate3A_3374 = tpu.concatenate %slice3A_3372, %slice3A_3373 in 1 : vector<32x4xi32>, vector<32x124xi32> -> vector<32x128xi32>
    %select_n3A_3375 = arith.select %eq3A_3361, %concatenate3A_3371, %concatenate3A_3374 : vector<32x128xi1>, vector<32x128xi32>
    %gt3A_3376 = arith.cmpf ogt, %select_n3A_3354, %select_n3A_3368 : vector<32x128xf32>
    %eq3A_3377 = arith.cmpf oeq, %select_n3A_3354, %select_n3A_3368 : vector<32x128xf32>
    %lt3A_3378 = arith.cmpi slt, %select_n3A_3355, %select_n3A_3375 : vector<32x128xi32>
    %and3A_3379 = arith.andi %eq3A_3377, %lt3A_3378 : vector<32x128xi1>
    %or3A_3380 = arith.ori %gt3A_3376, %and3A_3379 : vector<32x128xi1>
    %eq3A_3381 = arith.xori %eq3A_3361, %eq3A_3091 : vector<32x128xi1>
    %eq3A_3382 = arith.constant dense<true> : vector<32x128xi1>
    %eq3A_3383 = arith.xori %eq3A_3381, %eq3A_3382 : vector<32x128xi1>
    %eq3A_3384 = arith.xori %or3A_3380, %eq3A_3383 : vector<32x128xi1>
    %eq3A_3385 = arith.constant dense<true> : vector<32x128xi1>
    %eq3A_3386 = arith.xori %eq3A_3384, %eq3A_3385 : vector<32x128xi1>
    %select_n3A_3387 = arith.select %eq3A_3386, %select_n3A_3354, %select_n3A_3368 : vector<32x128xi1>, vector<32x128xf32>
    %select_n3A_3388 = arith.select %eq3A_3386, %select_n3A_3355, %select_n3A_3375 : vector<32x128xi1>, vector<32x128xi32>
    %and3A_3389 = arith.constant 2 : i32
    %and3A_3390 = vector.broadcast %and3A_3389 : i32 to vector<32x128xi32>
    %and3A_3391 = arith.andi %iota3A_3081, %and3A_3390 : vector<32x128xi32>
    %eq3A_3392 = arith.constant 0 : i32
    %eq3A_3393 = vector.broadcast %eq3A_3392 : i32 to vector<32x128xi32>
    %eq3A_3394 = arith.cmpi eq, %and3A_3391, %eq3A_3393 : vector<32x128xi32>
    %slice3A_3395 = vector.extract_strided_slice %select_n3A_3387 {offsets = [0, 2], sizes = [32, 126], strides = [1, 1]} : vector<32x128xf32> to vector<32x126xf32>
    %slice3A_3396 = vector.extract_strided_slice %select_n3A_3387 {offsets = [0, 0], sizes = [32, 2], strides = [1, 1]} : vector<32x128xf32> to vector<32x2xf32>
    %concatenate3A_3397 = tpu.concatenate %slice3A_3395, %slice3A_3396 in 1 : vector<32x126xf32>, vector<32x2xf32> -> vector<32x128xf32>
    %slice3A_3398 = vector.extract_strided_slice %select_n3A_3387 {offsets = [0, 126], sizes = [32, 2], strides = [1, 1]} : vector<32x128xf32> to vector<32x2xf32>
    %slice3A_3399 = vector.extract_strided_slice %select_n3A_3387 {offsets = [0, 0], sizes = [32, 126], strides = [1, 1]} : vector<32x128xf32> to vector<32x126xf32>
    %concatenate3A_3400 = tpu.concatenate %slice3A_3398, %slice3A_3399 in 1 : vector<32x2xf32>, vector<32x126xf32> -> vector<32x128xf32>
    %select_n3A_3401 = arith.select %eq3A_3394, %concatenate3A_3397, %concatenate3A_3400 : vector<32x128xi1>, vector<32x128xf32>
    %slice3A_3402 = vector.extract_strided_slice %select_n3A_3388 {offsets = [0, 2], sizes = [32, 126], strides = [1, 1]} : vector<32x128xi32> to vector<32x126xi32>
    %slice3A_3403 = vector.extract_strided_slice %select_n3A_3388 {offsets = [0, 0], sizes = [32, 2], strides = [1, 1]} : vector<32x128xi32> to vector<32x2xi32>
    %concatenate3A_3404 = tpu.concatenate %slice3A_3402, %slice3A_3403 in 1 : vector<32x126xi32>, vector<32x2xi32> -> vector<32x128xi32>
    %slice3A_3405 = vector.extract_strided_slice %select_n3A_3388 {offsets = [0, 126], sizes = [32, 2], strides = [1, 1]} : vector<32x128xi32> to vector<32x2xi32>
    %slice3A_3406 = vector.extract_strided_slice %select_n3A_3388 {offsets = [0, 0], sizes = [32, 126], strides = [1, 1]} : vector<32x128xi32> to vector<32x126xi32>
    %concatenate3A_3407 = tpu.concatenate %slice3A_3405, %slice3A_3406 in 1 : vector<32x2xi32>, vector<32x126xi32> -> vector<32x128xi32>
    %select_n3A_3408 = arith.select %eq3A_3394, %concatenate3A_3404, %concatenate3A_3407 : vector<32x128xi1>, vector<32x128xi32>
    %gt3A_3409 = arith.cmpf ogt, %select_n3A_3387, %select_n3A_3401 : vector<32x128xf32>
    %eq3A_3410 = arith.cmpf oeq, %select_n3A_3387, %select_n3A_3401 : vector<32x128xf32>
    %lt3A_3411 = arith.cmpi slt, %select_n3A_3388, %select_n3A_3408 : vector<32x128xi32>
    %and3A_3412 = arith.andi %eq3A_3410, %lt3A_3411 : vector<32x128xi1>
    %or3A_3413 = arith.ori %gt3A_3409, %and3A_3412 : vector<32x128xi1>
    %eq3A_3414 = arith.xori %eq3A_3394, %eq3A_3091 : vector<32x128xi1>
    %eq3A_3415 = arith.constant dense<true> : vector<32x128xi1>
    %eq3A_3416 = arith.xori %eq3A_3414, %eq3A_3415 : vector<32x128xi1>
    %eq3A_3417 = arith.xori %or3A_3413, %eq3A_3416 : vector<32x128xi1>
    %eq3A_3418 = arith.constant dense<true> : vector<32x128xi1>
    %eq3A_3419 = arith.xori %eq3A_3417, %eq3A_3418 : vector<32x128xi1>
    %select_n3A_3420 = arith.select %eq3A_3419, %select_n3A_3387, %select_n3A_3401 : vector<32x128xi1>, vector<32x128xf32>
    %select_n3A_3421 = arith.select %eq3A_3419, %select_n3A_3388, %select_n3A_3408 : vector<32x128xi1>, vector<32x128xi32>
    %and3A_3422 = arith.constant 1 : i32
    %and3A_3423 = vector.broadcast %and3A_3422 : i32 to vector<32x128xi32>
    %and3A_3424 = arith.andi %iota3A_3081, %and3A_3423 : vector<32x128xi32>
    %eq3A_3425 = arith.constant 0 : i32
    %eq3A_3426 = vector.broadcast %eq3A_3425 : i32 to vector<32x128xi32>
    %eq3A_3427 = arith.cmpi eq, %and3A_3424, %eq3A_3426 : vector<32x128xi32>
    %slice3A_3428 = vector.extract_strided_slice %select_n3A_3420 {offsets = [0, 1], sizes = [32, 127], strides = [1, 1]} : vector<32x128xf32> to vector<32x127xf32>
    %slice3A_3429 = vector.extract_strided_slice %select_n3A_3420 {offsets = [0, 0], sizes = [32, 1], strides = [1, 1]} : vector<32x128xf32> to vector<32x1xf32>
    %concatenate3A_3430 = tpu.concatenate %slice3A_3428, %slice3A_3429 in 1 : vector<32x127xf32>, vector<32x1xf32> -> vector<32x128xf32>
    %slice3A_3431 = vector.extract_strided_slice %select_n3A_3420 {offsets = [0, 127], sizes = [32, 1], strides = [1, 1]} : vector<32x128xf32> to vector<32x1xf32>
    %slice3A_3432 = vector.extract_strided_slice %select_n3A_3420 {offsets = [0, 0], sizes = [32, 127], strides = [1, 1]} : vector<32x128xf32> to vector<32x127xf32>
    %concatenate3A_3433 = tpu.concatenate %slice3A_3431, %slice3A_3432 in 1 : vector<32x1xf32>, vector<32x127xf32> -> vector<32x128xf32>
    %select_n3A_3434 = arith.select %eq3A_3427, %concatenate3A_3430, %concatenate3A_3433 : vector<32x128xi1>, vector<32x128xf32>
    %slice3A_3435 = vector.extract_strided_slice %select_n3A_3421 {offsets = [0, 1], sizes = [32, 127], strides = [1, 1]} : vector<32x128xi32> to vector<32x127xi32>
    %slice3A_3436 = vector.extract_strided_slice %select_n3A_3421 {offsets = [0, 0], sizes = [32, 1], strides = [1, 1]} : vector<32x128xi32> to vector<32x1xi32>
    %concatenate3A_3437 = tpu.concatenate %slice3A_3435, %slice3A_3436 in 1 : vector<32x127xi32>, vector<32x1xi32> -> vector<32x128xi32>
    %slice3A_3438 = vector.extract_strided_slice %select_n3A_3421 {offsets = [0, 127], sizes = [32, 1], strides = [1, 1]} : vector<32x128xi32> to vector<32x1xi32>
    %slice3A_3439 = vector.extract_strided_slice %select_n3A_3421 {offsets = [0, 0], sizes = [32, 127], strides = [1, 1]} : vector<32x128xi32> to vector<32x127xi32>
    %concatenate3A_3440 = tpu.concatenate %slice3A_3438, %slice3A_3439 in 1 : vector<32x1xi32>, vector<32x127xi32> -> vector<32x128xi32>
    %select_n3A_3441 = arith.select %eq3A_3427, %concatenate3A_3437, %concatenate3A_3440 : vector<32x128xi1>, vector<32x128xi32>
    %gt3A_3442 = arith.cmpf ogt, %select_n3A_3420, %select_n3A_3434 : vector<32x128xf32>
    %eq3A_3443 = arith.cmpf oeq, %select_n3A_3420, %select_n3A_3434 : vector<32x128xf32>
    %lt3A_3444 = arith.cmpi slt, %select_n3A_3421, %select_n3A_3441 : vector<32x128xi32>
    %and3A_3445 = arith.andi %eq3A_3443, %lt3A_3444 : vector<32x128xi1>
    %or3A_3446 = arith.ori %gt3A_3442, %and3A_3445 : vector<32x128xi1>
    %eq3A_3447 = arith.xori %eq3A_3427, %eq3A_3091 : vector<32x128xi1>
    %eq3A_3448 = arith.constant dense<true> : vector<32x128xi1>
    %eq3A_3449 = arith.xori %eq3A_3447, %eq3A_3448 : vector<32x128xi1>
    %eq3A_3450 = arith.xori %or3A_3446, %eq3A_3449 : vector<32x128xi1>
    %eq3A_3451 = arith.constant dense<true> : vector<32x128xi1>
    %eq3A_3452 = arith.xori %eq3A_3450, %eq3A_3451 : vector<32x128xi1>
    %select_n3A_3453 = arith.select %eq3A_3452, %select_n3A_3420, %select_n3A_3434 : vector<32x128xi1>, vector<32x128xf32>
    %select_n3A_3454 = arith.select %eq3A_3452, %select_n3A_3421, %select_n3A_3441 : vector<32x128xi1>, vector<32x128xi32>
    %slice3A_3455 = vector.extract_strided_slice %select_n3A_3453 {offsets = [0, 0], sizes = [16, 128], strides = [1, 1]} : vector<32x128xf32> to vector<16x128xf32>
    %slice3A_3456 = vector.extract_strided_slice %select_n3A_3454 {offsets = [0, 0], sizes = [16, 128], strides = [1, 1]} : vector<32x128xi32> to vector<16x128xi32>
    %slice3A_3457 = vector.extract_strided_slice %select_n3A_3453 {offsets = [16, 0], sizes = [16, 128], strides = [1, 1]} : vector<32x128xf32> to vector<16x128xf32>
    %slice3A_3458 = vector.extract_strided_slice %select_n3A_3454 {offsets = [16, 0], sizes = [16, 128], strides = [1, 1]} : vector<32x128xi32> to vector<16x128xi32>
    %gt3A_3459 = arith.cmpf ogt, %slice3A_3455, %slice3A_3457 : vector<16x128xf32>
    %eq3A_3460 = arith.cmpf oeq, %slice3A_3455, %slice3A_3457 : vector<16x128xf32>
    %lt3A_3461 = arith.cmpi slt, %slice3A_3456, %slice3A_3458 : vector<16x128xi32>
    %and3A_3462 = arith.andi %eq3A_3460, %lt3A_3461 : vector<16x128xi1>
    %or3A_3463 = arith.ori %gt3A_3459, %and3A_3462 : vector<16x128xi1>
    %select_n3A_3464 = arith.select %or3A_3463, %slice3A_3455, %slice3A_3457 : vector<16x128xi1>, vector<16x128xf32>
    %select_n3A_3465 = arith.select %or3A_3463, %slice3A_3456, %slice3A_3458 : vector<16x128xi1>, vector<16x128xi32>
    %iota3A_3466 = tpu.iota {dimensions = array<i32: 0>} : vector<16x128xi32>
    %iota3A_3467 = tpu.iota {dimensions = array<i32: 1>} : vector<16x128xi32>
    %mul3A_3468 = arith.constant 128 : i32
    %mul3A_3469 = vector.broadcast %mul3A_3468 : i32 to vector<16x128xi32>
    %mul3A_3470 = arith.muli %iota3A_3466, %mul3A_3469 : vector<16x128xi32>
    %add3A_3471 = arith.addi %mul3A_3470, %iota3A_3467 : vector<16x128xi32>
    %and3A_3472 = arith.constant 2048 : i32
    %and3A_3473 = vector.broadcast %and3A_3472 : i32 to vector<16x128xi32>
    %and3A_3474 = arith.andi %add3A_3471, %and3A_3473 : vector<16x128xi32>
    %eq3A_3475 = arith.constant 0 : i32
    %eq3A_3476 = vector.broadcast %eq3A_3475 : i32 to vector<16x128xi32>
    %eq3A_3477 = arith.cmpi eq, %and3A_3474, %eq3A_3476 : vector<16x128xi32>
    %and3A_3478 = arith.constant 8 : i32
    %and3A_3479 = vector.broadcast %and3A_3478 : i32 to vector<16x128xi32>
    %and3A_3480 = arith.andi %iota3A_3466, %and3A_3479 : vector<16x128xi32>
    %eq3A_3481 = arith.constant 0 : i32
    %eq3A_3482 = vector.broadcast %eq3A_3481 : i32 to vector<16x128xi32>
    %eq3A_3483 = arith.cmpi eq, %and3A_3480, %eq3A_3482 : vector<16x128xi32>
    %slice3A_3484 = vector.extract_strided_slice %select_n3A_3464 {offsets = [8, 0], sizes = [8, 128], strides = [1, 1]} : vector<16x128xf32> to vector<8x128xf32>
    %slice3A_3485 = vector.extract_strided_slice %select_n3A_3464 {offsets = [0, 0], sizes = [8, 128], strides = [1, 1]} : vector<16x128xf32> to vector<8x128xf32>
    %concatenate3A_3486 = tpu.concatenate %slice3A_3484, %slice3A_3485 in 0 : vector<8x128xf32>, vector<8x128xf32> -> vector<16x128xf32>
    %slice3A_3487 = vector.extract_strided_slice %select_n3A_3464 {offsets = [8, 0], sizes = [8, 128], strides = [1, 1]} : vector<16x128xf32> to vector<8x128xf32>
    %slice3A_3488 = vector.extract_strided_slice %select_n3A_3464 {offsets = [0, 0], sizes = [8, 128], strides = [1, 1]} : vector<16x128xf32> to vector<8x128xf32>
    %concatenate3A_3489 = tpu.concatenate %slice3A_3487, %slice3A_3488 in 0 : vector<8x128xf32>, vector<8x128xf32> -> vector<16x128xf32>
    %select_n3A_3490 = arith.select %eq3A_3483, %concatenate3A_3486, %concatenate3A_3489 : vector<16x128xi1>, vector<16x128xf32>
    %slice3A_3491 = vector.extract_strided_slice %select_n3A_3465 {offsets = [8, 0], sizes = [8, 128], strides = [1, 1]} : vector<16x128xi32> to vector<8x128xi32>
    %slice3A_3492 = vector.extract_strided_slice %select_n3A_3465 {offsets = [0, 0], sizes = [8, 128], strides = [1, 1]} : vector<16x128xi32> to vector<8x128xi32>
    %concatenate3A_3493 = tpu.concatenate %slice3A_3491, %slice3A_3492 in 0 : vector<8x128xi32>, vector<8x128xi32> -> vector<16x128xi32>
    %slice3A_3494 = vector.extract_strided_slice %select_n3A_3465 {offsets = [8, 0], sizes = [8, 128], strides = [1, 1]} : vector<16x128xi32> to vector<8x128xi32>
    %slice3A_3495 = vector.extract_strided_slice %select_n3A_3465 {offsets = [0, 0], sizes = [8, 128], strides = [1, 1]} : vector<16x128xi32> to vector<8x128xi32>
    %concatenate3A_3496 = tpu.concatenate %slice3A_3494, %slice3A_3495 in 0 : vector<8x128xi32>, vector<8x128xi32> -> vector<16x128xi32>
    %select_n3A_3497 = arith.select %eq3A_3483, %concatenate3A_3493, %concatenate3A_3496 : vector<16x128xi1>, vector<16x128xi32>
    %gt3A_3498 = arith.cmpf ogt, %select_n3A_3464, %select_n3A_3490 : vector<16x128xf32>
    %eq3A_3499 = arith.cmpf oeq, %select_n3A_3464, %select_n3A_3490 : vector<16x128xf32>
    %lt3A_3500 = arith.cmpi slt, %select_n3A_3465, %select_n3A_3497 : vector<16x128xi32>
    %and3A_3501 = arith.andi %eq3A_3499, %lt3A_3500 : vector<16x128xi1>
    %or3A_3502 = arith.ori %gt3A_3498, %and3A_3501 : vector<16x128xi1>
    %eq3A_3503 = arith.xori %eq3A_3483, %eq3A_3477 : vector<16x128xi1>
    %eq3A_3504 = arith.constant dense<true> : vector<16x128xi1>
    %eq3A_3505 = arith.xori %eq3A_3503, %eq3A_3504 : vector<16x128xi1>
    %eq3A_3506 = arith.xori %or3A_3502, %eq3A_3505 : vector<16x128xi1>
    %eq3A_3507 = arith.constant dense<true> : vector<16x128xi1>
    %eq3A_3508 = arith.xori %eq3A_3506, %eq3A_3507 : vector<16x128xi1>
    %select_n3A_3509 = arith.select %eq3A_3508, %select_n3A_3464, %select_n3A_3490 : vector<16x128xi1>, vector<16x128xf32>
    %select_n3A_3510 = arith.select %eq3A_3508, %select_n3A_3465, %select_n3A_3497 : vector<16x128xi1>, vector<16x128xi32>
    %and3A_3511 = arith.constant 4 : i32
    %and3A_3512 = vector.broadcast %and3A_3511 : i32 to vector<16x128xi32>
    %and3A_3513 = arith.andi %iota3A_3466, %and3A_3512 : vector<16x128xi32>
    %eq3A_3514 = arith.constant 0 : i32
    %eq3A_3515 = vector.broadcast %eq3A_3514 : i32 to vector<16x128xi32>
    %eq3A_3516 = arith.cmpi eq, %and3A_3513, %eq3A_3515 : vector<16x128xi32>
    %slice3A_3517 = vector.extract_strided_slice %select_n3A_3509 {offsets = [4, 0], sizes = [12, 128], strides = [1, 1]} : vector<16x128xf32> to vector<12x128xf32>
    %slice3A_3518 = vector.extract_strided_slice %select_n3A_3509 {offsets = [0, 0], sizes = [4, 128], strides = [1, 1]} : vector<16x128xf32> to vector<4x128xf32>
    %concatenate3A_3519 = tpu.concatenate %slice3A_3517, %slice3A_3518 in 0 : vector<12x128xf32>, vector<4x128xf32> -> vector<16x128xf32>
    %slice3A_3520 = vector.extract_strided_slice %select_n3A_3509 {offsets = [12, 0], sizes = [4, 128], strides = [1, 1]} : vector<16x128xf32> to vector<4x128xf32>
    %slice3A_3521 = vector.extract_strided_slice %select_n3A_3509 {offsets = [0, 0], sizes = [12, 128], strides = [1, 1]} : vector<16x128xf32> to vector<12x128xf32>
    %concatenate3A_3522 = tpu.concatenate %slice3A_3520, %slice3A_3521 in 0 : vector<4x128xf32>, vector<12x128xf32> -> vector<16x128xf32>
    %select_n3A_3523 = arith.select %eq3A_3516, %concatenate3A_3519, %concatenate3A_3522 : vector<16x128xi1>, vector<16x128xf32>
    %slice3A_3524 = vector.extract_strided_slice %select_n3A_3510 {offsets = [4, 0], sizes = [12, 128], strides = [1, 1]} : vector<16x128xi32> to vector<12x128xi32>
    %slice3A_3525 = vector.extract_strided_slice %select_n3A_3510 {offsets = [0, 0], sizes = [4, 128], strides = [1, 1]} : vector<16x128xi32> to vector<4x128xi32>
    %concatenate3A_3526 = tpu.concatenate %slice3A_3524, %slice3A_3525 in 0 : vector<12x128xi32>, vector<4x128xi32> -> vector<16x128xi32>
    %slice3A_3527 = vector.extract_strided_slice %select_n3A_3510 {offsets = [12, 0], sizes = [4, 128], strides = [1, 1]} : vector<16x128xi32> to vector<4x128xi32>
    %slice3A_3528 = vector.extract_strided_slice %select_n3A_3510 {offsets = [0, 0], sizes = [12, 128], strides = [1, 1]} : vector<16x128xi32> to vector<12x128xi32>
    %concatenate3A_3529 = tpu.concatenate %slice3A_3527, %slice3A_3528 in 0 : vector<4x128xi32>, vector<12x128xi32> -> vector<16x128xi32>
    %select_n3A_3530 = arith.select %eq3A_3516, %concatenate3A_3526, %concatenate3A_3529 : vector<16x128xi1>, vector<16x128xi32>
    %gt3A_3531 = arith.cmpf ogt, %select_n3A_3509, %select_n3A_3523 : vector<16x128xf32>
    %eq3A_3532 = arith.cmpf oeq, %select_n3A_3509, %select_n3A_3523 : vector<16x128xf32>
    %lt3A_3533 = arith.cmpi slt, %select_n3A_3510, %select_n3A_3530 : vector<16x128xi32>
    %and3A_3534 = arith.andi %eq3A_3532, %lt3A_3533 : vector<16x128xi1>
    %or3A_3535 = arith.ori %gt3A_3531, %and3A_3534 : vector<16x128xi1>
    %eq3A_3536 = arith.xori %eq3A_3516, %eq3A_3477 : vector<16x128xi1>
    %eq3A_3537 = arith.constant dense<true> : vector<16x128xi1>
    %eq3A_3538 = arith.xori %eq3A_3536, %eq3A_3537 : vector<16x128xi1>
    %eq3A_3539 = arith.xori %or3A_3535, %eq3A_3538 : vector<16x128xi1>
    %eq3A_3540 = arith.constant dense<true> : vector<16x128xi1>
    %eq3A_3541 = arith.xori %eq3A_3539, %eq3A_3540 : vector<16x128xi1>
    %select_n3A_3542 = arith.select %eq3A_3541, %select_n3A_3509, %select_n3A_3523 : vector<16x128xi1>, vector<16x128xf32>
    %select_n3A_3543 = arith.select %eq3A_3541, %select_n3A_3510, %select_n3A_3530 : vector<16x128xi1>, vector<16x128xi32>
    %and3A_3544 = arith.constant 2 : i32
    %and3A_3545 = vector.broadcast %and3A_3544 : i32 to vector<16x128xi32>
    %and3A_3546 = arith.andi %iota3A_3466, %and3A_3545 : vector<16x128xi32>
    %eq3A_3547 = arith.constant 0 : i32
    %eq3A_3548 = vector.broadcast %eq3A_3547 : i32 to vector<16x128xi32>
    %eq3A_3549 = arith.cmpi eq, %and3A_3546, %eq3A_3548 : vector<16x128xi32>
    %slice3A_3550 = vector.extract_strided_slice %select_n3A_3542 {offsets = [2, 0], sizes = [14, 128], strides = [1, 1]} : vector<16x128xf32> to vector<14x128xf32>
    %slice3A_3551 = vector.extract_strided_slice %select_n3A_3542 {offsets = [0, 0], sizes = [2, 128], strides = [1, 1]} : vector<16x128xf32> to vector<2x128xf32>
    %concatenate3A_3552 = tpu.concatenate %slice3A_3550, %slice3A_3551 in 0 : vector<14x128xf32>, vector<2x128xf32> -> vector<16x128xf32>
    %slice3A_3553 = vector.extract_strided_slice %select_n3A_3542 {offsets = [14, 0], sizes = [2, 128], strides = [1, 1]} : vector<16x128xf32> to vector<2x128xf32>
    %slice3A_3554 = vector.extract_strided_slice %select_n3A_3542 {offsets = [0, 0], sizes = [14, 128], strides = [1, 1]} : vector<16x128xf32> to vector<14x128xf32>
    %concatenate3A_3555 = tpu.concatenate %slice3A_3553, %slice3A_3554 in 0 : vector<2x128xf32>, vector<14x128xf32> -> vector<16x128xf32>
    %select_n3A_3556 = arith.select %eq3A_3549, %concatenate3A_3552, %concatenate3A_3555 : vector<16x128xi1>, vector<16x128xf32>
    %slice3A_3557 = vector.extract_strided_slice %select_n3A_3543 {offsets = [2, 0], sizes = [14, 128], strides = [1, 1]} : vector<16x128xi32> to vector<14x128xi32>
    %slice3A_3558 = vector.extract_strided_slice %select_n3A_3543 {offsets = [0, 0], sizes = [2, 128], strides = [1, 1]} : vector<16x128xi32> to vector<2x128xi32>
    %concatenate3A_3559 = tpu.concatenate %slice3A_3557, %slice3A_3558 in 0 : vector<14x128xi32>, vector<2x128xi32> -> vector<16x128xi32>
    %slice3A_3560 = vector.extract_strided_slice %select_n3A_3543 {offsets = [14, 0], sizes = [2, 128], strides = [1, 1]} : vector<16x128xi32> to vector<2x128xi32>
    %slice3A_3561 = vector.extract_strided_slice %select_n3A_3543 {offsets = [0, 0], sizes = [14, 128], strides = [1, 1]} : vector<16x128xi32> to vector<14x128xi32>
    %concatenate3A_3562 = tpu.concatenate %slice3A_3560, %slice3A_3561 in 0 : vector<2x128xi32>, vector<14x128xi32> -> vector<16x128xi32>
    %select_n3A_3563 = arith.select %eq3A_3549, %concatenate3A_3559, %concatenate3A_3562 : vector<16x128xi1>, vector<16x128xi32>
    %gt3A_3564 = arith.cmpf ogt, %select_n3A_3542, %select_n3A_3556 : vector<16x128xf32>
    %eq3A_3565 = arith.cmpf oeq, %select_n3A_3542, %select_n3A_3556 : vector<16x128xf32>
    %lt3A_3566 = arith.cmpi slt, %select_n3A_3543, %select_n3A_3563 : vector<16x128xi32>
    %and3A_3567 = arith.andi %eq3A_3565, %lt3A_3566 : vector<16x128xi1>
    %or3A_3568 = arith.ori %gt3A_3564, %and3A_3567 : vector<16x128xi1>
    %eq3A_3569 = arith.xori %eq3A_3549, %eq3A_3477 : vector<16x128xi1>
    %eq3A_3570 = arith.constant dense<true> : vector<16x128xi1>
    %eq3A_3571 = arith.xori %eq3A_3569, %eq3A_3570 : vector<16x128xi1>
    %eq3A_3572 = arith.xori %or3A_3568, %eq3A_3571 : vector<16x128xi1>
    %eq3A_3573 = arith.constant dense<true> : vector<16x128xi1>
    %eq3A_3574 = arith.xori %eq3A_3572, %eq3A_3573 : vector<16x128xi1>
    %select_n3A_3575 = arith.select %eq3A_3574, %select_n3A_3542, %select_n3A_3556 : vector<16x128xi1>, vector<16x128xf32>
    %select_n3A_3576 = arith.select %eq3A_3574, %select_n3A_3543, %select_n3A_3563 : vector<16x128xi1>, vector<16x128xi32>
    %and3A_3577 = arith.constant 1 : i32
    %and3A_3578 = vector.broadcast %and3A_3577 : i32 to vector<16x128xi32>
    %and3A_3579 = arith.andi %iota3A_3466, %and3A_3578 : vector<16x128xi32>
    %eq3A_3580 = arith.constant 0 : i32
    %eq3A_3581 = vector.broadcast %eq3A_3580 : i32 to vector<16x128xi32>
    %eq3A_3582 = arith.cmpi eq, %and3A_3579, %eq3A_3581 : vector<16x128xi32>
    %slice3A_3583 = vector.extract_strided_slice %select_n3A_3575 {offsets = [1, 0], sizes = [15, 128], strides = [1, 1]} : vector<16x128xf32> to vector<15x128xf32>
    %slice3A_3584 = vector.extract_strided_slice %select_n3A_3575 {offsets = [0, 0], sizes = [1, 128], strides = [1, 1]} : vector<16x128xf32> to vector<1x128xf32>
    %concatenate3A_3585 = tpu.concatenate %slice3A_3583, %slice3A_3584 in 0 : vector<15x128xf32>, vector<1x128xf32> -> vector<16x128xf32>
    %slice3A_3586 = vector.extract_strided_slice %select_n3A_3575 {offsets = [15, 0], sizes = [1, 128], strides = [1, 1]} : vector<16x128xf32> to vector<1x128xf32>
    %slice3A_3587 = vector.extract_strided_slice %select_n3A_3575 {offsets = [0, 0], sizes = [15, 128], strides = [1, 1]} : vector<16x128xf32> to vector<15x128xf32>
    %concatenate3A_3588 = tpu.concatenate %slice3A_3586, %slice3A_3587 in 0 : vector<1x128xf32>, vector<15x128xf32> -> vector<16x128xf32>
    %select_n3A_3589 = arith.select %eq3A_3582, %concatenate3A_3585, %concatenate3A_3588 : vector<16x128xi1>, vector<16x128xf32>
    %slice3A_3590 = vector.extract_strided_slice %select_n3A_3576 {offsets = [1, 0], sizes = [15, 128], strides = [1, 1]} : vector<16x128xi32> to vector<15x128xi32>
    %slice3A_3591 = vector.extract_strided_slice %select_n3A_3576 {offsets = [0, 0], sizes = [1, 128], strides = [1, 1]} : vector<16x128xi32> to vector<1x128xi32>
    %concatenate3A_3592 = tpu.concatenate %slice3A_3590, %slice3A_3591 in 0 : vector<15x128xi32>, vector<1x128xi32> -> vector<16x128xi32>
    %slice3A_3593 = vector.extract_strided_slice %select_n3A_3576 {offsets = [15, 0], sizes = [1, 128], strides = [1, 1]} : vector<16x128xi32> to vector<1x128xi32>
    %slice3A_3594 = vector.extract_strided_slice %select_n3A_3576 {offsets = [0, 0], sizes = [15, 128], strides = [1, 1]} : vector<16x128xi32> to vector<15x128xi32>
    %concatenate3A_3595 = tpu.concatenate %slice3A_3593, %slice3A_3594 in 0 : vector<1x128xi32>, vector<15x128xi32> -> vector<16x128xi32>
    %select_n3A_3596 = arith.select %eq3A_3582, %concatenate3A_3592, %concatenate3A_3595 : vector<16x128xi1>, vector<16x128xi32>
    %gt3A_3597 = arith.cmpf ogt, %select_n3A_3575, %select_n3A_3589 : vector<16x128xf32>
    %eq3A_3598 = arith.cmpf oeq, %select_n3A_3575, %select_n3A_3589 : vector<16x128xf32>
    %lt3A_3599 = arith.cmpi slt, %select_n3A_3576, %select_n3A_3596 : vector<16x128xi32>
    %and3A_3600 = arith.andi %eq3A_3598, %lt3A_3599 : vector<16x128xi1>
    %or3A_3601 = arith.ori %gt3A_3597, %and3A_3600 : vector<16x128xi1>
    %eq3A_3602 = arith.xori %eq3A_3582, %eq3A_3477 : vector<16x128xi1>
    %eq3A_3603 = arith.constant dense<true> : vector<16x128xi1>
    %eq3A_3604 = arith.xori %eq3A_3602, %eq3A_3603 : vector<16x128xi1>
    %eq3A_3605 = arith.xori %or3A_3601, %eq3A_3604 : vector<16x128xi1>
    %eq3A_3606 = arith.constant dense<true> : vector<16x128xi1>
    %eq3A_3607 = arith.xori %eq3A_3605, %eq3A_3606 : vector<16x128xi1>
    %select_n3A_3608 = arith.select %eq3A_3607, %select_n3A_3575, %select_n3A_3589 : vector<16x128xi1>, vector<16x128xf32>
    %select_n3A_3609 = arith.select %eq3A_3607, %select_n3A_3576, %select_n3A_3596 : vector<16x128xi1>, vector<16x128xi32>
    %and3A_3610 = arith.constant 64 : i32
    %and3A_3611 = vector.broadcast %and3A_3610 : i32 to vector<16x128xi32>
    %and3A_3612 = arith.andi %iota3A_3467, %and3A_3611 : vector<16x128xi32>
    %eq3A_3613 = arith.constant 0 : i32
    %eq3A_3614 = vector.broadcast %eq3A_3613 : i32 to vector<16x128xi32>
    %eq3A_3615 = arith.cmpi eq, %and3A_3612, %eq3A_3614 : vector<16x128xi32>
    %slice3A_3616 = vector.extract_strided_slice %select_n3A_3608 {offsets = [0, 64], sizes = [16, 64], strides = [1, 1]} : vector<16x128xf32> to vector<16x64xf32>
    %slice3A_3617 = vector.extract_strided_slice %select_n3A_3608 {offsets = [0, 0], sizes = [16, 64], strides = [1, 1]} : vector<16x128xf32> to vector<16x64xf32>
    %concatenate3A_3618 = tpu.concatenate %slice3A_3616, %slice3A_3617 in 1 : vector<16x64xf32>, vector<16x64xf32> -> vector<16x128xf32>
    %slice3A_3619 = vector.extract_strided_slice %select_n3A_3608 {offsets = [0, 64], sizes = [16, 64], strides = [1, 1]} : vector<16x128xf32> to vector<16x64xf32>
    %slice3A_3620 = vector.extract_strided_slice %select_n3A_3608 {offsets = [0, 0], sizes = [16, 64], strides = [1, 1]} : vector<16x128xf32> to vector<16x64xf32>
    %concatenate3A_3621 = tpu.concatenate %slice3A_3619, %slice3A_3620 in 1 : vector<16x64xf32>, vector<16x64xf32> -> vector<16x128xf32>
    %select_n3A_3622 = arith.select %eq3A_3615, %concatenate3A_3618, %concatenate3A_3621 : vector<16x128xi1>, vector<16x128xf32>
    %slice3A_3623 = vector.extract_strided_slice %select_n3A_3609 {offsets = [0, 64], sizes = [16, 64], strides = [1, 1]} : vector<16x128xi32> to vector<16x64xi32>
    %slice3A_3624 = vector.extract_strided_slice %select_n3A_3609 {offsets = [0, 0], sizes = [16, 64], strides = [1, 1]} : vector<16x128xi32> to vector<16x64xi32>
    %concatenate3A_3625 = tpu.concatenate %slice3A_3623, %slice3A_3624 in 1 : vector<16x64xi32>, vector<16x64xi32> -> vector<16x128xi32>
    %slice3A_3626 = vector.extract_strided_slice %select_n3A_3609 {offsets = [0, 64], sizes = [16, 64], strides = [1, 1]} : vector<16x128xi32> to vector<16x64xi32>
    %slice3A_3627 = vector.extract_strided_slice %select_n3A_3609 {offsets = [0, 0], sizes = [16, 64], strides = [1, 1]} : vector<16x128xi32> to vector<16x64xi32>
    %concatenate3A_3628 = tpu.concatenate %slice3A_3626, %slice3A_3627 in 1 : vector<16x64xi32>, vector<16x64xi32> -> vector<16x128xi32>
    %select_n3A_3629 = arith.select %eq3A_3615, %concatenate3A_3625, %concatenate3A_3628 : vector<16x128xi1>, vector<16x128xi32>
    %gt3A_3630 = arith.cmpf ogt, %select_n3A_3608, %select_n3A_3622 : vector<16x128xf32>
    %eq3A_3631 = arith.cmpf oeq, %select_n3A_3608, %select_n3A_3622 : vector<16x128xf32>
    %lt3A_3632 = arith.cmpi slt, %select_n3A_3609, %select_n3A_3629 : vector<16x128xi32>
    %and3A_3633 = arith.andi %eq3A_3631, %lt3A_3632 : vector<16x128xi1>
    %or3A_3634 = arith.ori %gt3A_3630, %and3A_3633 : vector<16x128xi1>
    %eq3A_3635 = arith.xori %eq3A_3615, %eq3A_3477 : vector<16x128xi1>
    %eq3A_3636 = arith.constant dense<true> : vector<16x128xi1>
    %eq3A_3637 = arith.xori %eq3A_3635, %eq3A_3636 : vector<16x128xi1>
    %eq3A_3638 = arith.xori %or3A_3634, %eq3A_3637 : vector<16x128xi1>
    %eq3A_3639 = arith.constant dense<true> : vector<16x128xi1>
    %eq3A_3640 = arith.xori %eq3A_3638, %eq3A_3639 : vector<16x128xi1>
    %select_n3A_3641 = arith.select %eq3A_3640, %select_n3A_3608, %select_n3A_3622 : vector<16x128xi1>, vector<16x128xf32>
    %select_n3A_3642 = arith.select %eq3A_3640, %select_n3A_3609, %select_n3A_3629 : vector<16x128xi1>, vector<16x128xi32>
    %and3A_3643 = arith.constant 32 : i32
    %and3A_3644 = vector.broadcast %and3A_3643 : i32 to vector<16x128xi32>
    %and3A_3645 = arith.andi %iota3A_3467, %and3A_3644 : vector<16x128xi32>
    %eq3A_3646 = arith.constant 0 : i32
    %eq3A_3647 = vector.broadcast %eq3A_3646 : i32 to vector<16x128xi32>
    %eq3A_3648 = arith.cmpi eq, %and3A_3645, %eq3A_3647 : vector<16x128xi32>
    %slice3A_3649 = vector.extract_strided_slice %select_n3A_3641 {offsets = [0, 32], sizes = [16, 96], strides = [1, 1]} : vector<16x128xf32> to vector<16x96xf32>
    %slice3A_3650 = vector.extract_strided_slice %select_n3A_3641 {offsets = [0, 0], sizes = [16, 32], strides = [1, 1]} : vector<16x128xf32> to vector<16x32xf32>
    %concatenate3A_3651 = tpu.concatenate %slice3A_3649, %slice3A_3650 in 1 : vector<16x96xf32>, vector<16x32xf32> -> vector<16x128xf32>
    %slice3A_3652 = vector.extract_strided_slice %select_n3A_3641 {offsets = [0, 96], sizes = [16, 32], strides = [1, 1]} : vector<16x128xf32> to vector<16x32xf32>
    %slice3A_3653 = vector.extract_strided_slice %select_n3A_3641 {offsets = [0, 0], sizes = [16, 96], strides = [1, 1]} : vector<16x128xf32> to vector<16x96xf32>
    %concatenate3A_3654 = tpu.concatenate %slice3A_3652, %slice3A_3653 in 1 : vector<16x32xf32>, vector<16x96xf32> -> vector<16x128xf32>
    %select_n3A_3655 = arith.select %eq3A_3648, %concatenate3A_3651, %concatenate3A_3654 : vector<16x128xi1>, vector<16x128xf32>
    %slice3A_3656 = vector.extract_strided_slice %select_n3A_3642 {offsets = [0, 32], sizes = [16, 96], strides = [1, 1]} : vector<16x128xi32> to vector<16x96xi32>
    %slice3A_3657 = vector.extract_strided_slice %select_n3A_3642 {offsets = [0, 0], sizes = [16, 32], strides = [1, 1]} : vector<16x128xi32> to vector<16x32xi32>
    %concatenate3A_3658 = tpu.concatenate %slice3A_3656, %slice3A_3657 in 1 : vector<16x96xi32>, vector<16x32xi32> -> vector<16x128xi32>
    %slice3A_3659 = vector.extract_strided_slice %select_n3A_3642 {offsets = [0, 96], sizes = [16, 32], strides = [1, 1]} : vector<16x128xi32> to vector<16x32xi32>
    %slice3A_3660 = vector.extract_strided_slice %select_n3A_3642 {offsets = [0, 0], sizes = [16, 96], strides = [1, 1]} : vector<16x128xi32> to vector<16x96xi32>
    %concatenate3A_3661 = tpu.concatenate %slice3A_3659, %slice3A_3660 in 1 : vector<16x32xi32>, vector<16x96xi32> -> vector<16x128xi32>
    %select_n3A_3662 = arith.select %eq3A_3648, %concatenate3A_3658, %concatenate3A_3661 : vector<16x128xi1>, vector<16x128xi32>
    %gt3A_3663 = arith.cmpf ogt, %select_n3A_3641, %select_n3A_3655 : vector<16x128xf32>
    %eq3A_3664 = arith.cmpf oeq, %select_n3A_3641, %select_n3A_3655 : vector<16x128xf32>
    %lt3A_3665 = arith.cmpi slt, %select_n3A_3642, %select_n3A_3662 : vector<16x128xi32>
    %and3A_3666 = arith.andi %eq3A_3664, %lt3A_3665 : vector<16x128xi1>
    %or3A_3667 = arith.ori %gt3A_3663, %and3A_3666 : vector<16x128xi1>
    %eq3A_3668 = arith.xori %eq3A_3648, %eq3A_3477 : vector<16x128xi1>
    %eq3A_3669 = arith.constant dense<true> : vector<16x128xi1>
    %eq3A_3670 = arith.xori %eq3A_3668, %eq3A_3669 : vector<16x128xi1>
    %eq3A_3671 = arith.xori %or3A_3667, %eq3A_3670 : vector<16x128xi1>
    %eq3A_3672 = arith.constant dense<true> : vector<16x128xi1>
    %eq3A_3673 = arith.xori %eq3A_3671, %eq3A_3672 : vector<16x128xi1>
    %select_n3A_3674 = arith.select %eq3A_3673, %select_n3A_3641, %select_n3A_3655 : vector<16x128xi1>, vector<16x128xf32>
    %select_n3A_3675 = arith.select %eq3A_3673, %select_n3A_3642, %select_n3A_3662 : vector<16x128xi1>, vector<16x128xi32>
    %and3A_3676 = arith.constant 16 : i32
    %and3A_3677 = vector.broadcast %and3A_3676 : i32 to vector<16x128xi32>
    %and3A_3678 = arith.andi %iota3A_3467, %and3A_3677 : vector<16x128xi32>
    %eq3A_3679 = arith.constant 0 : i32
    %eq3A_3680 = vector.broadcast %eq3A_3679 : i32 to vector<16x128xi32>
    %eq3A_3681 = arith.cmpi eq, %and3A_3678, %eq3A_3680 : vector<16x128xi32>
    %slice3A_3682 = vector.extract_strided_slice %select_n3A_3674 {offsets = [0, 16], sizes = [16, 112], strides = [1, 1]} : vector<16x128xf32> to vector<16x112xf32>
    %slice3A_3683 = vector.extract_strided_slice %select_n3A_3674 {offsets = [0, 0], sizes = [16, 16], strides = [1, 1]} : vector<16x128xf32> to vector<16x16xf32>
    %concatenate3A_3684 = tpu.concatenate %slice3A_3682, %slice3A_3683 in 1 : vector<16x112xf32>, vector<16x16xf32> -> vector<16x128xf32>
    %slice3A_3685 = vector.extract_strided_slice %select_n3A_3674 {offsets = [0, 112], sizes = [16, 16], strides = [1, 1]} : vector<16x128xf32> to vector<16x16xf32>
    %slice3A_3686 = vector.extract_strided_slice %select_n3A_3674 {offsets = [0, 0], sizes = [16, 112], strides = [1, 1]} : vector<16x128xf32> to vector<16x112xf32>
    %concatenate3A_3687 = tpu.concatenate %slice3A_3685, %slice3A_3686 in 1 : vector<16x16xf32>, vector<16x112xf32> -> vector<16x128xf32>
    %select_n3A_3688 = arith.select %eq3A_3681, %concatenate3A_3684, %concatenate3A_3687 : vector<16x128xi1>, vector<16x128xf32>
    %slice3A_3689 = vector.extract_strided_slice %select_n3A_3675 {offsets = [0, 16], sizes = [16, 112], strides = [1, 1]} : vector<16x128xi32> to vector<16x112xi32>
    %slice3A_3690 = vector.extract_strided_slice %select_n3A_3675 {offsets = [0, 0], sizes = [16, 16], strides = [1, 1]} : vector<16x128xi32> to vector<16x16xi32>
    %concatenate3A_3691 = tpu.concatenate %slice3A_3689, %slice3A_3690 in 1 : vector<16x112xi32>, vector<16x16xi32> -> vector<16x128xi32>
    %slice3A_3692 = vector.extract_strided_slice %select_n3A_3675 {offsets = [0, 112], sizes = [16, 16], strides = [1, 1]} : vector<16x128xi32> to vector<16x16xi32>
    %slice3A_3693 = vector.extract_strided_slice %select_n3A_3675 {offsets = [0, 0], sizes = [16, 112], strides = [1, 1]} : vector<16x128xi32> to vector<16x112xi32>
    %concatenate3A_3694 = tpu.concatenate %slice3A_3692, %slice3A_3693 in 1 : vector<16x16xi32>, vector<16x112xi32> -> vector<16x128xi32>
    %select_n3A_3695 = arith.select %eq3A_3681, %concatenate3A_3691, %concatenate3A_3694 : vector<16x128xi1>, vector<16x128xi32>
    %gt3A_3696 = arith.cmpf ogt, %select_n3A_3674, %select_n3A_3688 : vector<16x128xf32>
    %eq3A_3697 = arith.cmpf oeq, %select_n3A_3674, %select_n3A_3688 : vector<16x128xf32>
    %lt3A_3698 = arith.cmpi slt, %select_n3A_3675, %select_n3A_3695 : vector<16x128xi32>
    %and3A_3699 = arith.andi %eq3A_3697, %lt3A_3698 : vector<16x128xi1>
    %or3A_3700 = arith.ori %gt3A_3696, %and3A_3699 : vector<16x128xi1>
    %eq3A_3701 = arith.xori %eq3A_3681, %eq3A_3477 : vector<16x128xi1>
    %eq3A_3702 = arith.constant dense<true> : vector<16x128xi1>
    %eq3A_3703 = arith.xori %eq3A_3701, %eq3A_3702 : vector<16x128xi1>
    %eq3A_3704 = arith.xori %or3A_3700, %eq3A_3703 : vector<16x128xi1>
    %eq3A_3705 = arith.constant dense<true> : vector<16x128xi1>
    %eq3A_3706 = arith.xori %eq3A_3704, %eq3A_3705 : vector<16x128xi1>
    %select_n3A_3707 = arith.select %eq3A_3706, %select_n3A_3674, %select_n3A_3688 : vector<16x128xi1>, vector<16x128xf32>
    %select_n3A_3708 = arith.select %eq3A_3706, %select_n3A_3675, %select_n3A_3695 : vector<16x128xi1>, vector<16x128xi32>
    %and3A_3709 = arith.constant 8 : i32
    %and3A_3710 = vector.broadcast %and3A_3709 : i32 to vector<16x128xi32>
    %and3A_3711 = arith.andi %iota3A_3467, %and3A_3710 : vector<16x128xi32>
    %eq3A_3712 = arith.constant 0 : i32
    %eq3A_3713 = vector.broadcast %eq3A_3712 : i32 to vector<16x128xi32>
    %eq3A_3714 = arith.cmpi eq, %and3A_3711, %eq3A_3713 : vector<16x128xi32>
    %slice3A_3715 = vector.extract_strided_slice %select_n3A_3707 {offsets = [0, 8], sizes = [16, 120], strides = [1, 1]} : vector<16x128xf32> to vector<16x120xf32>
    %slice3A_3716 = vector.extract_strided_slice %select_n3A_3707 {offsets = [0, 0], sizes = [16, 8], strides = [1, 1]} : vector<16x128xf32> to vector<16x8xf32>
    %concatenate3A_3717 = tpu.concatenate %slice3A_3715, %slice3A_3716 in 1 : vector<16x120xf32>, vector<16x8xf32> -> vector<16x128xf32>
    %slice3A_3718 = vector.extract_strided_slice %select_n3A_3707 {offsets = [0, 120], sizes = [16, 8], strides = [1, 1]} : vector<16x128xf32> to vector<16x8xf32>
    %slice3A_3719 = vector.extract_strided_slice %select_n3A_3707 {offsets = [0, 0], sizes = [16, 120], strides = [1, 1]} : vector<16x128xf32> to vector<16x120xf32>
    %concatenate3A_3720 = tpu.concatenate %slice3A_3718, %slice3A_3719 in 1 : vector<16x8xf32>, vector<16x120xf32> -> vector<16x128xf32>
    %select_n3A_3721 = arith.select %eq3A_3714, %concatenate3A_3717, %concatenate3A_3720 : vector<16x128xi1>, vector<16x128xf32>
    %slice3A_3722 = vector.extract_strided_slice %select_n3A_3708 {offsets = [0, 8], sizes = [16, 120], strides = [1, 1]} : vector<16x128xi32> to vector<16x120xi32>
    %slice3A_3723 = vector.extract_strided_slice %select_n3A_3708 {offsets = [0, 0], sizes = [16, 8], strides = [1, 1]} : vector<16x128xi32> to vector<16x8xi32>
    %concatenate3A_3724 = tpu.concatenate %slice3A_3722, %slice3A_3723 in 1 : vector<16x120xi32>, vector<16x8xi32> -> vector<16x128xi32>
    %slice3A_3725 = vector.extract_strided_slice %select_n3A_3708 {offsets = [0, 120], sizes = [16, 8], strides = [1, 1]} : vector<16x128xi32> to vector<16x8xi32>
    %slice3A_3726 = vector.extract_strided_slice %select_n3A_3708 {offsets = [0, 0], sizes = [16, 120], strides = [1, 1]} : vector<16x128xi32> to vector<16x120xi32>
    %concatenate3A_3727 = tpu.concatenate %slice3A_3725, %slice3A_3726 in 1 : vector<16x8xi32>, vector<16x120xi32> -> vector<16x128xi32>
    %select_n3A_3728 = arith.select %eq3A_3714, %concatenate3A_3724, %concatenate3A_3727 : vector<16x128xi1>, vector<16x128xi32>
    %gt3A_3729 = arith.cmpf ogt, %select_n3A_3707, %select_n3A_3721 : vector<16x128xf32>
    %eq3A_3730 = arith.cmpf oeq, %select_n3A_3707, %select_n3A_3721 : vector<16x128xf32>
    %lt3A_3731 = arith.cmpi slt, %select_n3A_3708, %select_n3A_3728 : vector<16x128xi32>
    %and3A_3732 = arith.andi %eq3A_3730, %lt3A_3731 : vector<16x128xi1>
    %or3A_3733 = arith.ori %gt3A_3729, %and3A_3732 : vector<16x128xi1>
    %eq3A_3734 = arith.xori %eq3A_3714, %eq3A_3477 : vector<16x128xi1>
    %eq3A_3735 = arith.constant dense<true> : vector<16x128xi1>
    %eq3A_3736 = arith.xori %eq3A_3734, %eq3A_3735 : vector<16x128xi1>
    %eq3A_3737 = arith.xori %or3A_3733, %eq3A_3736 : vector<16x128xi1>
    %eq3A_3738 = arith.constant dense<true> : vector<16x128xi1>
    %eq3A_3739 = arith.xori %eq3A_3737, %eq3A_3738 : vector<16x128xi1>
    %select_n3A_3740 = arith.select %eq3A_3739, %select_n3A_3707, %select_n3A_3721 : vector<16x128xi1>, vector<16x128xf32>
    %select_n3A_3741 = arith.select %eq3A_3739, %select_n3A_3708, %select_n3A_3728 : vector<16x128xi1>, vector<16x128xi32>
    %and3A_3742 = arith.constant 4 : i32
    %and3A_3743 = vector.broadcast %and3A_3742 : i32 to vector<16x128xi32>
    %and3A_3744 = arith.andi %iota3A_3467, %and3A_3743 : vector<16x128xi32>
    %eq3A_3745 = arith.constant 0 : i32
    %eq3A_3746 = vector.broadcast %eq3A_3745 : i32 to vector<16x128xi32>
    %eq3A_3747 = arith.cmpi eq, %and3A_3744, %eq3A_3746 : vector<16x128xi32>
    %slice3A_3748 = vector.extract_strided_slice %select_n3A_3740 {offsets = [0, 4], sizes = [16, 124], strides = [1, 1]} : vector<16x128xf32> to vector<16x124xf32>
    %slice3A_3749 = vector.extract_strided_slice %select_n3A_3740 {offsets = [0, 0], sizes = [16, 4], strides = [1, 1]} : vector<16x128xf32> to vector<16x4xf32>
    %concatenate3A_3750 = tpu.concatenate %slice3A_3748, %slice3A_3749 in 1 : vector<16x124xf32>, vector<16x4xf32> -> vector<16x128xf32>
    %slice3A_3751 = vector.extract_strided_slice %select_n3A_3740 {offsets = [0, 124], sizes = [16, 4], strides = [1, 1]} : vector<16x128xf32> to vector<16x4xf32>
    %slice3A_3752 = vector.extract_strided_slice %select_n3A_3740 {offsets = [0, 0], sizes = [16, 124], strides = [1, 1]} : vector<16x128xf32> to vector<16x124xf32>
    %concatenate3A_3753 = tpu.concatenate %slice3A_3751, %slice3A_3752 in 1 : vector<16x4xf32>, vector<16x124xf32> -> vector<16x128xf32>
    %select_n3A_3754 = arith.select %eq3A_3747, %concatenate3A_3750, %concatenate3A_3753 : vector<16x128xi1>, vector<16x128xf32>
    %slice3A_3755 = vector.extract_strided_slice %select_n3A_3741 {offsets = [0, 4], sizes = [16, 124], strides = [1, 1]} : vector<16x128xi32> to vector<16x124xi32>
    %slice3A_3756 = vector.extract_strided_slice %select_n3A_3741 {offsets = [0, 0], sizes = [16, 4], strides = [1, 1]} : vector<16x128xi32> to vector<16x4xi32>
    %concatenate3A_3757 = tpu.concatenate %slice3A_3755, %slice3A_3756 in 1 : vector<16x124xi32>, vector<16x4xi32> -> vector<16x128xi32>
    %slice3A_3758 = vector.extract_strided_slice %select_n3A_3741 {offsets = [0, 124], sizes = [16, 4], strides = [1, 1]} : vector<16x128xi32> to vector<16x4xi32>
    %slice3A_3759 = vector.extract_strided_slice %select_n3A_3741 {offsets = [0, 0], sizes = [16, 124], strides = [1, 1]} : vector<16x128xi32> to vector<16x124xi32>
    %concatenate3A_3760 = tpu.concatenate %slice3A_3758, %slice3A_3759 in 1 : vector<16x4xi32>, vector<16x124xi32> -> vector<16x128xi32>
    %select_n3A_3761 = arith.select %eq3A_3747, %concatenate3A_3757, %concatenate3A_3760 : vector<16x128xi1>, vector<16x128xi32>
    %gt3A_3762 = arith.cmpf ogt, %select_n3A_3740, %select_n3A_3754 : vector<16x128xf32>
    %eq3A_3763 = arith.cmpf oeq, %select_n3A_3740, %select_n3A_3754 : vector<16x128xf32>
    %lt3A_3764 = arith.cmpi slt, %select_n3A_3741, %select_n3A_3761 : vector<16x128xi32>
    %and3A_3765 = arith.andi %eq3A_3763, %lt3A_3764 : vector<16x128xi1>
    %or3A_3766 = arith.ori %gt3A_3762, %and3A_3765 : vector<16x128xi1>
    %eq3A_3767 = arith.xori %eq3A_3747, %eq3A_3477 : vector<16x128xi1>
    %eq3A_3768 = arith.constant dense<true> : vector<16x128xi1>
    %eq3A_3769 = arith.xori %eq3A_3767, %eq3A_3768 : vector<16x128xi1>
    %eq3A_3770 = arith.xori %or3A_3766, %eq3A_3769 : vector<16x128xi1>
    %eq3A_3771 = arith.constant dense<true> : vector<16x128xi1>
    %eq3A_3772 = arith.xori %eq3A_3770, %eq3A_3771 : vector<16x128xi1>
    %select_n3A_3773 = arith.select %eq3A_3772, %select_n3A_3740, %select_n3A_3754 : vector<16x128xi1>, vector<16x128xf32>
    %select_n3A_3774 = arith.select %eq3A_3772, %select_n3A_3741, %select_n3A_3761 : vector<16x128xi1>, vector<16x128xi32>
    %and3A_3775 = arith.constant 2 : i32
    %and3A_3776 = vector.broadcast %and3A_3775 : i32 to vector<16x128xi32>
    %and3A_3777 = arith.andi %iota3A_3467, %and3A_3776 : vector<16x128xi32>
    %eq3A_3778 = arith.constant 0 : i32
    %eq3A_3779 = vector.broadcast %eq3A_3778 : i32 to vector<16x128xi32>
    %eq3A_3780 = arith.cmpi eq, %and3A_3777, %eq3A_3779 : vector<16x128xi32>
    %slice3A_3781 = vector.extract_strided_slice %select_n3A_3773 {offsets = [0, 2], sizes = [16, 126], strides = [1, 1]} : vector<16x128xf32> to vector<16x126xf32>
    %slice3A_3782 = vector.extract_strided_slice %select_n3A_3773 {offsets = [0, 0], sizes = [16, 2], strides = [1, 1]} : vector<16x128xf32> to vector<16x2xf32>
    %concatenate3A_3783 = tpu.concatenate %slice3A_3781, %slice3A_3782 in 1 : vector<16x126xf32>, vector<16x2xf32> -> vector<16x128xf32>
    %slice3A_3784 = vector.extract_strided_slice %select_n3A_3773 {offsets = [0, 126], sizes = [16, 2], strides = [1, 1]} : vector<16x128xf32> to vector<16x2xf32>
    %slice3A_3785 = vector.extract_strided_slice %select_n3A_3773 {offsets = [0, 0], sizes = [16, 126], strides = [1, 1]} : vector<16x128xf32> to vector<16x126xf32>
    %concatenate3A_3786 = tpu.concatenate %slice3A_3784, %slice3A_3785 in 1 : vector<16x2xf32>, vector<16x126xf32> -> vector<16x128xf32>
    %select_n3A_3787 = arith.select %eq3A_3780, %concatenate3A_3783, %concatenate3A_3786 : vector<16x128xi1>, vector<16x128xf32>
    %slice3A_3788 = vector.extract_strided_slice %select_n3A_3774 {offsets = [0, 2], sizes = [16, 126], strides = [1, 1]} : vector<16x128xi32> to vector<16x126xi32>
    %slice3A_3789 = vector.extract_strided_slice %select_n3A_3774 {offsets = [0, 0], sizes = [16, 2], strides = [1, 1]} : vector<16x128xi32> to vector<16x2xi32>
    %concatenate3A_3790 = tpu.concatenate %slice3A_3788, %slice3A_3789 in 1 : vector<16x126xi32>, vector<16x2xi32> -> vector<16x128xi32>
    %slice3A_3791 = vector.extract_strided_slice %select_n3A_3774 {offsets = [0, 126], sizes = [16, 2], strides = [1, 1]} : vector<16x128xi32> to vector<16x2xi32>
    %slice3A_3792 = vector.extract_strided_slice %select_n3A_3774 {offsets = [0, 0], sizes = [16, 126], strides = [1, 1]} : vector<16x128xi32> to vector<16x126xi32>
    %concatenate3A_3793 = tpu.concatenate %slice3A_3791, %slice3A_3792 in 1 : vector<16x2xi32>, vector<16x126xi32> -> vector<16x128xi32>
    %select_n3A_3794 = arith.select %eq3A_3780, %concatenate3A_3790, %concatenate3A_3793 : vector<16x128xi1>, vector<16x128xi32>
    %gt3A_3795 = arith.cmpf ogt, %select_n3A_3773, %select_n3A_3787 : vector<16x128xf32>
    %eq3A_3796 = arith.cmpf oeq, %select_n3A_3773, %select_n3A_3787 : vector<16x128xf32>
    %lt3A_3797 = arith.cmpi slt, %select_n3A_3774, %select_n3A_3794 : vector<16x128xi32>
    %and3A_3798 = arith.andi %eq3A_3796, %lt3A_3797 : vector<16x128xi1>
    %or3A_3799 = arith.ori %gt3A_3795, %and3A_3798 : vector<16x128xi1>
    %eq3A_3800 = arith.xori %eq3A_3780, %eq3A_3477 : vector<16x128xi1>
    %eq3A_3801 = arith.constant dense<true> : vector<16x128xi1>
    %eq3A_3802 = arith.xori %eq3A_3800, %eq3A_3801 : vector<16x128xi1>
    %eq3A_3803 = arith.xori %or3A_3799, %eq3A_3802 : vector<16x128xi1>
    %eq3A_3804 = arith.constant dense<true> : vector<16x128xi1>
    %eq3A_3805 = arith.xori %eq3A_3803, %eq3A_3804 : vector<16x128xi1>
    %select_n3A_3806 = arith.select %eq3A_3805, %select_n3A_3773, %select_n3A_3787 : vector<16x128xi1>, vector<16x128xf32>
    %select_n3A_3807 = arith.select %eq3A_3805, %select_n3A_3774, %select_n3A_3794 : vector<16x128xi1>, vector<16x128xi32>
    %and3A_3808 = arith.constant 1 : i32
    %and3A_3809 = vector.broadcast %and3A_3808 : i32 to vector<16x128xi32>
    %and3A_3810 = arith.andi %iota3A_3467, %and3A_3809 : vector<16x128xi32>
    %eq3A_3811 = arith.constant 0 : i32
    %eq3A_3812 = vector.broadcast %eq3A_3811 : i32 to vector<16x128xi32>
    %eq3A_3813 = arith.cmpi eq, %and3A_3810, %eq3A_3812 : vector<16x128xi32>
    %slice3A_3814 = vector.extract_strided_slice %select_n3A_3806 {offsets = [0, 1], sizes = [16, 127], strides = [1, 1]} : vector<16x128xf32> to vector<16x127xf32>
    %slice3A_3815 = vector.extract_strided_slice %select_n3A_3806 {offsets = [0, 0], sizes = [16, 1], strides = [1, 1]} : vector<16x128xf32> to vector<16x1xf32>
    %concatenate3A_3816 = tpu.concatenate %slice3A_3814, %slice3A_3815 in 1 : vector<16x127xf32>, vector<16x1xf32> -> vector<16x128xf32>
    %slice3A_3817 = vector.extract_strided_slice %select_n3A_3806 {offsets = [0, 127], sizes = [16, 1], strides = [1, 1]} : vector<16x128xf32> to vector<16x1xf32>
    %slice3A_3818 = vector.extract_strided_slice %select_n3A_3806 {offsets = [0, 0], sizes = [16, 127], strides = [1, 1]} : vector<16x128xf32> to vector<16x127xf32>
    %concatenate3A_3819 = tpu.concatenate %slice3A_3817, %slice3A_3818 in 1 : vector<16x1xf32>, vector<16x127xf32> -> vector<16x128xf32>
    %select_n3A_3820 = arith.select %eq3A_3813, %concatenate3A_3816, %concatenate3A_3819 : vector<16x128xi1>, vector<16x128xf32>
    %slice3A_3821 = vector.extract_strided_slice %select_n3A_3807 {offsets = [0, 1], sizes = [16, 127], strides = [1, 1]} : vector<16x128xi32> to vector<16x127xi32>
    %slice3A_3822 = vector.extract_strided_slice %select_n3A_3807 {offsets = [0, 0], sizes = [16, 1], strides = [1, 1]} : vector<16x128xi32> to vector<16x1xi32>
    %concatenate3A_3823 = tpu.concatenate %slice3A_3821, %slice3A_3822 in 1 : vector<16x127xi32>, vector<16x1xi32> -> vector<16x128xi32>
    %slice3A_3824 = vector.extract_strided_slice %select_n3A_3807 {offsets = [0, 127], sizes = [16, 1], strides = [1, 1]} : vector<16x128xi32> to vector<16x1xi32>
    %slice3A_3825 = vector.extract_strided_slice %select_n3A_3807 {offsets = [0, 0], sizes = [16, 127], strides = [1, 1]} : vector<16x128xi32> to vector<16x127xi32>
    %concatenate3A_3826 = tpu.concatenate %slice3A_3824, %slice3A_3825 in 1 : vector<16x1xi32>, vector<16x127xi32> -> vector<16x128xi32>
    %select_n3A_3827 = arith.select %eq3A_3813, %concatenate3A_3823, %concatenate3A_3826 : vector<16x128xi1>, vector<16x128xi32>
    %gt3A_3828 = arith.cmpf ogt, %select_n3A_3806, %select_n3A_3820 : vector<16x128xf32>
    %eq3A_3829 = arith.cmpf oeq, %select_n3A_3806, %select_n3A_3820 : vector<16x128xf32>
    %lt3A_3830 = arith.cmpi slt, %select_n3A_3807, %select_n3A_3827 : vector<16x128xi32>
    %and3A_3831 = arith.andi %eq3A_3829, %lt3A_3830 : vector<16x128xi1>
    %or3A_3832 = arith.ori %gt3A_3828, %and3A_3831 : vector<16x128xi1>
    %eq3A_3833 = arith.xori %eq3A_3813, %eq3A_3477 : vector<16x128xi1>
    %eq3A_3834 = arith.constant dense<true> : vector<16x128xi1>
    %eq3A_3835 = arith.xori %eq3A_3833, %eq3A_3834 : vector<16x128xi1>
    %eq3A_3836 = arith.xori %or3A_3832, %eq3A_3835 : vector<16x128xi1>
    %eq3A_3837 = arith.constant dense<true> : vector<16x128xi1>
    %eq3A_3838 = arith.xori %eq3A_3836, %eq3A_3837 : vector<16x128xi1>
    %select_n3A_3839 = arith.select %eq3A_3838, %select_n3A_3806, %select_n3A_3820 : vector<16x128xi1>, vector<16x128xf32>
    %select_n3A_3840 = arith.select %eq3A_3838, %select_n3A_3807, %select_n3A_3827 : vector<16x128xi1>, vector<16x128xi32>
    %swap3A = arith.constant 0 : index
    %swap3A_3841 = arith.constant 0 : index
    %swap3A_3842 = vector.load %arg1[%swap3A, %swap3A_3841] : memref<16x128xf32, #tpu.memory_space<vmem>>, vector<16x128xf32>
    tpu.vector_store %arg1[%swap3A, %swap3A_3841], %select_n3A_3839 {strides = array<i32>} : memref<16x128xf32, #tpu.memory_space<vmem>>, vector<16x128xf32>,
    %swap3A_3843 = arith.constant 0 : index
    %swap3A_3844 = arith.constant 0 : index
    %swap3A_3845 = vector.load %arg2[%swap3A_3843, %swap3A_3844] : memref<16x128xi32, #tpu.memory_space<vmem>>, vector<16x128xi32>
    tpu.vector_store %arg2[%swap3A_3843, %swap3A_3844], %select_n3A_3840 {strides = array<i32>} : memref<16x128xi32, #tpu.memory_space<vmem>>, vector<16x128xi32>,
    return
  }
}

module attributes {stable_mosaic.version = 14 : i64} {
  func.func @_nms_body(%arg0: memref<2048x4xf32, #tpu.memory_space<vmem>>, %arg1: memref<4x2048xf32, #tpu.memory_space<vmem>>, %arg2: memref<1x2048xf32, #tpu.memory_space<vmem>>, %arg3: memref<5x2048xf32, #tpu.memory_space<vmem>>) attributes {dimension_semantics = [], scalar_prefetch = 0 : i64, scratch_operands = 0 : i64, tpu.core_type = #tpu.core_type<tc>} {
    %get3A = arith.constant 0 : index
    %get3A_0 = arith.constant 0 : index
    %get3A_1 = vector.load %arg0[%get3A, %get3A_0] : memref<2048x4xf32, #tpu.memory_space<vmem>>, vector<2048x1xf32>
    %get3A_2 = arith.constant 0 : index
    %get3A_3 = arith.constant 1 : index
    %get3A_4 = vector.load %arg0[%get3A_2, %get3A_3] : memref<2048x4xf32, #tpu.memory_space<vmem>>, vector<2048x1xf32>
    %get3A_5 = arith.constant 0 : index
    %get3A_6 = arith.constant 2 : index
    %get3A_7 = vector.load %arg0[%get3A_5, %get3A_6] : memref<2048x4xf32, #tpu.memory_space<vmem>>, vector<2048x1xf32>
    %get3A_8 = arith.constant 0 : index
    %get3A_9 = arith.constant 3 : index
    %get3A_10 = vector.load %arg0[%get3A_8, %get3A_9] : memref<2048x4xf32, #tpu.memory_space<vmem>>, vector<2048x1xf32>
    %get3A_11 = arith.constant 0 : index
    %get3A_12 = arith.constant 0 : index
    %get3A_13 = vector.load %arg1[%get3A_11, %get3A_12] : memref<4x2048xf32, #tpu.memory_space<vmem>>, vector<1x2048xf32>
    %get3A_14 = arith.constant 1 : index
    %get3A_15 = arith.constant 0 : index
    %get3A_16 = vector.load %arg1[%get3A_14, %get3A_15] : memref<4x2048xf32, #tpu.memory_space<vmem>>, vector<1x2048xf32>
    %get3A_17 = arith.constant 2 : index
    %get3A_18 = arith.constant 0 : index
    %get3A_19 = vector.load %arg1[%get3A_17, %get3A_18] : memref<4x2048xf32, #tpu.memory_space<vmem>>, vector<1x2048xf32>
    %get3A_20 = arith.constant 3 : index
    %get3A_21 = arith.constant 0 : index
    %get3A_22 = vector.load %arg1[%get3A_20, %get3A_21] : memref<4x2048xf32, #tpu.memory_space<vmem>>, vector<1x2048xf32>
    %max3A = vector.broadcast %get3A_1 : vector<2048x1xf32> to vector<2048x2048xf32>
    %max3A_23 = vector.broadcast %get3A_13 : vector<1x2048xf32> to vector<2048x2048xf32>
    %max3A_24 = arith.maximumf %max3A, %max3A_23 : vector<2048x2048xf32>
    %max3A_25 = vector.broadcast %get3A_4 : vector<2048x1xf32> to vector<2048x2048xf32>
    %max3A_26 = vector.broadcast %get3A_16 : vector<1x2048xf32> to vector<2048x2048xf32>
    %max3A_27 = arith.maximumf %max3A_25, %max3A_26 : vector<2048x2048xf32>
    %min3A = vector.broadcast %get3A_7 : vector<2048x1xf32> to vector<2048x2048xf32>
    %min3A_28 = vector.broadcast %get3A_19 : vector<1x2048xf32> to vector<2048x2048xf32>
    %min3A_29 = arith.minimumf %min3A, %min3A_28 : vector<2048x2048xf32>
    %min3A_30 = vector.broadcast %get3A_10 : vector<2048x1xf32> to vector<2048x2048xf32>
    %min3A_31 = vector.broadcast %get3A_22 : vector<1x2048xf32> to vector<2048x2048xf32>
    %min3A_32 = arith.minimumf %min3A_30, %min3A_31 : vector<2048x2048xf32>
    %sub3A = arith.subf %min3A_29, %max3A_24 : vector<2048x2048xf32>
    %jit3A = arith.constant 0.000000e+00 : f32
    %max3A_33 = vector.broadcast %jit3A : f32 to vector<2048x2048xf32>
    %max3A_34 = arith.maximumf %max3A_33, %sub3A : vector<2048x2048xf32>
    %sub3A_35 = arith.subf %min3A_32, %max3A_27 : vector<2048x2048xf32>
    %jit3A_36 = arith.constant 0.000000e+00 : f32
    %max3A_37 = vector.broadcast %jit3A_36 : f32 to vector<2048x2048xf32>
    %max3A_38 = arith.maximumf %max3A_37, %sub3A_35 : vector<2048x2048xf32>
    %mul3A = arith.mulf %max3A_34, %max3A_38 : vector<2048x2048xf32>
    %sub3A_39 = arith.subf %get3A_7, %get3A_1 : vector<2048x1xf32>
    %jit3A_40 = arith.constant 0.000000e+00 : f32
    %max3A_41 = vector.broadcast %jit3A_40 : f32 to vector<2048x1xf32>
    %max3A_42 = arith.maximumf %max3A_41, %sub3A_39 : vector<2048x1xf32>
    %sub3A_43 = arith.subf %get3A_10, %get3A_4 : vector<2048x1xf32>
    %jit3A_44 = arith.constant 0.000000e+00 : f32
    %max3A_45 = vector.broadcast %jit3A_44 : f32 to vector<2048x1xf32>
    %max3A_46 = arith.maximumf %max3A_45, %sub3A_43 : vector<2048x1xf32>
    %mul3A_47 = arith.mulf %max3A_42, %max3A_46 : vector<2048x1xf32>
    %sub3A_48 = arith.subf %get3A_19, %get3A_13 : vector<1x2048xf32>
    %jit3A_49 = arith.constant 0.000000e+00 : f32
    %max3A_50 = vector.broadcast %jit3A_49 : f32 to vector<1x2048xf32>
    %max3A_51 = arith.maximumf %max3A_50, %sub3A_48 : vector<1x2048xf32>
    %sub3A_52 = arith.subf %get3A_22, %get3A_16 : vector<1x2048xf32>
    %jit3A_53 = arith.constant 0.000000e+00 : f32
    %max3A_54 = vector.broadcast %jit3A_53 : f32 to vector<1x2048xf32>
    %max3A_55 = arith.maximumf %max3A_54, %sub3A_52 : vector<1x2048xf32>
    %mul3A_56 = arith.mulf %max3A_51, %max3A_55 : vector<1x2048xf32>
    %add3A = vector.broadcast %mul3A_47 : vector<2048x1xf32> to vector<2048x2048xf32>
    %add3A_57 = vector.broadcast %mul3A_56 : vector<1x2048xf32> to vector<2048x2048xf32>
    %add3A_58 = arith.addf %add3A, %add3A_57 : vector<2048x2048xf32>
    %sub3A_59 = arith.subf %add3A_58, %mul3A : vector<2048x2048xf32>
    %max3A_60 = arith.constant 9.99999993E-9 : f32
    %max3A_61 = vector.broadcast %max3A_60 : f32 to vector<2048x2048xf32>
    %max3A_62 = arith.maximumf %sub3A_59, %max3A_61 : vector<2048x2048xf32>
    %div3A = arith.divf %mul3A, %max3A_62 : vector<2048x2048xf32>
    %iota3A = tpu.iota {dimensions = array<i32: 0>} : vector<2048x2048xi32>
    %iota3A_63 = tpu.iota {dimensions = array<i32: 1>} : vector<2048x2048xi32>
    %gt3A = arith.constant 5.000000e-01 : f32
    %gt3A_64 = vector.broadcast %gt3A : f32 to vector<2048x2048xf32>
    %gt3A_65 = arith.cmpf ogt, %div3A, %gt3A_64 : vector<2048x2048xf32>
    %lt3A = arith.cmpi slt, %iota3A, %iota3A_63 : vector<2048x2048xi32>
    %and3A = arith.andi %gt3A_65, %lt3A : vector<2048x2048xi1>
    %jit3A_66 = arith.constant 1.000000e+00 : f32
    %jit3A_67 = arith.constant 0.000000e+00 : f32
    %broadcast_in_dim3A = vector.broadcast %jit3A_66 : f32 to vector<2048x2048xf32>
    %broadcast_in_dim3A_68 = vector.broadcast %jit3A_67 : f32 to vector<2048x2048xf32>
    %select_n3A = arith.select %and3A, %broadcast_in_dim3A, %broadcast_in_dim3A_68 : vector<2048x2048xi1>, vector<2048x2048xf32>
    %broadcast_in_dim3A_69 = arith.constant 1.000000e+00 : f32
    %broadcast_in_dim3A_70 = vector.broadcast %broadcast_in_dim3A_69 : f32 to vector<8x2048xf32>
    %while3A = arith.constant true
    %while3A_71:2 = scf.while (%while3A_86 = %broadcast_in_dim3A_70, %while3A_87 = %while3A) : (vector<8x2048xf32>, i1) -> (vector<8x2048xf32>, i1) {
      scf.condition(%while3A_87) %while3A_86, %while3A_87 : vector<8x2048xf32>, i1
    } do {
    ^bb0(%while3A_86: vector<8x2048xf32>, %while3A_87: i1):
      %dot_general3A = arith.constant dense<0.000000e+00> : vector<8x2048xf32>
      %dot_general3A_88 = tpu.matmul %while3A_86, %select_n3A, %dot_general3A {dimension_numbers = #tpu.dot_dimension_numbers<[1], [0], [0], [1], [0, 0, 1, 1], [], []>, transpose_lhs_hint = false} : vector<8x2048xf32>, vector<2048x2048xf32>, vector<8x2048xf32> -> vector<8x2048xf32>
      %gt3A_89 = arith.constant 5.000000e-01 : f32
      %gt3A_90 = vector.broadcast %gt3A_89 : f32 to vector<8x2048xf32>
      %gt3A_91 = arith.cmpf ogt, %dot_general3A_88, %gt3A_90 : vector<8x2048xf32>
      %jit3A_92 = arith.constant 0.000000e+00 : f32
      %jit3A_93 = arith.constant 1.000000e+00 : f32
      %broadcast_in_dim3A_94 = vector.broadcast %jit3A_92 : f32 to vector<8x2048xf32>
      %broadcast_in_dim3A_95 = vector.broadcast %jit3A_93 : f32 to vector<8x2048xf32>
      %select_n3A_96 = arith.select %gt3A_91, %broadcast_in_dim3A_94, %broadcast_in_dim3A_95 : vector<8x2048xi1>, vector<8x2048xf32>
      %ne3A = arith.cmpf one, %select_n3A_96, %while3A_86 : vector<8x2048xf32>
      %reduce_or3A = arith.constant 1.000000e+00 : f32
      %reduce_or3A_97 = arith.constant 0.000000e+00 : f32
      %reduce_or3A_98 = vector.broadcast %reduce_or3A : f32 to vector<8x2048xf32>
      %reduce_or3A_99 = vector.broadcast %reduce_or3A_97 : f32 to vector<8x2048xf32>
      %reduce_or3A_100 = arith.select %ne3A, %reduce_or3A_98, %reduce_or3A_99 : vector<8x2048xi1>, vector<8x2048xf32>
      %reduce_or3A_101 = vector.shape_cast %reduce_or3A_100 : vector<8x2048xf32> to vector<1x8x2048xf32>
      %reduce_or3A_102 = arith.constant dense<0xFF800000> : vector<1xf32>
      %reduce_or3A_103 = vector.multi_reduction <maximumf>, %reduce_or3A_101, %reduce_or3A_102 [1, 2] : vector<1x8x2048xf32> to vector<1xf32>
      %reduce_or3A_104 = vector.shape_cast %reduce_or3A_103 : vector<1xf32> to vector<1x1x1xf32>
      %reduce_or3A_105 = vector.extract %reduce_or3A_104[0, 0, 0] : f32 from vector<1x1x1xf32>
      %reduce_or3A_106 = arith.constant 0.000000e+00 : f32
      %reduce_or3A_107 = arith.cmpf ogt, %reduce_or3A_105, %reduce_or3A_106 : f32
      scf.yield %select_n3A_96, %reduce_or3A_107 : vector<8x2048xf32>, i1
    }
    %slice3A = vector.extract_strided_slice %while3A_71#0 {offsets = [0, 0], sizes = [1, 2048], strides = [1, 1]} : vector<8x2048xf32> to vector<1x2048xf32>
    %get3A_72 = arith.constant 0 : index
    %get3A_73 = arith.constant 0 : index
    %get3A_74 = vector.load %arg1[%get3A_72, %get3A_73] : memref<4x2048xf32, #tpu.memory_space<vmem>>, vector<4x2048xf32>
    %mul3A_75 = vector.broadcast %slice3A : vector<1x2048xf32> to vector<4x2048xf32>
    %mul3A_76 = arith.mulf %get3A_74, %mul3A_75 : vector<4x2048xf32>
    %swap3A = arith.constant 0 : index
    %swap3A_77 = arith.constant 0 : index
    %swap3A_78 = vector.load %arg3[%swap3A, %swap3A_77] : memref<5x2048xf32, #tpu.memory_space<vmem>>, vector<4x2048xf32>
    tpu.vector_store %arg3[%swap3A, %swap3A_77], %mul3A_76 {strides = array<i32>} : memref<5x2048xf32, #tpu.memory_space<vmem>>, vector<4x2048xf32>,
    %get3A_79 = arith.constant 0 : index
    %get3A_80 = arith.constant 0 : index
    %get3A_81 = vector.load %arg2[%get3A_79, %get3A_80] : memref<1x2048xf32, #tpu.memory_space<vmem>>, vector<1x2048xf32>
    %mul3A_82 = arith.mulf %get3A_81, %slice3A : vector<1x2048xf32>
    %swap3A_83 = arith.constant 4 : index
    %swap3A_84 = arith.constant 0 : index
    %swap3A_85 = vector.load %arg3[%swap3A_83, %swap3A_84] : memref<5x2048xf32, #tpu.memory_space<vmem>>, vector<1x2048xf32>
    tpu.vector_store %arg3[%swap3A_83, %swap3A_84], %mul3A_82 {strides = array<i32>} : memref<5x2048xf32, #tpu.memory_space<vmem>>, vector<1x2048xf32>,
    return
  }
}

</mosaic_0001>

<sc_bundles>
// kernel: kernel.5.cloned.1.call-start
scs
__scs_entry_jumppad:
0x0: {  	(pc) =	sbr.rel $0x88, $3  }
0x1: {  	(tag) =	ssettag $0x0;
	lr =	simm.s32 $0x1  }
0x2: {  	[smem:$0x3F9F] =	sst lr;
	_ =	strace $0xD0000000  }
0x3: {  	_ = 	snop  }
0x4: {  	_ = 	snop  }
0x5: {  	_ = 	snop  }
0x6: {  	_ = 	snop  }
0x7: {  	_ = 	snop  }
__scs_overlays_trampoline_lowered:
0x8: {  	[smem:$0x3FAE] =	sst s0  }
0x9: {  	[smem:$0x3FAF] =	sst s1  }
0xa: {  	[smem:$0x3FB0] =	sst s2  }
0xb: {  	[smem:$0x3FB1] =	sst s3  }
0xc: {  	[smem:$0x3FB2] =	sst s4  }
0xd: {  	[smem:$0x3FB3] =	sst s5  }
0xe: {  	[smem:$0x3FB4] =	sst s6  }
0xf: {  	[smem:$0x3FB5] =	sst s7  }
0x10: {  	[smem:$0x3FB6] =	sst s8  }
0x11: {  	[smem:$0x3FB7] =	sst s9;
	s0 =	simm.s32 @!p0 $0x0  }
0x12: {  	s1 =	sld [smem:$0x3F9D];
	s0 =	simm.s32 @p0 $0x1  }
0x13: {  	[smem:$0x3FB8] =	sst s0;
	s0 =	simm.s32 @!p1 $0x0  }
0x14: {  	s2 =	sld [smem:$0x3F9C];
	s0 =	simm.s32 @p1 $0x1  }
0x15: {  	[smem:$0x3FB9] =	sst s0;
	s0 =	simm.s32 @!p2 $0x0  }
0x16: {  	s3 =	sld [smem:$0x3FDB];
	s0 =	simm.s32 @p2 $0x1  }
0x17: {  	s4 =	simm.s32 $0x1BF5;
	[smem:$0x3FBB] =	sst s0  }
0x18: {  	s0 =	sld [smem:$0x3F9E];
	_ =	swait.ge [sflag:s4], $0x0  }
0x19: {  	s7 =	sld [smem:$0x3F9F]  }
0x1a: {  	s8 =	sadd.s32 $0xFFFFE003, lr  }
0x1b: {  	s9 =	sadd.s32 $0xFFFFFEF7, lr;
	s5 =	simm.s32 $0xFFFFFFFF;
	p2 =	slt.u32 s8, $0xFFFFF086  }
0x1c: {  	p1 =	slt.u32 s9, $0xF7A;
	s5 =	simm.s32 @!p2 $0x0  }
0x1d: {  	s5 =	simm.s32 @p1 $0x1;
	p0 =	seq.s32 s7, s2  }
0x1e: {  	s7 =	smul.u32 @!p0 $0xF7A, s2;
	p2 =	seq.s32 @!p0 s5, $0x0  }
0x1f: {  	s9 =	smul.u32 $0xF7A, s1;
	s8 =	simm.s32 @!p0 $0x1BF5;
	p2 =	por !p2, p0  }
0x20: {  	[sflag:s8] =	ssyncset.s32 @!p0 $0xFFFFF086;
	s6 =	sadd.s32 @!p0 s3, s7;
	s7 =	simm.s32 @!p0 $0x108  }
0x21: {  	s3 =	sadd.s32 s3, s9;
	s6 =	sadd.s32 @!p0 $0x88, s6;
	s7 =	simm.s32 @p2 $0x1082  }
0x22: {  	[simem:s7], [sflag:s8] =	dma.local @!p0 [hbm:s6], $0xF7A  }
0x23: {  	s9 =	sor.u32 $0xD0000000, s2;
	s6 =	simm.s32 $0x108;
	_ =	swait.ge @!p0 [sflag:s8], $0x0  }
0x24: {  	s3 =	sadd.s32 $0x88, s3;
	s6 =	simm.s32 @!p1 $0x1082;
	[sflag:s4] =	ssyncset.s32 $0xFFFFF086  }
0x25: {  	[simem:s6], [sflag:s4] =	dma.local [hbm:s3], $0xF7A  }
0x26: {  	[smem:$0x3F9F] =	sst s1;
	(tag) =	ssettag s2;
	_ =	strace s9  }
0x27: {  	s1 =	sld [smem:$0x3FAF]  }
0x28: {  	s2 =	sld [smem:$0x3FB0]  }
0x29: {  	s4 =	sld [smem:$0x3FB2]  }
0x2a: {  	p0 =	seq.s32 s5, $0x0;
	s5 =	sld [smem:$0x3FB3]  }
0x2b: {  	s6 =	sld [smem:$0x3FB4]  }
0x2c: {  	s7 =	sld [smem:$0x3FB5]  }
0x2d: {  	s3 =	simm.s32 $0x108;
	s8 =	sld [smem:$0x3FB6]  }
0x2e: {  	s3 =	simm.s32 @!p0 $0x1082;
	s9 =	sld [smem:$0x3FB7]  }
0x2f: {  	lr =	sadd.s32 s0, s3;
	s0 =	sld [smem:$0x3FAE]  }
0x30: {  	s3 =	sld [smem:$0x3FB1]  }
0x31: {  	[smem:$0x3FBA] =	sst s10  }
0x32: {  	s10 =	sld [smem:$0x3FB8];
	_ =	sdelay $0x3  }
0x33: {  	p0 =	seq.s32 s10, $0x1;
	s10 =	sld [smem:$0x3FBA];
	_ =	sdelay $0x3  }
0x34: {  	[smem:$0x3FBA] =	sst s10  }
0x35: {  	s10 =	sld [smem:$0x3FB9];
	_ =	sdelay $0x3  }
0x36: {  	p1 =	seq.s32 s10, $0x1;
	s10 =	sld [smem:$0x3FBA];
	_ =	sdelay $0x3  }
0x37: {  	[smem:$0x3FBA] =	sst s10  }
0x38: {  	s10 =	sld [smem:$0x3FBB]  }
0x39: {  	_ = 	snop;
	(pc) =	sbr.ind lr, $3  }
0x3a: {  	_ = 	snop  }
0x3b: {  	_ = 	snop  }
0x3c: {  	p2 =	seq.s32 s10, $0x1;
	s10 =	sld [smem:$0x3FBA]  }
0x3d: {  	_ =	shalt  }
0x3e: {  	_ =	shalt  }
0x3f: {  	_ =	shalt  }
0x40: {  	_ =	shalt  }
0x41: {  	_ =	shalt  }
0x42: {  	_ =	shalt  }
0x43: {  	_ =	shalt  }
0x44: {  	_ =	shalt  }
0x45: {  	_ =	shalt  }
0x46: {  	_ =	shalt  }
0x47: {  	_ =	shalt  }
0x48: {  	_ =	shalt  }
0x49: {  	_ =	shalt  }
0x4a: {  	_ =	shalt  }
0x4b: {  	_ =	shalt  }
0x4c: {  	_ =	shalt  }
0x4d: {  	_ =	shalt  }
0x4e: {  	_ =	shalt  }
0x4f: {  	_ =	shalt  }
0x50: {  	_ =	shalt  }
0x51: {  	_ =	shalt  }
0x52: {  	_ =	shalt  }
0x53: {  	_ =	shalt  }
0x54: {  	_ =	shalt  }
0x55: {  	_ =	shalt  }
0x56: {  	_ =	shalt  }
0x57: {  	_ =	shalt  }
0x58: {  	_ =	shalt  }
0x59: {  	_ =	shalt  }
0x5a: {  	_ =	shalt  }
0x5b: {  	_ =	shalt  }
0x5c: {  	_ =	shalt  }
0x5d: {  	_ =	shalt  }
0x5e: {  	_ =	shalt  }
0x5f: {  	_ =	shalt  }
0x60: {  	_ =	shalt  }
0x61: {  	_ =	shalt  }
0x62: {  	_ =	shalt  }
0x63: {  	_ =	shalt  }
0x64: {  	_ =	shalt  }
0x65: {  	_ =	shalt  }
0x66: {  	_ =	shalt  }
0x67: {  	_ =	shalt  }
0x68: {  	_ =	shalt  }
0x69: {  	_ =	shalt  }
0x6a: {  	_ =	shalt  }
0x6b: {  	_ =	shalt  }
0x6c: {  	_ =	shalt  }
0x6d: {  	_ =	shalt  }
0x6e: {  	_ =	shalt  }
0x6f: {  	_ =	shalt  }
0x70: {  	_ =	shalt  }
0x71: {  	_ =	shalt  }
0x72: {  	_ =	shalt  }
0x73: {  	_ =	shalt  }
0x74: {  	_ =	shalt  }
0x75: {  	_ =	shalt  }
0x76: {  	_ =	shalt  }
0x77: {  	_ =	shalt  }
0x78: {  	_ =	shalt  }
0x79: {  	_ =	shalt  }
0x7a: {  	_ =	shalt  }
0x7b: {  	_ =	shalt  }
0x7c: {  	_ =	shalt  }
0x7d: {  	_ =	shalt  }
0x7e: {  	_ =	shalt  }
0x7f: {  	_ =	shalt  }
0x80: {  	_ =	shalt  }
0x81: {  	_ =	shalt  }
0x82: {  	_ =	shalt  }
0x83: {  	_ =	shalt  }
0x84: {  	_ =	shalt  }
0x85: {  	_ =	shalt  }
0x86: {  	_ =	shalt  }
0x87: {  	_ =	shalt  }
.Lfunc_end0:
.L_simem_size_0:
called_computation_lowered:
.L_overlay_start_0:
0x88: {  	s2 =	sld [smem:$0x3FD9]  }
0x89: {  	s3 =	sld [smem:$0x3FFE];
	_ =	sdelay $0x1  }
0x8a: {  	s1 =	srdreg.scid  }
0x8b: {  	s0 =	sand.u32 $0x1, s1  }
0x8c: {  	s17 =	sshll.u32 s0, $0xA;
	s2 =	sadd.s32 s3, s2  }
0x8d: {  	s2 =	sadd.s32 s2, s17  }
0x8e: {  	[smem:$0x3FC6] =	sst s2  }
0x8f: {  	_ = 	snop  }
0x90: {  	s2 =	sld [smem:$0x3FD0];
	(tm) =	ssettm $0x1  }
0x91: {  	s18 =	sld [smem:$0x3FFB];
	_ =	sdelay $0x3  }
0x92: {  	_ =	strace s18  }
0x93: {  	s3 =	sld [smem:$0x3FFC];
	_ =	sdelay $0x3  }
0x94: {  	_ =	strace s3  }
0x95: {  	s3 =	sld [smem:$0x3FFD];
	_ =	sdelay $0x3  }
0x96: {  	_ =	strace s3  }
0x97: {  	_ =	strace $0x8FFFFFFF  }
0x98: {  	s19 =	sld [smem:$0x3FDB];
	_ =	sdelay $0x1  }
0x99: {  	s4 =	simm.s32 $_scs_section_size  }
0x9a: {  	s5 =	simm.s32 $_size__tile_overlayer_lowered;
	s6 =	simm.s32 $_tile_overlayer_lowered  }
0x9b: {  	s22 =	simm.s32 $0x1BFF;
	s21 =	sshll.u32 s6, $0x1;
	s3 =	sadd.s32 s4, s19  }
0x9c: {  	s7 =	simm.s32 $0x0;
	s20 =	sshll.u32 s5, $0x1;
	s5 =	sadd.s32 s21, s3  }
0x9d: {  	[timem:s7], [sflag:s22] =	dma.local [hbm:s5], s20  }
0x9e: {  	_ =	swait.ge [sflag:s22], s20  }
0x9f: {  	s4 =	ssub.s32 $0x0, s20;
	[sflag:s22] =	ssyncset.done $0x0  }
0xa0: {  	[sflag:s22] =	ssyncadd.s32 s4;
	_ =	sdelay $0x1  }
0xa1: {  	s23 =	simm.s32 $0x1B8B  }
0xa2: {  	_ =	swait.ge [sflag:s23], $0x1  }
0xa3: {  	[sflag:s23] =	ssyncset.done $0x0  }
0xa4: {  	s25 =	simm.s32 $0x1B8E;
	s24 =	sld [smem:$0x3FFE];
	[sflag:s23] =	ssyncadd.s32 $0xFFFFFFFF  }
0xa5: {  	s26 =	simm.s32 $execute0_lowered;
	[smem:$0x3FD2] =	sst s25  }
0xa6: {  	s5 =	sshll.u32 s26, $0x1;
	_ =	strace $0x80000046;
	[dreg:$0x1] =	wrdreg $0xFFFFFFFF  }
0xa7: {  	s28 =	simm.s32 $_size_execute0_lowered;
	s3 =	sadd.s32 s3, s5;
	[dreg:$0x0] =	wrdreg $0x0  }
0xa8: {  	s5 =	sshll.u32 s28, $0x1;
	[dreg:$0x2] =	wrdreg s3  }
0xa9: {  	[dreg:$0x3] =	wrdreg s5  }
0xaa: {  	[dreg:$0x4] =	wrdreg $0xC0  }
0xab: {  	_ =	task [dreg:s7], $0x5FFFF  }
0xac: {  	[dreg:$0x1] =	wrdreg $0xFFFFFFFF  }
0xad: {  	[dreg:$0x0] =	wrdreg $0x60  }
0xae: {  	[dreg:$0x2] =	wrdreg s24  }
0xaf: {  	[dreg:$0x3] =	wrdreg s2  }
0xb0: {  	[dreg:$0x4] =	wrdreg $0x9  }
0xb1: {  	_ =	task.clear_ibuf [dreg:s7], $0x5FFFF;
	_ =	strace $0x90000046  }
0xb2: {  	s29 =	simm.s32 $0x9;
	_ =	strace $0x80000048  }
0xb3: {  	_ =	swait.ge [sflag:s29], $0x1  }
0xb4: {  	[sflag:s29] =	ssyncadd.s32 $0xFFFFFFFF  }
0xb5: {  	_ =	strace $0x90000048  }
0xb6: {  	_ =	sfence  }
0xb7: {  	s30 =	sld [smem:$0x0];
	_ =	sdelay $0x2  }
0xb8: {  	s31 =	sshll.u32 s1, $0xD;
	s1 =	sshrl.u32 s1, $0x2  }
0xb9: {  	s3 =	sand.u32 $0x4000, s31;
	s1 =	sadd.s32 s1, s30  }
0xba: {  	s0 =	sor.u32 s3, s0;
	s1 =	sshll.u32 s1, $0x11  }
0xbb: {  	s0 =	sor.u32 s1, s0  }
0xbc: {  	s0 =	sadd.s32 $0x8F2B, s0  }
0xbd: {  	[sflag:s0] =	ssyncadd.remote.s32 $0x1  }
0xbe: {  	_ =	sfence.sel $0xFFFF  }
0xbf: {  	[dreg:$0x0] =	wrdreg $0xFFFFFFFF;
	(pc) =	sbr.abs _section_cstart, $3  }
0xc0: {  	[dreg:$0x1] =	wrdreg $0xFFFFFFFF  }
0xc1: {  	_ =	task.clear_ibuf [dreg:s7], $0x2FFFF;
	_ =	strace $0x9FFFFFFF  }
0xc2: {  	(tm) =	ssettm $0x7FFFFFFF  }
0xc3: {  	_ =	shalt  }
tec
execute0_lowered:
.L_overlay_start_1:
0x0: {  	(tag) =	ssettag $0x1  }
0x1: {  	s1 =	srdreg.scid  }
0x2: {  	s8 =	rddreg [dreg:$0x0];
	s0 =	stileid.u32  }
0x3: {  	s3 =	rddreg [dreg:$0x1];
	s2 =	simm.s32 $0x0;
	s6 =	sand.u32 $0x1, s1  }
0x4: {  	s4 =	sshll.u32 s0, $0x7;
	s1 =	rddreg [dreg:$0x2];
	s5 =	sshll.u32 s6, $0x6  }
0x5: {  	s7 =	simm.s32 $0x1;
	[smem:$0x7FF] =	sst s2;
	s9 =	sor.u32 s5, s4  }
0x6: {  	_ =	strace $0x80000047;
	s10 =	ssub.s32 $0x2, s6;
	s4 =	sshrl.u32 s9, $0x3  }
0x7: {  	s6 =	simm.s32 $0x40;
	s4 =	sadd.s32 s3, s4;
	s3 =	simm.s32 $0x2  }
0x8: {  	[tilespmem:s2], [sflag:$0x2] =	stream.linear.gather [hbm4b:s4+s2], $0x40, $0x38;
	[tilespmem:$0x440] =	vst v63  }
0x9: {  	s5 =	sadd.s32 $0xA00, s8;
	s11 =	sshrl.u32 s10, $0x1;
	_ =	swait.ge [sflag:s3], $0x40  }
0xa: {  	s9 =	sshll.u32 s9, $0x1;
	s31 =	ssub.s32 s10, s11;
	[sflag:s3] =	ssyncset.done $0x0  }
0xb: {  	s8 =	sadd.s32 s9, s8;
	s9 =	smax.u32 s31, $0x1;
	[sflag:s3] =	ssyncadd.s32 $0xFFFFFFC0  }
0xc: {  	[tilespmem:s6], [sflag:$0x1] =	stream.indirect.gather [hbm4b:s5+s6], $0x10, s2, s6, $0xb8;
	[tilespmem:$0x440] =	vst v63  }
0xd: {  	p0 =	sne.s32 s9, $0x1;
	_ =	swait.ge [sflag:s7], $0x400  }
.Ltmp0:
0xe: {  	[sflag:s7] =	ssyncset.done $0x0;
	(pc) =	sbr.rel @!p0 .LBB2_2-.Ltmp0, $4  }
0xf: {  	s8 =	sadd.s32 $0xA800, s8;
	[sflag:s7] =	ssyncadd.s32 $0xFFFFFC00  }
0x10: {  	[hbm4b:s8+s2] =	stream.linear.scatter [tilespmem:s6], [sflag:$0x2], $0x400, $0x38;
	[tilespmem:$0x440] =	vst v63  }
0x11: {  	_ =	swait.ge [sflag:s3], $0x400  }
0x12: {  	s9 =	sadd.s32 $0xFFFFFFFF, s9;
	[sflag:s3] =	ssyncset.done $0x0  }
.LBB2_1:
0x13: {  	p0 =	sne.s32 s9, $0x1;
	s9 =	sadd.s32 $0xFFFFFFFF, s9;
	[sflag:s3] =	ssyncadd.s32 $0xFFFFFC00  }
0x14: {  	[tilespmem:s2], [sflag:$0x2] =	stream.linear.gather [hbm4b:s4+s2], $0x40, $0x38;
	[tilespmem:$0x440] =	vst v63  }
0x15: {  	_ =	swait.ge [sflag:s3], $0x40  }
0x16: {  	[sflag:s3] =	ssyncset.done $0x0  }
0x17: {  	[sflag:s3] =	ssyncadd.s32 $0xFFFFFFC0  }
0x18: {  	[tilespmem:s6], [sflag:$0x1] =	stream.indirect.gather [hbm4b:s5+s6], $0x10, s2, s6, $0xb8;
	[tilespmem:$0x440] =	vst v63  }
0x19: {  	_ =	swait.ge [sflag:s7], $0x400  }
.Ltmp1:
0x1a: {  	[sflag:s7] =	ssyncset.done $0x0;
	(pc) =	sbr.rel @p0 .LBB2_1-.Ltmp1, $4  }
0x1b: {  	[sflag:s7] =	ssyncadd.s32 $0xFFFFFC00  }
0x1c: {  	[hbm4b:s8+s2] =	stream.linear.scatter [tilespmem:s6], [sflag:$0x2], $0x400, $0x38;
	[tilespmem:$0x440] =	vst v63  }
0x1d: {  	_ =	swait.ge [sflag:s3], $0x400  }
0x1e: {  	[sflag:s3] =	ssyncset.done $0x0  }
.LBB2_2:
0x1f: {  	[sflag:s3] =	ssyncadd.s32 $0xFFFFFC00  }
0x20: {  	_ =	sfence.sel $0x180000  }
0x21: {  	[bflag:$0x0] =	sbarrier.arrive $0xFFFF  }
0x22: {  	p0 =	sne.s32 s0, $0x0;
	_ =	strace $0x90000047  }
0x23: {  	s0 =	sadd.s32 @!p0 $0x100000, s1;
	[bflag:$0x2] =	sbarrier.arrive $0xFFFF  }
0x24: {  	[sflag:s0] =	ssyncadd.tile.s32 @!p0 $0x1;
	_ =	shalt  }
.Lfunc_end2:
_tile_overlayer_lowered:
.L_overlay_start_2:
0x25: {  	(tag) =	ssettag $0x2  }
0x26: {  	s0 =	rddreg [dreg:$0x0];
	s2 =	stileid.u32  }
0x27: {  	s1 =	rddreg [dreg:$0x1];
	p0 =	sne.s32 s2, $0x0  }
0x28: {  	s3 =	rddreg [dreg:$0x2];
	[bflag:$0x3] =	sbarrier.arrive $0xFFFF;
	s2 =	simm.s32 @!p0 $0x1C02  }
0x29: {  	[timem:s3], [sflag:s2] =	dma.local @!p0 [hbm:s0], s1  }
0x2a: {  	s0 =	simm.s32 @!p0 $0x2  }
0x2b: {  	_ =	swait.ge @!p0 [sflag:s0], s1  }
0x2c: {  	s1 =	ssub.s32 @!p0 $0x0, s1;
	[sflag:s0] =	ssyncset.done @!p0 $0x0  }
0x2d: {  	[sflag:s0] =	ssyncadd.s32 @!p0 s1  }
0x2e: {  	[bflag:$0x3] =	sbarrier.arrive $0xFFFF  }
0x2f: {  	_ =	shalt  }

</sc_bundles>
